<compile_context>
chip_gen: v7x
topology: tpu7x:2x2x1
jax: 0.10.2.dev20260603
libtpu: 0.0.44.dev20260713+nightly
codegen_flags: <defaults>
</compile_context>

<pallas_src>
import functools

import jax
import jax.numpy as jnp
from jax import lax
from jax.experimental import pallas as pl
from jax.experimental.pallas import tpu as pltpu
from jax.experimental.pallas import tpu_sc as plsc

N = 10000
E = 320000
D = 128
H = 128
C = 8
B = 64

NC = 2
NS = 16
NW = NC * NS
KB = 128
BPW = 80
EPW = KB * BPW
E_PAD = NW * EPW
N_PAD = 10240
RPS = N_PAD // NS
BLK = 1024
GRID = N_PAD // BLK


def _sc_agg_body(x_hbm, sdw_hbm, zero_hbm, out_hbm,
                 idx0, idx1, idx2, idx3, rows0, rows1, agg_sh,
                 isem0, isem1, isem2, isem3, gsem0, gsem1, ssem0, ssem1):
    c = lax.axis_index("c")
    s = lax.axis_index("s")
    w = c * NS + s

    idx = (idx0, idx1, idx2, idx3)
    isem = (isem0, isem1, isem2, isem3)
    rows = (rows0, rows1)
    gsem = (gsem0, gsem1)
    ssem = (ssem0, ssem1)
    two = jnp.full((16,), 2, jnp.int32)

    def i_start(b, r):
        pltpu.async_copy(sdw_hbm.at[w, b], idx[r], isem[r])

    def i_wait(b, r):
        pltpu.make_async_copy(sdw_hbm.at[w, b], idx[r], isem[r]).wait()

    def g_start(b, r, p):
        pltpu.async_copy(x_hbm.at[idx[r].at[0]], rows[p], gsem[p])

    def g_wait(b, r, p):
        pltpu.make_async_copy(x_hbm.at[idx[r].at[0]], rows[p], gsem[p]).wait()

    def s_start(b, r, p):
        pltpu.async_copy(rows[p], agg_sh.at[idx[r].at[1]], ssem[p], add=True)

    def s_wait(b, r, p):
        pltpu.make_async_copy(rows[p], agg_sh.at[idx[r].at[1]], ssem[p]).wait()

    def scale(r, p):
        buf = rows[p]
        iref = idx[r]

        @plsc.parallel_loop(0, KB, unroll=2)
        def _(e):
            wi = plsc.load_gather(iref, [two, jnp.full((16,), e, jnp.int32)])
            wv = plsc.bitcast(wi, jnp.float32)
            for j in range(8):
                sl = pl.ds(j * 16, 16)
                buf[e, sl] = buf[e, sl] * wv

    def body(b, r, p, first=False, lastb=False, last3=False):
        g_wait(b, r, p)
        if not first:
            s_wait(b - 1, (r - 1) % 4, 1 - p)
        if not lastb:
            i_wait(b + 1, (r + 1) % 4)
            g_start(b + 1, (r + 1) % 4, 1 - p)
        if not last3:
            i_start(b + 3, (r + 3) % 4)
        scale(r, p)
        s_start(b, r, p)

    i_start(0, 0)
    i_start(1, 1)
    i_start(2, 2)
    pltpu.sync_copy(zero_hbm.at[pl.ds(s * RPS, RPS)],
                    agg_sh.at[pl.ds(s * RPS, RPS)])
    i_wait(0, 0)
    g_start(0, 0, 0)
    plsc.subcore_barrier()
    body(0, 0, 0, first=True)

    @pl.loop(1, BPW - 6, step=4)
    def _(t):
        for j in range(4):
            body(t + j, (1 + j) % 4, (1 + j) % 2)

    body(BPW - 3, (BPW - 3) % 4, (BPW - 3) % 2, last3=True)
    body(BPW - 2, (BPW - 2) % 4, (BPW - 2) % 2, last3=True)
    body(BPW - 1, (BPW - 1) % 4, (BPW - 1) % 2, last3=True, lastb=True)
    s_wait(BPW - 1, (BPW - 1) % 4, (BPW - 1) % 2)

    plsc.subcore_barrier()
    pltpu.sync_copy(agg_sh.at[pl.ds(s * RPS, RPS)],
                    out_hbm.at[c, pl.ds(s * RPS, RPS)])


@functools.cache
def _make_sc_agg():
  return pl.kernel(
    _sc_agg_body,
    out_type=jax.ShapeDtypeStruct((NC, N_PAD, D), jnp.float32),
    mesh=plsc.VectorSubcoreMesh(core_axis_name="c", subcore_axis_name="s",
                                num_cores=NC, num_subcores=NS),
    scratch_types=[
        pltpu.VMEM((3, KB), jnp.int32),
        pltpu.VMEM((3, KB), jnp.int32),
        pltpu.VMEM((3, KB), jnp.int32),
        pltpu.VMEM((3, KB), jnp.int32),
        pltpu.VMEM((KB, D), jnp.float32),
        pltpu.VMEM((KB, D), jnp.float32),
        pltpu.VMEM_SHARED((N_PAD, D), jnp.float32),
        pltpu.SemaphoreType.DMA,
        pltpu.SemaphoreType.DMA,
        pltpu.SemaphoreType.DMA,
        pltpu.SemaphoreType.DMA,
        pltpu.SemaphoreType.DMA,
        pltpu.SemaphoreType.DMA,
        pltpu.SemaphoreType.DMA,
        pltpu.SemaphoreType.DMA,
    ],
    compiler_params=pltpu.CompilerParams(needs_layout_passes=False),
  )


def _layer_body(a, x, wr, wroot, bias, o):
    agg = a[0] + a[1]
    acc = jnp.dot(agg, wr[...], preferred_element_type=jnp.float32)
    acc = acc + jnp.dot(x[...], wroot[...], preferred_element_type=jnp.float32)
    acc = acc + bias[...]
    o[...] = jnp.where(acc >= 0.0, acc, 0.01 * acc)


_layer = pl.pallas_call(
    _layer_body,
    grid=(GRID,),
    in_specs=[
        pl.BlockSpec((2, BLK, D), lambda i: (0, i, 0)),
        pl.BlockSpec((BLK, D), lambda i: (i, 0)),
        pl.BlockSpec((D, H), lambda i: (0, 0)),
        pl.BlockSpec((D, H), lambda i: (0, 0)),
        pl.BlockSpec((1, H), lambda i: (0, 0)),
    ],
    out_specs=pl.BlockSpec((BLK, H), lambda i: (i, 0)),
    out_shape=jax.ShapeDtypeStruct((N_PAD, H), jnp.float32),
)


def _final_body(a, x1, wr, wroot, bias, bt, wlin, o, sums, counts):
    i = pl.program_id(0)

    @pl.when(i == 0)
    def _():
        sums[...] = jnp.zeros_like(sums)
        counts[...] = jnp.zeros_like(counts)

    agg = a[0] + a[1]
    acc = jnp.dot(agg, wr[...], preferred_element_type=jnp.float32)
    acc = acc + jnp.dot(x1[...], wroot[...], preferred_element_type=jnp.float32)
    acc = acc + bias[...]
    x2 = jnp.where(acc >= 0.0, acc, 0.01 * acc)

    bids = bt[0, 0, :]
    m = (bids[None, :] == lax.broadcasted_iota(jnp.int32, (B, BLK), 0)
         ).astype(jnp.float32)
    sums[...] = sums[...] + jnp.dot(m, x2, preferred_element_type=jnp.float32)
    counts[...] = counts[...] + jnp.sum(m, axis=1, keepdims=True)

    @pl.when(i == GRID - 1)
    def _():
        pooled = sums[...] / jnp.maximum(counts[...], 1.0)
        o[...] = jnp.dot(pooled, wlin[...], preferred_element_type=jnp.float32)


_final = pl.pallas_call(
    _final_body,
    grid=(GRID,),
    in_specs=[
        pl.BlockSpec((2, BLK, H), lambda i: (0, i, 0)),
        pl.BlockSpec((BLK, H), lambda i: (i, 0)),
        pl.BlockSpec((H, H), lambda i: (0, 0)),
        pl.BlockSpec((H, H), lambda i: (0, 0)),
        pl.BlockSpec((1, H), lambda i: (0, 0)),
        pl.BlockSpec((1, 1, BLK), lambda i: (i, 0, 0)),
        pl.BlockSpec((H, 128), lambda i: (0, 0)),
    ],
    out_specs=pl.BlockSpec((B, 128), lambda i: (0, 0)),
    out_shape=jax.ShapeDtypeStruct((B, 128), jnp.float32),
    scratch_shapes=[
        pltpu.VMEM((B, H), jnp.float32),
        pltpu.VMEM((B, 128), jnp.float32),
    ],
)


def kernel(x_embeddings, edge_index, weights, batch,
           W1_rel, b1_rel, W1_root, W2_rel, b2_rel, W2_root, W_lin_root):
    src = edge_index[0]
    dst = edge_index[1]
    pad_e = E_PAD - E
    fill = jnp.arange(pad_e, dtype=jnp.int32) % N
    src_p = jnp.concatenate([src, fill]).reshape(NW, BPW, 1, KB)
    dst_p = jnp.concatenate([dst, fill]).reshape(NW, BPW, 1, KB)
    ew_i = lax.bitcast_convert_type(
        jnp.concatenate([weights, jnp.zeros((pad_e,), jnp.float32)]),
        jnp.int32).reshape(NW, BPW, 1, KB)
    sdw = jnp.concatenate([src_p, dst_p, ew_i], axis=2)
    x_p = jnp.pad(x_embeddings, ((0, N_PAD - N), (0, 0)))

    zeros = jnp.zeros((N_PAD, D), jnp.float32)
    batch_p = jnp.pad(batch, (0, N_PAD - N),
                      constant_values=B).reshape(GRID, 1, BLK)
    wlin_p = jnp.pad(W_lin_root, ((0, 0), (0, 128 - C)))

    sc_agg = _make_sc_agg()
    agg1 = sc_agg(x_p, sdw, zeros)
    x1 = _layer(agg1, x_p, W1_rel, W1_root, b1_rel.reshape(1, H))
    agg2 = sc_agg(x1, sdw, zeros)
    out = _final(agg2, x1, W2_rel, W2_root,
                 b2_rel.reshape(1, H), batch_p, wlin_p)
    return out[:, :C]

# --- scband reference (transcript-rebuilt; emitter-appended) ---
"""Pipeline reference for scband-conversational-graph-3676492005628 (READ-ONLY COPY).

The authoritative reference and input builder live on the scoring server;
editing this copy changes nothing except your own understanding.
"""

import jax, jax.numpy as jnp
import numpy as np

N = 10000
E = 320000
D = 128
H = 128
C = 8
B = 64


def _graph_conv(x, edge_index, ew, W_rel, b_rel, W_root, num_nodes):
    # PyG GraphConv: out_i = lin_rel(sum_{j->i} w_ji * x_j) + lin_root(x_i)
    src = edge_index[0]
    dst = edge_index[1]
    msg = x[src] * ew[:, None]
    agg = jax.ops.segment_sum(msg, dst, num_segments=num_nodes)
    return agg @ W_rel + b_rel + x @ W_root


def _global_mean_pool(x, batch, num_graphs):
    sums = jax.ops.segment_sum(x, batch, num_segments=num_graphs)
    counts = jax.ops.segment_sum(jnp.ones((x.shape[0],), dtype=x.dtype), batch, num_segments=num_graphs)
    return sums / jnp.maximum(counts, 1.0)[:, None]


def setup_inputs(seed: int = 0):
    key = jax.random.key(seed)
    ks = jax.random.split(key, 12)
    x_embeddings = jax.random.normal(ks[0], (N, D), dtype=jnp.float32)
    edge_index = jax.random.randint(ks[1], (2, E), 0, N, dtype=jnp.int32)
    weights = jax.random.uniform(ks[2], (E,), dtype=jnp.float32)
    batch = jnp.sort(jax.random.randint(ks[3], (N,), 0, B, dtype=jnp.int32))
    s = 1.0 / np.sqrt(D)
    W1_rel = jax.random.normal(ks[4], (D, H), dtype=jnp.float32) * s
    b1_rel = jnp.zeros((H,), dtype=jnp.float32)
    W1_root = jax.random.normal(ks[5], (D, H), dtype=jnp.float32) * s
    sh = 1.0 / np.sqrt(H)
    W2_rel = jax.random.normal(ks[6], (H, H), dtype=jnp.float32) * sh
    b2_rel = jnp.zeros((H,), dtype=jnp.float32)
    W2_root = jax.random.normal(ks[7], (H, H), dtype=jnp.float32) * sh
    W_lin_root = jax.random.normal(ks[8], (H, C), dtype=jnp.float32) * sh
    return {
        'x_embeddings': x_embeddings,
        'edge_index': edge_index,
        'weights': weights,
        'batch': batch,
        'W1_rel': W1_rel, 'b1_rel': b1_rel, 'W1_root': W1_root,
        'W2_rel': W2_rel, 'b2_rel': b2_rel, 'W2_root': W2_root,
        'W_lin_root': W_lin_root,
    }


def reference(x_embeddings, edge_index, weights, batch,
              W1_rel, b1_rel, W1_root, W2_rel, b2_rel, W2_root, W_lin_root):
    # eval mode: dropout is identity
    x = _graph_conv(x_embeddings, edge_index, weights, W1_rel, b1_rel, W1_root, N)
    x = jax.nn.leaky_relu(x, negative_slope=0.01)
    x = _graph_conv(x, edge_index, weights, W2_rel, b2_rel, W2_root, N)
    x = jax.nn.leaky_relu(x, negative_slope=0.01)
    x = _global_mean_pool(x, batch, B)
    # final GraphConv called with node features only -> only root/linear path applies
    out = x @ W_lin_root
    return out

if __name__ == "__main__":
    import jax
    _d = setup_inputs()
    print(jax.jit(kernel)(*tuple(_d.values())))

</pallas_src>

<mosaic_0001>
#map = affine_map<(d0, d1) -> (0, 0)>
#map1 = affine_map<(d0, d1) -> (0, 0, 0, 0)>
#map2 = affine_map<(d0, d1) -> (0, 0, 0)>
module attributes {stable_mosaic.version = 14 : i64} {
  func.func @_sc_agg_body(%arg0: i32, %arg1: i32, %arg2: memref<10240x128xf32, #tpu.memory_space<hbm>>, %arg3: memref<32x80x3x128xi32, #tpu.memory_space<hbm>>, %arg4: memref<10240x128xf32, #tpu.memory_space<hbm>>, %arg5: memref<2x10240x128xf32, #tpu.memory_space<hbm>>, %arg6: memref<3x128xi32, #tpu.memory_space<vmem>>, %arg7: memref<3x128xi32, #tpu.memory_space<vmem>>, %arg8: memref<3x128xi32, #tpu.memory_space<vmem>>, %arg9: memref<3x128xi32, #tpu.memory_space<vmem>>, %arg10: memref<128x128xf32, #tpu.memory_space<vmem>>, %arg11: memref<128x128xf32, #tpu.memory_space<vmem>>, %arg12: memref<10240x128xf32, #tpu.memory_space<vmem_shared>>, %arg13: memref<!tpu.dma_semaphore, #tpu.memory_space<semaphore_mem>>, %arg14: memref<!tpu.dma_semaphore, #tpu.memory_space<semaphore_mem>>, %arg15: memref<!tpu.dma_semaphore, #tpu.memory_space<semaphore_mem>>, %arg16: memref<!tpu.dma_semaphore, #tpu.memory_space<semaphore_mem>>, %arg17: memref<!tpu.dma_semaphore, #tpu.memory_space<semaphore_mem>>, %arg18: memref<!tpu.dma_semaphore, #tpu.memory_space<semaphore_mem>>, %arg19: memref<!tpu.dma_semaphore, #tpu.memory_space<semaphore_mem>>, %arg20: memref<!tpu.dma_semaphore, #tpu.memory_space<semaphore_mem>>) attributes {dimension_semantics = [#tpu.dimension_semantics<core_parallel>, #tpu.dimension_semantics<subcore_parallel>], iteration_bounds = array<i64: 2, 16>, scalar_prefetch = 0 : i64, scratch_operands = 15 : i64, tpu.core_type = #tpu.core_type<sc_vector_subcore>, window_params = [{transform_indices = #map}, {transform_indices = #map1}, {transform_indices = #map}, {transform_indices = #map2}]} {
    %mul3A = arith.constant 16 : i32
    %mul3A_0 = arith.muli %arg0, %mul3A : i32
    %add3A = arith.addi %mul3A_0, %arg1 : i32
    %broadcast_in_dim3A = arith.constant 2 : i32
    %broadcast_in_dim3A_1 = vector.broadcast %broadcast_in_dim3A : i32 to vector<16xi32>
    %dma_start3A = arith.constant 0 : i32
    %dma_start3A_2 = arith.constant 0 : i32
    %dma_start3A_3 = arith.constant 0 : i32
    %dma_start3A_4 = tpu.memref_slice %arg3[%add3A, %dma_start3A, %dma_start3A_2, %dma_start3A_3] : memref<32x80x3x128xi32, #tpu.memory_space<hbm>> -> memref<1x1x3x128xi32, #tpu.memory_space<hbm>>
    %dma_start3A_5 = tpu.memref_squeeze %dma_start3A_4 : memref<1x1x3x128xi32, #tpu.memory_space<hbm>> -> memref<3x128xi32, #tpu.memory_space<hbm>>
    %dma_start3A_6 = arith.constant 0 : i32
    %dma_start3A_7 = arith.constant 0 : i32
    %dma_start3A_8 = tpu.memref_slice %arg3[%add3A, %dma_start3A, %dma_start3A_6, %dma_start3A_7] : memref<32x80x3x128xi32, #tpu.memory_space<hbm>> -> memref<1x1x3x128xi32, #tpu.memory_space<hbm>>
    %dma_start3A_9 = tpu.memref_squeeze %dma_start3A_8 : memref<1x1x3x128xi32, #tpu.memory_space<hbm>> -> memref<3x128xi32, #tpu.memory_space<hbm>>
    tpu.enqueue_dma source(%dma_start3A_9 : memref<3x128xi32, #tpu.memory_space<hbm>>) target(%arg6 : memref<3x128xi32, #tpu.memory_space<vmem>>) target_semaphore(%arg13 : memref<!tpu.dma_semaphore, #tpu.memory_space<semaphore_mem>>)
    %dma_start3A_10 = arith.constant 1 : i32
    %dma_start3A_11 = arith.constant 0 : i32
    %dma_start3A_12 = arith.constant 0 : i32
    %dma_start3A_13 = tpu.memref_slice %arg3[%add3A, %dma_start3A_10, %dma_start3A_11, %dma_start3A_12] : memref<32x80x3x128xi32, #tpu.memory_space<hbm>> -> memref<1x1x3x128xi32, #tpu.memory_space<hbm>>
    %dma_start3A_14 = tpu.memref_squeeze %dma_start3A_13 : memref<1x1x3x128xi32, #tpu.memory_space<hbm>> -> memref<3x128xi32, #tpu.memory_space<hbm>>
    %dma_start3A_15 = arith.constant 0 : i32
    %dma_start3A_16 = arith.constant 0 : i32
    %dma_start3A_17 = tpu.memref_slice %arg3[%add3A, %dma_start3A_10, %dma_start3A_15, %dma_start3A_16] : memref<32x80x3x128xi32, #tpu.memory_space<hbm>> -> memref<1x1x3x128xi32, #tpu.memory_space<hbm>>
    %dma_start3A_18 = tpu.memref_squeeze %dma_start3A_17 : memref<1x1x3x128xi32, #tpu.memory_space<hbm>> -> memref<3x128xi32, #tpu.memory_space<hbm>>
    tpu.enqueue_dma source(%dma_start3A_18 : memref<3x128xi32, #tpu.memory_space<hbm>>) target(%arg7 : memref<3x128xi32, #tpu.memory_space<vmem>>) target_semaphore(%arg14 : memref<!tpu.dma_semaphore, #tpu.memory_space<semaphore_mem>>)
    %dma_start3A_19 = arith.constant 2 : i32
    %dma_start3A_20 = arith.constant 0 : i32
    %dma_start3A_21 = arith.constant 0 : i32
    %dma_start3A_22 = tpu.memref_slice %arg3[%add3A, %dma_start3A_19, %dma_start3A_20, %dma_start3A_21] : memref<32x80x3x128xi32, #tpu.memory_space<hbm>> -> memref<1x1x3x128xi32, #tpu.memory_space<hbm>>
    %dma_start3A_23 = tpu.memref_squeeze %dma_start3A_22 : memref<1x1x3x128xi32, #tpu.memory_space<hbm>> -> memref<3x128xi32, #tpu.memory_space<hbm>>
    %dma_start3A_24 = arith.constant 0 : i32
    %dma_start3A_25 = arith.constant 0 : i32
    %dma_start3A_26 = tpu.memref_slice %arg3[%add3A, %dma_start3A_19, %dma_start3A_24, %dma_start3A_25] : memref<32x80x3x128xi32, #tpu.memory_space<hbm>> -> memref<1x1x3x128xi32, #tpu.memory_space<hbm>>
    %dma_start3A_27 = tpu.memref_squeeze %dma_start3A_26 : memref<1x1x3x128xi32, #tpu.memory_space<hbm>> -> memref<3x128xi32, #tpu.memory_space<hbm>>
    tpu.enqueue_dma source(%dma_start3A_27 : memref<3x128xi32, #tpu.memory_space<hbm>>) target(%arg8 : memref<3x128xi32, #tpu.memory_space<vmem>>) target_semaphore(%arg15 : memref<!tpu.dma_semaphore, #tpu.memory_space<semaphore_mem>>)
    %mul3A_28 = arith.constant 640 : i32
    %mul3A_29 = arith.muli %arg1, %mul3A_28 : i32
    %mul3A_30 = arith.constant 640 : i32
    %mul3A_31 = arith.muli %arg1, %mul3A_30 : i32
    "tpu.region"() ({
      %run_scoped3A = tpu.sem_alloc : memref<!tpu.dma_semaphore, #tpu.memory_space<semaphore_mem>>
      %dma_start3A_208 = arith.constant 0 : i32
      %dma_start3A_209 = tpu.memref_slice %arg12[%mul3A_31, %dma_start3A_208] : memref<10240x128xf32, #tpu.memory_space<vmem_shared>> -> memref<640x128xf32, #tpu.memory_space<vmem_shared>>
      %dma_start3A_210 = arith.constant 0 : i32
      %dma_start3A_211 = tpu.memref_slice %arg4[%mul3A_29, %dma_start3A_210] : memref<10240x128xf32, #tpu.memory_space<hbm>> -> memref<640x128xf32, #tpu.memory_space<hbm>>
      tpu.enqueue_dma source(%dma_start3A_211 : memref<640x128xf32, #tpu.memory_space<hbm>>) target(%dma_start3A_209 : memref<640x128xf32, #tpu.memory_space<vmem_shared>>) target_semaphore(%run_scoped3A : memref<!tpu.dma_semaphore, #tpu.memory_space<semaphore_mem>>)
      %dma_wait3A_212 = arith.constant 0 : i32
      %dma_wait3A_213 = tpu.memref_slice %arg12[%mul3A_31, %dma_wait3A_212] : memref<10240x128xf32, #tpu.memory_space<vmem_shared>> -> memref<640x128xf32, #tpu.memory_space<vmem_shared>>
      %dma_wait3A_214 = arith.constant 0 : i32
      %dma_wait3A_215 = tpu.memref_slice %arg4[%mul3A_29, %dma_wait3A_214] : memref<10240x128xf32, #tpu.memory_space<hbm>> -> memref<640x128xf32, #tpu.memory_space<hbm>>
      tpu.wait_dma2 semaphore(%run_scoped3A : memref<!tpu.dma_semaphore, #tpu.memory_space<semaphore_mem>>) src(%dma_wait3A_215 : memref<640x128xf32, #tpu.memory_space<hbm>>) dst(%dma_wait3A_213 : memref<640x128xf32, #tpu.memory_space<vmem_shared>>)
      tpu.yield
    }) : () -> ()
    %dma_wait3A = arith.constant 0 : i32
    %dma_wait3A_32 = arith.constant 0 : i32
    %dma_wait3A_33 = arith.constant 0 : i32
    %dma_wait3A_34 = tpu.memref_slice %arg3[%add3A, %dma_wait3A, %dma_wait3A_32, %dma_wait3A_33] : memref<32x80x3x128xi32, #tpu.memory_space<hbm>> -> memref<1x1x3x128xi32, #tpu.memory_space<hbm>>
    %dma_wait3A_35 = tpu.memref_squeeze %dma_wait3A_34 : memref<1x1x3x128xi32, #tpu.memory_space<hbm>> -> memref<3x128xi32, #tpu.memory_space<hbm>>
    %dma_wait3A_36 = arith.constant 0 : i32
    %dma_wait3A_37 = arith.constant 0 : i32
    %dma_wait3A_38 = tpu.memref_slice %arg3[%add3A, %dma_wait3A, %dma_wait3A_36, %dma_wait3A_37] : memref<32x80x3x128xi32, #tpu.memory_space<hbm>> -> memref<1x1x3x128xi32, #tpu.memory_space<hbm>>
    %dma_wait3A_39 = tpu.memref_squeeze %dma_wait3A_38 : memref<1x1x3x128xi32, #tpu.memory_space<hbm>> -> memref<3x128xi32, #tpu.memory_space<hbm>>
    tpu.wait_dma2 semaphore(%arg13 : memref<!tpu.dma_semaphore, #tpu.memory_space<semaphore_mem>>) src(%dma_wait3A_39 : memref<3x128xi32, #tpu.memory_space<hbm>>) dst(%arg6 : memref<3x128xi32, #tpu.memory_space<vmem>>)
    %dma_start3A_40 = arith.constant 0 : i32
    %dma_start3A_41 = arith.constant 0 : i32
    %dma_start3A_42 = tpu.memref_slice %arg6[%dma_start3A_40, %dma_start3A_41] : memref<3x128xi32, #tpu.memory_space<vmem>> -> memref<1x128xi32, #tpu.memory_space<vmem>>
    %dma_start3A_43 = tpu.memref_squeeze %dma_start3A_42 : memref<1x128xi32, #tpu.memory_space<vmem>> -> memref<128xi32, #tpu.memory_space<vmem>>
    %dma_start3A_44 = arith.constant 0 : i32
    %dma_start3A_45 = arith.constant 0 : i32
    %dma_start3A_46 = tpu.memref_slice %arg2[%dma_start3A_44, %dma_start3A_45] : memref<10240x128xf32, #tpu.memory_space<hbm>> -> memref<10240x128xf32, #tpu.memory_space<hbm>>
    tpu.enqueue_indirect_dma source(%dma_start3A_46 : memref<10240x128xf32, #tpu.memory_space<hbm>>) target(%arg10 : memref<128x128xf32, #tpu.memory_space<vmem>>) offsets(%dma_start3A_43 : memref<128xi32, #tpu.memory_space<vmem>>) semaphore(%arg17 : memref<!tpu.dma_semaphore, #tpu.memory_space<semaphore_mem>>)
    %barrier3A = arith.constant 0 : index
    tpu.barrier barrier_id(%barrier3A)
    %dma_wait3A_47 = arith.constant 0 : i32
    %dma_wait3A_48 = arith.constant 0 : i32
    %dma_wait3A_49 = tpu.memref_slice %arg6[%dma_wait3A_47, %dma_wait3A_48] : memref<3x128xi32, #tpu.memory_space<vmem>> -> memref<1x128xi32, #tpu.memory_space<vmem>>
    %dma_wait3A_50 = tpu.memref_squeeze %dma_wait3A_49 : memref<1x128xi32, #tpu.memory_space<vmem>> -> memref<128xi32, #tpu.memory_space<vmem>>
    %dma_wait3A_51 = arith.constant 0 : i32
    %dma_wait3A_52 = arith.constant 0 : i32
    %dma_wait3A_53 = tpu.memref_slice %arg2[%dma_wait3A_51, %dma_wait3A_52] : memref<10240x128xf32, #tpu.memory_space<hbm>> -> memref<10240x128xf32, #tpu.memory_space<hbm>>
    tpu.wait_indirect_dma semaphore(%arg17 : memref<!tpu.dma_semaphore, #tpu.memory_space<semaphore_mem>>) src(%dma_wait3A_53 : memref<10240x128xf32, #tpu.memory_space<hbm>>) dst(%arg10 : memref<128x128xf32, #tpu.memory_space<vmem>>)
    %dma_wait3A_54 = arith.constant 1 : i32
    %dma_wait3A_55 = arith.constant 0 : i32
    %dma_wait3A_56 = arith.constant 0 : i32
    %dma_wait3A_57 = tpu.memref_slice %arg3[%add3A, %dma_wait3A_54, %dma_wait3A_55, %dma_wait3A_56] : memref<32x80x3x128xi32, #tpu.memory_space<hbm>> -> memref<1x1x3x128xi32, #tpu.memory_space<hbm>>
    %dma_wait3A_58 = tpu.memref_squeeze %dma_wait3A_57 : memref<1x1x3x128xi32, #tpu.memory_space<hbm>> -> memref<3x128xi32, #tpu.memory_space<hbm>>
    %dma_wait3A_59 = arith.constant 0 : i32
    %dma_wait3A_60 = arith.constant 0 : i32
    %dma_wait3A_61 = tpu.memref_slice %arg3[%add3A, %dma_wait3A_54, %dma_wait3A_59, %dma_wait3A_60] : memref<32x80x3x128xi32, #tpu.memory_space<hbm>> -> memref<1x1x3x128xi32, #tpu.memory_space<hbm>>
    %dma_wait3A_62 = tpu.memref_squeeze %dma_wait3A_61 : memref<1x1x3x128xi32, #tpu.memory_space<hbm>> -> memref<3x128xi32, #tpu.memory_space<hbm>>
    tpu.wait_dma2 semaphore(%arg14 : memref<!tpu.dma_semaphore, #tpu.memory_space<semaphore_mem>>) src(%dma_wait3A_62 : memref<3x128xi32, #tpu.memory_space<hbm>>) dst(%arg7 : memref<3x128xi32, #tpu.memory_space<vmem>>)
    %dma_start3A_63 = arith.constant 0 : i32
    %dma_start3A_64 = arith.constant 0 : i32
    %dma_start3A_65 = tpu.memref_slice %arg7[%dma_start3A_63, %dma_start3A_64] : memref<3x128xi32, #tpu.memory_space<vmem>> -> memref<1x128xi32, #tpu.memory_space<vmem>>
    %dma_start3A_66 = tpu.memref_squeeze %dma_start3A_65 : memref<1x128xi32, #tpu.memory_space<vmem>> -> memref<128xi32, #tpu.memory_space<vmem>>
    %dma_start3A_67 = arith.constant 0 : i32
    %dma_start3A_68 = arith.constant 0 : i32
    %dma_start3A_69 = tpu.memref_slice %arg2[%dma_start3A_67, %dma_start3A_68] : memref<10240x128xf32, #tpu.memory_space<hbm>> -> memref<10240x128xf32, #tpu.memory_space<hbm>>
    tpu.enqueue_indirect_dma source(%dma_start3A_69 : memref<10240x128xf32, #tpu.memory_space<hbm>>) target(%arg11 : memref<128x128xf32, #tpu.memory_space<vmem>>) offsets(%dma_start3A_66 : memref<128xi32, #tpu.memory_space<vmem>>) semaphore(%arg18 : memref<!tpu.dma_semaphore, #tpu.memory_space<semaphore_mem>>)
    %dma_start3A_70 = arith.constant 3 : i32
    %dma_start3A_71 = arith.constant 0 : i32
    %dma_start3A_72 = arith.constant 0 : i32
    %dma_start3A_73 = tpu.memref_slice %arg3[%add3A, %dma_start3A_70, %dma_start3A_71, %dma_start3A_72] : memref<32x80x3x128xi32, #tpu.memory_space<hbm>> -> memref<1x1x3x128xi32, #tpu.memory_space<hbm>>
    %dma_start3A_74 = tpu.memref_squeeze %dma_start3A_73 : memref<1x1x3x128xi32, #tpu.memory_space<hbm>> -> memref<3x128xi32, #tpu.memory_space<hbm>>
    %dma_start3A_75 = arith.constant 0 : i32
    %dma_start3A_76 = arith.constant 0 : i32
    %dma_start3A_77 = tpu.memref_slice %arg3[%add3A, %dma_start3A_70, %dma_start3A_75, %dma_start3A_76] : memref<32x80x3x128xi32, #tpu.memory_space<hbm>> -> memref<1x1x3x128xi32, #tpu.memory_space<hbm>>
    %dma_start3A_78 = tpu.memref_squeeze %dma_start3A_77 : memref<1x1x3x128xi32, #tpu.memory_space<hbm>> -> memref<3x128xi32, #tpu.memory_space<hbm>>
    tpu.enqueue_dma source(%dma_start3A_78 : memref<3x128xi32, #tpu.memory_space<hbm>>) target(%arg9 : memref<3x128xi32, #tpu.memory_space<vmem>>) target_semaphore(%arg16 : memref<!tpu.dma_semaphore, #tpu.memory_space<semaphore_mem>>)
    %parallel_loop3A = arith.constant 0 : i32
    %parallel_loop3A_79 = arith.constant 128 : i32
    %parallel_loop3A_80 = arith.constant 1 : i32
    scf.for %parallel_loop3A_208 = %parallel_loop3A to %parallel_loop3A_79 step %parallel_loop3A_80  : i32 {
      %parallel_loop3A_209 = vector.broadcast %parallel_loop3A_208 : i32 to vector<16xi32>
      %parallel_loop3A_210 = tpu.vector_load_idx %arg6[%broadcast_in_dim3A_1, %parallel_loop3A_209] : memref<3x128xi32, #tpu.memory_space<vmem>>[vector<16xi32>, vector<16xi32>], vector<16xi32>,
      %parallel_loop3A_211 = vector.bitcast %parallel_loop3A_210 : vector<16xi32> to vector<16xf32>
      %parallel_loop3A_212 = arith.index_cast %parallel_loop3A_208 : i32 to index
      %parallel_loop3A_213 = arith.constant 0 : index
      %parallel_loop3A_214 = tpu.vector_load %arg10[%parallel_loop3A_212, %parallel_loop3A_213] {strides = array<i32>} : memref<128x128xf32, #tpu.memory_space<vmem>>, vector<16xf32>,
      %parallel_loop3A_215 = arith.mulf %parallel_loop3A_214, %parallel_loop3A_211 : vector<16xf32>
      %parallel_loop3A_216 = arith.index_cast %parallel_loop3A_208 : i32 to index
      %parallel_loop3A_217 = arith.constant 0 : index
      %parallel_loop3A_218 = tpu.vector_load %arg10[%parallel_loop3A_216, %parallel_loop3A_217] {strides = array<i32>} : memref<128x128xf32, #tpu.memory_space<vmem>>, vector<16xf32>,
      tpu.vector_store %arg10[%parallel_loop3A_216, %parallel_loop3A_217], %parallel_loop3A_215 {strides = array<i32>} : memref<128x128xf32, #tpu.memory_space<vmem>>, vector<16xf32>,
      %parallel_loop3A_219 = arith.index_cast %parallel_loop3A_208 : i32 to index
      %parallel_loop3A_220 = arith.constant 16 : index
      %parallel_loop3A_221 = tpu.vector_load %arg10[%parallel_loop3A_219, %parallel_loop3A_220] {strides = array<i32>} : memref<128x128xf32, #tpu.memory_space<vmem>>, vector<16xf32>,
      %parallel_loop3A_222 = arith.mulf %parallel_loop3A_221, %parallel_loop3A_211 : vector<16xf32>
      %parallel_loop3A_223 = arith.index_cast %parallel_loop3A_208 : i32 to index
      %parallel_loop3A_224 = arith.constant 16 : index
      %parallel_loop3A_225 = tpu.vector_load %arg10[%parallel_loop3A_223, %parallel_loop3A_224] {strides = array<i32>} : memref<128x128xf32, #tpu.memory_space<vmem>>, vector<16xf32>,
      tpu.vector_store %arg10[%parallel_loop3A_223, %parallel_loop3A_224], %parallel_loop3A_222 {strides = array<i32>} : memref<128x128xf32, #tpu.memory_space<vmem>>, vector<16xf32>,
      %parallel_loop3A_226 = arith.index_cast %parallel_loop3A_208 : i32 to index
      %parallel_loop3A_227 = arith.constant 32 : index
      %parallel_loop3A_228 = tpu.vector_load %arg10[%parallel_loop3A_226, %parallel_loop3A_227] {strides = array<i32>} : memref<128x128xf32, #tpu.memory_space<vmem>>, vector<16xf32>,
      %parallel_loop3A_229 = arith.mulf %parallel_loop3A_228, %parallel_loop3A_211 : vector<16xf32>
      %parallel_loop3A_230 = arith.index_cast %parallel_loop3A_208 : i32 to index
      %parallel_loop3A_231 = arith.constant 32 : index
      %parallel_loop3A_232 = tpu.vector_load %arg10[%parallel_loop3A_230, %parallel_loop3A_231] {strides = array<i32>} : memref<128x128xf32, #tpu.memory_space<vmem>>, vector<16xf32>,
      tpu.vector_store %arg10[%parallel_loop3A_230, %parallel_loop3A_231], %parallel_loop3A_229 {strides = array<i32>} : memref<128x128xf32, #tpu.memory_space<vmem>>, vector<16xf32>,
      %parallel_loop3A_233 = arith.index_cast %parallel_loop3A_208 : i32 to index
      %parallel_loop3A_234 = arith.constant 48 : index
      %parallel_loop3A_235 = tpu.vector_load %arg10[%parallel_loop3A_233, %parallel_loop3A_234] {strides = array<i32>} : memref<128x128xf32, #tpu.memory_space<vmem>>, vector<16xf32>,
      %parallel_loop3A_236 = arith.mulf %parallel_loop3A_235, %parallel_loop3A_211 : vector<16xf32>
      %parallel_loop3A_237 = arith.index_cast %parallel_loop3A_208 : i32 to index
      %parallel_loop3A_238 = arith.constant 48 : index
      %parallel_loop3A_239 = tpu.vector_load %arg10[%parallel_loop3A_237, %parallel_loop3A_238] {strides = array<i32>} : memref<128x128xf32, #tpu.memory_space<vmem>>, vector<16xf32>,
      tpu.vector_store %arg10[%parallel_loop3A_237, %parallel_loop3A_238], %parallel_loop3A_236 {strides = array<i32>} : memref<128x128xf32, #tpu.memory_space<vmem>>, vector<16xf32>,
      %parallel_loop3A_240 = arith.index_cast %parallel_loop3A_208 : i32 to index
      %parallel_loop3A_241 = arith.constant 64 : index
      %parallel_loop3A_242 = tpu.vector_load %arg10[%parallel_loop3A_240, %parallel_loop3A_241] {strides = array<i32>} : memref<128x128xf32, #tpu.memory_space<vmem>>, vector<16xf32>,
      %parallel_loop3A_243 = arith.mulf %parallel_loop3A_242, %parallel_loop3A_211 : vector<16xf32>
      %parallel_loop3A_244 = arith.index_cast %parallel_loop3A_208 : i32 to index
      %parallel_loop3A_245 = arith.constant 64 : index
      %parallel_loop3A_246 = tpu.vector_load %arg10[%parallel_loop3A_244, %parallel_loop3A_245] {strides = array<i32>} : memref<128x128xf32, #tpu.memory_space<vmem>>, vector<16xf32>,
      tpu.vector_store %arg10[%parallel_loop3A_244, %parallel_loop3A_245], %parallel_loop3A_243 {strides = array<i32>} : memref<128x128xf32, #tpu.memory_space<vmem>>, vector<16xf32>,
      %parallel_loop3A_247 = arith.index_cast %parallel_loop3A_208 : i32 to index
      %parallel_loop3A_248 = arith.constant 80 : index
      %parallel_loop3A_249 = tpu.vector_load %arg10[%parallel_loop3A_247, %parallel_loop3A_248] {strides = array<i32>} : memref<128x128xf32, #tpu.memory_space<vmem>>, vector<16xf32>,
      %parallel_loop3A_250 = arith.mulf %parallel_loop3A_249, %parallel_loop3A_211 : vector<16xf32>
      %parallel_loop3A_251 = arith.index_cast %parallel_loop3A_208 : i32 to index
      %parallel_loop3A_252 = arith.constant 80 : index
      %parallel_loop3A_253 = tpu.vector_load %arg10[%parallel_loop3A_251, %parallel_loop3A_252] {strides = array<i32>} : memref<128x128xf32, #tpu.memory_space<vmem>>, vector<16xf32>,
      tpu.vector_store %arg10[%parallel_loop3A_251, %parallel_loop3A_252], %parallel_loop3A_250 {strides = array<i32>} : memref<128x128xf32, #tpu.memory_space<vmem>>, vector<16xf32>,
      %parallel_loop3A_254 = arith.index_cast %parallel_loop3A_208 : i32 to index
      %parallel_loop3A_255 = arith.constant 96 : index
      %parallel_loop3A_256 = tpu.vector_load %arg10[%parallel_loop3A_254, %parallel_loop3A_255] {strides = array<i32>} : memref<128x128xf32, #tpu.memory_space<vmem>>, vector<16xf32>,
      %parallel_loop3A_257 = arith.mulf %parallel_loop3A_256, %parallel_loop3A_211 : vector<16xf32>
      %parallel_loop3A_258 = arith.index_cast %parallel_loop3A_208 : i32 to index
      %parallel_loop3A_259 = arith.constant 96 : index
      %parallel_loop3A_260 = tpu.vector_load %arg10[%parallel_loop3A_258, %parallel_loop3A_259] {strides = array<i32>} : memref<128x128xf32, #tpu.memory_space<vmem>>, vector<16xf32>,
      tpu.vector_store %arg10[%parallel_loop3A_258, %parallel_loop3A_259], %parallel_loop3A_257 {strides = array<i32>} : memref<128x128xf32, #tpu.memory_space<vmem>>, vector<16xf32>,
      %parallel_loop3A_261 = arith.index_cast %parallel_loop3A_208 : i32 to index
      %parallel_loop3A_262 = arith.constant 112 : index
      %parallel_loop3A_263 = tpu.vector_load %arg10[%parallel_loop3A_261, %parallel_loop3A_262] {strides = array<i32>} : memref<128x128xf32, #tpu.memory_space<vmem>>, vector<16xf32>,
      %parallel_loop3A_264 = arith.mulf %parallel_loop3A_263, %parallel_loop3A_211 : vector<16xf32>
      %parallel_loop3A_265 = arith.index_cast %parallel_loop3A_208 : i32 to index
      %parallel_loop3A_266 = arith.constant 112 : index
      %parallel_loop3A_267 = tpu.vector_load %arg10[%parallel_loop3A_265, %parallel_loop3A_266] {strides = array<i32>} : memref<128x128xf32, #tpu.memory_space<vmem>>, vector<16xf32>,
      tpu.vector_store %arg10[%parallel_loop3A_265, %parallel_loop3A_266], %parallel_loop3A_264 {strides = array<i32>} : memref<128x128xf32, #tpu.memory_space<vmem>>, vector<16xf32>,
    } {sc.loop_unroll_factor = 2 : i64, sc.parallel_access}
    %dma_start3A_81 = arith.constant 1 : i32
    %dma_start3A_82 = arith.constant 0 : i32
    %dma_start3A_83 = tpu.memref_slice %arg6[%dma_start3A_81, %dma_start3A_82] : memref<3x128xi32, #tpu.memory_space<vmem>> -> memref<1x128xi32, #tpu.memory_space<vmem>>
    %dma_start3A_84 = tpu.memref_squeeze %dma_start3A_83 : memref<1x128xi32, #tpu.memory_space<vmem>> -> memref<128xi32, #tpu.memory_space<vmem>>
    %dma_start3A_85 = arith.constant 0 : i32
    %dma_start3A_86 = arith.constant 0 : i32
    %dma_start3A_87 = tpu.memref_slice %arg12[%dma_start3A_85, %dma_start3A_86] : memref<10240x128xf32, #tpu.memory_space<vmem_shared>> -> memref<10240x128xf32, #tpu.memory_space<vmem_shared>>
    tpu.enqueue_indirect_dma source(%arg10 : memref<128x128xf32, #tpu.memory_space<vmem>>) target(%dma_start3A_87 : memref<10240x128xf32, #tpu.memory_space<vmem_shared>>) offsets(%dma_start3A_84 : memref<128xi32, #tpu.memory_space<vmem>>) semaphore(%arg19 : memref<!tpu.dma_semaphore, #tpu.memory_space<semaphore_mem>>) {add = true}
    %scan3A = arith.constant 0 : i32
    %scan3A_88 = arith.constant 19 : i32
    %scan3A_89 = arith.addi %scan3A, %scan3A_88 : i32
    %scan3A_90 = arith.constant 1 : i32
    scf.for %scan3A_208 = %scan3A to %scan3A_89 step %scan3A_90  : i32 {
      %mul3A_209 = arith.constant 4 : i32
      %mul3A_210 = arith.muli %scan3A_208, %mul3A_209 : i32
      %add3A_211 = arith.constant 1 : i32
      %add3A_212 = arith.addi %add3A_211, %mul3A_210 : i32
      %add3A_213 = arith.constant 0 : i32
      %add3A_214 = arith.addi %add3A_212, %add3A_213 : i32
      %dma_wait3A_215 = arith.constant 0 : i32
      %dma_wait3A_216 = arith.constant 0 : i32
      %dma_wait3A_217 = tpu.memref_slice %arg7[%dma_wait3A_215, %dma_wait3A_216] : memref<3x128xi32, #tpu.memory_space<vmem>> -> memref<1x128xi32, #tpu.memory_space<vmem>>
      %dma_wait3A_218 = tpu.memref_squeeze %dma_wait3A_217 : memref<1x128xi32, #tpu.memory_space<vmem>> -> memref<128xi32, #tpu.memory_space<vmem>>
      %dma_wait3A_219 = arith.constant 0 : i32
      %dma_wait3A_220 = arith.constant 0 : i32
      %dma_wait3A_221 = tpu.memref_slice %arg2[%dma_wait3A_219, %dma_wait3A_220] : memref<10240x128xf32, #tpu.memory_space<hbm>> -> memref<10240x128xf32, #tpu.memory_space<hbm>>
      tpu.wait_indirect_dma semaphore(%arg18 : memref<!tpu.dma_semaphore, #tpu.memory_space<semaphore_mem>>) src(%dma_wait3A_221 : memref<10240x128xf32, #tpu.memory_space<hbm>>) dst(%arg11 : memref<128x128xf32, #tpu.memory_space<vmem>>)
      %sub3A = arith.constant 1 : i32
      %sub3A_222 = arith.subi %add3A_214, %sub3A : i32
      %dma_wait3A_223 = arith.constant 1 : i32
      %dma_wait3A_224 = arith.constant 0 : i32
      %dma_wait3A_225 = tpu.memref_slice %arg6[%dma_wait3A_223, %dma_wait3A_224] : memref<3x128xi32, #tpu.memory_space<vmem>> -> memref<1x128xi32, #tpu.memory_space<vmem>>
      %dma_wait3A_226 = tpu.memref_squeeze %dma_wait3A_225 : memref<1x128xi32, #tpu.memory_space<vmem>> -> memref<128xi32, #tpu.memory_space<vmem>>
      %dma_wait3A_227 = arith.constant 0 : i32
      %dma_wait3A_228 = arith.constant 0 : i32
      %dma_wait3A_229 = tpu.memref_slice %arg12[%dma_wait3A_227, %dma_wait3A_228] : memref<10240x128xf32, #tpu.memory_space<vmem_shared>> -> memref<10240x128xf32, #tpu.memory_space<vmem_shared>>
      tpu.wait_indirect_dma semaphore(%arg19 : memref<!tpu.dma_semaphore, #tpu.memory_space<semaphore_mem>>) src(%arg10 : memref<128x128xf32, #tpu.memory_space<vmem>>) dst(%dma_wait3A_229 : memref<10240x128xf32, #tpu.memory_space<vmem_shared>>)
      %add3A_230 = arith.constant 1 : i32
      %add3A_231 = arith.addi %add3A_214, %add3A_230 : i32
      %dma_wait3A_232 = arith.constant 0 : i32
      %dma_wait3A_233 = arith.constant 0 : i32
      %dma_wait3A_234 = tpu.memref_slice %arg3[%add3A, %add3A_231, %dma_wait3A_232, %dma_wait3A_233] : memref<32x80x3x128xi32, #tpu.memory_space<hbm>> -> memref<1x1x3x128xi32, #tpu.memory_space<hbm>>
      %dma_wait3A_235 = tpu.memref_squeeze %dma_wait3A_234 : memref<1x1x3x128xi32, #tpu.memory_space<hbm>> -> memref<3x128xi32, #tpu.memory_space<hbm>>
      %dma_wait3A_236 = arith.constant 0 : i32
      %dma_wait3A_237 = arith.constant 0 : i32
      %dma_wait3A_238 = tpu.memref_slice %arg3[%add3A, %add3A_231, %dma_wait3A_236, %dma_wait3A_237] : memref<32x80x3x128xi32, #tpu.memory_space<hbm>> -> memref<1x1x3x128xi32, #tpu.memory_space<hbm>>
      %dma_wait3A_239 = tpu.memref_squeeze %dma_wait3A_238 : memref<1x1x3x128xi32, #tpu.memory_space<hbm>> -> memref<3x128xi32, #tpu.memory_space<hbm>>
      tpu.wait_dma2 semaphore(%arg15 : memref<!tpu.dma_semaphore, #tpu.memory_space<semaphore_mem>>) src(%dma_wait3A_239 : memref<3x128xi32, #tpu.memory_space<hbm>>) dst(%arg8 : memref<3x128xi32, #tpu.memory_space<vmem>>)
      %add3A_240 = arith.constant 1 : i32
      %add3A_241 = arith.addi %add3A_214, %add3A_240 : i32
      %dma_start3A_242 = arith.constant 0 : i32
      %dma_start3A_243 = arith.constant 0 : i32
      %dma_start3A_244 = tpu.memref_slice %arg8[%dma_start3A_242, %dma_start3A_243] : memref<3x128xi32, #tpu.memory_space<vmem>> -> memref<1x128xi32, #tpu.memory_space<vmem>>
      %dma_start3A_245 = tpu.memref_squeeze %dma_start3A_244 : memref<1x128xi32, #tpu.memory_space<vmem>> -> memref<128xi32, #tpu.memory_space<vmem>>
      %dma_start3A_246 = arith.constant 0 : i32
      %dma_start3A_247 = arith.constant 0 : i32
      %dma_start3A_248 = tpu.memref_slice %arg2[%dma_start3A_246, %dma_start3A_247] : memref<10240x128xf32, #tpu.memory_space<hbm>> -> memref<10240x128xf32, #tpu.memory_space<hbm>>
      tpu.enqueue_indirect_dma source(%dma_start3A_248 : memref<10240x128xf32, #tpu.memory_space<hbm>>) target(%arg10 : memref<128x128xf32, #tpu.memory_space<vmem>>) offsets(%dma_start3A_245 : memref<128xi32, #tpu.memory_space<vmem>>) semaphore(%arg17 : memref<!tpu.dma_semaphore, #tpu.memory_space<semaphore_mem>>)
      %add3A_249 = arith.constant 3 : i32
      %add3A_250 = arith.addi %add3A_214, %add3A_249 : i32
      %dma_start3A_251 = arith.constant 0 : i32
      %dma_start3A_252 = arith.constant 0 : i32
      %dma_start3A_253 = tpu.memref_slice %arg3[%add3A, %add3A_250, %dma_start3A_251, %dma_start3A_252] : memref<32x80x3x128xi32, #tpu.memory_space<hbm>> -> memref<1x1x3x128xi32, #tpu.memory_space<hbm>>
      %dma_start3A_254 = tpu.memref_squeeze %dma_start3A_253 : memref<1x1x3x128xi32, #tpu.memory_space<hbm>> -> memref<3x128xi32, #tpu.memory_space<hbm>>
      %dma_start3A_255 = arith.constant 0 : i32
      %dma_start3A_256 = arith.constant 0 : i32
      %dma_start3A_257 = tpu.memref_slice %arg3[%add3A, %add3A_250, %dma_start3A_255, %dma_start3A_256] : memref<32x80x3x128xi32, #tpu.memory_space<hbm>> -> memref<1x1x3x128xi32, #tpu.memory_space<hbm>>
      %dma_start3A_258 = tpu.memref_squeeze %dma_start3A_257 : memref<1x1x3x128xi32, #tpu.memory_space<hbm>> -> memref<3x128xi32, #tpu.memory_space<hbm>>
      tpu.enqueue_dma source(%dma_start3A_258 : memref<3x128xi32, #tpu.memory_space<hbm>>) target(%arg6 : memref<3x128xi32, #tpu.memory_space<vmem>>) target_semaphore(%arg13 : memref<!tpu.dma_semaphore, #tpu.memory_space<semaphore_mem>>)
      %parallel_loop3A_259 = arith.constant 0 : i32
      %parallel_loop3A_260 = arith.constant 128 : i32
      %parallel_loop3A_261 = arith.constant 1 : i32
      scf.for %parallel_loop3A_440 = %parallel_loop3A_259 to %parallel_loop3A_260 step %parallel_loop3A_261  : i32 {
        %parallel_loop3A_441 = vector.broadcast %parallel_loop3A_440 : i32 to vector<16xi32>
        %parallel_loop3A_442 = tpu.vector_load_idx %arg7[%broadcast_in_dim3A_1, %parallel_loop3A_441] : memref<3x128xi32, #tpu.memory_space<vmem>>[vector<16xi32>, vector<16xi32>], vector<16xi32>,
        %parallel_loop3A_443 = vector.bitcast %parallel_loop3A_442 : vector<16xi32> to vector<16xf32>
        %parallel_loop3A_444 = arith.index_cast %parallel_loop3A_440 : i32 to index
        %parallel_loop3A_445 = arith.constant 0 : index
        %parallel_loop3A_446 = tpu.vector_load %arg11[%parallel_loop3A_444, %parallel_loop3A_445] {strides = array<i32>} : memref<128x128xf32, #tpu.memory_space<vmem>>, vector<16xf32>,
        %parallel_loop3A_447 = arith.mulf %parallel_loop3A_446, %parallel_loop3A_443 : vector<16xf32>
        %parallel_loop3A_448 = arith.index_cast %parallel_loop3A_440 : i32 to index
        %parallel_loop3A_449 = arith.constant 0 : index
        %parallel_loop3A_450 = tpu.vector_load %arg11[%parallel_loop3A_448, %parallel_loop3A_449] {strides = array<i32>} : memref<128x128xf32, #tpu.memory_space<vmem>>, vector<16xf32>,
        tpu.vector_store %arg11[%parallel_loop3A_448, %parallel_loop3A_449], %parallel_loop3A_447 {strides = array<i32>} : memref<128x128xf32, #tpu.memory_space<vmem>>, vector<16xf32>,
        %parallel_loop3A_451 = arith.index_cast %parallel_loop3A_440 : i32 to index
        %parallel_loop3A_452 = arith.constant 16 : index
        %parallel_loop3A_453 = tpu.vector_load %arg11[%parallel_loop3A_451, %parallel_loop3A_452] {strides = array<i32>} : memref<128x128xf32, #tpu.memory_space<vmem>>, vector<16xf32>,
        %parallel_loop3A_454 = arith.mulf %parallel_loop3A_453, %parallel_loop3A_443 : vector<16xf32>
        %parallel_loop3A_455 = arith.index_cast %parallel_loop3A_440 : i32 to index
        %parallel_loop3A_456 = arith.constant 16 : index
        %parallel_loop3A_457 = tpu.vector_load %arg11[%parallel_loop3A_455, %parallel_loop3A_456] {strides = array<i32>} : memref<128x128xf32, #tpu.memory_space<vmem>>, vector<16xf32>,
        tpu.vector_store %arg11[%parallel_loop3A_455, %parallel_loop3A_456], %parallel_loop3A_454 {strides = array<i32>} : memref<128x128xf32, #tpu.memory_space<vmem>>, vector<16xf32>,
        %parallel_loop3A_458 = arith.index_cast %parallel_loop3A_440 : i32 to index
        %parallel_loop3A_459 = arith.constant 32 : index
        %parallel_loop3A_460 = tpu.vector_load %arg11[%parallel_loop3A_458, %parallel_loop3A_459] {strides = array<i32>} : memref<128x128xf32, #tpu.memory_space<vmem>>, vector<16xf32>,
        %parallel_loop3A_461 = arith.mulf %parallel_loop3A_460, %parallel_loop3A_443 : vector<16xf32>
        %parallel_loop3A_462 = arith.index_cast %parallel_loop3A_440 : i32 to index
        %parallel_loop3A_463 = arith.constant 32 : index
        %parallel_loop3A_464 = tpu.vector_load %arg11[%parallel_loop3A_462, %parallel_loop3A_463] {strides = array<i32>} : memref<128x128xf32, #tpu.memory_space<vmem>>, vector<16xf32>,
        tpu.vector_store %arg11[%parallel_loop3A_462, %parallel_loop3A_463], %parallel_loop3A_461 {strides = array<i32>} : memref<128x128xf32, #tpu.memory_space<vmem>>, vector<16xf32>,
        %parallel_loop3A_465 = arith.index_cast %parallel_loop3A_440 : i32 to index
        %parallel_loop3A_466 = arith.constant 48 : index
        %parallel_loop3A_467 = tpu.vector_load %arg11[%parallel_loop3A_465, %parallel_loop3A_466] {strides = array<i32>} : memref<128x128xf32, #tpu.memory_space<vmem>>, vector<16xf32>,
        %parallel_loop3A_468 = arith.mulf %parallel_loop3A_467, %parallel_loop3A_443 : vector<16xf32>
        %parallel_loop3A_469 = arith.index_cast %parallel_loop3A_440 : i32 to index
        %parallel_loop3A_470 = arith.constant 48 : index
        %parallel_loop3A_471 = tpu.vector_load %arg11[%parallel_loop3A_469, %parallel_loop3A_470] {strides = array<i32>} : memref<128x128xf32, #tpu.memory_space<vmem>>, vector<16xf32>,
        tpu.vector_store %arg11[%parallel_loop3A_469, %parallel_loop3A_470], %parallel_loop3A_468 {strides = array<i32>} : memref<128x128xf32, #tpu.memory_space<vmem>>, vector<16xf32>,
        %parallel_loop3A_472 = arith.index_cast %parallel_loop3A_440 : i32 to index
        %parallel_loop3A_473 = arith.constant 64 : index
        %parallel_loop3A_474 = tpu.vector_load %arg11[%parallel_loop3A_472, %parallel_loop3A_473] {strides = array<i32>} : memref<128x128xf32, #tpu.memory_space<vmem>>, vector<16xf32>,
        %parallel_loop3A_475 = arith.mulf %parallel_loop3A_474, %parallel_loop3A_443 : vector<16xf32>
        %parallel_loop3A_476 = arith.index_cast %parallel_loop3A_440 : i32 to index
        %parallel_loop3A_477 = arith.constant 64 : index
        %parallel_loop3A_478 = tpu.vector_load %arg11[%parallel_loop3A_476, %parallel_loop3A_477] {strides = array<i32>} : memref<128x128xf32, #tpu.memory_space<vmem>>, vector<16xf32>,
        tpu.vector_store %arg11[%parallel_loop3A_476, %parallel_loop3A_477], %parallel_loop3A_475 {strides = array<i32>} : memref<128x128xf32, #tpu.memory_space<vmem>>, vector<16xf32>,
        %parallel_loop3A_479 = arith.index_cast %parallel_loop3A_440 : i32 to index
        %parallel_loop3A_480 = arith.constant 80 : index
        %parallel_loop3A_481 = tpu.vector_load %arg11[%parallel_loop3A_479, %parallel_loop3A_480] {strides = array<i32>} : memref<128x128xf32, #tpu.memory_space<vmem>>, vector<16xf32>,
        %parallel_loop3A_482 = arith.mulf %parallel_loop3A_481, %parallel_loop3A_443 : vector<16xf32>
        %parallel_loop3A_483 = arith.index_cast %parallel_loop3A_440 : i32 to index
        %parallel_loop3A_484 = arith.constant 80 : index
        %parallel_loop3A_485 = tpu.vector_load %arg11[%parallel_loop3A_483, %parallel_loop3A_484] {strides = array<i32>} : memref<128x128xf32, #tpu.memory_space<vmem>>, vector<16xf32>,
        tpu.vector_store %arg11[%parallel_loop3A_483, %parallel_loop3A_484], %parallel_loop3A_482 {strides = array<i32>} : memref<128x128xf32, #tpu.memory_space<vmem>>, vector<16xf32>,
        %parallel_loop3A_486 = arith.index_cast %parallel_loop3A_440 : i32 to index
        %parallel_loop3A_487 = arith.constant 96 : index
        %parallel_loop3A_488 = tpu.vector_load %arg11[%parallel_loop3A_486, %parallel_loop3A_487] {strides = array<i32>} : memref<128x128xf32, #tpu.memory_space<vmem>>, vector<16xf32>,
        %parallel_loop3A_489 = arith.mulf %parallel_loop3A_488, %parallel_loop3A_443 : vector<16xf32>
        %parallel_loop3A_490 = arith.index_cast %parallel_loop3A_440 : i32 to index
        %parallel_loop3A_491 = arith.constant 96 : index
        %parallel_loop3A_492 = tpu.vector_load %arg11[%parallel_loop3A_490, %parallel_loop3A_491] {strides = array<i32>} : memref<128x128xf32, #tpu.memory_space<vmem>>, vector<16xf32>,
        tpu.vector_store %arg11[%parallel_loop3A_490, %parallel_loop3A_491], %parallel_loop3A_489 {strides = array<i32>} : memref<128x128xf32, #tpu.memory_space<vmem>>, vector<16xf32>,
        %parallel_loop3A_493 = arith.index_cast %parallel_loop3A_440 : i32 to index
        %parallel_loop3A_494 = arith.constant 112 : index
        %parallel_loop3A_495 = tpu.vector_load %arg11[%parallel_loop3A_493, %parallel_loop3A_494] {strides = array<i32>} : memref<128x128xf32, #tpu.memory_space<vmem>>, vector<16xf32>,
        %parallel_loop3A_496 = arith.mulf %parallel_loop3A_495, %parallel_loop3A_443 : vector<16xf32>
        %parallel_loop3A_497 = arith.index_cast %parallel_loop3A_440 : i32 to index
        %parallel_loop3A_498 = arith.constant 112 : index
        %parallel_loop3A_499 = tpu.vector_load %arg11[%parallel_loop3A_497, %parallel_loop3A_498] {strides = array<i32>} : memref<128x128xf32, #tpu.memory_space<vmem>>, vector<16xf32>,
        tpu.vector_store %arg11[%parallel_loop3A_497, %parallel_loop3A_498], %parallel_loop3A_496 {strides = array<i32>} : memref<128x128xf32, #tpu.memory_space<vmem>>, vector<16xf32>,
      } {sc.loop_unroll_factor = 2 : i64, sc.parallel_access}
      %dma_start3A_262 = arith.constant 1 : i32
      %dma_start3A_263 = arith.constant 0 : i32
      %dma_start3A_264 = tpu.memref_slice %arg7[%dma_start3A_262, %dma_start3A_263] : memref<3x128xi32, #tpu.memory_space<vmem>> -> memref<1x128xi32, #tpu.memory_space<vmem>>
      %dma_start3A_265 = tpu.memref_squeeze %dma_start3A_264 : memref<1x128xi32, #tpu.memory_space<vmem>> -> memref<128xi32, #tpu.memory_space<vmem>>
      %dma_start3A_266 = arith.constant 0 : i32
      %dma_start3A_267 = arith.constant 0 : i32
      %dma_start3A_268 = tpu.memref_slice %arg12[%dma_start3A_266, %dma_start3A_267] : memref<10240x128xf32, #tpu.memory_space<vmem_shared>> -> memref<10240x128xf32, #tpu.memory_space<vmem_shared>>
      tpu.enqueue_indirect_dma source(%arg11 : memref<128x128xf32, #tpu.memory_space<vmem>>) target(%dma_start3A_268 : memref<10240x128xf32, #tpu.memory_space<vmem_shared>>) offsets(%dma_start3A_265 : memref<128xi32, #tpu.memory_space<vmem>>) semaphore(%arg20 : memref<!tpu.dma_semaphore, #tpu.memory_space<semaphore_mem>>) {add = true}
      %add3A_269 = arith.constant 1 : i32
      %add3A_270 = arith.addi %add3A_212, %add3A_269 : i32
      %dma_wait3A_271 = arith.constant 0 : i32
      %dma_wait3A_272 = arith.constant 0 : i32
      %dma_wait3A_273 = tpu.memref_slice %arg8[%dma_wait3A_271, %dma_wait3A_272] : memref<3x128xi32, #tpu.memory_space<vmem>> -> memref<1x128xi32, #tpu.memory_space<vmem>>
      %dma_wait3A_274 = tpu.memref_squeeze %dma_wait3A_273 : memref<1x128xi32, #tpu.memory_space<vmem>> -> memref<128xi32, #tpu.memory_space<vmem>>
      %dma_wait3A_275 = arith.constant 0 : i32
      %dma_wait3A_276 = arith.constant 0 : i32
      %dma_wait3A_277 = tpu.memref_slice %arg2[%dma_wait3A_275, %dma_wait3A_276] : memref<10240x128xf32, #tpu.memory_space<hbm>> -> memref<10240x128xf32, #tpu.memory_space<hbm>>
      tpu.wait_indirect_dma semaphore(%arg17 : memref<!tpu.dma_semaphore, #tpu.memory_space<semaphore_mem>>) src(%dma_wait3A_277 : memref<10240x128xf32, #tpu.memory_space<hbm>>) dst(%arg10 : memref<128x128xf32, #tpu.memory_space<vmem>>)
      %sub3A_278 = arith.constant 1 : i32
      %sub3A_279 = arith.subi %add3A_270, %sub3A_278 : i32
      %dma_wait3A_280 = arith.constant 1 : i32
      %dma_wait3A_281 = arith.constant 0 : i32
      %dma_wait3A_282 = tpu.memref_slice %arg7[%dma_wait3A_280, %dma_wait3A_281] : memref<3x128xi32, #tpu.memory_space<vmem>> -> memref<1x128xi32, #tpu.memory_space<vmem>>
      %dma_wait3A_283 = tpu.memref_squeeze %dma_wait3A_282 : memref<1x128xi32, #tpu.memory_space<vmem>> -> memref<128xi32, #tpu.memory_space<vmem>>
      %dma_wait3A_284 = arith.constant 0 : i32
      %dma_wait3A_285 = arith.constant 0 : i32
      %dma_wait3A_286 = tpu.memref_slice %arg12[%dma_wait3A_284, %dma_wait3A_285] : memref<10240x128xf32, #tpu.memory_space<vmem_shared>> -> memref<10240x128xf32, #tpu.memory_space<vmem_shared>>
      tpu.wait_indirect_dma semaphore(%arg20 : memref<!tpu.dma_semaphore, #tpu.memory_space<semaphore_mem>>) src(%arg11 : memref<128x128xf32, #tpu.memory_space<vmem>>) dst(%dma_wait3A_286 : memref<10240x128xf32, #tpu.memory_space<vmem_shared>>)
      %add3A_287 = arith.constant 1 : i32
      %add3A_288 = arith.addi %add3A_270, %add3A_287 : i32
      %dma_wait3A_289 = arith.constant 0 : i32
      %dma_wait3A_290 = arith.constant 0 : i32
      %dma_wait3A_291 = tpu.memref_slice %arg3[%add3A, %add3A_288, %dma_wait3A_289, %dma_wait3A_290] : memref<32x80x3x128xi32, #tpu.memory_space<hbm>> -> memref<1x1x3x128xi32, #tpu.memory_space<hbm>>
      %dma_wait3A_292 = tpu.memref_squeeze %dma_wait3A_291 : memref<1x1x3x128xi32, #tpu.memory_space<hbm>> -> memref<3x128xi32, #tpu.memory_space<hbm>>
      %dma_wait3A_293 = arith.constant 0 : i32
      %dma_wait3A_294 = arith.constant 0 : i32
      %dma_wait3A_295 = tpu.memref_slice %arg3[%add3A, %add3A_288, %dma_wait3A_293, %dma_wait3A_294] : memref<32x80x3x128xi32, #tpu.memory_space<hbm>> -> memref<1x1x3x128xi32, #tpu.memory_space<hbm>>
      %dma_wait3A_296 = tpu.memref_squeeze %dma_wait3A_295 : memref<1x1x3x128xi32, #tpu.memory_space<hbm>> -> memref<3x128xi32, #tpu.memory_space<hbm>>
      tpu.wait_dma2 semaphore(%arg16 : memref<!tpu.dma_semaphore, #tpu.memory_space<semaphore_mem>>) src(%dma_wait3A_296 : memref<3x128xi32, #tpu.memory_space<hbm>>) dst(%arg9 : memref<3x128xi32, #tpu.memory_space<vmem>>)
      %add3A_297 = arith.constant 1 : i32
      %add3A_298 = arith.addi %add3A_270, %add3A_297 : i32
      %dma_start3A_299 = arith.constant 0 : i32
      %dma_start3A_300 = arith.constant 0 : i32
      %dma_start3A_301 = tpu.memref_slice %arg9[%dma_start3A_299, %dma_start3A_300] : memref<3x128xi32, #tpu.memory_space<vmem>> -> memref<1x128xi32, #tpu.memory_space<vmem>>
      %dma_start3A_302 = tpu.memref_squeeze %dma_start3A_301 : memref<1x128xi32, #tpu.memory_space<vmem>> -> memref<128xi32, #tpu.memory_space<vmem>>
      %dma_start3A_303 = arith.constant 0 : i32
      %dma_start3A_304 = arith.constant 0 : i32
      %dma_start3A_305 = tpu.memref_slice %arg2[%dma_start3A_303, %dma_start3A_304] : memref<10240x128xf32, #tpu.memory_space<hbm>> -> memref<10240x128xf32, #tpu.memory_space<hbm>>
      tpu.enqueue_indirect_dma source(%dma_start3A_305 : memref<10240x128xf32, #tpu.memory_space<hbm>>) target(%arg11 : memref<128x128xf32, #tpu.memory_space<vmem>>) offsets(%dma_start3A_302 : memref<128xi32, #tpu.memory_space<vmem>>) semaphore(%arg18 : memref<!tpu.dma_semaphore, #tpu.memory_space<semaphore_mem>>)
      %add3A_306 = arith.constant 3 : i32
      %add3A_307 = arith.addi %add3A_270, %add3A_306 : i32
      %dma_start3A_308 = arith.constant 0 : i32
      %dma_start3A_309 = arith.constant 0 : i32
      %dma_start3A_310 = tpu.memref_slice %arg3[%add3A, %add3A_307, %dma_start3A_308, %dma_start3A_309] : memref<32x80x3x128xi32, #tpu.memory_space<hbm>> -> memref<1x1x3x128xi32, #tpu.memory_space<hbm>>
      %dma_start3A_311 = tpu.memref_squeeze %dma_start3A_310 : memref<1x1x3x128xi32, #tpu.memory_space<hbm>> -> memref<3x128xi32, #tpu.memory_space<hbm>>
      %dma_start3A_312 = arith.constant 0 : i32
      %dma_start3A_313 = arith.constant 0 : i32
      %dma_start3A_314 = tpu.memref_slice %arg3[%add3A, %add3A_307, %dma_start3A_312, %dma_start3A_313] : memref<32x80x3x128xi32, #tpu.memory_space<hbm>> -> memref<1x1x3x128xi32, #tpu.memory_space<hbm>>
      %dma_start3A_315 = tpu.memref_squeeze %dma_start3A_314 : memref<1x1x3x128xi32, #tpu.memory_space<hbm>> -> memref<3x128xi32, #tpu.memory_space<hbm>>
      tpu.enqueue_dma source(%dma_start3A_315 : memref<3x128xi32, #tpu.memory_space<hbm>>) target(%arg7 : memref<3x128xi32, #tpu.memory_space<vmem>>) target_semaphore(%arg14 : memref<!tpu.dma_semaphore, #tpu.memory_space<semaphore_mem>>)
      %parallel_loop3A_316 = arith.constant 0 : i32
      %parallel_loop3A_317 = arith.constant 128 : i32
      %parallel_loop3A_318 = arith.constant 1 : i32
      scf.for %parallel_loop3A_440 = %parallel_loop3A_316 to %parallel_loop3A_317 step %parallel_loop3A_318  : i32 {
        %parallel_loop3A_441 = vector.broadcast %parallel_loop3A_440 : i32 to vector<16xi32>
        %parallel_loop3A_442 = tpu.vector_load_idx %arg8[%broadcast_in_dim3A_1, %parallel_loop3A_441] : memref<3x128xi32, #tpu.memory_space<vmem>>[vector<16xi32>, vector<16xi32>], vector<16xi32>,
        %parallel_loop3A_443 = vector.bitcast %parallel_loop3A_442 : vector<16xi32> to vector<16xf32>
        %parallel_loop3A_444 = arith.index_cast %parallel_loop3A_440 : i32 to index
        %parallel_loop3A_445 = arith.constant 0 : index
        %parallel_loop3A_446 = tpu.vector_load %arg10[%parallel_loop3A_444, %parallel_loop3A_445] {strides = array<i32>} : memref<128x128xf32, #tpu.memory_space<vmem>>, vector<16xf32>,
        %parallel_loop3A_447 = arith.mulf %parallel_loop3A_446, %parallel_loop3A_443 : vector<16xf32>
        %parallel_loop3A_448 = arith.index_cast %parallel_loop3A_440 : i32 to index
        %parallel_loop3A_449 = arith.constant 0 : index
        %parallel_loop3A_450 = tpu.vector_load %arg10[%parallel_loop3A_448, %parallel_loop3A_449] {strides = array<i32>} : memref<128x128xf32, #tpu.memory_space<vmem>>, vector<16xf32>,
        tpu.vector_store %arg10[%parallel_loop3A_448, %parallel_loop3A_449], %parallel_loop3A_447 {strides = array<i32>} : memref<128x128xf32, #tpu.memory_space<vmem>>, vector<16xf32>,
        %parallel_loop3A_451 = arith.index_cast %parallel_loop3A_440 : i32 to index
        %parallel_loop3A_452 = arith.constant 16 : index
        %parallel_loop3A_453 = tpu.vector_load %arg10[%parallel_loop3A_451, %parallel_loop3A_452] {strides = array<i32>} : memref<128x128xf32, #tpu.memory_space<vmem>>, vector<16xf32>,
        %parallel_loop3A_454 = arith.mulf %parallel_loop3A_453, %parallel_loop3A_443 : vector<16xf32>
        %parallel_loop3A_455 = arith.index_cast %parallel_loop3A_440 : i32 to index
        %parallel_loop3A_456 = arith.constant 16 : index
        %parallel_loop3A_457 = tpu.vector_load %arg10[%parallel_loop3A_455, %parallel_loop3A_456] {strides = array<i32>} : memref<128x128xf32, #tpu.memory_space<vmem>>, vector<16xf32>,
        tpu.vector_store %arg10[%parallel_loop3A_455, %parallel_loop3A_456], %parallel_loop3A_454 {strides = array<i32>} : memref<128x128xf32, #tpu.memory_space<vmem>>, vector<16xf32>,
        %parallel_loop3A_458 = arith.index_cast %parallel_loop3A_440 : i32 to index
        %parallel_loop3A_459 = arith.constant 32 : index
        %parallel_loop3A_460 = tpu.vector_load %arg10[%parallel_loop3A_458, %parallel_loop3A_459] {strides = array<i32>} : memref<128x128xf32, #tpu.memory_space<vmem>>, vector<16xf32>,
        %parallel_loop3A_461 = arith.mulf %parallel_loop3A_460, %parallel_loop3A_443 : vector<16xf32>
        %parallel_loop3A_462 = arith.index_cast %parallel_loop3A_440 : i32 to index
        %parallel_loop3A_463 = arith.constant 32 : index
        %parallel_loop3A_464 = tpu.vector_load %arg10[%parallel_loop3A_462, %parallel_loop3A_463] {strides = array<i32>} : memref<128x128xf32, #tpu.memory_space<vmem>>, vector<16xf32>,
        tpu.vector_store %arg10[%parallel_loop3A_462, %parallel_loop3A_463], %parallel_loop3A_461 {strides = array<i32>} : memref<128x128xf32, #tpu.memory_space<vmem>>, vector<16xf32>,
        %parallel_loop3A_465 = arith.index_cast %parallel_loop3A_440 : i32 to index
        %parallel_loop3A_466 = arith.constant 48 : index
        %parallel_loop3A_467 = tpu.vector_load %arg10[%parallel_loop3A_465, %parallel_loop3A_466] {strides = array<i32>} : memref<128x128xf32, #tpu.memory_space<vmem>>, vector<16xf32>,
        %parallel_loop3A_468 = arith.mulf %parallel_loop3A_467, %parallel_loop3A_443 : vector<16xf32>
        %parallel_loop3A_469 = arith.index_cast %parallel_loop3A_440 : i32 to index
        %parallel_loop3A_470 = arith.constant 48 : index
        %parallel_loop3A_471 = tpu.vector_load %arg10[%parallel_loop3A_469, %parallel_loop3A_470] {strides = array<i32>} : memref<128x128xf32, #tpu.memory_space<vmem>>, vector<16xf32>,
        tpu.vector_store %arg10[%parallel_loop3A_469, %parallel_loop3A_470], %parallel_loop3A_468 {strides = array<i32>} : memref<128x128xf32, #tpu.memory_space<vmem>>, vector<16xf32>,
        %parallel_loop3A_472 = arith.index_cast %parallel_loop3A_440 : i32 to index
        %parallel_loop3A_473 = arith.constant 64 : index
        %parallel_loop3A_474 = tpu.vector_load %arg10[%parallel_loop3A_472, %parallel_loop3A_473] {strides = array<i32>} : memref<128x128xf32, #tpu.memory_space<vmem>>, vector<16xf32>,
        %parallel_loop3A_475 = arith.mulf %parallel_loop3A_474, %parallel_loop3A_443 : vector<16xf32>
        %parallel_loop3A_476 = arith.index_cast %parallel_loop3A_440 : i32 to index
        %parallel_loop3A_477 = arith.constant 64 : index
        %parallel_loop3A_478 = tpu.vector_load %arg10[%parallel_loop3A_476, %parallel_loop3A_477] {strides = array<i32>} : memref<128x128xf32, #tpu.memory_space<vmem>>, vector<16xf32>,
        tpu.vector_store %arg10[%parallel_loop3A_476, %parallel_loop3A_477], %parallel_loop3A_475 {strides = array<i32>} : memref<128x128xf32, #tpu.memory_space<vmem>>, vector<16xf32>,
        %parallel_loop3A_479 = arith.index_cast %parallel_loop3A_440 : i32 to index
        %parallel_loop3A_480 = arith.constant 80 : index
        %parallel_loop3A_481 = tpu.vector_load %arg10[%parallel_loop3A_479, %parallel_loop3A_480] {strides = array<i32>} : memref<128x128xf32, #tpu.memory_space<vmem>>, vector<16xf32>,
        %parallel_loop3A_482 = arith.mulf %parallel_loop3A_481, %parallel_loop3A_443 : vector<16xf32>
        %parallel_loop3A_483 = arith.index_cast %parallel_loop3A_440 : i32 to index
        %parallel_loop3A_484 = arith.constant 80 : index
        %parallel_loop3A_485 = tpu.vector_load %arg10[%parallel_loop3A_483, %parallel_loop3A_484] {strides = array<i32>} : memref<128x128xf32, #tpu.memory_space<vmem>>, vector<16xf32>,
        tpu.vector_store %arg10[%parallel_loop3A_483, %parallel_loop3A_484], %parallel_loop3A_482 {strides = array<i32>} : memref<128x128xf32, #tpu.memory_space<vmem>>, vector<16xf32>,
        %parallel_loop3A_486 = arith.index_cast %parallel_loop3A_440 : i32 to index
        %parallel_loop3A_487 = arith.constant 96 : index
        %parallel_loop3A_488 = tpu.vector_load %arg10[%parallel_loop3A_486, %parallel_loop3A_487] {strides = array<i32>} : memref<128x128xf32, #tpu.memory_space<vmem>>, vector<16xf32>,
        %parallel_loop3A_489 = arith.mulf %parallel_loop3A_488, %parallel_loop3A_443 : vector<16xf32>
        %parallel_loop3A_490 = arith.index_cast %parallel_loop3A_440 : i32 to index
        %parallel_loop3A_491 = arith.constant 96 : index
        %parallel_loop3A_492 = tpu.vector_load %arg10[%parallel_loop3A_490, %parallel_loop3A_491] {strides = array<i32>} : memref<128x128xf32, #tpu.memory_space<vmem>>, vector<16xf32>,
        tpu.vector_store %arg10[%parallel_loop3A_490, %parallel_loop3A_491], %parallel_loop3A_489 {strides = array<i32>} : memref<128x128xf32, #tpu.memory_space<vmem>>, vector<16xf32>,
        %parallel_loop3A_493 = arith.index_cast %parallel_loop3A_440 : i32 to index
        %parallel_loop3A_494 = arith.constant 112 : index
        %parallel_loop3A_495 = tpu.vector_load %arg10[%parallel_loop3A_493, %parallel_loop3A_494] {strides = array<i32>} : memref<128x128xf32, #tpu.memory_space<vmem>>, vector<16xf32>,
        %parallel_loop3A_496 = arith.mulf %parallel_loop3A_495, %parallel_loop3A_443 : vector<16xf32>
        %parallel_loop3A_497 = arith.index_cast %parallel_loop3A_440 : i32 to index
        %parallel_loop3A_498 = arith.constant 112 : index
        %parallel_loop3A_499 = tpu.vector_load %arg10[%parallel_loop3A_497, %parallel_loop3A_498] {strides = array<i32>} : memref<128x128xf32, #tpu.memory_space<vmem>>, vector<16xf32>,
        tpu.vector_store %arg10[%parallel_loop3A_497, %parallel_loop3A_498], %parallel_loop3A_496 {strides = array<i32>} : memref<128x128xf32, #tpu.memory_space<vmem>>, vector<16xf32>,
      } {sc.loop_unroll_factor = 2 : i64, sc.parallel_access}
      %dma_start3A_319 = arith.constant 1 : i32
      %dma_start3A_320 = arith.constant 0 : i32
      %dma_start3A_321 = tpu.memref_slice %arg8[%dma_start3A_319, %dma_start3A_320] : memref<3x128xi32, #tpu.memory_space<vmem>> -> memref<1x128xi32, #tpu.memory_space<vmem>>
      %dma_start3A_322 = tpu.memref_squeeze %dma_start3A_321 : memref<1x128xi32, #tpu.memory_space<vmem>> -> memref<128xi32, #tpu.memory_space<vmem>>
      %dma_start3A_323 = arith.constant 0 : i32
      %dma_start3A_324 = arith.constant 0 : i32
      %dma_start3A_325 = tpu.memref_slice %arg12[%dma_start3A_323, %dma_start3A_324] : memref<10240x128xf32, #tpu.memory_space<vmem_shared>> -> memref<10240x128xf32, #tpu.memory_space<vmem_shared>>
      tpu.enqueue_indirect_dma source(%arg10 : memref<128x128xf32, #tpu.memory_space<vmem>>) target(%dma_start3A_325 : memref<10240x128xf32, #tpu.memory_space<vmem_shared>>) offsets(%dma_start3A_322 : memref<128xi32, #tpu.memory_space<vmem>>) semaphore(%arg19 : memref<!tpu.dma_semaphore, #tpu.memory_space<semaphore_mem>>) {add = true}
      %add3A_326 = arith.constant 2 : i32
      %add3A_327 = arith.addi %add3A_212, %add3A_326 : i32
      %dma_wait3A_328 = arith.constant 0 : i32
      %dma_wait3A_329 = arith.constant 0 : i32
      %dma_wait3A_330 = tpu.memref_slice %arg9[%dma_wait3A_328, %dma_wait3A_329] : memref<3x128xi32, #tpu.memory_space<vmem>> -> memref<1x128xi32, #tpu.memory_space<vmem>>
      %dma_wait3A_331 = tpu.memref_squeeze %dma_wait3A_330 : memref<1x128xi32, #tpu.memory_space<vmem>> -> memref<128xi32, #tpu.memory_space<vmem>>
      %dma_wait3A_332 = arith.constant 0 : i32
      %dma_wait3A_333 = arith.constant 0 : i32
      %dma_wait3A_334 = tpu.memref_slice %arg2[%dma_wait3A_332, %dma_wait3A_333] : memref<10240x128xf32, #tpu.memory_space<hbm>> -> memref<10240x128xf32, #tpu.memory_space<hbm>>
      tpu.wait_indirect_dma semaphore(%arg18 : memref<!tpu.dma_semaphore, #tpu.memory_space<semaphore_mem>>) src(%dma_wait3A_334 : memref<10240x128xf32, #tpu.memory_space<hbm>>) dst(%arg11 : memref<128x128xf32, #tpu.memory_space<vmem>>)
      %sub3A_335 = arith.constant 1 : i32
      %sub3A_336 = arith.subi %add3A_327, %sub3A_335 : i32
      %dma_wait3A_337 = arith.constant 1 : i32
      %dma_wait3A_338 = arith.constant 0 : i32
      %dma_wait3A_339 = tpu.memref_slice %arg8[%dma_wait3A_337, %dma_wait3A_338] : memref<3x128xi32, #tpu.memory_space<vmem>> -> memref<1x128xi32, #tpu.memory_space<vmem>>
      %dma_wait3A_340 = tpu.memref_squeeze %dma_wait3A_339 : memref<1x128xi32, #tpu.memory_space<vmem>> -> memref<128xi32, #tpu.memory_space<vmem>>
      %dma_wait3A_341 = arith.constant 0 : i32
      %dma_wait3A_342 = arith.constant 0 : i32
      %dma_wait3A_343 = tpu.memref_slice %arg12[%dma_wait3A_341, %dma_wait3A_342] : memref<10240x128xf32, #tpu.memory_space<vmem_shared>> -> memref<10240x128xf32, #tpu.memory_space<vmem_shared>>
      tpu.wait_indirect_dma semaphore(%arg19 : memref<!tpu.dma_semaphore, #tpu.memory_space<semaphore_mem>>) src(%arg10 : memref<128x128xf32, #tpu.memory_space<vmem>>) dst(%dma_wait3A_343 : memref<10240x128xf32, #tpu.memory_space<vmem_shared>>)
      %add3A_344 = arith.constant 1 : i32
      %add3A_345 = arith.addi %add3A_327, %add3A_344 : i32
      %dma_wait3A_346 = arith.constant 0 : i32
      %dma_wait3A_347 = arith.constant 0 : i32
      %dma_wait3A_348 = tpu.memref_slice %arg3[%add3A, %add3A_345, %dma_wait3A_346, %dma_wait3A_347] : memref<32x80x3x128xi32, #tpu.memory_space<hbm>> -> memref<1x1x3x128xi32, #tpu.memory_space<hbm>>
      %dma_wait3A_349 = tpu.memref_squeeze %dma_wait3A_348 : memref<1x1x3x128xi32, #tpu.memory_space<hbm>> -> memref<3x128xi32, #tpu.memory_space<hbm>>
      %dma_wait3A_350 = arith.constant 0 : i32
      %dma_wait3A_351 = arith.constant 0 : i32
      %dma_wait3A_352 = tpu.memref_slice %arg3[%add3A, %add3A_345, %dma_wait3A_350, %dma_wait3A_351] : memref<32x80x3x128xi32, #tpu.memory_space<hbm>> -> memref<1x1x3x128xi32, #tpu.memory_space<hbm>>
      %dma_wait3A_353 = tpu.memref_squeeze %dma_wait3A_352 : memref<1x1x3x128xi32, #tpu.memory_space<hbm>> -> memref<3x128xi32, #tpu.memory_space<hbm>>
      tpu.wait_dma2 semaphore(%arg13 : memref<!tpu.dma_semaphore, #tpu.memory_space<semaphore_mem>>) src(%dma_wait3A_353 : memref<3x128xi32, #tpu.memory_space<hbm>>) dst(%arg6 : memref<3x128xi32, #tpu.memory_space<vmem>>)
      %add3A_354 = arith.constant 1 : i32
      %add3A_355 = arith.addi %add3A_327, %add3A_354 : i32
      %dma_start3A_356 = arith.constant 0 : i32
      %dma_start3A_357 = arith.constant 0 : i32
      %dma_start3A_358 = tpu.memref_slice %arg6[%dma_start3A_356, %dma_start3A_357] : memref<3x128xi32, #tpu.memory_space<vmem>> -> memref<1x128xi32, #tpu.memory_space<vmem>>
      %dma_start3A_359 = tpu.memref_squeeze %dma_start3A_358 : memref<1x128xi32, #tpu.memory_space<vmem>> -> memref<128xi32, #tpu.memory_space<vmem>>
      %dma_start3A_360 = arith.constant 0 : i32
      %dma_start3A_361 = arith.constant 0 : i32
      %dma_start3A_362 = tpu.memref_slice %arg2[%dma_start3A_360, %dma_start3A_361] : memref<10240x128xf32, #tpu.memory_space<hbm>> -> memref<10240x128xf32, #tpu.memory_space<hbm>>
      tpu.enqueue_indirect_dma source(%dma_start3A_362 : memref<10240x128xf32, #tpu.memory_space<hbm>>) target(%arg10 : memref<128x128xf32, #tpu.memory_space<vmem>>) offsets(%dma_start3A_359 : memref<128xi32, #tpu.memory_space<vmem>>) semaphore(%arg17 : memref<!tpu.dma_semaphore, #tpu.memory_space<semaphore_mem>>)
      %add3A_363 = arith.constant 3 : i32
      %add3A_364 = arith.addi %add3A_327, %add3A_363 : i32
      %dma_start3A_365 = arith.constant 0 : i32
      %dma_start3A_366 = arith.constant 0 : i32
      %dma_start3A_367 = tpu.memref_slice %arg3[%add3A, %add3A_364, %dma_start3A_365, %dma_start3A_366] : memref<32x80x3x128xi32, #tpu.memory_space<hbm>> -> memref<1x1x3x128xi32, #tpu.memory_space<hbm>>
      %dma_start3A_368 = tpu.memref_squeeze %dma_start3A_367 : memref<1x1x3x128xi32, #tpu.memory_space<hbm>> -> memref<3x128xi32, #tpu.memory_space<hbm>>
      %dma_start3A_369 = arith.constant 0 : i32
      %dma_start3A_370 = arith.constant 0 : i32
      %dma_start3A_371 = tpu.memref_slice %arg3[%add3A, %add3A_364, %dma_start3A_369, %dma_start3A_370] : memref<32x80x3x128xi32, #tpu.memory_space<hbm>> -> memref<1x1x3x128xi32, #tpu.memory_space<hbm>>
      %dma_start3A_372 = tpu.memref_squeeze %dma_start3A_371 : memref<1x1x3x128xi32, #tpu.memory_space<hbm>> -> memref<3x128xi32, #tpu.memory_space<hbm>>
      tpu.enqueue_dma source(%dma_start3A_372 : memref<3x128xi32, #tpu.memory_space<hbm>>) target(%arg8 : memref<3x128xi32, #tpu.memory_space<vmem>>) target_semaphore(%arg15 : memref<!tpu.dma_semaphore, #tpu.memory_space<semaphore_mem>>)
      %parallel_loop3A_373 = arith.constant 0 : i32
      %parallel_loop3A_374 = arith.constant 128 : i32
      %parallel_loop3A_375 = arith.constant 1 : i32
      scf.for %parallel_loop3A_440 = %parallel_loop3A_373 to %parallel_loop3A_374 step %parallel_loop3A_375  : i32 {
        %parallel_loop3A_441 = vector.broadcast %parallel_loop3A_440 : i32 to vector<16xi32>
        %parallel_loop3A_442 = tpu.vector_load_idx %arg9[%broadcast_in_dim3A_1, %parallel_loop3A_441] : memref<3x128xi32, #tpu.memory_space<vmem>>[vector<16xi32>, vector<16xi32>], vector<16xi32>,
        %parallel_loop3A_443 = vector.bitcast %parallel_loop3A_442 : vector<16xi32> to vector<16xf32>
        %parallel_loop3A_444 = arith.index_cast %parallel_loop3A_440 : i32 to index
        %parallel_loop3A_445 = arith.constant 0 : index
        %parallel_loop3A_446 = tpu.vector_load %arg11[%parallel_loop3A_444, %parallel_loop3A_445] {strides = array<i32>} : memref<128x128xf32, #tpu.memory_space<vmem>>, vector<16xf32>,
        %parallel_loop3A_447 = arith.mulf %parallel_loop3A_446, %parallel_loop3A_443 : vector<16xf32>
        %parallel_loop3A_448 = arith.index_cast %parallel_loop3A_440 : i32 to index
        %parallel_loop3A_449 = arith.constant 0 : index
        %parallel_loop3A_450 = tpu.vector_load %arg11[%parallel_loop3A_448, %parallel_loop3A_449] {strides = array<i32>} : memref<128x128xf32, #tpu.memory_space<vmem>>, vector<16xf32>,
        tpu.vector_store %arg11[%parallel_loop3A_448, %parallel_loop3A_449], %parallel_loop3A_447 {strides = array<i32>} : memref<128x128xf32, #tpu.memory_space<vmem>>, vector<16xf32>,
        %parallel_loop3A_451 = arith.index_cast %parallel_loop3A_440 : i32 to index
        %parallel_loop3A_452 = arith.constant 16 : index
        %parallel_loop3A_453 = tpu.vector_load %arg11[%parallel_loop3A_451, %parallel_loop3A_452] {strides = array<i32>} : memref<128x128xf32, #tpu.memory_space<vmem>>, vector<16xf32>,
        %parallel_loop3A_454 = arith.mulf %parallel_loop3A_453, %parallel_loop3A_443 : vector<16xf32>
        %parallel_loop3A_455 = arith.index_cast %parallel_loop3A_440 : i32 to index
        %parallel_loop3A_456 = arith.constant 16 : index
        %parallel_loop3A_457 = tpu.vector_load %arg11[%parallel_loop3A_455, %parallel_loop3A_456] {strides = array<i32>} : memref<128x128xf32, #tpu.memory_space<vmem>>, vector<16xf32>,
        tpu.vector_store %arg11[%parallel_loop3A_455, %parallel_loop3A_456], %parallel_loop3A_454 {strides = array<i32>} : memref<128x128xf32, #tpu.memory_space<vmem>>, vector<16xf32>,
        %parallel_loop3A_458 = arith.index_cast %parallel_loop3A_440 : i32 to index
        %parallel_loop3A_459 = arith.constant 32 : index
        %parallel_loop3A_460 = tpu.vector_load %arg11[%parallel_loop3A_458, %parallel_loop3A_459] {strides = array<i32>} : memref<128x128xf32, #tpu.memory_space<vmem>>, vector<16xf32>,
        %parallel_loop3A_461 = arith.mulf %parallel_loop3A_460, %parallel_loop3A_443 : vector<16xf32>
        %parallel_loop3A_462 = arith.index_cast %parallel_loop3A_440 : i32 to index
        %parallel_loop3A_463 = arith.constant 32 : index
        %parallel_loop3A_464 = tpu.vector_load %arg11[%parallel_loop3A_462, %parallel_loop3A_463] {strides = array<i32>} : memref<128x128xf32, #tpu.memory_space<vmem>>, vector<16xf32>,
        tpu.vector_store %arg11[%parallel_loop3A_462, %parallel_loop3A_463], %parallel_loop3A_461 {strides = array<i32>} : memref<128x128xf32, #tpu.memory_space<vmem>>, vector<16xf32>,
        %parallel_loop3A_465 = arith.index_cast %parallel_loop3A_440 : i32 to index
        %parallel_loop3A_466 = arith.constant 48 : index
        %parallel_loop3A_467 = tpu.vector_load %arg11[%parallel_loop3A_465, %parallel_loop3A_466] {strides = array<i32>} : memref<128x128xf32, #tpu.memory_space<vmem>>, vector<16xf32>,
        %parallel_loop3A_468 = arith.mulf %parallel_loop3A_467, %parallel_loop3A_443 : vector<16xf32>
        %parallel_loop3A_469 = arith.index_cast %parallel_loop3A_440 : i32 to index
        %parallel_loop3A_470 = arith.constant 48 : index
        %parallel_loop3A_471 = tpu.vector_load %arg11[%parallel_loop3A_469, %parallel_loop3A_470] {strides = array<i32>} : memref<128x128xf32, #tpu.memory_space<vmem>>, vector<16xf32>,
        tpu.vector_store %arg11[%parallel_loop3A_469, %parallel_loop3A_470], %parallel_loop3A_468 {strides = array<i32>} : memref<128x128xf32, #tpu.memory_space<vmem>>, vector<16xf32>,
        %parallel_loop3A_472 = arith.index_cast %parallel_loop3A_440 : i32 to index
        %parallel_loop3A_473 = arith.constant 64 : index
        %parallel_loop3A_474 = tpu.vector_load %arg11[%parallel_loop3A_472, %parallel_loop3A_473] {strides = array<i32>} : memref<128x128xf32, #tpu.memory_space<vmem>>, vector<16xf32>,
        %parallel_loop3A_475 = arith.mulf %parallel_loop3A_474, %parallel_loop3A_443 : vector<16xf32>
        %parallel_loop3A_476 = arith.index_cast %parallel_loop3A_440 : i32 to index
        %parallel_loop3A_477 = arith.constant 64 : index
        %parallel_loop3A_478 = tpu.vector_load %arg11[%parallel_loop3A_476, %parallel_loop3A_477] {strides = array<i32>} : memref<128x128xf32, #tpu.memory_space<vmem>>, vector<16xf32>,
        tpu.vector_store %arg11[%parallel_loop3A_476, %parallel_loop3A_477], %parallel_loop3A_475 {strides = array<i32>} : memref<128x128xf32, #tpu.memory_space<vmem>>, vector<16xf32>,
        %parallel_loop3A_479 = arith.index_cast %parallel_loop3A_440 : i32 to index
        %parallel_loop3A_480 = arith.constant 80 : index
        %parallel_loop3A_481 = tpu.vector_load %arg11[%parallel_loop3A_479, %parallel_loop3A_480] {strides = array<i32>} : memref<128x128xf32, #tpu.memory_space<vmem>>, vector<16xf32>,
        %parallel_loop3A_482 = arith.mulf %parallel_loop3A_481, %parallel_loop3A_443 : vector<16xf32>
        %parallel_loop3A_483 = arith.index_cast %parallel_loop3A_440 : i32 to index
        %parallel_loop3A_484 = arith.constant 80 : index
        %parallel_loop3A_485 = tpu.vector_load %arg11[%parallel_loop3A_483, %parallel_loop3A_484] {strides = array<i32>} : memref<128x128xf32, #tpu.memory_space<vmem>>, vector<16xf32>,
        tpu.vector_store %arg11[%parallel_loop3A_483, %parallel_loop3A_484], %parallel_loop3A_482 {strides = array<i32>} : memref<128x128xf32, #tpu.memory_space<vmem>>, vector<16xf32>,
        %parallel_loop3A_486 = arith.index_cast %parallel_loop3A_440 : i32 to index
        %parallel_loop3A_487 = arith.constant 96 : index
        %parallel_loop3A_488 = tpu.vector_load %arg11[%parallel_loop3A_486, %parallel_loop3A_487] {strides = array<i32>} : memref<128x128xf32, #tpu.memory_space<vmem>>, vector<16xf32>,
        %parallel_loop3A_489 = arith.mulf %parallel_loop3A_488, %parallel_loop3A_443 : vector<16xf32>
        %parallel_loop3A_490 = arith.index_cast %parallel_loop3A_440 : i32 to index
        %parallel_loop3A_491 = arith.constant 96 : index
        %parallel_loop3A_492 = tpu.vector_load %arg11[%parallel_loop3A_490, %parallel_loop3A_491] {strides = array<i32>} : memref<128x128xf32, #tpu.memory_space<vmem>>, vector<16xf32>,
        tpu.vector_store %arg11[%parallel_loop3A_490, %parallel_loop3A_491], %parallel_loop3A_489 {strides = array<i32>} : memref<128x128xf32, #tpu.memory_space<vmem>>, vector<16xf32>,
        %parallel_loop3A_493 = arith.index_cast %parallel_loop3A_440 : i32 to index
        %parallel_loop3A_494 = arith.constant 112 : index
        %parallel_loop3A_495 = tpu.vector_load %arg11[%parallel_loop3A_493, %parallel_loop3A_494] {strides = array<i32>} : memref<128x128xf32, #tpu.memory_space<vmem>>, vector<16xf32>,
        %parallel_loop3A_496 = arith.mulf %parallel_loop3A_495, %parallel_loop3A_443 : vector<16xf32>
        %parallel_loop3A_497 = arith.index_cast %parallel_loop3A_440 : i32 to index
        %parallel_loop3A_498 = arith.constant 112 : index
        %parallel_loop3A_499 = tpu.vector_load %arg11[%parallel_loop3A_497, %parallel_loop3A_498] {strides = array<i32>} : memref<128x128xf32, #tpu.memory_space<vmem>>, vector<16xf32>,
        tpu.vector_store %arg11[%parallel_loop3A_497, %parallel_loop3A_498], %parallel_loop3A_496 {strides = array<i32>} : memref<128x128xf32, #tpu.memory_space<vmem>>, vector<16xf32>,
      } {sc.loop_unroll_factor = 2 : i64, sc.parallel_access}
      %dma_start3A_376 = arith.constant 1 : i32
      %dma_start3A_377 = arith.constant 0 : i32
      %dma_start3A_378 = tpu.memref_slice %arg9[%dma_start3A_376, %dma_start3A_377] : memref<3x128xi32, #tpu.memory_space<vmem>> -> memref<1x128xi32, #tpu.memory_space<vmem>>
      %dma_start3A_379 = tpu.memref_squeeze %dma_start3A_378 : memref<1x128xi32, #tpu.memory_space<vmem>> -> memref<128xi32, #tpu.memory_space<vmem>>
      %dma_start3A_380 = arith.constant 0 : i32
      %dma_start3A_381 = arith.constant 0 : i32
      %dma_start3A_382 = tpu.memref_slice %arg12[%dma_start3A_380, %dma_start3A_381] : memref<10240x128xf32, #tpu.memory_space<vmem_shared>> -> memref<10240x128xf32, #tpu.memory_space<vmem_shared>>
      tpu.enqueue_indirect_dma source(%arg11 : memref<128x128xf32, #tpu.memory_space<vmem>>) target(%dma_start3A_382 : memref<10240x128xf32, #tpu.memory_space<vmem_shared>>) offsets(%dma_start3A_379 : memref<128xi32, #tpu.memory_space<vmem>>) semaphore(%arg20 : memref<!tpu.dma_semaphore, #tpu.memory_space<semaphore_mem>>) {add = true}
      %add3A_383 = arith.constant 3 : i32
      %add3A_384 = arith.addi %add3A_212, %add3A_383 : i32
      %dma_wait3A_385 = arith.constant 0 : i32
      %dma_wait3A_386 = arith.constant 0 : i32
      %dma_wait3A_387 = tpu.memref_slice %arg6[%dma_wait3A_385, %dma_wait3A_386] : memref<3x128xi32, #tpu.memory_space<vmem>> -> memref<1x128xi32, #tpu.memory_space<vmem>>
      %dma_wait3A_388 = tpu.memref_squeeze %dma_wait3A_387 : memref<1x128xi32, #tpu.memory_space<vmem>> -> memref<128xi32, #tpu.memory_space<vmem>>
      %dma_wait3A_389 = arith.constant 0 : i32
      %dma_wait3A_390 = arith.constant 0 : i32
      %dma_wait3A_391 = tpu.memref_slice %arg2[%dma_wait3A_389, %dma_wait3A_390] : memref<10240x128xf32, #tpu.memory_space<hbm>> -> memref<10240x128xf32, #tpu.memory_space<hbm>>
      tpu.wait_indirect_dma semaphore(%arg17 : memref<!tpu.dma_semaphore, #tpu.memory_space<semaphore_mem>>) src(%dma_wait3A_391 : memref<10240x128xf32, #tpu.memory_space<hbm>>) dst(%arg10 : memref<128x128xf32, #tpu.memory_space<vmem>>)
      %sub3A_392 = arith.constant 1 : i32
      %sub3A_393 = arith.subi %add3A_384, %sub3A_392 : i32
      %dma_wait3A_394 = arith.constant 1 : i32
      %dma_wait3A_395 = arith.constant 0 : i32
      %dma_wait3A_396 = tpu.memref_slice %arg9[%dma_wait3A_394, %dma_wait3A_395] : memref<3x128xi32, #tpu.memory_space<vmem>> -> memref<1x128xi32, #tpu.memory_space<vmem>>
      %dma_wait3A_397 = tpu.memref_squeeze %dma_wait3A_396 : memref<1x128xi32, #tpu.memory_space<vmem>> -> memref<128xi32, #tpu.memory_space<vmem>>
      %dma_wait3A_398 = arith.constant 0 : i32
      %dma_wait3A_399 = arith.constant 0 : i32
      %dma_wait3A_400 = tpu.memref_slice %arg12[%dma_wait3A_398, %dma_wait3A_399] : memref<10240x128xf32, #tpu.memory_space<vmem_shared>> -> memref<10240x128xf32, #tpu.memory_space<vmem_shared>>
      tpu.wait_indirect_dma semaphore(%arg20 : memref<!tpu.dma_semaphore, #tpu.memory_space<semaphore_mem>>) src(%arg11 : memref<128x128xf32, #tpu.memory_space<vmem>>) dst(%dma_wait3A_400 : memref<10240x128xf32, #tpu.memory_space<vmem_shared>>)
      %add3A_401 = arith.constant 1 : i32
      %add3A_402 = arith.addi %add3A_384, %add3A_401 : i32
      %dma_wait3A_403 = arith.constant 0 : i32
      %dma_wait3A_404 = arith.constant 0 : i32
      %dma_wait3A_405 = tpu.memref_slice %arg3[%add3A, %add3A_402, %dma_wait3A_403, %dma_wait3A_404] : memref<32x80x3x128xi32, #tpu.memory_space<hbm>> -> memref<1x1x3x128xi32, #tpu.memory_space<hbm>>
      %dma_wait3A_406 = tpu.memref_squeeze %dma_wait3A_405 : memref<1x1x3x128xi32, #tpu.memory_space<hbm>> -> memref<3x128xi32, #tpu.memory_space<hbm>>
      %dma_wait3A_407 = arith.constant 0 : i32
      %dma_wait3A_408 = arith.constant 0 : i32
      %dma_wait3A_409 = tpu.memref_slice %arg3[%add3A, %add3A_402, %dma_wait3A_407, %dma_wait3A_408] : memref<32x80x3x128xi32, #tpu.memory_space<hbm>> -> memref<1x1x3x128xi32, #tpu.memory_space<hbm>>
      %dma_wait3A_410 = tpu.memref_squeeze %dma_wait3A_409 : memref<1x1x3x128xi32, #tpu.memory_space<hbm>> -> memref<3x128xi32, #tpu.memory_space<hbm>>
      tpu.wait_dma2 semaphore(%arg14 : memref<!tpu.dma_semaphore, #tpu.memory_space<semaphore_mem>>) src(%dma_wait3A_410 : memref<3x128xi32, #tpu.memory_space<hbm>>) dst(%arg7 : memref<3x128xi32, #tpu.memory_space<vmem>>)
      %add3A_411 = arith.constant 1 : i32
      %add3A_412 = arith.addi %add3A_384, %add3A_411 : i32
      %dma_start3A_413 = arith.constant 0 : i32
      %dma_start3A_414 = arith.constant 0 : i32
      %dma_start3A_415 = tpu.memref_slice %arg7[%dma_start3A_413, %dma_start3A_414] : memref<3x128xi32, #tpu.memory_space<vmem>> -> memref<1x128xi32, #tpu.memory_space<vmem>>
      %dma_start3A_416 = tpu.memref_squeeze %dma_start3A_415 : memref<1x128xi32, #tpu.memory_space<vmem>> -> memref<128xi32, #tpu.memory_space<vmem>>
      %dma_start3A_417 = arith.constant 0 : i32
      %dma_start3A_418 = arith.constant 0 : i32
      %dma_start3A_419 = tpu.memref_slice %arg2[%dma_start3A_417, %dma_start3A_418] : memref<10240x128xf32, #tpu.memory_space<hbm>> -> memref<10240x128xf32, #tpu.memory_space<hbm>>
      tpu.enqueue_indirect_dma source(%dma_start3A_419 : memref<10240x128xf32, #tpu.memory_space<hbm>>) target(%arg11 : memref<128x128xf32, #tpu.memory_space<vmem>>) offsets(%dma_start3A_416 : memref<128xi32, #tpu.memory_space<vmem>>) semaphore(%arg18 : memref<!tpu.dma_semaphore, #tpu.memory_space<semaphore_mem>>)
      %add3A_420 = arith.constant 3 : i32
      %add3A_421 = arith.addi %add3A_384, %add3A_420 : i32
      %dma_start3A_422 = arith.constant 0 : i32
      %dma_start3A_423 = arith.constant 0 : i32
      %dma_start3A_424 = tpu.memref_slice %arg3[%add3A, %add3A_421, %dma_start3A_422, %dma_start3A_423] : memref<32x80x3x128xi32, #tpu.memory_space<hbm>> -> memref<1x1x3x128xi32, #tpu.memory_space<hbm>>
      %dma_start3A_425 = tpu.memref_squeeze %dma_start3A_424 : memref<1x1x3x128xi32, #tpu.memory_space<hbm>> -> memref<3x128xi32, #tpu.memory_space<hbm>>
      %dma_start3A_426 = arith.constant 0 : i32
      %dma_start3A_427 = arith.constant 0 : i32
      %dma_start3A_428 = tpu.memref_slice %arg3[%add3A, %add3A_421, %dma_start3A_426, %dma_start3A_427] : memref<32x80x3x128xi32, #tpu.memory_space<hbm>> -> memref<1x1x3x128xi32, #tpu.memory_space<hbm>>
      %dma_start3A_429 = tpu.memref_squeeze %dma_start3A_428 : memref<1x1x3x128xi32, #tpu.memory_space<hbm>> -> memref<3x128xi32, #tpu.memory_space<hbm>>
      tpu.enqueue_dma source(%dma_start3A_429 : memref<3x128xi32, #tpu.memory_space<hbm>>) target(%arg9 : memref<3x128xi32, #tpu.memory_space<vmem>>) target_semaphore(%arg16 : memref<!tpu.dma_semaphore, #tpu.memory_space<semaphore_mem>>)
      %parallel_loop3A_430 = arith.constant 0 : i32
      %parallel_loop3A_431 = arith.constant 128 : i32
      %parallel_loop3A_432 = arith.constant 1 : i32
      scf.for %parallel_loop3A_440 = %parallel_loop3A_430 to %parallel_loop3A_431 step %parallel_loop3A_432  : i32 {
        %parallel_loop3A_441 = vector.broadcast %parallel_loop3A_440 : i32 to vector<16xi32>
        %parallel_loop3A_442 = tpu.vector_load_idx %arg6[%broadcast_in_dim3A_1, %parallel_loop3A_441] : memref<3x128xi32, #tpu.memory_space<vmem>>[vector<16xi32>, vector<16xi32>], vector<16xi32>,
        %parallel_loop3A_443 = vector.bitcast %parallel_loop3A_442 : vector<16xi32> to vector<16xf32>
        %parallel_loop3A_444 = arith.index_cast %parallel_loop3A_440 : i32 to index
        %parallel_loop3A_445 = arith.constant 0 : index
        %parallel_loop3A_446 = tpu.vector_load %arg10[%parallel_loop3A_444, %parallel_loop3A_445] {strides = array<i32>} : memref<128x128xf32, #tpu.memory_space<vmem>>, vector<16xf32>,
        %parallel_loop3A_447 = arith.mulf %parallel_loop3A_446, %parallel_loop3A_443 : vector<16xf32>
        %parallel_loop3A_448 = arith.index_cast %parallel_loop3A_440 : i32 to index
        %parallel_loop3A_449 = arith.constant 0 : index
        %parallel_loop3A_450 = tpu.vector_load %arg10[%parallel_loop3A_448, %parallel_loop3A_449] {strides = array<i32>} : memref<128x128xf32, #tpu.memory_space<vmem>>, vector<16xf32>,
        tpu.vector_store %arg10[%parallel_loop3A_448, %parallel_loop3A_449], %parallel_loop3A_447 {strides = array<i32>} : memref<128x128xf32, #tpu.memory_space<vmem>>, vector<16xf32>,
        %parallel_loop3A_451 = arith.index_cast %parallel_loop3A_440 : i32 to index
        %parallel_loop3A_452 = arith.constant 16 : index
        %parallel_loop3A_453 = tpu.vector_load %arg10[%parallel_loop3A_451, %parallel_loop3A_452] {strides = array<i32>} : memref<128x128xf32, #tpu.memory_space<vmem>>, vector<16xf32>,
        %parallel_loop3A_454 = arith.mulf %parallel_loop3A_453, %parallel_loop3A_443 : vector<16xf32>
        %parallel_loop3A_455 = arith.index_cast %parallel_loop3A_440 : i32 to index
        %parallel_loop3A_456 = arith.constant 16 : index
        %parallel_loop3A_457 = tpu.vector_load %arg10[%parallel_loop3A_455, %parallel_loop3A_456] {strides = array<i32>} : memref<128x128xf32, #tpu.memory_space<vmem>>, vector<16xf32>,
        tpu.vector_store %arg10[%parallel_loop3A_455, %parallel_loop3A_456], %parallel_loop3A_454 {strides = array<i32>} : memref<128x128xf32, #tpu.memory_space<vmem>>, vector<16xf32>,
        %parallel_loop3A_458 = arith.index_cast %parallel_loop3A_440 : i32 to index
        %parallel_loop3A_459 = arith.constant 32 : index
        %parallel_loop3A_460 = tpu.vector_load %arg10[%parallel_loop3A_458, %parallel_loop3A_459] {strides = array<i32>} : memref<128x128xf32, #tpu.memory_space<vmem>>, vector<16xf32>,
        %parallel_loop3A_461 = arith.mulf %parallel_loop3A_460, %parallel_loop3A_443 : vector<16xf32>
        %parallel_loop3A_462 = arith.index_cast %parallel_loop3A_440 : i32 to index
        %parallel_loop3A_463 = arith.constant 32 : index
        %parallel_loop3A_464 = tpu.vector_load %arg10[%parallel_loop3A_462, %parallel_loop3A_463] {strides = array<i32>} : memref<128x128xf32, #tpu.memory_space<vmem>>, vector<16xf32>,
        tpu.vector_store %arg10[%parallel_loop3A_462, %parallel_loop3A_463], %parallel_loop3A_461 {strides = array<i32>} : memref<128x128xf32, #tpu.memory_space<vmem>>, vector<16xf32>,
        %parallel_loop3A_465 = arith.index_cast %parallel_loop3A_440 : i32 to index
        %parallel_loop3A_466 = arith.constant 48 : index
        %parallel_loop3A_467 = tpu.vector_load %arg10[%parallel_loop3A_465, %parallel_loop3A_466] {strides = array<i32>} : memref<128x128xf32, #tpu.memory_space<vmem>>, vector<16xf32>,
        %parallel_loop3A_468 = arith.mulf %parallel_loop3A_467, %parallel_loop3A_443 : vector<16xf32>
        %parallel_loop3A_469 = arith.index_cast %parallel_loop3A_440 : i32 to index
        %parallel_loop3A_470 = arith.constant 48 : index
        %parallel_loop3A_471 = tpu.vector_load %arg10[%parallel_loop3A_469, %parallel_loop3A_470] {strides = array<i32>} : memref<128x128xf32, #tpu.memory_space<vmem>>, vector<16xf32>,
        tpu.vector_store %arg10[%parallel_loop3A_469, %parallel_loop3A_470], %parallel_loop3A_468 {strides = array<i32>} : memref<128x128xf32, #tpu.memory_space<vmem>>, vector<16xf32>,
        %parallel_loop3A_472 = arith.index_cast %parallel_loop3A_440 : i32 to index
        %parallel_loop3A_473 = arith.constant 64 : index
        %parallel_loop3A_474 = tpu.vector_load %arg10[%parallel_loop3A_472, %parallel_loop3A_473] {strides = array<i32>} : memref<128x128xf32, #tpu.memory_space<vmem>>, vector<16xf32>,
        %parallel_loop3A_475 = arith.mulf %parallel_loop3A_474, %parallel_loop3A_443 : vector<16xf32>
        %parallel_loop3A_476 = arith.index_cast %parallel_loop3A_440 : i32 to index
        %parallel_loop3A_477 = arith.constant 64 : index
        %parallel_loop3A_478 = tpu.vector_load %arg10[%parallel_loop3A_476, %parallel_loop3A_477] {strides = array<i32>} : memref<128x128xf32, #tpu.memory_space<vmem>>, vector<16xf32>,
        tpu.vector_store %arg10[%parallel_loop3A_476, %parallel_loop3A_477], %parallel_loop3A_475 {strides = array<i32>} : memref<128x128xf32, #tpu.memory_space<vmem>>, vector<16xf32>,
        %parallel_loop3A_479 = arith.index_cast %parallel_loop3A_440 : i32 to index
        %parallel_loop3A_480 = arith.constant 80 : index
        %parallel_loop3A_481 = tpu.vector_load %arg10[%parallel_loop3A_479, %parallel_loop3A_480] {strides = array<i32>} : memref<128x128xf32, #tpu.memory_space<vmem>>, vector<16xf32>,
        %parallel_loop3A_482 = arith.mulf %parallel_loop3A_481, %parallel_loop3A_443 : vector<16xf32>
        %parallel_loop3A_483 = arith.index_cast %parallel_loop3A_440 : i32 to index
        %parallel_loop3A_484 = arith.constant 80 : index
        %parallel_loop3A_485 = tpu.vector_load %arg10[%parallel_loop3A_483, %parallel_loop3A_484] {strides = array<i32>} : memref<128x128xf32, #tpu.memory_space<vmem>>, vector<16xf32>,
        tpu.vector_store %arg10[%parallel_loop3A_483, %parallel_loop3A_484], %parallel_loop3A_482 {strides = array<i32>} : memref<128x128xf32, #tpu.memory_space<vmem>>, vector<16xf32>,
        %parallel_loop3A_486 = arith.index_cast %parallel_loop3A_440 : i32 to index
        %parallel_loop3A_487 = arith.constant 96 : index
        %parallel_loop3A_488 = tpu.vector_load %arg10[%parallel_loop3A_486, %parallel_loop3A_487] {strides = array<i32>} : memref<128x128xf32, #tpu.memory_space<vmem>>, vector<16xf32>,
        %parallel_loop3A_489 = arith.mulf %parallel_loop3A_488, %parallel_loop3A_443 : vector<16xf32>
        %parallel_loop3A_490 = arith.index_cast %parallel_loop3A_440 : i32 to index
        %parallel_loop3A_491 = arith.constant 96 : index
        %parallel_loop3A_492 = tpu.vector_load %arg10[%parallel_loop3A_490, %parallel_loop3A_491] {strides = array<i32>} : memref<128x128xf32, #tpu.memory_space<vmem>>, vector<16xf32>,
        tpu.vector_store %arg10[%parallel_loop3A_490, %parallel_loop3A_491], %parallel_loop3A_489 {strides = array<i32>} : memref<128x128xf32, #tpu.memory_space<vmem>>, vector<16xf32>,
        %parallel_loop3A_493 = arith.index_cast %parallel_loop3A_440 : i32 to index
        %parallel_loop3A_494 = arith.constant 112 : index
        %parallel_loop3A_495 = tpu.vector_load %arg10[%parallel_loop3A_493, %parallel_loop3A_494] {strides = array<i32>} : memref<128x128xf32, #tpu.memory_space<vmem>>, vector<16xf32>,
        %parallel_loop3A_496 = arith.mulf %parallel_loop3A_495, %parallel_loop3A_443 : vector<16xf32>
        %parallel_loop3A_497 = arith.index_cast %parallel_loop3A_440 : i32 to index
        %parallel_loop3A_498 = arith.constant 112 : index
        %parallel_loop3A_499 = tpu.vector_load %arg10[%parallel_loop3A_497, %parallel_loop3A_498] {strides = array<i32>} : memref<128x128xf32, #tpu.memory_space<vmem>>, vector<16xf32>,
        tpu.vector_store %arg10[%parallel_loop3A_497, %parallel_loop3A_498], %parallel_loop3A_496 {strides = array<i32>} : memref<128x128xf32, #tpu.memory_space<vmem>>, vector<16xf32>,
      } {sc.loop_unroll_factor = 2 : i64, sc.parallel_access}
      %dma_start3A_433 = arith.constant 1 : i32
      %dma_start3A_434 = arith.constant 0 : i32
      %dma_start3A_435 = tpu.memref_slice %arg6[%dma_start3A_433, %dma_start3A_434] : memref<3x128xi32, #tpu.memory_space<vmem>> -> memref<1x128xi32, #tpu.memory_space<vmem>>
      %dma_start3A_436 = tpu.memref_squeeze %dma_start3A_435 : memref<1x128xi32, #tpu.memory_space<vmem>> -> memref<128xi32, #tpu.memory_space<vmem>>
      %dma_start3A_437 = arith.constant 0 : i32
      %dma_start3A_438 = arith.constant 0 : i32
      %dma_start3A_439 = tpu.memref_slice %arg12[%dma_start3A_437, %dma_start3A_438] : memref<10240x128xf32, #tpu.memory_space<vmem_shared>> -> memref<10240x128xf32, #tpu.memory_space<vmem_shared>>
      tpu.enqueue_indirect_dma source(%arg10 : memref<128x128xf32, #tpu.memory_space<vmem>>) target(%dma_start3A_439 : memref<10240x128xf32, #tpu.memory_space<vmem_shared>>) offsets(%dma_start3A_436 : memref<128xi32, #tpu.memory_space<vmem>>) semaphore(%arg19 : memref<!tpu.dma_semaphore, #tpu.memory_space<semaphore_mem>>) {add = true}
    }
    %scan3A_91 = arith.constant 19 : i32
    %dma_wait3A_92 = arith.constant 0 : i32
    %dma_wait3A_93 = arith.constant 0 : i32
    %dma_wait3A_94 = tpu.memref_slice %arg7[%dma_wait3A_92, %dma_wait3A_93] : memref<3x128xi32, #tpu.memory_space<vmem>> -> memref<1x128xi32, #tpu.memory_space<vmem>>
    %dma_wait3A_95 = tpu.memref_squeeze %dma_wait3A_94 : memref<1x128xi32, #tpu.memory_space<vmem>> -> memref<128xi32, #tpu.memory_space<vmem>>
    %dma_wait3A_96 = arith.constant 0 : i32
    %dma_wait3A_97 = arith.constant 0 : i32
    %dma_wait3A_98 = tpu.memref_slice %arg2[%dma_wait3A_96, %dma_wait3A_97] : memref<10240x128xf32, #tpu.memory_space<hbm>> -> memref<10240x128xf32, #tpu.memory_space<hbm>>
    tpu.wait_indirect_dma semaphore(%arg18 : memref<!tpu.dma_semaphore, #tpu.memory_space<semaphore_mem>>) src(%dma_wait3A_98 : memref<10240x128xf32, #tpu.memory_space<hbm>>) dst(%arg11 : memref<128x128xf32, #tpu.memory_space<vmem>>)
    %dma_wait3A_99 = arith.constant 1 : i32
    %dma_wait3A_100 = arith.constant 0 : i32
    %dma_wait3A_101 = tpu.memref_slice %arg6[%dma_wait3A_99, %dma_wait3A_100] : memref<3x128xi32, #tpu.memory_space<vmem>> -> memref<1x128xi32, #tpu.memory_space<vmem>>
    %dma_wait3A_102 = tpu.memref_squeeze %dma_wait3A_101 : memref<1x128xi32, #tpu.memory_space<vmem>> -> memref<128xi32, #tpu.memory_space<vmem>>
    %dma_wait3A_103 = arith.constant 0 : i32
    %dma_wait3A_104 = arith.constant 0 : i32
    %dma_wait3A_105 = tpu.memref_slice %arg12[%dma_wait3A_103, %dma_wait3A_104] : memref<10240x128xf32, #tpu.memory_space<vmem_shared>> -> memref<10240x128xf32, #tpu.memory_space<vmem_shared>>
    tpu.wait_indirect_dma semaphore(%arg19 : memref<!tpu.dma_semaphore, #tpu.memory_space<semaphore_mem>>) src(%arg10 : memref<128x128xf32, #tpu.memory_space<vmem>>) dst(%dma_wait3A_105 : memref<10240x128xf32, #tpu.memory_space<vmem_shared>>)
    %dma_wait3A_106 = arith.constant 78 : i32
    %dma_wait3A_107 = arith.constant 0 : i32
    %dma_wait3A_108 = arith.constant 0 : i32
    %dma_wait3A_109 = tpu.memref_slice %arg3[%add3A, %dma_wait3A_106, %dma_wait3A_107, %dma_wait3A_108] : memref<32x80x3x128xi32, #tpu.memory_space<hbm>> -> memref<1x1x3x128xi32, #tpu.memory_space<hbm>>
    %dma_wait3A_110 = tpu.memref_squeeze %dma_wait3A_109 : memref<1x1x3x128xi32, #tpu.memory_space<hbm>> -> memref<3x128xi32, #tpu.memory_space<hbm>>
    %dma_wait3A_111 = arith.constant 0 : i32
    %dma_wait3A_112 = arith.constant 0 : i32
    %dma_wait3A_113 = tpu.memref_slice %arg3[%add3A, %dma_wait3A_106, %dma_wait3A_111, %dma_wait3A_112] : memref<32x80x3x128xi32, #tpu.memory_space<hbm>> -> memref<1x1x3x128xi32, #tpu.memory_space<hbm>>
    %dma_wait3A_114 = tpu.memref_squeeze %dma_wait3A_113 : memref<1x1x3x128xi32, #tpu.memory_space<hbm>> -> memref<3x128xi32, #tpu.memory_space<hbm>>
    tpu.wait_dma2 semaphore(%arg15 : memref<!tpu.dma_semaphore, #tpu.memory_space<semaphore_mem>>) src(%dma_wait3A_114 : memref<3x128xi32, #tpu.memory_space<hbm>>) dst(%arg8 : memref<3x128xi32, #tpu.memory_space<vmem>>)
    %dma_start3A_115 = arith.constant 0 : i32
    %dma_start3A_116 = arith.constant 0 : i32
    %dma_start3A_117 = tpu.memref_slice %arg8[%dma_start3A_115, %dma_start3A_116] : memref<3x128xi32, #tpu.memory_space<vmem>> -> memref<1x128xi32, #tpu.memory_space<vmem>>
    %dma_start3A_118 = tpu.memref_squeeze %dma_start3A_117 : memref<1x128xi32, #tpu.memory_space<vmem>> -> memref<128xi32, #tpu.memory_space<vmem>>
    %dma_start3A_119 = arith.constant 0 : i32
    %dma_start3A_120 = arith.constant 0 : i32
    %dma_start3A_121 = tpu.memref_slice %arg2[%dma_start3A_119, %dma_start3A_120] : memref<10240x128xf32, #tpu.memory_space<hbm>> -> memref<10240x128xf32, #tpu.memory_space<hbm>>
    tpu.enqueue_indirect_dma source(%dma_start3A_121 : memref<10240x128xf32, #tpu.memory_space<hbm>>) target(%arg10 : memref<128x128xf32, #tpu.memory_space<vmem>>) offsets(%dma_start3A_118 : memref<128xi32, #tpu.memory_space<vmem>>) semaphore(%arg17 : memref<!tpu.dma_semaphore, #tpu.memory_space<semaphore_mem>>)
    %parallel_loop3A_122 = arith.constant 0 : i32
    %parallel_loop3A_123 = arith.constant 128 : i32
    %parallel_loop3A_124 = arith.constant 1 : i32
    scf.for %parallel_loop3A_208 = %parallel_loop3A_122 to %parallel_loop3A_123 step %parallel_loop3A_124  : i32 {
      %parallel_loop3A_209 = vector.broadcast %parallel_loop3A_208 : i32 to vector<16xi32>
      %parallel_loop3A_210 = tpu.vector_load_idx %arg7[%broadcast_in_dim3A_1, %parallel_loop3A_209] : memref<3x128xi32, #tpu.memory_space<vmem>>[vector<16xi32>, vector<16xi32>], vector<16xi32>,
      %parallel_loop3A_211 = vector.bitcast %parallel_loop3A_210 : vector<16xi32> to vector<16xf32>
      %parallel_loop3A_212 = arith.index_cast %parallel_loop3A_208 : i32 to index
      %parallel_loop3A_213 = arith.constant 0 : index
      %parallel_loop3A_214 = tpu.vector_load %arg11[%parallel_loop3A_212, %parallel_loop3A_213] {strides = array<i32>} : memref<128x128xf32, #tpu.memory_space<vmem>>, vector<16xf32>,
      %parallel_loop3A_215 = arith.mulf %parallel_loop3A_214, %parallel_loop3A_211 : vector<16xf32>
      %parallel_loop3A_216 = arith.index_cast %parallel_loop3A_208 : i32 to index
      %parallel_loop3A_217 = arith.constant 0 : index
      %parallel_loop3A_218 = tpu.vector_load %arg11[%parallel_loop3A_216, %parallel_loop3A_217] {strides = array<i32>} : memref<128x128xf32, #tpu.memory_space<vmem>>, vector<16xf32>,
      tpu.vector_store %arg11[%parallel_loop3A_216, %parallel_loop3A_217], %parallel_loop3A_215 {strides = array<i32>} : memref<128x128xf32, #tpu.memory_space<vmem>>, vector<16xf32>,
      %parallel_loop3A_219 = arith.index_cast %parallel_loop3A_208 : i32 to index
      %parallel_loop3A_220 = arith.constant 16 : index
      %parallel_loop3A_221 = tpu.vector_load %arg11[%parallel_loop3A_219, %parallel_loop3A_220] {strides = array<i32>} : memref<128x128xf32, #tpu.memory_space<vmem>>, vector<16xf32>,
      %parallel_loop3A_222 = arith.mulf %parallel_loop3A_221, %parallel_loop3A_211 : vector<16xf32>
      %parallel_loop3A_223 = arith.index_cast %parallel_loop3A_208 : i32 to index
      %parallel_loop3A_224 = arith.constant 16 : index
      %parallel_loop3A_225 = tpu.vector_load %arg11[%parallel_loop3A_223, %parallel_loop3A_224] {strides = array<i32>} : memref<128x128xf32, #tpu.memory_space<vmem>>, vector<16xf32>,
      tpu.vector_store %arg11[%parallel_loop3A_223, %parallel_loop3A_224], %parallel_loop3A_222 {strides = array<i32>} : memref<128x128xf32, #tpu.memory_space<vmem>>, vector<16xf32>,
      %parallel_loop3A_226 = arith.index_cast %parallel_loop3A_208 : i32 to index
      %parallel_loop3A_227 = arith.constant 32 : index
      %parallel_loop3A_228 = tpu.vector_load %arg11[%parallel_loop3A_226, %parallel_loop3A_227] {strides = array<i32>} : memref<128x128xf32, #tpu.memory_space<vmem>>, vector<16xf32>,
      %parallel_loop3A_229 = arith.mulf %parallel_loop3A_228, %parallel_loop3A_211 : vector<16xf32>
      %parallel_loop3A_230 = arith.index_cast %parallel_loop3A_208 : i32 to index
      %parallel_loop3A_231 = arith.constant 32 : index
      %parallel_loop3A_232 = tpu.vector_load %arg11[%parallel_loop3A_230, %parallel_loop3A_231] {strides = array<i32>} : memref<128x128xf32, #tpu.memory_space<vmem>>, vector<16xf32>,
      tpu.vector_store %arg11[%parallel_loop3A_230, %parallel_loop3A_231], %parallel_loop3A_229 {strides = array<i32>} : memref<128x128xf32, #tpu.memory_space<vmem>>, vector<16xf32>,
      %parallel_loop3A_233 = arith.index_cast %parallel_loop3A_208 : i32 to index
      %parallel_loop3A_234 = arith.constant 48 : index
      %parallel_loop3A_235 = tpu.vector_load %arg11[%parallel_loop3A_233, %parallel_loop3A_234] {strides = array<i32>} : memref<128x128xf32, #tpu.memory_space<vmem>>, vector<16xf32>,
      %parallel_loop3A_236 = arith.mulf %parallel_loop3A_235, %parallel_loop3A_211 : vector<16xf32>
      %parallel_loop3A_237 = arith.index_cast %parallel_loop3A_208 : i32 to index
      %parallel_loop3A_238 = arith.constant 48 : index
      %parallel_loop3A_239 = tpu.vector_load %arg11[%parallel_loop3A_237, %parallel_loop3A_238] {strides = array<i32>} : memref<128x128xf32, #tpu.memory_space<vmem>>, vector<16xf32>,
      tpu.vector_store %arg11[%parallel_loop3A_237, %parallel_loop3A_238], %parallel_loop3A_236 {strides = array<i32>} : memref<128x128xf32, #tpu.memory_space<vmem>>, vector<16xf32>,
      %parallel_loop3A_240 = arith.index_cast %parallel_loop3A_208 : i32 to index
      %parallel_loop3A_241 = arith.constant 64 : index
      %parallel_loop3A_242 = tpu.vector_load %arg11[%parallel_loop3A_240, %parallel_loop3A_241] {strides = array<i32>} : memref<128x128xf32, #tpu.memory_space<vmem>>, vector<16xf32>,
      %parallel_loop3A_243 = arith.mulf %parallel_loop3A_242, %parallel_loop3A_211 : vector<16xf32>
      %parallel_loop3A_244 = arith.index_cast %parallel_loop3A_208 : i32 to index
      %parallel_loop3A_245 = arith.constant 64 : index
      %parallel_loop3A_246 = tpu.vector_load %arg11[%parallel_loop3A_244, %parallel_loop3A_245] {strides = array<i32>} : memref<128x128xf32, #tpu.memory_space<vmem>>, vector<16xf32>,
      tpu.vector_store %arg11[%parallel_loop3A_244, %parallel_loop3A_245], %parallel_loop3A_243 {strides = array<i32>} : memref<128x128xf32, #tpu.memory_space<vmem>>, vector<16xf32>,
      %parallel_loop3A_247 = arith.index_cast %parallel_loop3A_208 : i32 to index
      %parallel_loop3A_248 = arith.constant 80 : index
      %parallel_loop3A_249 = tpu.vector_load %arg11[%parallel_loop3A_247, %parallel_loop3A_248] {strides = array<i32>} : memref<128x128xf32, #tpu.memory_space<vmem>>, vector<16xf32>,
      %parallel_loop3A_250 = arith.mulf %parallel_loop3A_249, %parallel_loop3A_211 : vector<16xf32>
      %parallel_loop3A_251 = arith.index_cast %parallel_loop3A_208 : i32 to index
      %parallel_loop3A_252 = arith.constant 80 : index
      %parallel_loop3A_253 = tpu.vector_load %arg11[%parallel_loop3A_251, %parallel_loop3A_252] {strides = array<i32>} : memref<128x128xf32, #tpu.memory_space<vmem>>, vector<16xf32>,
      tpu.vector_store %arg11[%parallel_loop3A_251, %parallel_loop3A_252], %parallel_loop3A_250 {strides = array<i32>} : memref<128x128xf32, #tpu.memory_space<vmem>>, vector<16xf32>,
      %parallel_loop3A_254 = arith.index_cast %parallel_loop3A_208 : i32 to index
      %parallel_loop3A_255 = arith.constant 96 : index
      %parallel_loop3A_256 = tpu.vector_load %arg11[%parallel_loop3A_254, %parallel_loop3A_255] {strides = array<i32>} : memref<128x128xf32, #tpu.memory_space<vmem>>, vector<16xf32>,
      %parallel_loop3A_257 = arith.mulf %parallel_loop3A_256, %parallel_loop3A_211 : vector<16xf32>
      %parallel_loop3A_258 = arith.index_cast %parallel_loop3A_208 : i32 to index
      %parallel_loop3A_259 = arith.constant 96 : index
      %parallel_loop3A_260 = tpu.vector_load %arg11[%parallel_loop3A_258, %parallel_loop3A_259] {strides = array<i32>} : memref<128x128xf32, #tpu.memory_space<vmem>>, vector<16xf32>,
      tpu.vector_store %arg11[%parallel_loop3A_258, %parallel_loop3A_259], %parallel_loop3A_257 {strides = array<i32>} : memref<128x128xf32, #tpu.memory_space<vmem>>, vector<16xf32>,
      %parallel_loop3A_261 = arith.index_cast %parallel_loop3A_208 : i32 to index
      %parallel_loop3A_262 = arith.constant 112 : index
      %parallel_loop3A_263 = tpu.vector_load %arg11[%parallel_loop3A_261, %parallel_loop3A_262] {strides = array<i32>} : memref<128x128xf32, #tpu.memory_space<vmem>>, vector<16xf32>,
      %parallel_loop3A_264 = arith.mulf %parallel_loop3A_263, %parallel_loop3A_211 : vector<16xf32>
      %parallel_loop3A_265 = arith.index_cast %parallel_loop3A_208 : i32 to index
      %parallel_loop3A_266 = arith.constant 112 : index
      %parallel_loop3A_267 = tpu.vector_load %arg11[%parallel_loop3A_265, %parallel_loop3A_266] {strides = array<i32>} : memref<128x128xf32, #tpu.memory_space<vmem>>, vector<16xf32>,
      tpu.vector_store %arg11[%parallel_loop3A_265, %parallel_loop3A_266], %parallel_loop3A_264 {strides = array<i32>} : memref<128x128xf32, #tpu.memory_space<vmem>>, vector<16xf32>,
    } {sc.loop_unroll_factor = 2 : i64, sc.parallel_access}
    %dma_start3A_125 = arith.constant 1 : i32
    %dma_start3A_126 = arith.constant 0 : i32
    %dma_start3A_127 = tpu.memref_slice %arg7[%dma_start3A_125, %dma_start3A_126] : memref<3x128xi32, #tpu.memory_space<vmem>> -> memref<1x128xi32, #tpu.memory_space<vmem>>
    %dma_start3A_128 = tpu.memref_squeeze %dma_start3A_127 : memref<1x128xi32, #tpu.memory_space<vmem>> -> memref<128xi32, #tpu.memory_space<vmem>>
    %dma_start3A_129 = arith.constant 0 : i32
    %dma_start3A_130 = arith.constant 0 : i32
    %dma_start3A_131 = tpu.memref_slice %arg12[%dma_start3A_129, %dma_start3A_130] : memref<10240x128xf32, #tpu.memory_space<vmem_shared>> -> memref<10240x128xf32, #tpu.memory_space<vmem_shared>>
    tpu.enqueue_indirect_dma source(%arg11 : memref<128x128xf32, #tpu.memory_space<vmem>>) target(%dma_start3A_131 : memref<10240x128xf32, #tpu.memory_space<vmem_shared>>) offsets(%dma_start3A_128 : memref<128xi32, #tpu.memory_space<vmem>>) semaphore(%arg20 : memref<!tpu.dma_semaphore, #tpu.memory_space<semaphore_mem>>) {add = true}
    %dma_wait3A_132 = arith.constant 0 : i32
    %dma_wait3A_133 = arith.constant 0 : i32
    %dma_wait3A_134 = tpu.memref_slice %arg8[%dma_wait3A_132, %dma_wait3A_133] : memref<3x128xi32, #tpu.memory_space<vmem>> -> memref<1x128xi32, #tpu.memory_space<vmem>>
    %dma_wait3A_135 = tpu.memref_squeeze %dma_wait3A_134 : memref<1x128xi32, #tpu.memory_space<vmem>> -> memref<128xi32, #tpu.memory_space<vmem>>
    %dma_wait3A_136 = arith.constant 0 : i32
    %dma_wait3A_137 = arith.constant 0 : i32
    %dma_wait3A_138 = tpu.memref_slice %arg2[%dma_wait3A_136, %dma_wait3A_137] : memref<10240x128xf32, #tpu.memory_space<hbm>> -> memref<10240x128xf32, #tpu.memory_space<hbm>>
    tpu.wait_indirect_dma semaphore(%arg17 : memref<!tpu.dma_semaphore, #tpu.memory_space<semaphore_mem>>) src(%dma_wait3A_138 : memref<10240x128xf32, #tpu.memory_space<hbm>>) dst(%arg10 : memref<128x128xf32, #tpu.memory_space<vmem>>)
    %dma_wait3A_139 = arith.constant 1 : i32
    %dma_wait3A_140 = arith.constant 0 : i32
    %dma_wait3A_141 = tpu.memref_slice %arg7[%dma_wait3A_139, %dma_wait3A_140] : memref<3x128xi32, #tpu.memory_space<vmem>> -> memref<1x128xi32, #tpu.memory_space<vmem>>
    %dma_wait3A_142 = tpu.memref_squeeze %dma_wait3A_141 : memref<1x128xi32, #tpu.memory_space<vmem>> -> memref<128xi32, #tpu.memory_space<vmem>>
    %dma_wait3A_143 = arith.constant 0 : i32
    %dma_wait3A_144 = arith.constant 0 : i32
    %dma_wait3A_145 = tpu.memref_slice %arg12[%dma_wait3A_143, %dma_wait3A_144] : memref<10240x128xf32, #tpu.memory_space<vmem_shared>> -> memref<10240x128xf32, #tpu.memory_space<vmem_shared>>
    tpu.wait_indirect_dma semaphore(%arg20 : memref<!tpu.dma_semaphore, #tpu.memory_space<semaphore_mem>>) src(%arg11 : memref<128x128xf32, #tpu.memory_space<vmem>>) dst(%dma_wait3A_145 : memref<10240x128xf32, #tpu.memory_space<vmem_shared>>)
    %dma_wait3A_146 = arith.constant 79 : i32
    %dma_wait3A_147 = arith.constant 0 : i32
    %dma_wait3A_148 = arith.constant 0 : i32
    %dma_wait3A_149 = tpu.memref_slice %arg3[%add3A, %dma_wait3A_146, %dma_wait3A_147, %dma_wait3A_148] : memref<32x80x3x128xi32, #tpu.memory_space<hbm>> -> memref<1x1x3x128xi32, #tpu.memory_space<hbm>>
    %dma_wait3A_150 = tpu.memref_squeeze %dma_wait3A_149 : memref<1x1x3x128xi32, #tpu.memory_space<hbm>> -> memref<3x128xi32, #tpu.memory_space<hbm>>
    %dma_wait3A_151 = arith.constant 0 : i32
    %dma_wait3A_152 = arith.constant 0 : i32
    %dma_wait3A_153 = tpu.memref_slice %arg3[%add3A, %dma_wait3A_146, %dma_wait3A_151, %dma_wait3A_152] : memref<32x80x3x128xi32, #tpu.memory_space<hbm>> -> memref<1x1x3x128xi32, #tpu.memory_space<hbm>>
    %dma_wait3A_154 = tpu.memref_squeeze %dma_wait3A_153 : memref<1x1x3x128xi32, #tpu.memory_space<hbm>> -> memref<3x128xi32, #tpu.memory_space<hbm>>
    tpu.wait_dma2 semaphore(%arg16 : memref<!tpu.dma_semaphore, #tpu.memory_space<semaphore_mem>>) src(%dma_wait3A_154 : memref<3x128xi32, #tpu.memory_space<hbm>>) dst(%arg9 : memref<3x128xi32, #tpu.memory_space<vmem>>)
    %dma_start3A_155 = arith.constant 0 : i32
    %dma_start3A_156 = arith.constant 0 : i32
    %dma_start3A_157 = tpu.memref_slice %arg9[%dma_start3A_155, %dma_start3A_156] : memref<3x128xi32, #tpu.memory_space<vmem>> -> memref<1x128xi32, #tpu.memory_space<vmem>>
    %dma_start3A_158 = tpu.memref_squeeze %dma_start3A_157 : memref<1x128xi32, #tpu.memory_space<vmem>> -> memref<128xi32, #tpu.memory_space<vmem>>
    %dma_start3A_159 = arith.constant 0 : i32
    %dma_start3A_160 = arith.constant 0 : i32
    %dma_start3A_161 = tpu.memref_slice %arg2[%dma_start3A_159, %dma_start3A_160] : memref<10240x128xf32, #tpu.memory_space<hbm>> -> memref<10240x128xf32, #tpu.memory_space<hbm>>
    tpu.enqueue_indirect_dma source(%dma_start3A_161 : memref<10240x128xf32, #tpu.memory_space<hbm>>) target(%arg11 : memref<128x128xf32, #tpu.memory_space<vmem>>) offsets(%dma_start3A_158 : memref<128xi32, #tpu.memory_space<vmem>>) semaphore(%arg18 : memref<!tpu.dma_semaphore, #tpu.memory_space<semaphore_mem>>)
    %parallel_loop3A_162 = arith.constant 0 : i32
    %parallel_loop3A_163 = arith.constant 128 : i32
    %parallel_loop3A_164 = arith.constant 1 : i32
    scf.for %parallel_loop3A_208 = %parallel_loop3A_162 to %parallel_loop3A_163 step %parallel_loop3A_164  : i32 {
      %parallel_loop3A_209 = vector.broadcast %parallel_loop3A_208 : i32 to vector<16xi32>
      %parallel_loop3A_210 = tpu.vector_load_idx %arg8[%broadcast_in_dim3A_1, %parallel_loop3A_209] : memref<3x128xi32, #tpu.memory_space<vmem>>[vector<16xi32>, vector<16xi32>], vector<16xi32>,
      %parallel_loop3A_211 = vector.bitcast %parallel_loop3A_210 : vector<16xi32> to vector<16xf32>
      %parallel_loop3A_212 = arith.index_cast %parallel_loop3A_208 : i32 to index
      %parallel_loop3A_213 = arith.constant 0 : index
      %parallel_loop3A_214 = tpu.vector_load %arg10[%parallel_loop3A_212, %parallel_loop3A_213] {strides = array<i32>} : memref<128x128xf32, #tpu.memory_space<vmem>>, vector<16xf32>,
      %parallel_loop3A_215 = arith.mulf %parallel_loop3A_214, %parallel_loop3A_211 : vector<16xf32>
      %parallel_loop3A_216 = arith.index_cast %parallel_loop3A_208 : i32 to index
      %parallel_loop3A_217 = arith.constant 0 : index
      %parallel_loop3A_218 = tpu.vector_load %arg10[%parallel_loop3A_216, %parallel_loop3A_217] {strides = array<i32>} : memref<128x128xf32, #tpu.memory_space<vmem>>, vector<16xf32>,
      tpu.vector_store %arg10[%parallel_loop3A_216, %parallel_loop3A_217], %parallel_loop3A_215 {strides = array<i32>} : memref<128x128xf32, #tpu.memory_space<vmem>>, vector<16xf32>,
      %parallel_loop3A_219 = arith.index_cast %parallel_loop3A_208 : i32 to index
      %parallel_loop3A_220 = arith.constant 16 : index
      %parallel_loop3A_221 = tpu.vector_load %arg10[%parallel_loop3A_219, %parallel_loop3A_220] {strides = array<i32>} : memref<128x128xf32, #tpu.memory_space<vmem>>, vector<16xf32>,
      %parallel_loop3A_222 = arith.mulf %parallel_loop3A_221, %parallel_loop3A_211 : vector<16xf32>
      %parallel_loop3A_223 = arith.index_cast %parallel_loop3A_208 : i32 to index
      %parallel_loop3A_224 = arith.constant 16 : index
      %parallel_loop3A_225 = tpu.vector_load %arg10[%parallel_loop3A_223, %parallel_loop3A_224] {strides = array<i32>} : memref<128x128xf32, #tpu.memory_space<vmem>>, vector<16xf32>,
      tpu.vector_store %arg10[%parallel_loop3A_223, %parallel_loop3A_224], %parallel_loop3A_222 {strides = array<i32>} : memref<128x128xf32, #tpu.memory_space<vmem>>, vector<16xf32>,
      %parallel_loop3A_226 = arith.index_cast %parallel_loop3A_208 : i32 to index
      %parallel_loop3A_227 = arith.constant 32 : index
      %parallel_loop3A_228 = tpu.vector_load %arg10[%parallel_loop3A_226, %parallel_loop3A_227] {strides = array<i32>} : memref<128x128xf32, #tpu.memory_space<vmem>>, vector<16xf32>,
      %parallel_loop3A_229 = arith.mulf %parallel_loop3A_228, %parallel_loop3A_211 : vector<16xf32>
      %parallel_loop3A_230 = arith.index_cast %parallel_loop3A_208 : i32 to index
      %parallel_loop3A_231 = arith.constant 32 : index
      %parallel_loop3A_232 = tpu.vector_load %arg10[%parallel_loop3A_230, %parallel_loop3A_231] {strides = array<i32>} : memref<128x128xf32, #tpu.memory_space<vmem>>, vector<16xf32>,
      tpu.vector_store %arg10[%parallel_loop3A_230, %parallel_loop3A_231], %parallel_loop3A_229 {strides = array<i32>} : memref<128x128xf32, #tpu.memory_space<vmem>>, vector<16xf32>,
      %parallel_loop3A_233 = arith.index_cast %parallel_loop3A_208 : i32 to index
      %parallel_loop3A_234 = arith.constant 48 : index
      %parallel_loop3A_235 = tpu.vector_load %arg10[%parallel_loop3A_233, %parallel_loop3A_234] {strides = array<i32>} : memref<128x128xf32, #tpu.memory_space<vmem>>, vector<16xf32>,
      %parallel_loop3A_236 = arith.mulf %parallel_loop3A_235, %parallel_loop3A_211 : vector<16xf32>
      %parallel_loop3A_237 = arith.index_cast %parallel_loop3A_208 : i32 to index
      %parallel_loop3A_238 = arith.constant 48 : index
      %parallel_loop3A_239 = tpu.vector_load %arg10[%parallel_loop3A_237, %parallel_loop3A_238] {strides = array<i32>} : memref<128x128xf32, #tpu.memory_space<vmem>>, vector<16xf32>,
      tpu.vector_store %arg10[%parallel_loop3A_237, %parallel_loop3A_238], %parallel_loop3A_236 {strides = array<i32>} : memref<128x128xf32, #tpu.memory_space<vmem>>, vector<16xf32>,
      %parallel_loop3A_240 = arith.index_cast %parallel_loop3A_208 : i32 to index
      %parallel_loop3A_241 = arith.constant 64 : index
      %parallel_loop3A_242 = tpu.vector_load %arg10[%parallel_loop3A_240, %parallel_loop3A_241] {strides = array<i32>} : memref<128x128xf32, #tpu.memory_space<vmem>>, vector<16xf32>,
      %parallel_loop3A_243 = arith.mulf %parallel_loop3A_242, %parallel_loop3A_211 : vector<16xf32>
      %parallel_loop3A_244 = arith.index_cast %parallel_loop3A_208 : i32 to index
      %parallel_loop3A_245 = arith.constant 64 : index
      %parallel_loop3A_246 = tpu.vector_load %arg10[%parallel_loop3A_244, %parallel_loop3A_245] {strides = array<i32>} : memref<128x128xf32, #tpu.memory_space<vmem>>, vector<16xf32>,
      tpu.vector_store %arg10[%parallel_loop3A_244, %parallel_loop3A_245], %parallel_loop3A_243 {strides = array<i32>} : memref<128x128xf32, #tpu.memory_space<vmem>>, vector<16xf32>,
      %parallel_loop3A_247 = arith.index_cast %parallel_loop3A_208 : i32 to index
      %parallel_loop3A_248 = arith.constant 80 : index
      %parallel_loop3A_249 = tpu.vector_load %arg10[%parallel_loop3A_247, %parallel_loop3A_248] {strides = array<i32>} : memref<128x128xf32, #tpu.memory_space<vmem>>, vector<16xf32>,
      %parallel_loop3A_250 = arith.mulf %parallel_loop3A_249, %parallel_loop3A_211 : vector<16xf32>
      %parallel_loop3A_251 = arith.index_cast %parallel_loop3A_208 : i32 to index
      %parallel_loop3A_252 = arith.constant 80 : index
      %parallel_loop3A_253 = tpu.vector_load %arg10[%parallel_loop3A_251, %parallel_loop3A_252] {strides = array<i32>} : memref<128x128xf32, #tpu.memory_space<vmem>>, vector<16xf32>,
      tpu.vector_store %arg10[%parallel_loop3A_251, %parallel_loop3A_252], %parallel_loop3A_250 {strides = array<i32>} : memref<128x128xf32, #tpu.memory_space<vmem>>, vector<16xf32>,
      %parallel_loop3A_254 = arith.index_cast %parallel_loop3A_208 : i32 to index
      %parallel_loop3A_255 = arith.constant 96 : index
      %parallel_loop3A_256 = tpu.vector_load %arg10[%parallel_loop3A_254, %parallel_loop3A_255] {strides = array<i32>} : memref<128x128xf32, #tpu.memory_space<vmem>>, vector<16xf32>,
      %parallel_loop3A_257 = arith.mulf %parallel_loop3A_256, %parallel_loop3A_211 : vector<16xf32>
      %parallel_loop3A_258 = arith.index_cast %parallel_loop3A_208 : i32 to index
      %parallel_loop3A_259 = arith.constant 96 : index
      %parallel_loop3A_260 = tpu.vector_load %arg10[%parallel_loop3A_258, %parallel_loop3A_259] {strides = array<i32>} : memref<128x128xf32, #tpu.memory_space<vmem>>, vector<16xf32>,
      tpu.vector_store %arg10[%parallel_loop3A_258, %parallel_loop3A_259], %parallel_loop3A_257 {strides = array<i32>} : memref<128x128xf32, #tpu.memory_space<vmem>>, vector<16xf32>,
      %parallel_loop3A_261 = arith.index_cast %parallel_loop3A_208 : i32 to index
      %parallel_loop3A_262 = arith.constant 112 : index
      %parallel_loop3A_263 = tpu.vector_load %arg10[%parallel_loop3A_261, %parallel_loop3A_262] {strides = array<i32>} : memref<128x128xf32, #tpu.memory_space<vmem>>, vector<16xf32>,
      %parallel_loop3A_264 = arith.mulf %parallel_loop3A_263, %parallel_loop3A_211 : vector<16xf32>
      %parallel_loop3A_265 = arith.index_cast %parallel_loop3A_208 : i32 to index
      %parallel_loop3A_266 = arith.constant 112 : index
      %parallel_loop3A_267 = tpu.vector_load %arg10[%parallel_loop3A_265, %parallel_loop3A_266] {strides = array<i32>} : memref<128x128xf32, #tpu.memory_space<vmem>>, vector<16xf32>,
      tpu.vector_store %arg10[%parallel_loop3A_265, %parallel_loop3A_266], %parallel_loop3A_264 {strides = array<i32>} : memref<128x128xf32, #tpu.memory_space<vmem>>, vector<16xf32>,
    } {sc.loop_unroll_factor = 2 : i64, sc.parallel_access}
    %dma_start3A_165 = arith.constant 1 : i32
    %dma_start3A_166 = arith.constant 0 : i32
    %dma_start3A_167 = tpu.memref_slice %arg8[%dma_start3A_165, %dma_start3A_166] : memref<3x128xi32, #tpu.memory_space<vmem>> -> memref<1x128xi32, #tpu.memory_space<vmem>>
    %dma_start3A_168 = tpu.memref_squeeze %dma_start3A_167 : memref<1x128xi32, #tpu.memory_space<vmem>> -> memref<128xi32, #tpu.memory_space<vmem>>
    %dma_start3A_169 = arith.constant 0 : i32
    %dma_start3A_170 = arith.constant 0 : i32
    %dma_start3A_171 = tpu.memref_slice %arg12[%dma_start3A_169, %dma_start3A_170] : memref<10240x128xf32, #tpu.memory_space<vmem_shared>> -> memref<10240x128xf32, #tpu.memory_space<vmem_shared>>
    tpu.enqueue_indirect_dma source(%arg10 : memref<128x128xf32, #tpu.memory_space<vmem>>) target(%dma_start3A_171 : memref<10240x128xf32, #tpu.memory_space<vmem_shared>>) offsets(%dma_start3A_168 : memref<128xi32, #tpu.memory_space<vmem>>) semaphore(%arg19 : memref<!tpu.dma_semaphore, #tpu.memory_space<semaphore_mem>>) {add = true}
    %dma_wait3A_172 = arith.constant 0 : i32
    %dma_wait3A_173 = arith.constant 0 : i32
    %dma_wait3A_174 = tpu.memref_slice %arg9[%dma_wait3A_172, %dma_wait3A_173] : memref<3x128xi32, #tpu.memory_space<vmem>> -> memref<1x128xi32, #tpu.memory_space<vmem>>
    %dma_wait3A_175 = tpu.memref_squeeze %dma_wait3A_174 : memref<1x128xi32, #tpu.memory_space<vmem>> -> memref<128xi32, #tpu.memory_space<vmem>>
    %dma_wait3A_176 = arith.constant 0 : i32
    %dma_wait3A_177 = arith.constant 0 : i32
    %dma_wait3A_178 = tpu.memref_slice %arg2[%dma_wait3A_176, %dma_wait3A_177] : memref<10240x128xf32, #tpu.memory_space<hbm>> -> memref<10240x128xf32, #tpu.memory_space<hbm>>
    tpu.wait_indirect_dma semaphore(%arg18 : memref<!tpu.dma_semaphore, #tpu.memory_space<semaphore_mem>>) src(%dma_wait3A_178 : memref<10240x128xf32, #tpu.memory_space<hbm>>) dst(%arg11 : memref<128x128xf32, #tpu.memory_space<vmem>>)
    %dma_wait3A_179 = arith.constant 1 : i32
    %dma_wait3A_180 = arith.constant 0 : i32
    %dma_wait3A_181 = tpu.memref_slice %arg8[%dma_wait3A_179, %dma_wait3A_180] : memref<3x128xi32, #tpu.memory_space<vmem>> -> memref<1x128xi32, #tpu.memory_space<vmem>>
    %dma_wait3A_182 = tpu.memref_squeeze %dma_wait3A_181 : memref<1x128xi32, #tpu.memory_space<vmem>> -> memref<128xi32, #tpu.memory_space<vmem>>
    %dma_wait3A_183 = arith.constant 0 : i32
    %dma_wait3A_184 = arith.constant 0 : i32
    %dma_wait3A_185 = tpu.memref_slice %arg12[%dma_wait3A_183, %dma_wait3A_184] : memref<10240x128xf32, #tpu.memory_space<vmem_shared>> -> memref<10240x128xf32, #tpu.memory_space<vmem_shared>>
    tpu.wait_indirect_dma semaphore(%arg19 : memref<!tpu.dma_semaphore, #tpu.memory_space<semaphore_mem>>) src(%arg10 : memref<128x128xf32, #tpu.memory_space<vmem>>) dst(%dma_wait3A_185 : memref<10240x128xf32, #tpu.memory_space<vmem_shared>>)
    %parallel_loop3A_186 = arith.constant 0 : i32
    %parallel_loop3A_187 = arith.constant 128 : i32
    %parallel_loop3A_188 = arith.constant 1 : i32
    scf.for %parallel_loop3A_208 = %parallel_loop3A_186 to %parallel_loop3A_187 step %parallel_loop3A_188  : i32 {
      %parallel_loop3A_209 = vector.broadcast %parallel_loop3A_208 : i32 to vector<16xi32>
      %parallel_loop3A_210 = tpu.vector_load_idx %arg9[%broadcast_in_dim3A_1, %parallel_loop3A_209] : memref<3x128xi32, #tpu.memory_space<vmem>>[vector<16xi32>, vector<16xi32>], vector<16xi32>,
      %parallel_loop3A_211 = vector.bitcast %parallel_loop3A_210 : vector<16xi32> to vector<16xf32>
      %parallel_loop3A_212 = arith.index_cast %parallel_loop3A_208 : i32 to index
      %parallel_loop3A_213 = arith.constant 0 : index
      %parallel_loop3A_214 = tpu.vector_load %arg11[%parallel_loop3A_212, %parallel_loop3A_213] {strides = array<i32>} : memref<128x128xf32, #tpu.memory_space<vmem>>, vector<16xf32>,
      %parallel_loop3A_215 = arith.mulf %parallel_loop3A_214, %parallel_loop3A_211 : vector<16xf32>
      %parallel_loop3A_216 = arith.index_cast %parallel_loop3A_208 : i32 to index
      %parallel_loop3A_217 = arith.constant 0 : index
      %parallel_loop3A_218 = tpu.vector_load %arg11[%parallel_loop3A_216, %parallel_loop3A_217] {strides = array<i32>} : memref<128x128xf32, #tpu.memory_space<vmem>>, vector<16xf32>,
      tpu.vector_store %arg11[%parallel_loop3A_216, %parallel_loop3A_217], %parallel_loop3A_215 {strides = array<i32>} : memref<128x128xf32, #tpu.memory_space<vmem>>, vector<16xf32>,
      %parallel_loop3A_219 = arith.index_cast %parallel_loop3A_208 : i32 to index
      %parallel_loop3A_220 = arith.constant 16 : index
      %parallel_loop3A_221 = tpu.vector_load %arg11[%parallel_loop3A_219, %parallel_loop3A_220] {strides = array<i32>} : memref<128x128xf32, #tpu.memory_space<vmem>>, vector<16xf32>,
      %parallel_loop3A_222 = arith.mulf %parallel_loop3A_221, %parallel_loop3A_211 : vector<16xf32>
      %parallel_loop3A_223 = arith.index_cast %parallel_loop3A_208 : i32 to index
      %parallel_loop3A_224 = arith.constant 16 : index
      %parallel_loop3A_225 = tpu.vector_load %arg11[%parallel_loop3A_223, %parallel_loop3A_224] {strides = array<i32>} : memref<128x128xf32, #tpu.memory_space<vmem>>, vector<16xf32>,
      tpu.vector_store %arg11[%parallel_loop3A_223, %parallel_loop3A_224], %parallel_loop3A_222 {strides = array<i32>} : memref<128x128xf32, #tpu.memory_space<vmem>>, vector<16xf32>,
      %parallel_loop3A_226 = arith.index_cast %parallel_loop3A_208 : i32 to index
      %parallel_loop3A_227 = arith.constant 32 : index
      %parallel_loop3A_228 = tpu.vector_load %arg11[%parallel_loop3A_226, %parallel_loop3A_227] {strides = array<i32>} : memref<128x128xf32, #tpu.memory_space<vmem>>, vector<16xf32>,
      %parallel_loop3A_229 = arith.mulf %parallel_loop3A_228, %parallel_loop3A_211 : vector<16xf32>
      %parallel_loop3A_230 = arith.index_cast %parallel_loop3A_208 : i32 to index
      %parallel_loop3A_231 = arith.constant 32 : index
      %parallel_loop3A_232 = tpu.vector_load %arg11[%parallel_loop3A_230, %parallel_loop3A_231] {strides = array<i32>} : memref<128x128xf32, #tpu.memory_space<vmem>>, vector<16xf32>,
      tpu.vector_store %arg11[%parallel_loop3A_230, %parallel_loop3A_231], %parallel_loop3A_229 {strides = array<i32>} : memref<128x128xf32, #tpu.memory_space<vmem>>, vector<16xf32>,
      %parallel_loop3A_233 = arith.index_cast %parallel_loop3A_208 : i32 to index
      %parallel_loop3A_234 = arith.constant 48 : index
      %parallel_loop3A_235 = tpu.vector_load %arg11[%parallel_loop3A_233, %parallel_loop3A_234] {strides = array<i32>} : memref<128x128xf32, #tpu.memory_space<vmem>>, vector<16xf32>,
      %parallel_loop3A_236 = arith.mulf %parallel_loop3A_235, %parallel_loop3A_211 : vector<16xf32>
      %parallel_loop3A_237 = arith.index_cast %parallel_loop3A_208 : i32 to index
      %parallel_loop3A_238 = arith.constant 48 : index
      %parallel_loop3A_239 = tpu.vector_load %arg11[%parallel_loop3A_237, %parallel_loop3A_238] {strides = array<i32>} : memref<128x128xf32, #tpu.memory_space<vmem>>, vector<16xf32>,
      tpu.vector_store %arg11[%parallel_loop3A_237, %parallel_loop3A_238], %parallel_loop3A_236 {strides = array<i32>} : memref<128x128xf32, #tpu.memory_space<vmem>>, vector<16xf32>,
      %parallel_loop3A_240 = arith.index_cast %parallel_loop3A_208 : i32 to index
      %parallel_loop3A_241 = arith.constant 64 : index
      %parallel_loop3A_242 = tpu.vector_load %arg11[%parallel_loop3A_240, %parallel_loop3A_241] {strides = array<i32>} : memref<128x128xf32, #tpu.memory_space<vmem>>, vector<16xf32>,
      %parallel_loop3A_243 = arith.mulf %parallel_loop3A_242, %parallel_loop3A_211 : vector<16xf32>
      %parallel_loop3A_244 = arith.index_cast %parallel_loop3A_208 : i32 to index
      %parallel_loop3A_245 = arith.constant 64 : index
      %parallel_loop3A_246 = tpu.vector_load %arg11[%parallel_loop3A_244, %parallel_loop3A_245] {strides = array<i32>} : memref<128x128xf32, #tpu.memory_space<vmem>>, vector<16xf32>,
      tpu.vector_store %arg11[%parallel_loop3A_244, %parallel_loop3A_245], %parallel_loop3A_243 {strides = array<i32>} : memref<128x128xf32, #tpu.memory_space<vmem>>, vector<16xf32>,
      %parallel_loop3A_247 = arith.index_cast %parallel_loop3A_208 : i32 to index
      %parallel_loop3A_248 = arith.constant 80 : index
      %parallel_loop3A_249 = tpu.vector_load %arg11[%parallel_loop3A_247, %parallel_loop3A_248] {strides = array<i32>} : memref<128x128xf32, #tpu.memory_space<vmem>>, vector<16xf32>,
      %parallel_loop3A_250 = arith.mulf %parallel_loop3A_249, %parallel_loop3A_211 : vector<16xf32>
      %parallel_loop3A_251 = arith.index_cast %parallel_loop3A_208 : i32 to index
      %parallel_loop3A_252 = arith.constant 80 : index
      %parallel_loop3A_253 = tpu.vector_load %arg11[%parallel_loop3A_251, %parallel_loop3A_252] {strides = array<i32>} : memref<128x128xf32, #tpu.memory_space<vmem>>, vector<16xf32>,
      tpu.vector_store %arg11[%parallel_loop3A_251, %parallel_loop3A_252], %parallel_loop3A_250 {strides = array<i32>} : memref<128x128xf32, #tpu.memory_space<vmem>>, vector<16xf32>,
      %parallel_loop3A_254 = arith.index_cast %parallel_loop3A_208 : i32 to index
      %parallel_loop3A_255 = arith.constant 96 : index
      %parallel_loop3A_256 = tpu.vector_load %arg11[%parallel_loop3A_254, %parallel_loop3A_255] {strides = array<i32>} : memref<128x128xf32, #tpu.memory_space<vmem>>, vector<16xf32>,
      %parallel_loop3A_257 = arith.mulf %parallel_loop3A_256, %parallel_loop3A_211 : vector<16xf32>
      %parallel_loop3A_258 = arith.index_cast %parallel_loop3A_208 : i32 to index
      %parallel_loop3A_259 = arith.constant 96 : index
      %parallel_loop3A_260 = tpu.vector_load %arg11[%parallel_loop3A_258, %parallel_loop3A_259] {strides = array<i32>} : memref<128x128xf32, #tpu.memory_space<vmem>>, vector<16xf32>,
      tpu.vector_store %arg11[%parallel_loop3A_258, %parallel_loop3A_259], %parallel_loop3A_257 {strides = array<i32>} : memref<128x128xf32, #tpu.memory_space<vmem>>, vector<16xf32>,
      %parallel_loop3A_261 = arith.index_cast %parallel_loop3A_208 : i32 to index
      %parallel_loop3A_262 = arith.constant 112 : index
      %parallel_loop3A_263 = tpu.vector_load %arg11[%parallel_loop3A_261, %parallel_loop3A_262] {strides = array<i32>} : memref<128x128xf32, #tpu.memory_space<vmem>>, vector<16xf32>,
      %parallel_loop3A_264 = arith.mulf %parallel_loop3A_263, %parallel_loop3A_211 : vector<16xf32>
      %parallel_loop3A_265 = arith.index_cast %parallel_loop3A_208 : i32 to index
      %parallel_loop3A_266 = arith.constant 112 : index
      %parallel_loop3A_267 = tpu.vector_load %arg11[%parallel_loop3A_265, %parallel_loop3A_266] {strides = array<i32>} : memref<128x128xf32, #tpu.memory_space<vmem>>, vector<16xf32>,
      tpu.vector_store %arg11[%parallel_loop3A_265, %parallel_loop3A_266], %parallel_loop3A_264 {strides = array<i32>} : memref<128x128xf32, #tpu.memory_space<vmem>>, vector<16xf32>,
    } {sc.loop_unroll_factor = 2 : i64, sc.parallel_access}
    %dma_start3A_189 = arith.constant 1 : i32
    %dma_start3A_190 = arith.constant 0 : i32
    %dma_start3A_191 = tpu.memref_slice %arg9[%dma_start3A_189, %dma_start3A_190] : memref<3x128xi32, #tpu.memory_space<vmem>> -> memref<1x128xi32, #tpu.memory_space<vmem>>
    %dma_start3A_192 = tpu.memref_squeeze %dma_start3A_191 : memref<1x128xi32, #tpu.memory_space<vmem>> -> memref<128xi32, #tpu.memory_space<vmem>>
    %dma_start3A_193 = arith.constant 0 : i32
    %dma_start3A_194 = arith.constant 0 : i32
    %dma_start3A_195 = tpu.memref_slice %arg12[%dma_start3A_193, %dma_start3A_194] : memref<10240x128xf32, #tpu.memory_space<vmem_shared>> -> memref<10240x128xf32, #tpu.memory_space<vmem_shared>>
    tpu.enqueue_indirect_dma source(%arg11 : memref<128x128xf32, #tpu.memory_space<vmem>>) target(%dma_start3A_195 : memref<10240x128xf32, #tpu.memory_space<vmem_shared>>) offsets(%dma_start3A_192 : memref<128xi32, #tpu.memory_space<vmem>>) semaphore(%arg20 : memref<!tpu.dma_semaphore, #tpu.memory_space<semaphore_mem>>) {add = true}
    %dma_wait3A_196 = arith.constant 1 : i32
    %dma_wait3A_197 = arith.constant 0 : i32
    %dma_wait3A_198 = tpu.memref_slice %arg9[%dma_wait3A_196, %dma_wait3A_197] : memref<3x128xi32, #tpu.memory_space<vmem>> -> memref<1x128xi32, #tpu.memory_space<vmem>>
    %dma_wait3A_199 = tpu.memref_squeeze %dma_wait3A_198 : memref<1x128xi32, #tpu.memory_space<vmem>> -> memref<128xi32, #tpu.memory_space<vmem>>
    %dma_wait3A_200 = arith.constant 0 : i32
    %dma_wait3A_201 = arith.constant 0 : i32
    %dma_wait3A_202 = tpu.memref_slice %arg12[%dma_wait3A_200, %dma_wait3A_201] : memref<10240x128xf32, #tpu.memory_space<vmem_shared>> -> memref<10240x128xf32, #tpu.memory_space<vmem_shared>>
    tpu.wait_indirect_dma semaphore(%arg20 : memref<!tpu.dma_semaphore, #tpu.memory_space<semaphore_mem>>) src(%arg11 : memref<128x128xf32, #tpu.memory_space<vmem>>) dst(%dma_wait3A_202 : memref<10240x128xf32, #tpu.memory_space<vmem_shared>>)
    %barrier3A_203 = arith.constant 0 : index
    tpu.barrier barrier_id(%barrier3A_203)
    %mul3A_204 = arith.constant 640 : i32
    %mul3A_205 = arith.muli %arg1, %mul3A_204 : i32
    %mul3A_206 = arith.constant 640 : i32
    %mul3A_207 = arith.muli %arg1, %mul3A_206 : i32
    "tpu.region"() ({
      %run_scoped3A = tpu.sem_alloc : memref<!tpu.dma_semaphore, #tpu.memory_space<semaphore_mem>>
      %dma_start3A_208 = arith.constant 0 : i32
      %dma_start3A_209 = tpu.memref_slice %arg5[%arg0, %mul3A_207, %dma_start3A_208] : memref<2x10240x128xf32, #tpu.memory_space<hbm>> -> memref<1x640x128xf32, #tpu.memory_space<hbm>>
      %dma_start3A_210 = tpu.memref_squeeze %dma_start3A_209 : memref<1x640x128xf32, #tpu.memory_space<hbm>> -> memref<640x128xf32, #tpu.memory_space<hbm>>
      %dma_start3A_211 = arith.constant 0 : i32
      %dma_start3A_212 = tpu.memref_slice %arg12[%mul3A_205, %dma_start3A_211] : memref<10240x128xf32, #tpu.memory_space<vmem_shared>> -> memref<640x128xf32, #tpu.memory_space<vmem_shared>>
      tpu.enqueue_dma source(%dma_start3A_212 : memref<640x128xf32, #tpu.memory_space<vmem_shared>>) target(%dma_start3A_210 : memref<640x128xf32, #tpu.memory_space<hbm>>) target_semaphore(%run_scoped3A : memref<!tpu.dma_semaphore, #tpu.memory_space<semaphore_mem>>)
      %dma_wait3A_213 = arith.constant 0 : i32
      %dma_wait3A_214 = tpu.memref_slice %arg5[%arg0, %mul3A_207, %dma_wait3A_213] : memref<2x10240x128xf32, #tpu.memory_space<hbm>> -> memref<1x640x128xf32, #tpu.memory_space<hbm>>
      %dma_wait3A_215 = tpu.memref_squeeze %dma_wait3A_214 : memref<1x640x128xf32, #tpu.memory_space<hbm>> -> memref<640x128xf32, #tpu.memory_space<hbm>>
      %dma_wait3A_216 = arith.constant 0 : i32
      %dma_wait3A_217 = tpu.memref_slice %arg12[%mul3A_205, %dma_wait3A_216] : memref<10240x128xf32, #tpu.memory_space<vmem_shared>> -> memref<640x128xf32, #tpu.memory_space<vmem_shared>>
      tpu.wait_dma2 semaphore(%run_scoped3A : memref<!tpu.dma_semaphore, #tpu.memory_space<semaphore_mem>>) src(%dma_wait3A_217 : memref<640x128xf32, #tpu.memory_space<vmem_shared>>) dst(%dma_wait3A_215 : memref<640x128xf32, #tpu.memory_space<hbm>>)
      tpu.yield
    }) : () -> ()
    return
  }
}

#map = affine_map<(d0, d1) -> (0, 0)>
#map1 = affine_map<(d0, d1) -> (0, 0, 0, 0)>
#map2 = affine_map<(d0, d1) -> (0, 0, 0)>
module attributes {stable_mosaic.version = 14 : i64} {
  func.func @_sc_agg_body(%arg0: i32, %arg1: i32, %arg2: memref<10240x128xf32, #tpu.memory_space<hbm>>, %arg3: memref<32x80x3x128xi32, #tpu.memory_space<hbm>>, %arg4: memref<10240x128xf32, #tpu.memory_space<hbm>>, %arg5: memref<2x10240x128xf32, #tpu.memory_space<hbm>>, %arg6: memref<3x128xi32, #tpu.memory_space<vmem>>, %arg7: memref<3x128xi32, #tpu.memory_space<vmem>>, %arg8: memref<3x128xi32, #tpu.memory_space<vmem>>, %arg9: memref<3x128xi32, #tpu.memory_space<vmem>>, %arg10: memref<128x128xf32, #tpu.memory_space<vmem>>, %arg11: memref<128x128xf32, #tpu.memory_space<vmem>>, %arg12: memref<10240x128xf32, #tpu.memory_space<vmem_shared>>, %arg13: memref<!tpu.dma_semaphore, #tpu.memory_space<semaphore_mem>>, %arg14: memref<!tpu.dma_semaphore, #tpu.memory_space<semaphore_mem>>, %arg15: memref<!tpu.dma_semaphore, #tpu.memory_space<semaphore_mem>>, %arg16: memref<!tpu.dma_semaphore, #tpu.memory_space<semaphore_mem>>, %arg17: memref<!tpu.dma_semaphore, #tpu.memory_space<semaphore_mem>>, %arg18: memref<!tpu.dma_semaphore, #tpu.memory_space<semaphore_mem>>, %arg19: memref<!tpu.dma_semaphore, #tpu.memory_space<semaphore_mem>>, %arg20: memref<!tpu.dma_semaphore, #tpu.memory_space<semaphore_mem>>) attributes {dimension_semantics = [#tpu.dimension_semantics<core_parallel>, #tpu.dimension_semantics<subcore_parallel>], iteration_bounds = array<i64: 2, 16>, scalar_prefetch = 0 : i64, scratch_operands = 15 : i64, tpu.core_type = #tpu.core_type<sc_vector_subcore>, window_params = [{transform_indices = #map}, {transform_indices = #map1}, {transform_indices = #map}, {transform_indices = #map2}]} {
    %mul3A = arith.constant 16 : i32
    %mul3A_0 = arith.muli %arg0, %mul3A : i32
    %add3A = arith.addi %mul3A_0, %arg1 : i32
    %broadcast_in_dim3A = arith.constant 2 : i32
    %broadcast_in_dim3A_1 = vector.broadcast %broadcast_in_dim3A : i32 to vector<16xi32>
    %dma_start3A = arith.constant 0 : i32
    %dma_start3A_2 = arith.constant 0 : i32
    %dma_start3A_3 = arith.constant 0 : i32
    %dma_start3A_4 = tpu.memref_slice %arg3[%add3A, %dma_start3A, %dma_start3A_2, %dma_start3A_3] : memref<32x80x3x128xi32, #tpu.memory_space<hbm>> -> memref<1x1x3x128xi32, #tpu.memory_space<hbm>>
    %dma_start3A_5 = tpu.memref_squeeze %dma_start3A_4 : memref<1x1x3x128xi32, #tpu.memory_space<hbm>> -> memref<3x128xi32, #tpu.memory_space<hbm>>
    %dma_start3A_6 = arith.constant 0 : i32
    %dma_start3A_7 = arith.constant 0 : i32
    %dma_start3A_8 = tpu.memref_slice %arg3[%add3A, %dma_start3A, %dma_start3A_6, %dma_start3A_7] : memref<32x80x3x128xi32, #tpu.memory_space<hbm>> -> memref<1x1x3x128xi32, #tpu.memory_space<hbm>>
    %dma_start3A_9 = tpu.memref_squeeze %dma_start3A_8 : memref<1x1x3x128xi32, #tpu.memory_space<hbm>> -> memref<3x128xi32, #tpu.memory_space<hbm>>
    tpu.enqueue_dma source(%dma_start3A_9 : memref<3x128xi32, #tpu.memory_space<hbm>>) target(%arg6 : memref<3x128xi32, #tpu.memory_space<vmem>>) target_semaphore(%arg13 : memref<!tpu.dma_semaphore, #tpu.memory_space<semaphore_mem>>)
    %dma_start3A_10 = arith.constant 1 : i32
    %dma_start3A_11 = arith.constant 0 : i32
    %dma_start3A_12 = arith.constant 0 : i32
    %dma_start3A_13 = tpu.memref_slice %arg3[%add3A, %dma_start3A_10, %dma_start3A_11, %dma_start3A_12] : memref<32x80x3x128xi32, #tpu.memory_space<hbm>> -> memref<1x1x3x128xi32, #tpu.memory_space<hbm>>
    %dma_start3A_14 = tpu.memref_squeeze %dma_start3A_13 : memref<1x1x3x128xi32, #tpu.memory_space<hbm>> -> memref<3x128xi32, #tpu.memory_space<hbm>>
    %dma_start3A_15 = arith.constant 0 : i32
    %dma_start3A_16 = arith.constant 0 : i32
    %dma_start3A_17 = tpu.memref_slice %arg3[%add3A, %dma_start3A_10, %dma_start3A_15, %dma_start3A_16] : memref<32x80x3x128xi32, #tpu.memory_space<hbm>> -> memref<1x1x3x128xi32, #tpu.memory_space<hbm>>
    %dma_start3A_18 = tpu.memref_squeeze %dma_start3A_17 : memref<1x1x3x128xi32, #tpu.memory_space<hbm>> -> memref<3x128xi32, #tpu.memory_space<hbm>>
    tpu.enqueue_dma source(%dma_start3A_18 : memref<3x128xi32, #tpu.memory_space<hbm>>) target(%arg7 : memref<3x128xi32, #tpu.memory_space<vmem>>) target_semaphore(%arg14 : memref<!tpu.dma_semaphore, #tpu.memory_space<semaphore_mem>>)
    %dma_start3A_19 = arith.constant 2 : i32
    %dma_start3A_20 = arith.constant 0 : i32
    %dma_start3A_21 = arith.constant 0 : i32
    %dma_start3A_22 = tpu.memref_slice %arg3[%add3A, %dma_start3A_19, %dma_start3A_20, %dma_start3A_21] : memref<32x80x3x128xi32, #tpu.memory_space<hbm>> -> memref<1x1x3x128xi32, #tpu.memory_space<hbm>>
    %dma_start3A_23 = tpu.memref_squeeze %dma_start3A_22 : memref<1x1x3x128xi32, #tpu.memory_space<hbm>> -> memref<3x128xi32, #tpu.memory_space<hbm>>
    %dma_start3A_24 = arith.constant 0 : i32
    %dma_start3A_25 = arith.constant 0 : i32
    %dma_start3A_26 = tpu.memref_slice %arg3[%add3A, %dma_start3A_19, %dma_start3A_24, %dma_start3A_25] : memref<32x80x3x128xi32, #tpu.memory_space<hbm>> -> memref<1x1x3x128xi32, #tpu.memory_space<hbm>>
    %dma_start3A_27 = tpu.memref_squeeze %dma_start3A_26 : memref<1x1x3x128xi32, #tpu.memory_space<hbm>> -> memref<3x128xi32, #tpu.memory_space<hbm>>
    tpu.enqueue_dma source(%dma_start3A_27 : memref<3x128xi32, #tpu.memory_space<hbm>>) target(%arg8 : memref<3x128xi32, #tpu.memory_space<vmem>>) target_semaphore(%arg15 : memref<!tpu.dma_semaphore, #tpu.memory_space<semaphore_mem>>)
    %mul3A_28 = arith.constant 640 : i32
    %mul3A_29 = arith.muli %arg1, %mul3A_28 : i32
    %mul3A_30 = arith.constant 640 : i32
    %mul3A_31 = arith.muli %arg1, %mul3A_30 : i32
    "tpu.region"() ({
      %run_scoped3A = tpu.sem_alloc : memref<!tpu.dma_semaphore, #tpu.memory_space<semaphore_mem>>
      %dma_start3A_208 = arith.constant 0 : i32
      %dma_start3A_209 = tpu.memref_slice %arg12[%mul3A_31, %dma_start3A_208] : memref<10240x128xf32, #tpu.memory_space<vmem_shared>> -> memref<640x128xf32, #tpu.memory_space<vmem_shared>>
      %dma_start3A_210 = arith.constant 0 : i32
      %dma_start3A_211 = tpu.memref_slice %arg4[%mul3A_29, %dma_start3A_210] : memref<10240x128xf32, #tpu.memory_space<hbm>> -> memref<640x128xf32, #tpu.memory_space<hbm>>
      tpu.enqueue_dma source(%dma_start3A_211 : memref<640x128xf32, #tpu.memory_space<hbm>>) target(%dma_start3A_209 : memref<640x128xf32, #tpu.memory_space<vmem_shared>>) target_semaphore(%run_scoped3A : memref<!tpu.dma_semaphore, #tpu.memory_space<semaphore_mem>>)
      %dma_wait3A_212 = arith.constant 0 : i32
      %dma_wait3A_213 = tpu.memref_slice %arg12[%mul3A_31, %dma_wait3A_212] : memref<10240x128xf32, #tpu.memory_space<vmem_shared>> -> memref<640x128xf32, #tpu.memory_space<vmem_shared>>
      %dma_wait3A_214 = arith.constant 0 : i32
      %dma_wait3A_215 = tpu.memref_slice %arg4[%mul3A_29, %dma_wait3A_214] : memref<10240x128xf32, #tpu.memory_space<hbm>> -> memref<640x128xf32, #tpu.memory_space<hbm>>
      tpu.wait_dma2 semaphore(%run_scoped3A : memref<!tpu.dma_semaphore, #tpu.memory_space<semaphore_mem>>) src(%dma_wait3A_215 : memref<640x128xf32, #tpu.memory_space<hbm>>) dst(%dma_wait3A_213 : memref<640x128xf32, #tpu.memory_space<vmem_shared>>)
      tpu.yield
    }) : () -> ()
    %dma_wait3A = arith.constant 0 : i32
    %dma_wait3A_32 = arith.constant 0 : i32
    %dma_wait3A_33 = arith.constant 0 : i32
    %dma_wait3A_34 = tpu.memref_slice %arg3[%add3A, %dma_wait3A, %dma_wait3A_32, %dma_wait3A_33] : memref<32x80x3x128xi32, #tpu.memory_space<hbm>> -> memref<1x1x3x128xi32, #tpu.memory_space<hbm>>
    %dma_wait3A_35 = tpu.memref_squeeze %dma_wait3A_34 : memref<1x1x3x128xi32, #tpu.memory_space<hbm>> -> memref<3x128xi32, #tpu.memory_space<hbm>>
    %dma_wait3A_36 = arith.constant 0 : i32
    %dma_wait3A_37 = arith.constant 0 : i32
    %dma_wait3A_38 = tpu.memref_slice %arg3[%add3A, %dma_wait3A, %dma_wait3A_36, %dma_wait3A_37] : memref<32x80x3x128xi32, #tpu.memory_space<hbm>> -> memref<1x1x3x128xi32, #tpu.memory_space<hbm>>
    %dma_wait3A_39 = tpu.memref_squeeze %dma_wait3A_38 : memref<1x1x3x128xi32, #tpu.memory_space<hbm>> -> memref<3x128xi32, #tpu.memory_space<hbm>>
    tpu.wait_dma2 semaphore(%arg13 : memref<!tpu.dma_semaphore, #tpu.memory_space<semaphore_mem>>) src(%dma_wait3A_39 : memref<3x128xi32, #tpu.memory_space<hbm>>) dst(%arg6 : memref<3x128xi32, #tpu.memory_space<vmem>>)
    %dma_start3A_40 = arith.constant 0 : i32
    %dma_start3A_41 = arith.constant 0 : i32
    %dma_start3A_42 = tpu.memref_slice %arg6[%dma_start3A_40, %dma_start3A_41] : memref<3x128xi32, #tpu.memory_space<vmem>> -> memref<1x128xi32, #tpu.memory_space<vmem>>
    %dma_start3A_43 = tpu.memref_squeeze %dma_start3A_42 : memref<1x128xi32, #tpu.memory_space<vmem>> -> memref<128xi32, #tpu.memory_space<vmem>>
    %dma_start3A_44 = arith.constant 0 : i32
    %dma_start3A_45 = arith.constant 0 : i32
    %dma_start3A_46 = tpu.memref_slice %arg2[%dma_start3A_44, %dma_start3A_45] : memref<10240x128xf32, #tpu.memory_space<hbm>> -> memref<10240x128xf32, #tpu.memory_space<hbm>>
    tpu.enqueue_indirect_dma source(%dma_start3A_46 : memref<10240x128xf32, #tpu.memory_space<hbm>>) target(%arg10 : memref<128x128xf32, #tpu.memory_space<vmem>>) offsets(%dma_start3A_43 : memref<128xi32, #tpu.memory_space<vmem>>) semaphore(%arg17 : memref<!tpu.dma_semaphore, #tpu.memory_space<semaphore_mem>>)
    %barrier3A = arith.constant 0 : index
    tpu.barrier barrier_id(%barrier3A)
    %dma_wait3A_47 = arith.constant 0 : i32
    %dma_wait3A_48 = arith.constant 0 : i32
    %dma_wait3A_49 = tpu.memref_slice %arg6[%dma_wait3A_47, %dma_wait3A_48] : memref<3x128xi32, #tpu.memory_space<vmem>> -> memref<1x128xi32, #tpu.memory_space<vmem>>
    %dma_wait3A_50 = tpu.memref_squeeze %dma_wait3A_49 : memref<1x128xi32, #tpu.memory_space<vmem>> -> memref<128xi32, #tpu.memory_space<vmem>>
    %dma_wait3A_51 = arith.constant 0 : i32
    %dma_wait3A_52 = arith.constant 0 : i32
    %dma_wait3A_53 = tpu.memref_slice %arg2[%dma_wait3A_51, %dma_wait3A_52] : memref<10240x128xf32, #tpu.memory_space<hbm>> -> memref<10240x128xf32, #tpu.memory_space<hbm>>
    tpu.wait_indirect_dma semaphore(%arg17 : memref<!tpu.dma_semaphore, #tpu.memory_space<semaphore_mem>>) src(%dma_wait3A_53 : memref<10240x128xf32, #tpu.memory_space<hbm>>) dst(%arg10 : memref<128x128xf32, #tpu.memory_space<vmem>>)
    %dma_wait3A_54 = arith.constant 1 : i32
    %dma_wait3A_55 = arith.constant 0 : i32
    %dma_wait3A_56 = arith.constant 0 : i32
    %dma_wait3A_57 = tpu.memref_slice %arg3[%add3A, %dma_wait3A_54, %dma_wait3A_55, %dma_wait3A_56] : memref<32x80x3x128xi32, #tpu.memory_space<hbm>> -> memref<1x1x3x128xi32, #tpu.memory_space<hbm>>
    %dma_wait3A_58 = tpu.memref_squeeze %dma_wait3A_57 : memref<1x1x3x128xi32, #tpu.memory_space<hbm>> -> memref<3x128xi32, #tpu.memory_space<hbm>>
    %dma_wait3A_59 = arith.constant 0 : i32
    %dma_wait3A_60 = arith.constant 0 : i32
    %dma_wait3A_61 = tpu.memref_slice %arg3[%add3A, %dma_wait3A_54, %dma_wait3A_59, %dma_wait3A_60] : memref<32x80x3x128xi32, #tpu.memory_space<hbm>> -> memref<1x1x3x128xi32, #tpu.memory_space<hbm>>
    %dma_wait3A_62 = tpu.memref_squeeze %dma_wait3A_61 : memref<1x1x3x128xi32, #tpu.memory_space<hbm>> -> memref<3x128xi32, #tpu.memory_space<hbm>>
    tpu.wait_dma2 semaphore(%arg14 : memref<!tpu.dma_semaphore, #tpu.memory_space<semaphore_mem>>) src(%dma_wait3A_62 : memref<3x128xi32, #tpu.memory_space<hbm>>) dst(%arg7 : memref<3x128xi32, #tpu.memory_space<vmem>>)
    %dma_start3A_63 = arith.constant 0 : i32
    %dma_start3A_64 = arith.constant 0 : i32
    %dma_start3A_65 = tpu.memref_slice %arg7[%dma_start3A_63, %dma_start3A_64] : memref<3x128xi32, #tpu.memory_space<vmem>> -> memref<1x128xi32, #tpu.memory_space<vmem>>
    %dma_start3A_66 = tpu.memref_squeeze %dma_start3A_65 : memref<1x128xi32, #tpu.memory_space<vmem>> -> memref<128xi32, #tpu.memory_space<vmem>>
    %dma_start3A_67 = arith.constant 0 : i32
    %dma_start3A_68 = arith.constant 0 : i32
    %dma_start3A_69 = tpu.memref_slice %arg2[%dma_start3A_67, %dma_start3A_68] : memref<10240x128xf32, #tpu.memory_space<hbm>> -> memref<10240x128xf32, #tpu.memory_space<hbm>>
    tpu.enqueue_indirect_dma source(%dma_start3A_69 : memref<10240x128xf32, #tpu.memory_space<hbm>>) target(%arg11 : memref<128x128xf32, #tpu.memory_space<vmem>>) offsets(%dma_start3A_66 : memref<128xi32, #tpu.memory_space<vmem>>) semaphore(%arg18 : memref<!tpu.dma_semaphore, #tpu.memory_space<semaphore_mem>>)
    %dma_start3A_70 = arith.constant 3 : i32
    %dma_start3A_71 = arith.constant 0 : i32
    %dma_start3A_72 = arith.constant 0 : i32
    %dma_start3A_73 = tpu.memref_slice %arg3[%add3A, %dma_start3A_70, %dma_start3A_71, %dma_start3A_72] : memref<32x80x3x128xi32, #tpu.memory_space<hbm>> -> memref<1x1x3x128xi32, #tpu.memory_space<hbm>>
    %dma_start3A_74 = tpu.memref_squeeze %dma_start3A_73 : memref<1x1x3x128xi32, #tpu.memory_space<hbm>> -> memref<3x128xi32, #tpu.memory_space<hbm>>
    %dma_start3A_75 = arith.constant 0 : i32
    %dma_start3A_76 = arith.constant 0 : i32
    %dma_start3A_77 = tpu.memref_slice %arg3[%add3A, %dma_start3A_70, %dma_start3A_75, %dma_start3A_76] : memref<32x80x3x128xi32, #tpu.memory_space<hbm>> -> memref<1x1x3x128xi32, #tpu.memory_space<hbm>>
    %dma_start3A_78 = tpu.memref_squeeze %dma_start3A_77 : memref<1x1x3x128xi32, #tpu.memory_space<hbm>> -> memref<3x128xi32, #tpu.memory_space<hbm>>
    tpu.enqueue_dma source(%dma_start3A_78 : memref<3x128xi32, #tpu.memory_space<hbm>>) target(%arg9 : memref<3x128xi32, #tpu.memory_space<vmem>>) target_semaphore(%arg16 : memref<!tpu.dma_semaphore, #tpu.memory_space<semaphore_mem>>)
    %parallel_loop3A = arith.constant 0 : i32
    %parallel_loop3A_79 = arith.constant 128 : i32
    %parallel_loop3A_80 = arith.constant 1 : i32
    scf.for %parallel_loop3A_208 = %parallel_loop3A to %parallel_loop3A_79 step %parallel_loop3A_80  : i32 {
      %parallel_loop3A_209 = vector.broadcast %parallel_loop3A_208 : i32 to vector<16xi32>
      %parallel_loop3A_210 = tpu.vector_load_idx %arg6[%broadcast_in_dim3A_1, %parallel_loop3A_209] : memref<3x128xi32, #tpu.memory_space<vmem>>[vector<16xi32>, vector<16xi32>], vector<16xi32>,
      %parallel_loop3A_211 = vector.bitcast %parallel_loop3A_210 : vector<16xi32> to vector<16xf32>
      %parallel_loop3A_212 = arith.index_cast %parallel_loop3A_208 : i32 to index
      %parallel_loop3A_213 = arith.constant 0 : index
      %parallel_loop3A_214 = tpu.vector_load %arg10[%parallel_loop3A_212, %parallel_loop3A_213] {strides = array<i32>} : memref<128x128xf32, #tpu.memory_space<vmem>>, vector<16xf32>,
      %parallel_loop3A_215 = arith.mulf %parallel_loop3A_214, %parallel_loop3A_211 : vector<16xf32>
      %parallel_loop3A_216 = arith.index_cast %parallel_loop3A_208 : i32 to index
      %parallel_loop3A_217 = arith.constant 0 : index
      %parallel_loop3A_218 = tpu.vector_load %arg10[%parallel_loop3A_216, %parallel_loop3A_217] {strides = array<i32>} : memref<128x128xf32, #tpu.memory_space<vmem>>, vector<16xf32>,
      tpu.vector_store %arg10[%parallel_loop3A_216, %parallel_loop3A_217], %parallel_loop3A_215 {strides = array<i32>} : memref<128x128xf32, #tpu.memory_space<vmem>>, vector<16xf32>,
      %parallel_loop3A_219 = arith.index_cast %parallel_loop3A_208 : i32 to index
      %parallel_loop3A_220 = arith.constant 16 : index
      %parallel_loop3A_221 = tpu.vector_load %arg10[%parallel_loop3A_219, %parallel_loop3A_220] {strides = array<i32>} : memref<128x128xf32, #tpu.memory_space<vmem>>, vector<16xf32>,
      %parallel_loop3A_222 = arith.mulf %parallel_loop3A_221, %parallel_loop3A_211 : vector<16xf32>
      %parallel_loop3A_223 = arith.index_cast %parallel_loop3A_208 : i32 to index
      %parallel_loop3A_224 = arith.constant 16 : index
      %parallel_loop3A_225 = tpu.vector_load %arg10[%parallel_loop3A_223, %parallel_loop3A_224] {strides = array<i32>} : memref<128x128xf32, #tpu.memory_space<vmem>>, vector<16xf32>,
      tpu.vector_store %arg10[%parallel_loop3A_223, %parallel_loop3A_224], %parallel_loop3A_222 {strides = array<i32>} : memref<128x128xf32, #tpu.memory_space<vmem>>, vector<16xf32>,
      %parallel_loop3A_226 = arith.index_cast %parallel_loop3A_208 : i32 to index
      %parallel_loop3A_227 = arith.constant 32 : index
      %parallel_loop3A_228 = tpu.vector_load %arg10[%parallel_loop3A_226, %parallel_loop3A_227] {strides = array<i32>} : memref<128x128xf32, #tpu.memory_space<vmem>>, vector<16xf32>,
      %parallel_loop3A_229 = arith.mulf %parallel_loop3A_228, %parallel_loop3A_211 : vector<16xf32>
      %parallel_loop3A_230 = arith.index_cast %parallel_loop3A_208 : i32 to index
      %parallel_loop3A_231 = arith.constant 32 : index
      %parallel_loop3A_232 = tpu.vector_load %arg10[%parallel_loop3A_230, %parallel_loop3A_231] {strides = array<i32>} : memref<128x128xf32, #tpu.memory_space<vmem>>, vector<16xf32>,
      tpu.vector_store %arg10[%parallel_loop3A_230, %parallel_loop3A_231], %parallel_loop3A_229 {strides = array<i32>} : memref<128x128xf32, #tpu.memory_space<vmem>>, vector<16xf32>,
      %parallel_loop3A_233 = arith.index_cast %parallel_loop3A_208 : i32 to index
      %parallel_loop3A_234 = arith.constant 48 : index
      %parallel_loop3A_235 = tpu.vector_load %arg10[%parallel_loop3A_233, %parallel_loop3A_234] {strides = array<i32>} : memref<128x128xf32, #tpu.memory_space<vmem>>, vector<16xf32>,
      %parallel_loop3A_236 = arith.mulf %parallel_loop3A_235, %parallel_loop3A_211 : vector<16xf32>
      %parallel_loop3A_237 = arith.index_cast %parallel_loop3A_208 : i32 to index
      %parallel_loop3A_238 = arith.constant 48 : index
      %parallel_loop3A_239 = tpu.vector_load %arg10[%parallel_loop3A_237, %parallel_loop3A_238] {strides = array<i32>} : memref<128x128xf32, #tpu.memory_space<vmem>>, vector<16xf32>,
      tpu.vector_store %arg10[%parallel_loop3A_237, %parallel_loop3A_238], %parallel_loop3A_236 {strides = array<i32>} : memref<128x128xf32, #tpu.memory_space<vmem>>, vector<16xf32>,
      %parallel_loop3A_240 = arith.index_cast %parallel_loop3A_208 : i32 to index
      %parallel_loop3A_241 = arith.constant 64 : index
      %parallel_loop3A_242 = tpu.vector_load %arg10[%parallel_loop3A_240, %parallel_loop3A_241] {strides = array<i32>} : memref<128x128xf32, #tpu.memory_space<vmem>>, vector<16xf32>,
      %parallel_loop3A_243 = arith.mulf %parallel_loop3A_242, %parallel_loop3A_211 : vector<16xf32>
      %parallel_loop3A_244 = arith.index_cast %parallel_loop3A_208 : i32 to index
      %parallel_loop3A_245 = arith.constant 64 : index
      %parallel_loop3A_246 = tpu.vector_load %arg10[%parallel_loop3A_244, %parallel_loop3A_245] {strides = array<i32>} : memref<128x128xf32, #tpu.memory_space<vmem>>, vector<16xf32>,
      tpu.vector_store %arg10[%parallel_loop3A_244, %parallel_loop3A_245], %parallel_loop3A_243 {strides = array<i32>} : memref<128x128xf32, #tpu.memory_space<vmem>>, vector<16xf32>,
      %parallel_loop3A_247 = arith.index_cast %parallel_loop3A_208 : i32 to index
      %parallel_loop3A_248 = arith.constant 80 : index
      %parallel_loop3A_249 = tpu.vector_load %arg10[%parallel_loop3A_247, %parallel_loop3A_248] {strides = array<i32>} : memref<128x128xf32, #tpu.memory_space<vmem>>, vector<16xf32>,
      %parallel_loop3A_250 = arith.mulf %parallel_loop3A_249, %parallel_loop3A_211 : vector<16xf32>
      %parallel_loop3A_251 = arith.index_cast %parallel_loop3A_208 : i32 to index
      %parallel_loop3A_252 = arith.constant 80 : index
      %parallel_loop3A_253 = tpu.vector_load %arg10[%parallel_loop3A_251, %parallel_loop3A_252] {strides = array<i32>} : memref<128x128xf32, #tpu.memory_space<vmem>>, vector<16xf32>,
      tpu.vector_store %arg10[%parallel_loop3A_251, %parallel_loop3A_252], %parallel_loop3A_250 {strides = array<i32>} : memref<128x128xf32, #tpu.memory_space<vmem>>, vector<16xf32>,
      %parallel_loop3A_254 = arith.index_cast %parallel_loop3A_208 : i32 to index
      %parallel_loop3A_255 = arith.constant 96 : index
      %parallel_loop3A_256 = tpu.vector_load %arg10[%parallel_loop3A_254, %parallel_loop3A_255] {strides = array<i32>} : memref<128x128xf32, #tpu.memory_space<vmem>>, vector<16xf32>,
      %parallel_loop3A_257 = arith.mulf %parallel_loop3A_256, %parallel_loop3A_211 : vector<16xf32>
      %parallel_loop3A_258 = arith.index_cast %parallel_loop3A_208 : i32 to index
      %parallel_loop3A_259 = arith.constant 96 : index
      %parallel_loop3A_260 = tpu.vector_load %arg10[%parallel_loop3A_258, %parallel_loop3A_259] {strides = array<i32>} : memref<128x128xf32, #tpu.memory_space<vmem>>, vector<16xf32>,
      tpu.vector_store %arg10[%parallel_loop3A_258, %parallel_loop3A_259], %parallel_loop3A_257 {strides = array<i32>} : memref<128x128xf32, #tpu.memory_space<vmem>>, vector<16xf32>,
      %parallel_loop3A_261 = arith.index_cast %parallel_loop3A_208 : i32 to index
      %parallel_loop3A_262 = arith.constant 112 : index
      %parallel_loop3A_263 = tpu.vector_load %arg10[%parallel_loop3A_261, %parallel_loop3A_262] {strides = array<i32>} : memref<128x128xf32, #tpu.memory_space<vmem>>, vector<16xf32>,
      %parallel_loop3A_264 = arith.mulf %parallel_loop3A_263, %parallel_loop3A_211 : vector<16xf32>
      %parallel_loop3A_265 = arith.index_cast %parallel_loop3A_208 : i32 to index
      %parallel_loop3A_266 = arith.constant 112 : index
      %parallel_loop3A_267 = tpu.vector_load %arg10[%parallel_loop3A_265, %parallel_loop3A_266] {strides = array<i32>} : memref<128x128xf32, #tpu.memory_space<vmem>>, vector<16xf32>,
      tpu.vector_store %arg10[%parallel_loop3A_265, %parallel_loop3A_266], %parallel_loop3A_264 {strides = array<i32>} : memref<128x128xf32, #tpu.memory_space<vmem>>, vector<16xf32>,
    } {sc.loop_unroll_factor = 2 : i64, sc.parallel_access}
    %dma_start3A_81 = arith.constant 1 : i32
    %dma_start3A_82 = arith.constant 0 : i32
    %dma_start3A_83 = tpu.memref_slice %arg6[%dma_start3A_81, %dma_start3A_82] : memref<3x128xi32, #tpu.memory_space<vmem>> -> memref<1x128xi32, #tpu.memory_space<vmem>>
    %dma_start3A_84 = tpu.memref_squeeze %dma_start3A_83 : memref<1x128xi32, #tpu.memory_space<vmem>> -> memref<128xi32, #tpu.memory_space<vmem>>
    %dma_start3A_85 = arith.constant 0 : i32
    %dma_start3A_86 = arith.constant 0 : i32
    %dma_start3A_87 = tpu.memref_slice %arg12[%dma_start3A_85, %dma_start3A_86] : memref<10240x128xf32, #tpu.memory_space<vmem_shared>> -> memref<10240x128xf32, #tpu.memory_space<vmem_shared>>
    tpu.enqueue_indirect_dma source(%arg10 : memref<128x128xf32, #tpu.memory_space<vmem>>) target(%dma_start3A_87 : memref<10240x128xf32, #tpu.memory_space<vmem_shared>>) offsets(%dma_start3A_84 : memref<128xi32, #tpu.memory_space<vmem>>) semaphore(%arg19 : memref<!tpu.dma_semaphore, #tpu.memory_space<semaphore_mem>>) {add = true}
    %scan3A = arith.constant 0 : i32
    %scan3A_88 = arith.constant 19 : i32
    %scan3A_89 = arith.addi %scan3A, %scan3A_88 : i32
    %scan3A_90 = arith.constant 1 : i32
    scf.for %scan3A_208 = %scan3A to %scan3A_89 step %scan3A_90  : i32 {
      %mul3A_209 = arith.constant 4 : i32
      %mul3A_210 = arith.muli %scan3A_208, %mul3A_209 : i32
      %add3A_211 = arith.constant 1 : i32
      %add3A_212 = arith.addi %add3A_211, %mul3A_210 : i32
      %add3A_213 = arith.constant 0 : i32
      %add3A_214 = arith.addi %add3A_212, %add3A_213 : i32
      %dma_wait3A_215 = arith.constant 0 : i32
      %dma_wait3A_216 = arith.constant 0 : i32
      %dma_wait3A_217 = tpu.memref_slice %arg7[%dma_wait3A_215, %dma_wait3A_216] : memref<3x128xi32, #tpu.memory_space<vmem>> -> memref<1x128xi32, #tpu.memory_space<vmem>>
      %dma_wait3A_218 = tpu.memref_squeeze %dma_wait3A_217 : memref<1x128xi32, #tpu.memory_space<vmem>> -> memref<128xi32, #tpu.memory_space<vmem>>
      %dma_wait3A_219 = arith.constant 0 : i32
      %dma_wait3A_220 = arith.constant 0 : i32
      %dma_wait3A_221 = tpu.memref_slice %arg2[%dma_wait3A_219, %dma_wait3A_220] : memref<10240x128xf32, #tpu.memory_space<hbm>> -> memref<10240x128xf32, #tpu.memory_space<hbm>>
      tpu.wait_indirect_dma semaphore(%arg18 : memref<!tpu.dma_semaphore, #tpu.memory_space<semaphore_mem>>) src(%dma_wait3A_221 : memref<10240x128xf32, #tpu.memory_space<hbm>>) dst(%arg11 : memref<128x128xf32, #tpu.memory_space<vmem>>)
      %sub3A = arith.constant 1 : i32
      %sub3A_222 = arith.subi %add3A_214, %sub3A : i32
      %dma_wait3A_223 = arith.constant 1 : i32
      %dma_wait3A_224 = arith.constant 0 : i32
      %dma_wait3A_225 = tpu.memref_slice %arg6[%dma_wait3A_223, %dma_wait3A_224] : memref<3x128xi32, #tpu.memory_space<vmem>> -> memref<1x128xi32, #tpu.memory_space<vmem>>
      %dma_wait3A_226 = tpu.memref_squeeze %dma_wait3A_225 : memref<1x128xi32, #tpu.memory_space<vmem>> -> memref<128xi32, #tpu.memory_space<vmem>>
      %dma_wait3A_227 = arith.constant 0 : i32
      %dma_wait3A_228 = arith.constant 0 : i32
      %dma_wait3A_229 = tpu.memref_slice %arg12[%dma_wait3A_227, %dma_wait3A_228] : memref<10240x128xf32, #tpu.memory_space<vmem_shared>> -> memref<10240x128xf32, #tpu.memory_space<vmem_shared>>
      tpu.wait_indirect_dma semaphore(%arg19 : memref<!tpu.dma_semaphore, #tpu.memory_space<semaphore_mem>>) src(%arg10 : memref<128x128xf32, #tpu.memory_space<vmem>>) dst(%dma_wait3A_229 : memref<10240x128xf32, #tpu.memory_space<vmem_shared>>)
      %add3A_230 = arith.constant 1 : i32
      %add3A_231 = arith.addi %add3A_214, %add3A_230 : i32
      %dma_wait3A_232 = arith.constant 0 : i32
      %dma_wait3A_233 = arith.constant 0 : i32
      %dma_wait3A_234 = tpu.memref_slice %arg3[%add3A, %add3A_231, %dma_wait3A_232, %dma_wait3A_233] : memref<32x80x3x128xi32, #tpu.memory_space<hbm>> -> memref<1x1x3x128xi32, #tpu.memory_space<hbm>>
      %dma_wait3A_235 = tpu.memref_squeeze %dma_wait3A_234 : memref<1x1x3x128xi32, #tpu.memory_space<hbm>> -> memref<3x128xi32, #tpu.memory_space<hbm>>
      %dma_wait3A_236 = arith.constant 0 : i32
      %dma_wait3A_237 = arith.constant 0 : i32
      %dma_wait3A_238 = tpu.memref_slice %arg3[%add3A, %add3A_231, %dma_wait3A_236, %dma_wait3A_237] : memref<32x80x3x128xi32, #tpu.memory_space<hbm>> -> memref<1x1x3x128xi32, #tpu.memory_space<hbm>>
      %dma_wait3A_239 = tpu.memref_squeeze %dma_wait3A_238 : memref<1x1x3x128xi32, #tpu.memory_space<hbm>> -> memref<3x128xi32, #tpu.memory_space<hbm>>
      tpu.wait_dma2 semaphore(%arg15 : memref<!tpu.dma_semaphore, #tpu.memory_space<semaphore_mem>>) src(%dma_wait3A_239 : memref<3x128xi32, #tpu.memory_space<hbm>>) dst(%arg8 : memref<3x128xi32, #tpu.memory_space<vmem>>)
      %add3A_240 = arith.constant 1 : i32
      %add3A_241 = arith.addi %add3A_214, %add3A_240 : i32
      %dma_start3A_242 = arith.constant 0 : i32
      %dma_start3A_243 = arith.constant 0 : i32
      %dma_start3A_244 = tpu.memref_slice %arg8[%dma_start3A_242, %dma_start3A_243] : memref<3x128xi32, #tpu.memory_space<vmem>> -> memref<1x128xi32, #tpu.memory_space<vmem>>
      %dma_start3A_245 = tpu.memref_squeeze %dma_start3A_244 : memref<1x128xi32, #tpu.memory_space<vmem>> -> memref<128xi32, #tpu.memory_space<vmem>>
      %dma_start3A_246 = arith.constant 0 : i32
      %dma_start3A_247 = arith.constant 0 : i32
      %dma_start3A_248 = tpu.memref_slice %arg2[%dma_start3A_246, %dma_start3A_247] : memref<10240x128xf32, #tpu.memory_space<hbm>> -> memref<10240x128xf32, #tpu.memory_space<hbm>>
      tpu.enqueue_indirect_dma source(%dma_start3A_248 : memref<10240x128xf32, #tpu.memory_space<hbm>>) target(%arg10 : memref<128x128xf32, #tpu.memory_space<vmem>>) offsets(%dma_start3A_245 : memref<128xi32, #tpu.memory_space<vmem>>) semaphore(%arg17 : memref<!tpu.dma_semaphore, #tpu.memory_space<semaphore_mem>>)
      %add3A_249 = arith.constant 3 : i32
      %add3A_250 = arith.addi %add3A_214, %add3A_249 : i32
      %dma_start3A_251 = arith.constant 0 : i32
      %dma_start3A_252 = arith.constant 0 : i32
      %dma_start3A_253 = tpu.memref_slice %arg3[%add3A, %add3A_250, %dma_start3A_251, %dma_start3A_252] : memref<32x80x3x128xi32, #tpu.memory_space<hbm>> -> memref<1x1x3x128xi32, #tpu.memory_space<hbm>>
      %dma_start3A_254 = tpu.memref_squeeze %dma_start3A_253 : memref<1x1x3x128xi32, #tpu.memory_space<hbm>> -> memref<3x128xi32, #tpu.memory_space<hbm>>
      %dma_start3A_255 = arith.constant 0 : i32
      %dma_start3A_256 = arith.constant 0 : i32
      %dma_start3A_257 = tpu.memref_slice %arg3[%add3A, %add3A_250, %dma_start3A_255, %dma_start3A_256] : memref<32x80x3x128xi32, #tpu.memory_space<hbm>> -> memref<1x1x3x128xi32, #tpu.memory_space<hbm>>
      %dma_start3A_258 = tpu.memref_squeeze %dma_start3A_257 : memref<1x1x3x128xi32, #tpu.memory_space<hbm>> -> memref<3x128xi32, #tpu.memory_space<hbm>>
      tpu.enqueue_dma source(%dma_start3A_258 : memref<3x128xi32, #tpu.memory_space<hbm>>) target(%arg6 : memref<3x128xi32, #tpu.memory_space<vmem>>) target_semaphore(%arg13 : memref<!tpu.dma_semaphore, #tpu.memory_space<semaphore_mem>>)
      %parallel_loop3A_259 = arith.constant 0 : i32
      %parallel_loop3A_260 = arith.constant 128 : i32
      %parallel_loop3A_261 = arith.constant 1 : i32
      scf.for %parallel_loop3A_440 = %parallel_loop3A_259 to %parallel_loop3A_260 step %parallel_loop3A_261  : i32 {
        %parallel_loop3A_441 = vector.broadcast %parallel_loop3A_440 : i32 to vector<16xi32>
        %parallel_loop3A_442 = tpu.vector_load_idx %arg7[%broadcast_in_dim3A_1, %parallel_loop3A_441] : memref<3x128xi32, #tpu.memory_space<vmem>>[vector<16xi32>, vector<16xi32>], vector<16xi32>,
        %parallel_loop3A_443 = vector.bitcast %parallel_loop3A_442 : vector<16xi32> to vector<16xf32>
        %parallel_loop3A_444 = arith.index_cast %parallel_loop3A_440 : i32 to index
        %parallel_loop3A_445 = arith.constant 0 : index
        %parallel_loop3A_446 = tpu.vector_load %arg11[%parallel_loop3A_444, %parallel_loop3A_445] {strides = array<i32>} : memref<128x128xf32, #tpu.memory_space<vmem>>, vector<16xf32>,
        %parallel_loop3A_447 = arith.mulf %parallel_loop3A_446, %parallel_loop3A_443 : vector<16xf32>
        %parallel_loop3A_448 = arith.index_cast %parallel_loop3A_440 : i32 to index
        %parallel_loop3A_449 = arith.constant 0 : index
        %parallel_loop3A_450 = tpu.vector_load %arg11[%parallel_loop3A_448, %parallel_loop3A_449] {strides = array<i32>} : memref<128x128xf32, #tpu.memory_space<vmem>>, vector<16xf32>,
        tpu.vector_store %arg11[%parallel_loop3A_448, %parallel_loop3A_449], %parallel_loop3A_447 {strides = array<i32>} : memref<128x128xf32, #tpu.memory_space<vmem>>, vector<16xf32>,
        %parallel_loop3A_451 = arith.index_cast %parallel_loop3A_440 : i32 to index
        %parallel_loop3A_452 = arith.constant 16 : index
        %parallel_loop3A_453 = tpu.vector_load %arg11[%parallel_loop3A_451, %parallel_loop3A_452] {strides = array<i32>} : memref<128x128xf32, #tpu.memory_space<vmem>>, vector<16xf32>,
        %parallel_loop3A_454 = arith.mulf %parallel_loop3A_453, %parallel_loop3A_443 : vector<16xf32>
        %parallel_loop3A_455 = arith.index_cast %parallel_loop3A_440 : i32 to index
        %parallel_loop3A_456 = arith.constant 16 : index
        %parallel_loop3A_457 = tpu.vector_load %arg11[%parallel_loop3A_455, %parallel_loop3A_456] {strides = array<i32>} : memref<128x128xf32, #tpu.memory_space<vmem>>, vector<16xf32>,
        tpu.vector_store %arg11[%parallel_loop3A_455, %parallel_loop3A_456], %parallel_loop3A_454 {strides = array<i32>} : memref<128x128xf32, #tpu.memory_space<vmem>>, vector<16xf32>,
        %parallel_loop3A_458 = arith.index_cast %parallel_loop3A_440 : i32 to index
        %parallel_loop3A_459 = arith.constant 32 : index
        %parallel_loop3A_460 = tpu.vector_load %arg11[%parallel_loop3A_458, %parallel_loop3A_459] {strides = array<i32>} : memref<128x128xf32, #tpu.memory_space<vmem>>, vector<16xf32>,
        %parallel_loop3A_461 = arith.mulf %parallel_loop3A_460, %parallel_loop3A_443 : vector<16xf32>
        %parallel_loop3A_462 = arith.index_cast %parallel_loop3A_440 : i32 to index
        %parallel_loop3A_463 = arith.constant 32 : index
        %parallel_loop3A_464 = tpu.vector_load %arg11[%parallel_loop3A_462, %parallel_loop3A_463] {strides = array<i32>} : memref<128x128xf32, #tpu.memory_space<vmem>>, vector<16xf32>,
        tpu.vector_store %arg11[%parallel_loop3A_462, %parallel_loop3A_463], %parallel_loop3A_461 {strides = array<i32>} : memref<128x128xf32, #tpu.memory_space<vmem>>, vector<16xf32>,
        %parallel_loop3A_465 = arith.index_cast %parallel_loop3A_440 : i32 to index
        %parallel_loop3A_466 = arith.constant 48 : index
        %parallel_loop3A_467 = tpu.vector_load %arg11[%parallel_loop3A_465, %parallel_loop3A_466] {strides = array<i32>} : memref<128x128xf32, #tpu.memory_space<vmem>>, vector<16xf32>,
        %parallel_loop3A_468 = arith.mulf %parallel_loop3A_467, %parallel_loop3A_443 : vector<16xf32>
        %parallel_loop3A_469 = arith.index_cast %parallel_loop3A_440 : i32 to index
        %parallel_loop3A_470 = arith.constant 48 : index
        %parallel_loop3A_471 = tpu.vector_load %arg11[%parallel_loop3A_469, %parallel_loop3A_470] {strides = array<i32>} : memref<128x128xf32, #tpu.memory_space<vmem>>, vector<16xf32>,
        tpu.vector_store %arg11[%parallel_loop3A_469, %parallel_loop3A_470], %parallel_loop3A_468 {strides = array<i32>} : memref<128x128xf32, #tpu.memory_space<vmem>>, vector<16xf32>,
        %parallel_loop3A_472 = arith.index_cast %parallel_loop3A_440 : i32 to index
        %parallel_loop3A_473 = arith.constant 64 : index
        %parallel_loop3A_474 = tpu.vector_load %arg11[%parallel_loop3A_472, %parallel_loop3A_473] {strides = array<i32>} : memref<128x128xf32, #tpu.memory_space<vmem>>, vector<16xf32>,
        %parallel_loop3A_475 = arith.mulf %parallel_loop3A_474, %parallel_loop3A_443 : vector<16xf32>
        %parallel_loop3A_476 = arith.index_cast %parallel_loop3A_440 : i32 to index
        %parallel_loop3A_477 = arith.constant 64 : index
        %parallel_loop3A_478 = tpu.vector_load %arg11[%parallel_loop3A_476, %parallel_loop3A_477] {strides = array<i32>} : memref<128x128xf32, #tpu.memory_space<vmem>>, vector<16xf32>,
        tpu.vector_store %arg11[%parallel_loop3A_476, %parallel_loop3A_477], %parallel_loop3A_475 {strides = array<i32>} : memref<128x128xf32, #tpu.memory_space<vmem>>, vector<16xf32>,
        %parallel_loop3A_479 = arith.index_cast %parallel_loop3A_440 : i32 to index
        %parallel_loop3A_480 = arith.constant 80 : index
        %parallel_loop3A_481 = tpu.vector_load %arg11[%parallel_loop3A_479, %parallel_loop3A_480] {strides = array<i32>} : memref<128x128xf32, #tpu.memory_space<vmem>>, vector<16xf32>,
        %parallel_loop3A_482 = arith.mulf %parallel_loop3A_481, %parallel_loop3A_443 : vector<16xf32>
        %parallel_loop3A_483 = arith.index_cast %parallel_loop3A_440 : i32 to index
        %parallel_loop3A_484 = arith.constant 80 : index
        %parallel_loop3A_485 = tpu.vector_load %arg11[%parallel_loop3A_483, %parallel_loop3A_484] {strides = array<i32>} : memref<128x128xf32, #tpu.memory_space<vmem>>, vector<16xf32>,
        tpu.vector_store %arg11[%parallel_loop3A_483, %parallel_loop3A_484], %parallel_loop3A_482 {strides = array<i32>} : memref<128x128xf32, #tpu.memory_space<vmem>>, vector<16xf32>,
        %parallel_loop3A_486 = arith.index_cast %parallel_loop3A_440 : i32 to index
        %parallel_loop3A_487 = arith.constant 96 : index
        %parallel_loop3A_488 = tpu.vector_load %arg11[%parallel_loop3A_486, %parallel_loop3A_487] {strides = array<i32>} : memref<128x128xf32, #tpu.memory_space<vmem>>, vector<16xf32>,
        %parallel_loop3A_489 = arith.mulf %parallel_loop3A_488, %parallel_loop3A_443 : vector<16xf32>
        %parallel_loop3A_490 = arith.index_cast %parallel_loop3A_440 : i32 to index
        %parallel_loop3A_491 = arith.constant 96 : index
        %parallel_loop3A_492 = tpu.vector_load %arg11[%parallel_loop3A_490, %parallel_loop3A_491] {strides = array<i32>} : memref<128x128xf32, #tpu.memory_space<vmem>>, vector<16xf32>,
        tpu.vector_store %arg11[%parallel_loop3A_490, %parallel_loop3A_491], %parallel_loop3A_489 {strides = array<i32>} : memref<128x128xf32, #tpu.memory_space<vmem>>, vector<16xf32>,
        %parallel_loop3A_493 = arith.index_cast %parallel_loop3A_440 : i32 to index
        %parallel_loop3A_494 = arith.constant 112 : index
        %parallel_loop3A_495 = tpu.vector_load %arg11[%parallel_loop3A_493, %parallel_loop3A_494] {strides = array<i32>} : memref<128x128xf32, #tpu.memory_space<vmem>>, vector<16xf32>,
        %parallel_loop3A_496 = arith.mulf %parallel_loop3A_495, %parallel_loop3A_443 : vector<16xf32>
        %parallel_loop3A_497 = arith.index_cast %parallel_loop3A_440 : i32 to index
        %parallel_loop3A_498 = arith.constant 112 : index
        %parallel_loop3A_499 = tpu.vector_load %arg11[%parallel_loop3A_497, %parallel_loop3A_498] {strides = array<i32>} : memref<128x128xf32, #tpu.memory_space<vmem>>, vector<16xf32>,
        tpu.vector_store %arg11[%parallel_loop3A_497, %parallel_loop3A_498], %parallel_loop3A_496 {strides = array<i32>} : memref<128x128xf32, #tpu.memory_space<vmem>>, vector<16xf32>,
      } {sc.loop_unroll_factor = 2 : i64, sc.parallel_access}
      %dma_start3A_262 = arith.constant 1 : i32
      %dma_start3A_263 = arith.constant 0 : i32
      %dma_start3A_264 = tpu.memref_slice %arg7[%dma_start3A_262, %dma_start3A_263] : memref<3x128xi32, #tpu.memory_space<vmem>> -> memref<1x128xi32, #tpu.memory_space<vmem>>
      %dma_start3A_265 = tpu.memref_squeeze %dma_start3A_264 : memref<1x128xi32, #tpu.memory_space<vmem>> -> memref<128xi32, #tpu.memory_space<vmem>>
      %dma_start3A_266 = arith.constant 0 : i32
      %dma_start3A_267 = arith.constant 0 : i32
      %dma_start3A_268 = tpu.memref_slice %arg12[%dma_start3A_266, %dma_start3A_267] : memref<10240x128xf32, #tpu.memory_space<vmem_shared>> -> memref<10240x128xf32, #tpu.memory_space<vmem_shared>>
      tpu.enqueue_indirect_dma source(%arg11 : memref<128x128xf32, #tpu.memory_space<vmem>>) target(%dma_start3A_268 : memref<10240x128xf32, #tpu.memory_space<vmem_shared>>) offsets(%dma_start3A_265 : memref<128xi32, #tpu.memory_space<vmem>>) semaphore(%arg20 : memref<!tpu.dma_semaphore, #tpu.memory_space<semaphore_mem>>) {add = true}
      %add3A_269 = arith.constant 1 : i32
      %add3A_270 = arith.addi %add3A_212, %add3A_269 : i32
      %dma_wait3A_271 = arith.constant 0 : i32
      %dma_wait3A_272 = arith.constant 0 : i32
      %dma_wait3A_273 = tpu.memref_slice %arg8[%dma_wait3A_271, %dma_wait3A_272] : memref<3x128xi32, #tpu.memory_space<vmem>> -> memref<1x128xi32, #tpu.memory_space<vmem>>
      %dma_wait3A_274 = tpu.memref_squeeze %dma_wait3A_273 : memref<1x128xi32, #tpu.memory_space<vmem>> -> memref<128xi32, #tpu.memory_space<vmem>>
      %dma_wait3A_275 = arith.constant 0 : i32
      %dma_wait3A_276 = arith.constant 0 : i32
      %dma_wait3A_277 = tpu.memref_slice %arg2[%dma_wait3A_275, %dma_wait3A_276] : memref<10240x128xf32, #tpu.memory_space<hbm>> -> memref<10240x128xf32, #tpu.memory_space<hbm>>
      tpu.wait_indirect_dma semaphore(%arg17 : memref<!tpu.dma_semaphore, #tpu.memory_space<semaphore_mem>>) src(%dma_wait3A_277 : memref<10240x128xf32, #tpu.memory_space<hbm>>) dst(%arg10 : memref<128x128xf32, #tpu.memory_space<vmem>>)
      %sub3A_278 = arith.constant 1 : i32
      %sub3A_279 = arith.subi %add3A_270, %sub3A_278 : i32
      %dma_wait3A_280 = arith.constant 1 : i32
      %dma_wait3A_281 = arith.constant 0 : i32
      %dma_wait3A_282 = tpu.memref_slice %arg7[%dma_wait3A_280, %dma_wait3A_281] : memref<3x128xi32, #tpu.memory_space<vmem>> -> memref<1x128xi32, #tpu.memory_space<vmem>>
      %dma_wait3A_283 = tpu.memref_squeeze %dma_wait3A_282 : memref<1x128xi32, #tpu.memory_space<vmem>> -> memref<128xi32, #tpu.memory_space<vmem>>
      %dma_wait3A_284 = arith.constant 0 : i32
      %dma_wait3A_285 = arith.constant 0 : i32
      %dma_wait3A_286 = tpu.memref_slice %arg12[%dma_wait3A_284, %dma_wait3A_285] : memref<10240x128xf32, #tpu.memory_space<vmem_shared>> -> memref<10240x128xf32, #tpu.memory_space<vmem_shared>>
      tpu.wait_indirect_dma semaphore(%arg20 : memref<!tpu.dma_semaphore, #tpu.memory_space<semaphore_mem>>) src(%arg11 : memref<128x128xf32, #tpu.memory_space<vmem>>) dst(%dma_wait3A_286 : memref<10240x128xf32, #tpu.memory_space<vmem_shared>>)
      %add3A_287 = arith.constant 1 : i32
      %add3A_288 = arith.addi %add3A_270, %add3A_287 : i32
      %dma_wait3A_289 = arith.constant 0 : i32
      %dma_wait3A_290 = arith.constant 0 : i32
      %dma_wait3A_291 = tpu.memref_slice %arg3[%add3A, %add3A_288, %dma_wait3A_289, %dma_wait3A_290] : memref<32x80x3x128xi32, #tpu.memory_space<hbm>> -> memref<1x1x3x128xi32, #tpu.memory_space<hbm>>
      %dma_wait3A_292 = tpu.memref_squeeze %dma_wait3A_291 : memref<1x1x3x128xi32, #tpu.memory_space<hbm>> -> memref<3x128xi32, #tpu.memory_space<hbm>>
      %dma_wait3A_293 = arith.constant 0 : i32
      %dma_wait3A_294 = arith.constant 0 : i32
      %dma_wait3A_295 = tpu.memref_slice %arg3[%add3A, %add3A_288, %dma_wait3A_293, %dma_wait3A_294] : memref<32x80x3x128xi32, #tpu.memory_space<hbm>> -> memref<1x1x3x128xi32, #tpu.memory_space<hbm>>
      %dma_wait3A_296 = tpu.memref_squeeze %dma_wait3A_295 : memref<1x1x3x128xi32, #tpu.memory_space<hbm>> -> memref<3x128xi32, #tpu.memory_space<hbm>>
      tpu.wait_dma2 semaphore(%arg16 : memref<!tpu.dma_semaphore, #tpu.memory_space<semaphore_mem>>) src(%dma_wait3A_296 : memref<3x128xi32, #tpu.memory_space<hbm>>) dst(%arg9 : memref<3x128xi32, #tpu.memory_space<vmem>>)
      %add3A_297 = arith.constant 1 : i32
      %add3A_298 = arith.addi %add3A_270, %add3A_297 : i32
      %dma_start3A_299 = arith.constant 0 : i32
      %dma_start3A_300 = arith.constant 0 : i32
      %dma_start3A_301 = tpu.memref_slice %arg9[%dma_start3A_299, %dma_start3A_300] : memref<3x128xi32, #tpu.memory_space<vmem>> -> memref<1x128xi32, #tpu.memory_space<vmem>>
      %dma_start3A_302 = tpu.memref_squeeze %dma_start3A_301 : memref<1x128xi32, #tpu.memory_space<vmem>> -> memref<128xi32, #tpu.memory_space<vmem>>
      %dma_start3A_303 = arith.constant 0 : i32
      %dma_start3A_304 = arith.constant 0 : i32
      %dma_start3A_305 = tpu.memref_slice %arg2[%dma_start3A_303, %dma_start3A_304] : memref<10240x128xf32, #tpu.memory_space<hbm>> -> memref<10240x128xf32, #tpu.memory_space<hbm>>
      tpu.enqueue_indirect_dma source(%dma_start3A_305 : memref<10240x128xf32, #tpu.memory_space<hbm>>) target(%arg11 : memref<128x128xf32, #tpu.memory_space<vmem>>) offsets(%dma_start3A_302 : memref<128xi32, #tpu.memory_space<vmem>>) semaphore(%arg18 : memref<!tpu.dma_semaphore, #tpu.memory_space<semaphore_mem>>)
      %add3A_306 = arith.constant 3 : i32
      %add3A_307 = arith.addi %add3A_270, %add3A_306 : i32
      %dma_start3A_308 = arith.constant 0 : i32
      %dma_start3A_309 = arith.constant 0 : i32
      %dma_start3A_310 = tpu.memref_slice %arg3[%add3A, %add3A_307, %dma_start3A_308, %dma_start3A_309] : memref<32x80x3x128xi32, #tpu.memory_space<hbm>> -> memref<1x1x3x128xi32, #tpu.memory_space<hbm>>
      %dma_start3A_311 = tpu.memref_squeeze %dma_start3A_310 : memref<1x1x3x128xi32, #tpu.memory_space<hbm>> -> memref<3x128xi32, #tpu.memory_space<hbm>>
      %dma_start3A_312 = arith.constant 0 : i32
      %dma_start3A_313 = arith.constant 0 : i32
      %dma_start3A_314 = tpu.memref_slice %arg3[%add3A, %add3A_307, %dma_start3A_312, %dma_start3A_313] : memref<32x80x3x128xi32, #tpu.memory_space<hbm>> -> memref<1x1x3x128xi32, #tpu.memory_space<hbm>>
      %dma_start3A_315 = tpu.memref_squeeze %dma_start3A_314 : memref<1x1x3x128xi32, #tpu.memory_space<hbm>> -> memref<3x128xi32, #tpu.memory_space<hbm>>
      tpu.enqueue_dma source(%dma_start3A_315 : memref<3x128xi32, #tpu.memory_space<hbm>>) target(%arg7 : memref<3x128xi32, #tpu.memory_space<vmem>>) target_semaphore(%arg14 : memref<!tpu.dma_semaphore, #tpu.memory_space<semaphore_mem>>)
      %parallel_loop3A_316 = arith.constant 0 : i32
      %parallel_loop3A_317 = arith.constant 128 : i32
      %parallel_loop3A_318 = arith.constant 1 : i32
      scf.for %parallel_loop3A_440 = %parallel_loop3A_316 to %parallel_loop3A_317 step %parallel_loop3A_318  : i32 {
        %parallel_loop3A_441 = vector.broadcast %parallel_loop3A_440 : i32 to vector<16xi32>
        %parallel_loop3A_442 = tpu.vector_load_idx %arg8[%broadcast_in_dim3A_1, %parallel_loop3A_441] : memref<3x128xi32, #tpu.memory_space<vmem>>[vector<16xi32>, vector<16xi32>], vector<16xi32>,
        %parallel_loop3A_443 = vector.bitcast %parallel_loop3A_442 : vector<16xi32> to vector<16xf32>
        %parallel_loop3A_444 = arith.index_cast %parallel_loop3A_440 : i32 to index
        %parallel_loop3A_445 = arith.constant 0 : index
        %parallel_loop3A_446 = tpu.vector_load %arg10[%parallel_loop3A_444, %parallel_loop3A_445] {strides = array<i32>} : memref<128x128xf32, #tpu.memory_space<vmem>>, vector<16xf32>,
        %parallel_loop3A_447 = arith.mulf %parallel_loop3A_446, %parallel_loop3A_443 : vector<16xf32>
        %parallel_loop3A_448 = arith.index_cast %parallel_loop3A_440 : i32 to index
        %parallel_loop3A_449 = arith.constant 0 : index
        %parallel_loop3A_450 = tpu.vector_load %arg10[%parallel_loop3A_448, %parallel_loop3A_449] {strides = array<i32>} : memref<128x128xf32, #tpu.memory_space<vmem>>, vector<16xf32>,
        tpu.vector_store %arg10[%parallel_loop3A_448, %parallel_loop3A_449], %parallel_loop3A_447 {strides = array<i32>} : memref<128x128xf32, #tpu.memory_space<vmem>>, vector<16xf32>,
        %parallel_loop3A_451 = arith.index_cast %parallel_loop3A_440 : i32 to index
        %parallel_loop3A_452 = arith.constant 16 : index
        %parallel_loop3A_453 = tpu.vector_load %arg10[%parallel_loop3A_451, %parallel_loop3A_452] {strides = array<i32>} : memref<128x128xf32, #tpu.memory_space<vmem>>, vector<16xf32>,
        %parallel_loop3A_454 = arith.mulf %parallel_loop3A_453, %parallel_loop3A_443 : vector<16xf32>
        %parallel_loop3A_455 = arith.index_cast %parallel_loop3A_440 : i32 to index
        %parallel_loop3A_456 = arith.constant 16 : index
        %parallel_loop3A_457 = tpu.vector_load %arg10[%parallel_loop3A_455, %parallel_loop3A_456] {strides = array<i32>} : memref<128x128xf32, #tpu.memory_space<vmem>>, vector<16xf32>,
        tpu.vector_store %arg10[%parallel_loop3A_455, %parallel_loop3A_456], %parallel_loop3A_454 {strides = array<i32>} : memref<128x128xf32, #tpu.memory_space<vmem>>, vector<16xf32>,
        %parallel_loop3A_458 = arith.index_cast %parallel_loop3A_440 : i32 to index
        %parallel_loop3A_459 = arith.constant 32 : index
        %parallel_loop3A_460 = tpu.vector_load %arg10[%parallel_loop3A_458, %parallel_loop3A_459] {strides = array<i32>} : memref<128x128xf32, #tpu.memory_space<vmem>>, vector<16xf32>,
        %parallel_loop3A_461 = arith.mulf %parallel_loop3A_460, %parallel_loop3A_443 : vector<16xf32>
        %parallel_loop3A_462 = arith.index_cast %parallel_loop3A_440 : i32 to index
        %parallel_loop3A_463 = arith.constant 32 : index
        %parallel_loop3A_464 = tpu.vector_load %arg10[%parallel_loop3A_462, %parallel_loop3A_463] {strides = array<i32>} : memref<128x128xf32, #tpu.memory_space<vmem>>, vector<16xf32>,
        tpu.vector_store %arg10[%parallel_loop3A_462, %parallel_loop3A_463], %parallel_loop3A_461 {strides = array<i32>} : memref<128x128xf32, #tpu.memory_space<vmem>>, vector<16xf32>,
        %parallel_loop3A_465 = arith.index_cast %parallel_loop3A_440 : i32 to index
        %parallel_loop3A_466 = arith.constant 48 : index
        %parallel_loop3A_467 = tpu.vector_load %arg10[%parallel_loop3A_465, %parallel_loop3A_466] {strides = array<i32>} : memref<128x128xf32, #tpu.memory_space<vmem>>, vector<16xf32>,
        %parallel_loop3A_468 = arith.mulf %parallel_loop3A_467, %parallel_loop3A_443 : vector<16xf32>
        %parallel_loop3A_469 = arith.index_cast %parallel_loop3A_440 : i32 to index
        %parallel_loop3A_470 = arith.constant 48 : index
        %parallel_loop3A_471 = tpu.vector_load %arg10[%parallel_loop3A_469, %parallel_loop3A_470] {strides = array<i32>} : memref<128x128xf32, #tpu.memory_space<vmem>>, vector<16xf32>,
        tpu.vector_store %arg10[%parallel_loop3A_469, %parallel_loop3A_470], %parallel_loop3A_468 {strides = array<i32>} : memref<128x128xf32, #tpu.memory_space<vmem>>, vector<16xf32>,
        %parallel_loop3A_472 = arith.index_cast %parallel_loop3A_440 : i32 to index
        %parallel_loop3A_473 = arith.constant 64 : index
        %parallel_loop3A_474 = tpu.vector_load %arg10[%parallel_loop3A_472, %parallel_loop3A_473] {strides = array<i32>} : memref<128x128xf32, #tpu.memory_space<vmem>>, vector<16xf32>,
        %parallel_loop3A_475 = arith.mulf %parallel_loop3A_474, %parallel_loop3A_443 : vector<16xf32>
        %parallel_loop3A_476 = arith.index_cast %parallel_loop3A_440 : i32 to index
        %parallel_loop3A_477 = arith.constant 64 : index
        %parallel_loop3A_478 = tpu.vector_load %arg10[%parallel_loop3A_476, %parallel_loop3A_477] {strides = array<i32>} : memref<128x128xf32, #tpu.memory_space<vmem>>, vector<16xf32>,
        tpu.vector_store %arg10[%parallel_loop3A_476, %parallel_loop3A_477], %parallel_loop3A_475 {strides = array<i32>} : memref<128x128xf32, #tpu.memory_space<vmem>>, vector<16xf32>,
        %parallel_loop3A_479 = arith.index_cast %parallel_loop3A_440 : i32 to index
        %parallel_loop3A_480 = arith.constant 80 : index
        %parallel_loop3A_481 = tpu.vector_load %arg10[%parallel_loop3A_479, %parallel_loop3A_480] {strides = array<i32>} : memref<128x128xf32, #tpu.memory_space<vmem>>, vector<16xf32>,
        %parallel_loop3A_482 = arith.mulf %parallel_loop3A_481, %parallel_loop3A_443 : vector<16xf32>
        %parallel_loop3A_483 = arith.index_cast %parallel_loop3A_440 : i32 to index
        %parallel_loop3A_484 = arith.constant 80 : index
        %parallel_loop3A_485 = tpu.vector_load %arg10[%parallel_loop3A_483, %parallel_loop3A_484] {strides = array<i32>} : memref<128x128xf32, #tpu.memory_space<vmem>>, vector<16xf32>,
        tpu.vector_store %arg10[%parallel_loop3A_483, %parallel_loop3A_484], %parallel_loop3A_482 {strides = array<i32>} : memref<128x128xf32, #tpu.memory_space<vmem>>, vector<16xf32>,
        %parallel_loop3A_486 = arith.index_cast %parallel_loop3A_440 : i32 to index
        %parallel_loop3A_487 = arith.constant 96 : index
        %parallel_loop3A_488 = tpu.vector_load %arg10[%parallel_loop3A_486, %parallel_loop3A_487] {strides = array<i32>} : memref<128x128xf32, #tpu.memory_space<vmem>>, vector<16xf32>,
        %parallel_loop3A_489 = arith.mulf %parallel_loop3A_488, %parallel_loop3A_443 : vector<16xf32>
        %parallel_loop3A_490 = arith.index_cast %parallel_loop3A_440 : i32 to index
        %parallel_loop3A_491 = arith.constant 96 : index
        %parallel_loop3A_492 = tpu.vector_load %arg10[%parallel_loop3A_490, %parallel_loop3A_491] {strides = array<i32>} : memref<128x128xf32, #tpu.memory_space<vmem>>, vector<16xf32>,
        tpu.vector_store %arg10[%parallel_loop3A_490, %parallel_loop3A_491], %parallel_loop3A_489 {strides = array<i32>} : memref<128x128xf32, #tpu.memory_space<vmem>>, vector<16xf32>,
        %parallel_loop3A_493 = arith.index_cast %parallel_loop3A_440 : i32 to index
        %parallel_loop3A_494 = arith.constant 112 : index
        %parallel_loop3A_495 = tpu.vector_load %arg10[%parallel_loop3A_493, %parallel_loop3A_494] {strides = array<i32>} : memref<128x128xf32, #tpu.memory_space<vmem>>, vector<16xf32>,
        %parallel_loop3A_496 = arith.mulf %parallel_loop3A_495, %parallel_loop3A_443 : vector<16xf32>
        %parallel_loop3A_497 = arith.index_cast %parallel_loop3A_440 : i32 to index
        %parallel_loop3A_498 = arith.constant 112 : index
        %parallel_loop3A_499 = tpu.vector_load %arg10[%parallel_loop3A_497, %parallel_loop3A_498] {strides = array<i32>} : memref<128x128xf32, #tpu.memory_space<vmem>>, vector<16xf32>,
        tpu.vector_store %arg10[%parallel_loop3A_497, %parallel_loop3A_498], %parallel_loop3A_496 {strides = array<i32>} : memref<128x128xf32, #tpu.memory_space<vmem>>, vector<16xf32>,
      } {sc.loop_unroll_factor = 2 : i64, sc.parallel_access}
      %dma_start3A_319 = arith.constant 1 : i32
      %dma_start3A_320 = arith.constant 0 : i32
      %dma_start3A_321 = tpu.memref_slice %arg8[%dma_start3A_319, %dma_start3A_320] : memref<3x128xi32, #tpu.memory_space<vmem>> -> memref<1x128xi32, #tpu.memory_space<vmem>>
      %dma_start3A_322 = tpu.memref_squeeze %dma_start3A_321 : memref<1x128xi32, #tpu.memory_space<vmem>> -> memref<128xi32, #tpu.memory_space<vmem>>
      %dma_start3A_323 = arith.constant 0 : i32
      %dma_start3A_324 = arith.constant 0 : i32
      %dma_start3A_325 = tpu.memref_slice %arg12[%dma_start3A_323, %dma_start3A_324] : memref<10240x128xf32, #tpu.memory_space<vmem_shared>> -> memref<10240x128xf32, #tpu.memory_space<vmem_shared>>
      tpu.enqueue_indirect_dma source(%arg10 : memref<128x128xf32, #tpu.memory_space<vmem>>) target(%dma_start3A_325 : memref<10240x128xf32, #tpu.memory_space<vmem_shared>>) offsets(%dma_start3A_322 : memref<128xi32, #tpu.memory_space<vmem>>) semaphore(%arg19 : memref<!tpu.dma_semaphore, #tpu.memory_space<semaphore_mem>>) {add = true}
      %add3A_326 = arith.constant 2 : i32
      %add3A_327 = arith.addi %add3A_212, %add3A_326 : i32
      %dma_wait3A_328 = arith.constant 0 : i32
      %dma_wait3A_329 = arith.constant 0 : i32
      %dma_wait3A_330 = tpu.memref_slice %arg9[%dma_wait3A_328, %dma_wait3A_329] : memref<3x128xi32, #tpu.memory_space<vmem>> -> memref<1x128xi32, #tpu.memory_space<vmem>>
      %dma_wait3A_331 = tpu.memref_squeeze %dma_wait3A_330 : memref<1x128xi32, #tpu.memory_space<vmem>> -> memref<128xi32, #tpu.memory_space<vmem>>
      %dma_wait3A_332 = arith.constant 0 : i32
      %dma_wait3A_333 = arith.constant 0 : i32
      %dma_wait3A_334 = tpu.memref_slice %arg2[%dma_wait3A_332, %dma_wait3A_333] : memref<10240x128xf32, #tpu.memory_space<hbm>> -> memref<10240x128xf32, #tpu.memory_space<hbm>>
      tpu.wait_indirect_dma semaphore(%arg18 : memref<!tpu.dma_semaphore, #tpu.memory_space<semaphore_mem>>) src(%dma_wait3A_334 : memref<10240x128xf32, #tpu.memory_space<hbm>>) dst(%arg11 : memref<128x128xf32, #tpu.memory_space<vmem>>)
      %sub3A_335 = arith.constant 1 : i32
      %sub3A_336 = arith.subi %add3A_327, %sub3A_335 : i32
      %dma_wait3A_337 = arith.constant 1 : i32
      %dma_wait3A_338 = arith.constant 0 : i32
      %dma_wait3A_339 = tpu.memref_slice %arg8[%dma_wait3A_337, %dma_wait3A_338] : memref<3x128xi32, #tpu.memory_space<vmem>> -> memref<1x128xi32, #tpu.memory_space<vmem>>
      %dma_wait3A_340 = tpu.memref_squeeze %dma_wait3A_339 : memref<1x128xi32, #tpu.memory_space<vmem>> -> memref<128xi32, #tpu.memory_space<vmem>>
      %dma_wait3A_341 = arith.constant 0 : i32
      %dma_wait3A_342 = arith.constant 0 : i32
      %dma_wait3A_343 = tpu.memref_slice %arg12[%dma_wait3A_341, %dma_wait3A_342] : memref<10240x128xf32, #tpu.memory_space<vmem_shared>> -> memref<10240x128xf32, #tpu.memory_space<vmem_shared>>
      tpu.wait_indirect_dma semaphore(%arg19 : memref<!tpu.dma_semaphore, #tpu.memory_space<semaphore_mem>>) src(%arg10 : memref<128x128xf32, #tpu.memory_space<vmem>>) dst(%dma_wait3A_343 : memref<10240x128xf32, #tpu.memory_space<vmem_shared>>)
      %add3A_344 = arith.constant 1 : i32
      %add3A_345 = arith.addi %add3A_327, %add3A_344 : i32
      %dma_wait3A_346 = arith.constant 0 : i32
      %dma_wait3A_347 = arith.constant 0 : i32
      %dma_wait3A_348 = tpu.memref_slice %arg3[%add3A, %add3A_345, %dma_wait3A_346, %dma_wait3A_347] : memref<32x80x3x128xi32, #tpu.memory_space<hbm>> -> memref<1x1x3x128xi32, #tpu.memory_space<hbm>>
      %dma_wait3A_349 = tpu.memref_squeeze %dma_wait3A_348 : memref<1x1x3x128xi32, #tpu.memory_space<hbm>> -> memref<3x128xi32, #tpu.memory_space<hbm>>
      %dma_wait3A_350 = arith.constant 0 : i32
      %dma_wait3A_351 = arith.constant 0 : i32
      %dma_wait3A_352 = tpu.memref_slice %arg3[%add3A, %add3A_345, %dma_wait3A_350, %dma_wait3A_351] : memref<32x80x3x128xi32, #tpu.memory_space<hbm>> -> memref<1x1x3x128xi32, #tpu.memory_space<hbm>>
      %dma_wait3A_353 = tpu.memref_squeeze %dma_wait3A_352 : memref<1x1x3x128xi32, #tpu.memory_space<hbm>> -> memref<3x128xi32, #tpu.memory_space<hbm>>
      tpu.wait_dma2 semaphore(%arg13 : memref<!tpu.dma_semaphore, #tpu.memory_space<semaphore_mem>>) src(%dma_wait3A_353 : memref<3x128xi32, #tpu.memory_space<hbm>>) dst(%arg6 : memref<3x128xi32, #tpu.memory_space<vmem>>)
      %add3A_354 = arith.constant 1 : i32
      %add3A_355 = arith.addi %add3A_327, %add3A_354 : i32
      %dma_start3A_356 = arith.constant 0 : i32
      %dma_start3A_357 = arith.constant 0 : i32
      %dma_start3A_358 = tpu.memref_slice %arg6[%dma_start3A_356, %dma_start3A_357] : memref<3x128xi32, #tpu.memory_space<vmem>> -> memref<1x128xi32, #tpu.memory_space<vmem>>
      %dma_start3A_359 = tpu.memref_squeeze %dma_start3A_358 : memref<1x128xi32, #tpu.memory_space<vmem>> -> memref<128xi32, #tpu.memory_space<vmem>>
      %dma_start3A_360 = arith.constant 0 : i32
      %dma_start3A_361 = arith.constant 0 : i32
      %dma_start3A_362 = tpu.memref_slice %arg2[%dma_start3A_360, %dma_start3A_361] : memref<10240x128xf32, #tpu.memory_space<hbm>> -> memref<10240x128xf32, #tpu.memory_space<hbm>>
      tpu.enqueue_indirect_dma source(%dma_start3A_362 : memref<10240x128xf32, #tpu.memory_space<hbm>>) target(%arg10 : memref<128x128xf32, #tpu.memory_space<vmem>>) offsets(%dma_start3A_359 : memref<128xi32, #tpu.memory_space<vmem>>) semaphore(%arg17 : memref<!tpu.dma_semaphore, #tpu.memory_space<semaphore_mem>>)
      %add3A_363 = arith.constant 3 : i32
      %add3A_364 = arith.addi %add3A_327, %add3A_363 : i32
      %dma_start3A_365 = arith.constant 0 : i32
      %dma_start3A_366 = arith.constant 0 : i32
      %dma_start3A_367 = tpu.memref_slice %arg3[%add3A, %add3A_364, %dma_start3A_365, %dma_start3A_366] : memref<32x80x3x128xi32, #tpu.memory_space<hbm>> -> memref<1x1x3x128xi32, #tpu.memory_space<hbm>>
      %dma_start3A_368 = tpu.memref_squeeze %dma_start3A_367 : memref<1x1x3x128xi32, #tpu.memory_space<hbm>> -> memref<3x128xi32, #tpu.memory_space<hbm>>
      %dma_start3A_369 = arith.constant 0 : i32
      %dma_start3A_370 = arith.constant 0 : i32
      %dma_start3A_371 = tpu.memref_slice %arg3[%add3A, %add3A_364, %dma_start3A_369, %dma_start3A_370] : memref<32x80x3x128xi32, #tpu.memory_space<hbm>> -> memref<1x1x3x128xi32, #tpu.memory_space<hbm>>
      %dma_start3A_372 = tpu.memref_squeeze %dma_start3A_371 : memref<1x1x3x128xi32, #tpu.memory_space<hbm>> -> memref<3x128xi32, #tpu.memory_space<hbm>>
      tpu.enqueue_dma source(%dma_start3A_372 : memref<3x128xi32, #tpu.memory_space<hbm>>) target(%arg8 : memref<3x128xi32, #tpu.memory_space<vmem>>) target_semaphore(%arg15 : memref<!tpu.dma_semaphore, #tpu.memory_space<semaphore_mem>>)
      %parallel_loop3A_373 = arith.constant 0 : i32
      %parallel_loop3A_374 = arith.constant 128 : i32
      %parallel_loop3A_375 = arith.constant 1 : i32
      scf.for %parallel_loop3A_440 = %parallel_loop3A_373 to %parallel_loop3A_374 step %parallel_loop3A_375  : i32 {
        %parallel_loop3A_441 = vector.broadcast %parallel_loop3A_440 : i32 to vector<16xi32>
        %parallel_loop3A_442 = tpu.vector_load_idx %arg9[%broadcast_in_dim3A_1, %parallel_loop3A_441] : memref<3x128xi32, #tpu.memory_space<vmem>>[vector<16xi32>, vector<16xi32>], vector<16xi32>,
        %parallel_loop3A_443 = vector.bitcast %parallel_loop3A_442 : vector<16xi32> to vector<16xf32>
        %parallel_loop3A_444 = arith.index_cast %parallel_loop3A_440 : i32 to index
        %parallel_loop3A_445 = arith.constant 0 : index
        %parallel_loop3A_446 = tpu.vector_load %arg11[%parallel_loop3A_444, %parallel_loop3A_445] {strides = array<i32>} : memref<128x128xf32, #tpu.memory_space<vmem>>, vector<16xf32>,
        %parallel_loop3A_447 = arith.mulf %parallel_loop3A_446, %parallel_loop3A_443 : vector<16xf32>
        %parallel_loop3A_448 = arith.index_cast %parallel_loop3A_440 : i32 to index
        %parallel_loop3A_449 = arith.constant 0 : index
        %parallel_loop3A_450 = tpu.vector_load %arg11[%parallel_loop3A_448, %parallel_loop3A_449] {strides = array<i32>} : memref<128x128xf32, #tpu.memory_space<vmem>>, vector<16xf32>,
        tpu.vector_store %arg11[%parallel_loop3A_448, %parallel_loop3A_449], %parallel_loop3A_447 {strides = array<i32>} : memref<128x128xf32, #tpu.memory_space<vmem>>, vector<16xf32>,
        %parallel_loop3A_451 = arith.index_cast %parallel_loop3A_440 : i32 to index
        %parallel_loop3A_452 = arith.constant 16 : index
        %parallel_loop3A_453 = tpu.vector_load %arg11[%parallel_loop3A_451, %parallel_loop3A_452] {strides = array<i32>} : memref<128x128xf32, #tpu.memory_space<vmem>>, vector<16xf32>,
        %parallel_loop3A_454 = arith.mulf %parallel_loop3A_453, %parallel_loop3A_443 : vector<16xf32>
        %parallel_loop3A_455 = arith.index_cast %parallel_loop3A_440 : i32 to index
        %parallel_loop3A_456 = arith.constant 16 : index
        %parallel_loop3A_457 = tpu.vector_load %arg11[%parallel_loop3A_455, %parallel_loop3A_456] {strides = array<i32>} : memref<128x128xf32, #tpu.memory_space<vmem>>, vector<16xf32>,
        tpu.vector_store %arg11[%parallel_loop3A_455, %parallel_loop3A_456], %parallel_loop3A_454 {strides = array<i32>} : memref<128x128xf32, #tpu.memory_space<vmem>>, vector<16xf32>,
        %parallel_loop3A_458 = arith.index_cast %parallel_loop3A_440 : i32 to index
        %parallel_loop3A_459 = arith.constant 32 : index
        %parallel_loop3A_460 = tpu.vector_load %arg11[%parallel_loop3A_458, %parallel_loop3A_459] {strides = array<i32>} : memref<128x128xf32, #tpu.memory_space<vmem>>, vector<16xf32>,
        %parallel_loop3A_461 = arith.mulf %parallel_loop3A_460, %parallel_loop3A_443 : vector<16xf32>
        %parallel_loop3A_462 = arith.index_cast %parallel_loop3A_440 : i32 to index
        %parallel_loop3A_463 = arith.constant 32 : index
        %parallel_loop3A_464 = tpu.vector_load %arg11[%parallel_loop3A_462, %parallel_loop3A_463] {strides = array<i32>} : memref<128x128xf32, #tpu.memory_space<vmem>>, vector<16xf32>,
        tpu.vector_store %arg11[%parallel_loop3A_462, %parallel_loop3A_463], %parallel_loop3A_461 {strides = array<i32>} : memref<128x128xf32, #tpu.memory_space<vmem>>, vector<16xf32>,
        %parallel_loop3A_465 = arith.index_cast %parallel_loop3A_440 : i32 to index
        %parallel_loop3A_466 = arith.constant 48 : index
        %parallel_loop3A_467 = tpu.vector_load %arg11[%parallel_loop3A_465, %parallel_loop3A_466] {strides = array<i32>} : memref<128x128xf32, #tpu.memory_space<vmem>>, vector<16xf32>,
        %parallel_loop3A_468 = arith.mulf %parallel_loop3A_467, %parallel_loop3A_443 : vector<16xf32>
        %parallel_loop3A_469 = arith.index_cast %parallel_loop3A_440 : i32 to index
        %parallel_loop3A_470 = arith.constant 48 : index
        %parallel_loop3A_471 = tpu.vector_load %arg11[%parallel_loop3A_469, %parallel_loop3A_470] {strides = array<i32>} : memref<128x128xf32, #tpu.memory_space<vmem>>, vector<16xf32>,
        tpu.vector_store %arg11[%parallel_loop3A_469, %parallel_loop3A_470], %parallel_loop3A_468 {strides = array<i32>} : memref<128x128xf32, #tpu.memory_space<vmem>>, vector<16xf32>,
        %parallel_loop3A_472 = arith.index_cast %parallel_loop3A_440 : i32 to index
        %parallel_loop3A_473 = arith.constant 64 : index
        %parallel_loop3A_474 = tpu.vector_load %arg11[%parallel_loop3A_472, %parallel_loop3A_473] {strides = array<i32>} : memref<128x128xf32, #tpu.memory_space<vmem>>, vector<16xf32>,
        %parallel_loop3A_475 = arith.mulf %parallel_loop3A_474, %parallel_loop3A_443 : vector<16xf32>
        %parallel_loop3A_476 = arith.index_cast %parallel_loop3A_440 : i32 to index
        %parallel_loop3A_477 = arith.constant 64 : index
        %parallel_loop3A_478 = tpu.vector_load %arg11[%parallel_loop3A_476, %parallel_loop3A_477] {strides = array<i32>} : memref<128x128xf32, #tpu.memory_space<vmem>>, vector<16xf32>,
        tpu.vector_store %arg11[%parallel_loop3A_476, %parallel_loop3A_477], %parallel_loop3A_475 {strides = array<i32>} : memref<128x128xf32, #tpu.memory_space<vmem>>, vector<16xf32>,
        %parallel_loop3A_479 = arith.index_cast %parallel_loop3A_440 : i32 to index
        %parallel_loop3A_480 = arith.constant 80 : index
        %parallel_loop3A_481 = tpu.vector_load %arg11[%parallel_loop3A_479, %parallel_loop3A_480] {strides = array<i32>} : memref<128x128xf32, #tpu.memory_space<vmem>>, vector<16xf32>,
        %parallel_loop3A_482 = arith.mulf %parallel_loop3A_481, %parallel_loop3A_443 : vector<16xf32>
        %parallel_loop3A_483 = arith.index_cast %parallel_loop3A_440 : i32 to index
        %parallel_loop3A_484 = arith.constant 80 : index
        %parallel_loop3A_485 = tpu.vector_load %arg11[%parallel_loop3A_483, %parallel_loop3A_484] {strides = array<i32>} : memref<128x128xf32, #tpu.memory_space<vmem>>, vector<16xf32>,
        tpu.vector_store %arg11[%parallel_loop3A_483, %parallel_loop3A_484], %parallel_loop3A_482 {strides = array<i32>} : memref<128x128xf32, #tpu.memory_space<vmem>>, vector<16xf32>,
        %parallel_loop3A_486 = arith.index_cast %parallel_loop3A_440 : i32 to index
        %parallel_loop3A_487 = arith.constant 96 : index
        %parallel_loop3A_488 = tpu.vector_load %arg11[%parallel_loop3A_486, %parallel_loop3A_487] {strides = array<i32>} : memref<128x128xf32, #tpu.memory_space<vmem>>, vector<16xf32>,
        %parallel_loop3A_489 = arith.mulf %parallel_loop3A_488, %parallel_loop3A_443 : vector<16xf32>
        %parallel_loop3A_490 = arith.index_cast %parallel_loop3A_440 : i32 to index
        %parallel_loop3A_491 = arith.constant 96 : index
        %parallel_loop3A_492 = tpu.vector_load %arg11[%parallel_loop3A_490, %parallel_loop3A_491] {strides = array<i32>} : memref<128x128xf32, #tpu.memory_space<vmem>>, vector<16xf32>,
        tpu.vector_store %arg11[%parallel_loop3A_490, %parallel_loop3A_491], %parallel_loop3A_489 {strides = array<i32>} : memref<128x128xf32, #tpu.memory_space<vmem>>, vector<16xf32>,
        %parallel_loop3A_493 = arith.index_cast %parallel_loop3A_440 : i32 to index
        %parallel_loop3A_494 = arith.constant 112 : index
        %parallel_loop3A_495 = tpu.vector_load %arg11[%parallel_loop3A_493, %parallel_loop3A_494] {strides = array<i32>} : memref<128x128xf32, #tpu.memory_space<vmem>>, vector<16xf32>,
        %parallel_loop3A_496 = arith.mulf %parallel_loop3A_495, %parallel_loop3A_443 : vector<16xf32>
        %parallel_loop3A_497 = arith.index_cast %parallel_loop3A_440 : i32 to index
        %parallel_loop3A_498 = arith.constant 112 : index
        %parallel_loop3A_499 = tpu.vector_load %arg11[%parallel_loop3A_497, %parallel_loop3A_498] {strides = array<i32>} : memref<128x128xf32, #tpu.memory_space<vmem>>, vector<16xf32>,
        tpu.vector_store %arg11[%parallel_loop3A_497, %parallel_loop3A_498], %parallel_loop3A_496 {strides = array<i32>} : memref<128x128xf32, #tpu.memory_space<vmem>>, vector<16xf32>,
      } {sc.loop_unroll_factor = 2 : i64, sc.parallel_access}
      %dma_start3A_376 = arith.constant 1 : i32
      %dma_start3A_377 = arith.constant 0 : i32
      %dma_start3A_378 = tpu.memref_slice %arg9[%dma_start3A_376, %dma_start3A_377] : memref<3x128xi32, #tpu.memory_space<vmem>> -> memref<1x128xi32, #tpu.memory_space<vmem>>
      %dma_start3A_379 = tpu.memref_squeeze %dma_start3A_378 : memref<1x128xi32, #tpu.memory_space<vmem>> -> memref<128xi32, #tpu.memory_space<vmem>>
      %dma_start3A_380 = arith.constant 0 : i32
      %dma_start3A_381 = arith.constant 0 : i32
      %dma_start3A_382 = tpu.memref_slice %arg12[%dma_start3A_380, %dma_start3A_381] : memref<10240x128xf32, #tpu.memory_space<vmem_shared>> -> memref<10240x128xf32, #tpu.memory_space<vmem_shared>>
      tpu.enqueue_indirect_dma source(%arg11 : memref<128x128xf32, #tpu.memory_space<vmem>>) target(%dma_start3A_382 : memref<10240x128xf32, #tpu.memory_space<vmem_shared>>) offsets(%dma_start3A_379 : memref<128xi32, #tpu.memory_space<vmem>>) semaphore(%arg20 : memref<!tpu.dma_semaphore, #tpu.memory_space<semaphore_mem>>) {add = true}
      %add3A_383 = arith.constant 3 : i32
      %add3A_384 = arith.addi %add3A_212, %add3A_383 : i32
      %dma_wait3A_385 = arith.constant 0 : i32
      %dma_wait3A_386 = arith.constant 0 : i32
      %dma_wait3A_387 = tpu.memref_slice %arg6[%dma_wait3A_385, %dma_wait3A_386] : memref<3x128xi32, #tpu.memory_space<vmem>> -> memref<1x128xi32, #tpu.memory_space<vmem>>
      %dma_wait3A_388 = tpu.memref_squeeze %dma_wait3A_387 : memref<1x128xi32, #tpu.memory_space<vmem>> -> memref<128xi32, #tpu.memory_space<vmem>>
      %dma_wait3A_389 = arith.constant 0 : i32
      %dma_wait3A_390 = arith.constant 0 : i32
      %dma_wait3A_391 = tpu.memref_slice %arg2[%dma_wait3A_389, %dma_wait3A_390] : memref<10240x128xf32, #tpu.memory_space<hbm>> -> memref<10240x128xf32, #tpu.memory_space<hbm>>
      tpu.wait_indirect_dma semaphore(%arg17 : memref<!tpu.dma_semaphore, #tpu.memory_space<semaphore_mem>>) src(%dma_wait3A_391 : memref<10240x128xf32, #tpu.memory_space<hbm>>) dst(%arg10 : memref<128x128xf32, #tpu.memory_space<vmem>>)
      %sub3A_392 = arith.constant 1 : i32
      %sub3A_393 = arith.subi %add3A_384, %sub3A_392 : i32
      %dma_wait3A_394 = arith.constant 1 : i32
      %dma_wait3A_395 = arith.constant 0 : i32
      %dma_wait3A_396 = tpu.memref_slice %arg9[%dma_wait3A_394, %dma_wait3A_395] : memref<3x128xi32, #tpu.memory_space<vmem>> -> memref<1x128xi32, #tpu.memory_space<vmem>>
      %dma_wait3A_397 = tpu.memref_squeeze %dma_wait3A_396 : memref<1x128xi32, #tpu.memory_space<vmem>> -> memref<128xi32, #tpu.memory_space<vmem>>
      %dma_wait3A_398 = arith.constant 0 : i32
      %dma_wait3A_399 = arith.constant 0 : i32
      %dma_wait3A_400 = tpu.memref_slice %arg12[%dma_wait3A_398, %dma_wait3A_399] : memref<10240x128xf32, #tpu.memory_space<vmem_shared>> -> memref<10240x128xf32, #tpu.memory_space<vmem_shared>>
      tpu.wait_indirect_dma semaphore(%arg20 : memref<!tpu.dma_semaphore, #tpu.memory_space<semaphore_mem>>) src(%arg11 : memref<128x128xf32, #tpu.memory_space<vmem>>) dst(%dma_wait3A_400 : memref<10240x128xf32, #tpu.memory_space<vmem_shared>>)
      %add3A_401 = arith.constant 1 : i32
      %add3A_402 = arith.addi %add3A_384, %add3A_401 : i32
      %dma_wait3A_403 = arith.constant 0 : i32
      %dma_wait3A_404 = arith.constant 0 : i32
      %dma_wait3A_405 = tpu.memref_slice %arg3[%add3A, %add3A_402, %dma_wait3A_403, %dma_wait3A_404] : memref<32x80x3x128xi32, #tpu.memory_space<hbm>> -> memref<1x1x3x128xi32, #tpu.memory_space<hbm>>
      %dma_wait3A_406 = tpu.memref_squeeze %dma_wait3A_405 : memref<1x1x3x128xi32, #tpu.memory_space<hbm>> -> memref<3x128xi32, #tpu.memory_space<hbm>>
      %dma_wait3A_407 = arith.constant 0 : i32
      %dma_wait3A_408 = arith.constant 0 : i32
      %dma_wait3A_409 = tpu.memref_slice %arg3[%add3A, %add3A_402, %dma_wait3A_407, %dma_wait3A_408] : memref<32x80x3x128xi32, #tpu.memory_space<hbm>> -> memref<1x1x3x128xi32, #tpu.memory_space<hbm>>
      %dma_wait3A_410 = tpu.memref_squeeze %dma_wait3A_409 : memref<1x1x3x128xi32, #tpu.memory_space<hbm>> -> memref<3x128xi32, #tpu.memory_space<hbm>>
      tpu.wait_dma2 semaphore(%arg14 : memref<!tpu.dma_semaphore, #tpu.memory_space<semaphore_mem>>) src(%dma_wait3A_410 : memref<3x128xi32, #tpu.memory_space<hbm>>) dst(%arg7 : memref<3x128xi32, #tpu.memory_space<vmem>>)
      %add3A_411 = arith.constant 1 : i32
      %add3A_412 = arith.addi %add3A_384, %add3A_411 : i32
      %dma_start3A_413 = arith.constant 0 : i32
      %dma_start3A_414 = arith.constant 0 : i32
      %dma_start3A_415 = tpu.memref_slice %arg7[%dma_start3A_413, %dma_start3A_414] : memref<3x128xi32, #tpu.memory_space<vmem>> -> memref<1x128xi32, #tpu.memory_space<vmem>>
      %dma_start3A_416 = tpu.memref_squeeze %dma_start3A_415 : memref<1x128xi32, #tpu.memory_space<vmem>> -> memref<128xi32, #tpu.memory_space<vmem>>
      %dma_start3A_417 = arith.constant 0 : i32
      %dma_start3A_418 = arith.constant 0 : i32
      %dma_start3A_419 = tpu.memref_slice %arg2[%dma_start3A_417, %dma_start3A_418] : memref<10240x128xf32, #tpu.memory_space<hbm>> -> memref<10240x128xf32, #tpu.memory_space<hbm>>
      tpu.enqueue_indirect_dma source(%dma_start3A_419 : memref<10240x128xf32, #tpu.memory_space<hbm>>) target(%arg11 : memref<128x128xf32, #tpu.memory_space<vmem>>) offsets(%dma_start3A_416 : memref<128xi32, #tpu.memory_space<vmem>>) semaphore(%arg18 : memref<!tpu.dma_semaphore, #tpu.memory_space<semaphore_mem>>)
      %add3A_420 = arith.constant 3 : i32
      %add3A_421 = arith.addi %add3A_384, %add3A_420 : i32
      %dma_start3A_422 = arith.constant 0 : i32
      %dma_start3A_423 = arith.constant 0 : i32
      %dma_start3A_424 = tpu.memref_slice %arg3[%add3A, %add3A_421, %dma_start3A_422, %dma_start3A_423] : memref<32x80x3x128xi32, #tpu.memory_space<hbm>> -> memref<1x1x3x128xi32, #tpu.memory_space<hbm>>
      %dma_start3A_425 = tpu.memref_squeeze %dma_start3A_424 : memref<1x1x3x128xi32, #tpu.memory_space<hbm>> -> memref<3x128xi32, #tpu.memory_space<hbm>>
      %dma_start3A_426 = arith.constant 0 : i32
      %dma_start3A_427 = arith.constant 0 : i32
      %dma_start3A_428 = tpu.memref_slice %arg3[%add3A, %add3A_421, %dma_start3A_426, %dma_start3A_427] : memref<32x80x3x128xi32, #tpu.memory_space<hbm>> -> memref<1x1x3x128xi32, #tpu.memory_space<hbm>>
      %dma_start3A_429 = tpu.memref_squeeze %dma_start3A_428 : memref<1x1x3x128xi32, #tpu.memory_space<hbm>> -> memref<3x128xi32, #tpu.memory_space<hbm>>
      tpu.enqueue_dma source(%dma_start3A_429 : memref<3x128xi32, #tpu.memory_space<hbm>>) target(%arg9 : memref<3x128xi32, #tpu.memory_space<vmem>>) target_semaphore(%arg16 : memref<!tpu.dma_semaphore, #tpu.memory_space<semaphore_mem>>)
      %parallel_loop3A_430 = arith.constant 0 : i32
      %parallel_loop3A_431 = arith.constant 128 : i32
      %parallel_loop3A_432 = arith.constant 1 : i32
      scf.for %parallel_loop3A_440 = %parallel_loop3A_430 to %parallel_loop3A_431 step %parallel_loop3A_432  : i32 {
        %parallel_loop3A_441 = vector.broadcast %parallel_loop3A_440 : i32 to vector<16xi32>
        %parallel_loop3A_442 = tpu.vector_load_idx %arg6[%broadcast_in_dim3A_1, %parallel_loop3A_441] : memref<3x128xi32, #tpu.memory_space<vmem>>[vector<16xi32>, vector<16xi32>], vector<16xi32>,
        %parallel_loop3A_443 = vector.bitcast %parallel_loop3A_442 : vector<16xi32> to vector<16xf32>
        %parallel_loop3A_444 = arith.index_cast %parallel_loop3A_440 : i32 to index
        %parallel_loop3A_445 = arith.constant 0 : index
        %parallel_loop3A_446 = tpu.vector_load %arg10[%parallel_loop3A_444, %parallel_loop3A_445] {strides = array<i32>} : memref<128x128xf32, #tpu.memory_space<vmem>>, vector<16xf32>,
        %parallel_loop3A_447 = arith.mulf %parallel_loop3A_446, %parallel_loop3A_443 : vector<16xf32>
        %parallel_loop3A_448 = arith.index_cast %parallel_loop3A_440 : i32 to index
        %parallel_loop3A_449 = arith.constant 0 : index
        %parallel_loop3A_450 = tpu.vector_load %arg10[%parallel_loop3A_448, %parallel_loop3A_449] {strides = array<i32>} : memref<128x128xf32, #tpu.memory_space<vmem>>, vector<16xf32>,
        tpu.vector_store %arg10[%parallel_loop3A_448, %parallel_loop3A_449], %parallel_loop3A_447 {strides = array<i32>} : memref<128x128xf32, #tpu.memory_space<vmem>>, vector<16xf32>,
        %parallel_loop3A_451 = arith.index_cast %parallel_loop3A_440 : i32 to index
        %parallel_loop3A_452 = arith.constant 16 : index
        %parallel_loop3A_453 = tpu.vector_load %arg10[%parallel_loop3A_451, %parallel_loop3A_452] {strides = array<i32>} : memref<128x128xf32, #tpu.memory_space<vmem>>, vector<16xf32>,
        %parallel_loop3A_454 = arith.mulf %parallel_loop3A_453, %parallel_loop3A_443 : vector<16xf32>
        %parallel_loop3A_455 = arith.index_cast %parallel_loop3A_440 : i32 to index
        %parallel_loop3A_456 = arith.constant 16 : index
        %parallel_loop3A_457 = tpu.vector_load %arg10[%parallel_loop3A_455, %parallel_loop3A_456] {strides = array<i32>} : memref<128x128xf32, #tpu.memory_space<vmem>>, vector<16xf32>,
        tpu.vector_store %arg10[%parallel_loop3A_455, %parallel_loop3A_456], %parallel_loop3A_454 {strides = array<i32>} : memref<128x128xf32, #tpu.memory_space<vmem>>, vector<16xf32>,
        %parallel_loop3A_458 = arith.index_cast %parallel_loop3A_440 : i32 to index
        %parallel_loop3A_459 = arith.constant 32 : index
        %parallel_loop3A_460 = tpu.vector_load %arg10[%parallel_loop3A_458, %parallel_loop3A_459] {strides = array<i32>} : memref<128x128xf32, #tpu.memory_space<vmem>>, vector<16xf32>,
        %parallel_loop3A_461 = arith.mulf %parallel_loop3A_460, %parallel_loop3A_443 : vector<16xf32>
        %parallel_loop3A_462 = arith.index_cast %parallel_loop3A_440 : i32 to index
        %parallel_loop3A_463 = arith.constant 32 : index
        %parallel_loop3A_464 = tpu.vector_load %arg10[%parallel_loop3A_462, %parallel_loop3A_463] {strides = array<i32>} : memref<128x128xf32, #tpu.memory_space<vmem>>, vector<16xf32>,
        tpu.vector_store %arg10[%parallel_loop3A_462, %parallel_loop3A_463], %parallel_loop3A_461 {strides = array<i32>} : memref<128x128xf32, #tpu.memory_space<vmem>>, vector<16xf32>,
        %parallel_loop3A_465 = arith.index_cast %parallel_loop3A_440 : i32 to index
        %parallel_loop3A_466 = arith.constant 48 : index
        %parallel_loop3A_467 = tpu.vector_load %arg10[%parallel_loop3A_465, %parallel_loop3A_466] {strides = array<i32>} : memref<128x128xf32, #tpu.memory_space<vmem>>, vector<16xf32>,
        %parallel_loop3A_468 = arith.mulf %parallel_loop3A_467, %parallel_loop3A_443 : vector<16xf32>
        %parallel_loop3A_469 = arith.index_cast %parallel_loop3A_440 : i32 to index
        %parallel_loop3A_470 = arith.constant 48 : index
        %parallel_loop3A_471 = tpu.vector_load %arg10[%parallel_loop3A_469, %parallel_loop3A_470] {strides = array<i32>} : memref<128x128xf32, #tpu.memory_space<vmem>>, vector<16xf32>,
        tpu.vector_store %arg10[%parallel_loop3A_469, %parallel_loop3A_470], %parallel_loop3A_468 {strides = array<i32>} : memref<128x128xf32, #tpu.memory_space<vmem>>, vector<16xf32>,
        %parallel_loop3A_472 = arith.index_cast %parallel_loop3A_440 : i32 to index
        %parallel_loop3A_473 = arith.constant 64 : index
        %parallel_loop3A_474 = tpu.vector_load %arg10[%parallel_loop3A_472, %parallel_loop3A_473] {strides = array<i32>} : memref<128x128xf32, #tpu.memory_space<vmem>>, vector<16xf32>,
        %parallel_loop3A_475 = arith.mulf %parallel_loop3A_474, %parallel_loop3A_443 : vector<16xf32>
        %parallel_loop3A_476 = arith.index_cast %parallel_loop3A_440 : i32 to index
        %parallel_loop3A_477 = arith.constant 64 : index
        %parallel_loop3A_478 = tpu.vector_load %arg10[%parallel_loop3A_476, %parallel_loop3A_477] {strides = array<i32>} : memref<128x128xf32, #tpu.memory_space<vmem>>, vector<16xf32>,
        tpu.vector_store %arg10[%parallel_loop3A_476, %parallel_loop3A_477], %parallel_loop3A_475 {strides = array<i32>} : memref<128x128xf32, #tpu.memory_space<vmem>>, vector<16xf32>,
        %parallel_loop3A_479 = arith.index_cast %parallel_loop3A_440 : i32 to index
        %parallel_loop3A_480 = arith.constant 80 : index
        %parallel_loop3A_481 = tpu.vector_load %arg10[%parallel_loop3A_479, %parallel_loop3A_480] {strides = array<i32>} : memref<128x128xf32, #tpu.memory_space<vmem>>, vector<16xf32>,
        %parallel_loop3A_482 = arith.mulf %parallel_loop3A_481, %parallel_loop3A_443 : vector<16xf32>
        %parallel_loop3A_483 = arith.index_cast %parallel_loop3A_440 : i32 to index
        %parallel_loop3A_484 = arith.constant 80 : index
        %parallel_loop3A_485 = tpu.vector_load %arg10[%parallel_loop3A_483, %parallel_loop3A_484] {strides = array<i32>} : memref<128x128xf32, #tpu.memory_space<vmem>>, vector<16xf32>,
        tpu.vector_store %arg10[%parallel_loop3A_483, %parallel_loop3A_484], %parallel_loop3A_482 {strides = array<i32>} : memref<128x128xf32, #tpu.memory_space<vmem>>, vector<16xf32>,
        %parallel_loop3A_486 = arith.index_cast %parallel_loop3A_440 : i32 to index
        %parallel_loop3A_487 = arith.constant 96 : index
        %parallel_loop3A_488 = tpu.vector_load %arg10[%parallel_loop3A_486, %parallel_loop3A_487] {strides = array<i32>} : memref<128x128xf32, #tpu.memory_space<vmem>>, vector<16xf32>,
        %parallel_loop3A_489 = arith.mulf %parallel_loop3A_488, %parallel_loop3A_443 : vector<16xf32>
        %parallel_loop3A_490 = arith.index_cast %parallel_loop3A_440 : i32 to index
        %parallel_loop3A_491 = arith.constant 96 : index
        %parallel_loop3A_492 = tpu.vector_load %arg10[%parallel_loop3A_490, %parallel_loop3A_491] {strides = array<i32>} : memref<128x128xf32, #tpu.memory_space<vmem>>, vector<16xf32>,
        tpu.vector_store %arg10[%parallel_loop3A_490, %parallel_loop3A_491], %parallel_loop3A_489 {strides = array<i32>} : memref<128x128xf32, #tpu.memory_space<vmem>>, vector<16xf32>,
        %parallel_loop3A_493 = arith.index_cast %parallel_loop3A_440 : i32 to index
        %parallel_loop3A_494 = arith.constant 112 : index
        %parallel_loop3A_495 = tpu.vector_load %arg10[%parallel_loop3A_493, %parallel_loop3A_494] {strides = array<i32>} : memref<128x128xf32, #tpu.memory_space<vmem>>, vector<16xf32>,
        %parallel_loop3A_496 = arith.mulf %parallel_loop3A_495, %parallel_loop3A_443 : vector<16xf32>
        %parallel_loop3A_497 = arith.index_cast %parallel_loop3A_440 : i32 to index
        %parallel_loop3A_498 = arith.constant 112 : index
        %parallel_loop3A_499 = tpu.vector_load %arg10[%parallel_loop3A_497, %parallel_loop3A_498] {strides = array<i32>} : memref<128x128xf32, #tpu.memory_space<vmem>>, vector<16xf32>,
        tpu.vector_store %arg10[%parallel_loop3A_497, %parallel_loop3A_498], %parallel_loop3A_496 {strides = array<i32>} : memref<128x128xf32, #tpu.memory_space<vmem>>, vector<16xf32>,
      } {sc.loop_unroll_factor = 2 : i64, sc.parallel_access}
      %dma_start3A_433 = arith.constant 1 : i32
      %dma_start3A_434 = arith.constant 0 : i32
      %dma_start3A_435 = tpu.memref_slice %arg6[%dma_start3A_433, %dma_start3A_434] : memref<3x128xi32, #tpu.memory_space<vmem>> -> memref<1x128xi32, #tpu.memory_space<vmem>>
      %dma_start3A_436 = tpu.memref_squeeze %dma_start3A_435 : memref<1x128xi32, #tpu.memory_space<vmem>> -> memref<128xi32, #tpu.memory_space<vmem>>
      %dma_start3A_437 = arith.constant 0 : i32
      %dma_start3A_438 = arith.constant 0 : i32
      %dma_start3A_439 = tpu.memref_slice %arg12[%dma_start3A_437, %dma_start3A_438] : memref<10240x128xf32, #tpu.memory_space<vmem_shared>> -> memref<10240x128xf32, #tpu.memory_space<vmem_shared>>
      tpu.enqueue_indirect_dma source(%arg10 : memref<128x128xf32, #tpu.memory_space<vmem>>) target(%dma_start3A_439 : memref<10240x128xf32, #tpu.memory_space<vmem_shared>>) offsets(%dma_start3A_436 : memref<128xi32, #tpu.memory_space<vmem>>) semaphore(%arg19 : memref<!tpu.dma_semaphore, #tpu.memory_space<semaphore_mem>>) {add = true}
    }
    %scan3A_91 = arith.constant 19 : i32
    %dma_wait3A_92 = arith.constant 0 : i32
    %dma_wait3A_93 = arith.constant 0 : i32
    %dma_wait3A_94 = tpu.memref_slice %arg7[%dma_wait3A_92, %dma_wait3A_93] : memref<3x128xi32, #tpu.memory_space<vmem>> -> memref<1x128xi32, #tpu.memory_space<vmem>>
    %dma_wait3A_95 = tpu.memref_squeeze %dma_wait3A_94 : memref<1x128xi32, #tpu.memory_space<vmem>> -> memref<128xi32, #tpu.memory_space<vmem>>
    %dma_wait3A_96 = arith.constant 0 : i32
    %dma_wait3A_97 = arith.constant 0 : i32
    %dma_wait3A_98 = tpu.memref_slice %arg2[%dma_wait3A_96, %dma_wait3A_97] : memref<10240x128xf32, #tpu.memory_space<hbm>> -> memref<10240x128xf32, #tpu.memory_space<hbm>>
    tpu.wait_indirect_dma semaphore(%arg18 : memref<!tpu.dma_semaphore, #tpu.memory_space<semaphore_mem>>) src(%dma_wait3A_98 : memref<10240x128xf32, #tpu.memory_space<hbm>>) dst(%arg11 : memref<128x128xf32, #tpu.memory_space<vmem>>)
    %dma_wait3A_99 = arith.constant 1 : i32
    %dma_wait3A_100 = arith.constant 0 : i32
    %dma_wait3A_101 = tpu.memref_slice %arg6[%dma_wait3A_99, %dma_wait3A_100] : memref<3x128xi32, #tpu.memory_space<vmem>> -> memref<1x128xi32, #tpu.memory_space<vmem>>
    %dma_wait3A_102 = tpu.memref_squeeze %dma_wait3A_101 : memref<1x128xi32, #tpu.memory_space<vmem>> -> memref<128xi32, #tpu.memory_space<vmem>>
    %dma_wait3A_103 = arith.constant 0 : i32
    %dma_wait3A_104 = arith.constant 0 : i32
    %dma_wait3A_105 = tpu.memref_slice %arg12[%dma_wait3A_103, %dma_wait3A_104] : memref<10240x128xf32, #tpu.memory_space<vmem_shared>> -> memref<10240x128xf32, #tpu.memory_space<vmem_shared>>
    tpu.wait_indirect_dma semaphore(%arg19 : memref<!tpu.dma_semaphore, #tpu.memory_space<semaphore_mem>>) src(%arg10 : memref<128x128xf32, #tpu.memory_space<vmem>>) dst(%dma_wait3A_105 : memref<10240x128xf32, #tpu.memory_space<vmem_shared>>)
    %dma_wait3A_106 = arith.constant 78 : i32
    %dma_wait3A_107 = arith.constant 0 : i32
    %dma_wait3A_108 = arith.constant 0 : i32
    %dma_wait3A_109 = tpu.memref_slice %arg3[%add3A, %dma_wait3A_106, %dma_wait3A_107, %dma_wait3A_108] : memref<32x80x3x128xi32, #tpu.memory_space<hbm>> -> memref<1x1x3x128xi32, #tpu.memory_space<hbm>>
    %dma_wait3A_110 = tpu.memref_squeeze %dma_wait3A_109 : memref<1x1x3x128xi32, #tpu.memory_space<hbm>> -> memref<3x128xi32, #tpu.memory_space<hbm>>
    %dma_wait3A_111 = arith.constant 0 : i32
    %dma_wait3A_112 = arith.constant 0 : i32
    %dma_wait3A_113 = tpu.memref_slice %arg3[%add3A, %dma_wait3A_106, %dma_wait3A_111, %dma_wait3A_112] : memref<32x80x3x128xi32, #tpu.memory_space<hbm>> -> memref<1x1x3x128xi32, #tpu.memory_space<hbm>>
    %dma_wait3A_114 = tpu.memref_squeeze %dma_wait3A_113 : memref<1x1x3x128xi32, #tpu.memory_space<hbm>> -> memref<3x128xi32, #tpu.memory_space<hbm>>
    tpu.wait_dma2 semaphore(%arg15 : memref<!tpu.dma_semaphore, #tpu.memory_space<semaphore_mem>>) src(%dma_wait3A_114 : memref<3x128xi32, #tpu.memory_space<hbm>>) dst(%arg8 : memref<3x128xi32, #tpu.memory_space<vmem>>)
    %dma_start3A_115 = arith.constant 0 : i32
    %dma_start3A_116 = arith.constant 0 : i32
    %dma_start3A_117 = tpu.memref_slice %arg8[%dma_start3A_115, %dma_start3A_116] : memref<3x128xi32, #tpu.memory_space<vmem>> -> memref<1x128xi32, #tpu.memory_space<vmem>>
    %dma_start3A_118 = tpu.memref_squeeze %dma_start3A_117 : memref<1x128xi32, #tpu.memory_space<vmem>> -> memref<128xi32, #tpu.memory_space<vmem>>
    %dma_start3A_119 = arith.constant 0 : i32
    %dma_start3A_120 = arith.constant 0 : i32
    %dma_start3A_121 = tpu.memref_slice %arg2[%dma_start3A_119, %dma_start3A_120] : memref<10240x128xf32, #tpu.memory_space<hbm>> -> memref<10240x128xf32, #tpu.memory_space<hbm>>
    tpu.enqueue_indirect_dma source(%dma_start3A_121 : memref<10240x128xf32, #tpu.memory_space<hbm>>) target(%arg10 : memref<128x128xf32, #tpu.memory_space<vmem>>) offsets(%dma_start3A_118 : memref<128xi32, #tpu.memory_space<vmem>>) semaphore(%arg17 : memref<!tpu.dma_semaphore, #tpu.memory_space<semaphore_mem>>)
    %parallel_loop3A_122 = arith.constant 0 : i32
    %parallel_loop3A_123 = arith.constant 128 : i32
    %parallel_loop3A_124 = arith.constant 1 : i32
    scf.for %parallel_loop3A_208 = %parallel_loop3A_122 to %parallel_loop3A_123 step %parallel_loop3A_124  : i32 {
      %parallel_loop3A_209 = vector.broadcast %parallel_loop3A_208 : i32 to vector<16xi32>
      %parallel_loop3A_210 = tpu.vector_load_idx %arg7[%broadcast_in_dim3A_1, %parallel_loop3A_209] : memref<3x128xi32, #tpu.memory_space<vmem>>[vector<16xi32>, vector<16xi32>], vector<16xi32>,
      %parallel_loop3A_211 = vector.bitcast %parallel_loop3A_210 : vector<16xi32> to vector<16xf32>
      %parallel_loop3A_212 = arith.index_cast %parallel_loop3A_208 : i32 to index
      %parallel_loop3A_213 = arith.constant 0 : index
      %parallel_loop3A_214 = tpu.vector_load %arg11[%parallel_loop3A_212, %parallel_loop3A_213] {strides = array<i32>} : memref<128x128xf32, #tpu.memory_space<vmem>>, vector<16xf32>,
      %parallel_loop3A_215 = arith.mulf %parallel_loop3A_214, %parallel_loop3A_211 : vector<16xf32>
      %parallel_loop3A_216 = arith.index_cast %parallel_loop3A_208 : i32 to index
      %parallel_loop3A_217 = arith.constant 0 : index
      %parallel_loop3A_218 = tpu.vector_load %arg11[%parallel_loop3A_216, %parallel_loop3A_217] {strides = array<i32>} : memref<128x128xf32, #tpu.memory_space<vmem>>, vector<16xf32>,
      tpu.vector_store %arg11[%parallel_loop3A_216, %parallel_loop3A_217], %parallel_loop3A_215 {strides = array<i32>} : memref<128x128xf32, #tpu.memory_space<vmem>>, vector<16xf32>,
      %parallel_loop3A_219 = arith.index_cast %parallel_loop3A_208 : i32 to index
      %parallel_loop3A_220 = arith.constant 16 : index
      %parallel_loop3A_221 = tpu.vector_load %arg11[%parallel_loop3A_219, %parallel_loop3A_220] {strides = array<i32>} : memref<128x128xf32, #tpu.memory_space<vmem>>, vector<16xf32>,
      %parallel_loop3A_222 = arith.mulf %parallel_loop3A_221, %parallel_loop3A_211 : vector<16xf32>
      %parallel_loop3A_223 = arith.index_cast %parallel_loop3A_208 : i32 to index
      %parallel_loop3A_224 = arith.constant 16 : index
      %parallel_loop3A_225 = tpu.vector_load %arg11[%parallel_loop3A_223, %parallel_loop3A_224] {strides = array<i32>} : memref<128x128xf32, #tpu.memory_space<vmem>>, vector<16xf32>,
      tpu.vector_store %arg11[%parallel_loop3A_223, %parallel_loop3A_224], %parallel_loop3A_222 {strides = array<i32>} : memref<128x128xf32, #tpu.memory_space<vmem>>, vector<16xf32>,
      %parallel_loop3A_226 = arith.index_cast %parallel_loop3A_208 : i32 to index
      %parallel_loop3A_227 = arith.constant 32 : index
      %parallel_loop3A_228 = tpu.vector_load %arg11[%parallel_loop3A_226, %parallel_loop3A_227] {strides = array<i32>} : memref<128x128xf32, #tpu.memory_space<vmem>>, vector<16xf32>,
      %parallel_loop3A_229 = arith.mulf %parallel_loop3A_228, %parallel_loop3A_211 : vector<16xf32>
      %parallel_loop3A_230 = arith.index_cast %parallel_loop3A_208 : i32 to index
      %parallel_loop3A_231 = arith.constant 32 : index
      %parallel_loop3A_232 = tpu.vector_load %arg11[%parallel_loop3A_230, %parallel_loop3A_231] {strides = array<i32>} : memref<128x128xf32, #tpu.memory_space<vmem>>, vector<16xf32>,
      tpu.vector_store %arg11[%parallel_loop3A_230, %parallel_loop3A_231], %parallel_loop3A_229 {strides = array<i32>} : memref<128x128xf32, #tpu.memory_space<vmem>>, vector<16xf32>,
      %parallel_loop3A_233 = arith.index_cast %parallel_loop3A_208 : i32 to index
      %parallel_loop3A_234 = arith.constant 48 : index
      %parallel_loop3A_235 = tpu.vector_load %arg11[%parallel_loop3A_233, %parallel_loop3A_234] {strides = array<i32>} : memref<128x128xf32, #tpu.memory_space<vmem>>, vector<16xf32>,
      %parallel_loop3A_236 = arith.mulf %parallel_loop3A_235, %parallel_loop3A_211 : vector<16xf32>
      %parallel_loop3A_237 = arith.index_cast %parallel_loop3A_208 : i32 to index
      %parallel_loop3A_238 = arith.constant 48 : index
      %parallel_loop3A_239 = tpu.vector_load %arg11[%parallel_loop3A_237, %parallel_loop3A_238] {strides = array<i32>} : memref<128x128xf32, #tpu.memory_space<vmem>>, vector<16xf32>,
      tpu.vector_store %arg11[%parallel_loop3A_237, %parallel_loop3A_238], %parallel_loop3A_236 {strides = array<i32>} : memref<128x128xf32, #tpu.memory_space<vmem>>, vector<16xf32>,
      %parallel_loop3A_240 = arith.index_cast %parallel_loop3A_208 : i32 to index
      %parallel_loop3A_241 = arith.constant 64 : index
      %parallel_loop3A_242 = tpu.vector_load %arg11[%parallel_loop3A_240, %parallel_loop3A_241] {strides = array<i32>} : memref<128x128xf32, #tpu.memory_space<vmem>>, vector<16xf32>,
      %parallel_loop3A_243 = arith.mulf %parallel_loop3A_242, %parallel_loop3A_211 : vector<16xf32>
      %parallel_loop3A_244 = arith.index_cast %parallel_loop3A_208 : i32 to index
      %parallel_loop3A_245 = arith.constant 64 : index
      %parallel_loop3A_246 = tpu.vector_load %arg11[%parallel_loop3A_244, %parallel_loop3A_245] {strides = array<i32>} : memref<128x128xf32, #tpu.memory_space<vmem>>, vector<16xf32>,
      tpu.vector_store %arg11[%parallel_loop3A_244, %parallel_loop3A_245], %parallel_loop3A_243 {strides = array<i32>} : memref<128x128xf32, #tpu.memory_space<vmem>>, vector<16xf32>,
      %parallel_loop3A_247 = arith.index_cast %parallel_loop3A_208 : i32 to index
      %parallel_loop3A_248 = arith.constant 80 : index
      %parallel_loop3A_249 = tpu.vector_load %arg11[%parallel_loop3A_247, %parallel_loop3A_248] {strides = array<i32>} : memref<128x128xf32, #tpu.memory_space<vmem>>, vector<16xf32>,
      %parallel_loop3A_250 = arith.mulf %parallel_loop3A_249, %parallel_loop3A_211 : vector<16xf32>
      %parallel_loop3A_251 = arith.index_cast %parallel_loop3A_208 : i32 to index
      %parallel_loop3A_252 = arith.constant 80 : index
      %parallel_loop3A_253 = tpu.vector_load %arg11[%parallel_loop3A_251, %parallel_loop3A_252] {strides = array<i32>} : memref<128x128xf32, #tpu.memory_space<vmem>>, vector<16xf32>,
      tpu.vector_store %arg11[%parallel_loop3A_251, %parallel_loop3A_252], %parallel_loop3A_250 {strides = array<i32>} : memref<128x128xf32, #tpu.memory_space<vmem>>, vector<16xf32>,
      %parallel_loop3A_254 = arith.index_cast %parallel_loop3A_208 : i32 to index
      %parallel_loop3A_255 = arith.constant 96 : index
      %parallel_loop3A_256 = tpu.vector_load %arg11[%parallel_loop3A_254, %parallel_loop3A_255] {strides = array<i32>} : memref<128x128xf32, #tpu.memory_space<vmem>>, vector<16xf32>,
      %parallel_loop3A_257 = arith.mulf %parallel_loop3A_256, %parallel_loop3A_211 : vector<16xf32>
      %parallel_loop3A_258 = arith.index_cast %parallel_loop3A_208 : i32 to index
      %parallel_loop3A_259 = arith.constant 96 : index
      %parallel_loop3A_260 = tpu.vector_load %arg11[%parallel_loop3A_258, %parallel_loop3A_259] {strides = array<i32>} : memref<128x128xf32, #tpu.memory_space<vmem>>, vector<16xf32>,
      tpu.vector_store %arg11[%parallel_loop3A_258, %parallel_loop3A_259], %parallel_loop3A_257 {strides = array<i32>} : memref<128x128xf32, #tpu.memory_space<vmem>>, vector<16xf32>,
      %parallel_loop3A_261 = arith.index_cast %parallel_loop3A_208 : i32 to index
      %parallel_loop3A_262 = arith.constant 112 : index
      %parallel_loop3A_263 = tpu.vector_load %arg11[%parallel_loop3A_261, %parallel_loop3A_262] {strides = array<i32>} : memref<128x128xf32, #tpu.memory_space<vmem>>, vector<16xf32>,
      %parallel_loop3A_264 = arith.mulf %parallel_loop3A_263, %parallel_loop3A_211 : vector<16xf32>
      %parallel_loop3A_265 = arith.index_cast %parallel_loop3A_208 : i32 to index
      %parallel_loop3A_266 = arith.constant 112 : index
      %parallel_loop3A_267 = tpu.vector_load %arg11[%parallel_loop3A_265, %parallel_loop3A_266] {strides = array<i32>} : memref<128x128xf32, #tpu.memory_space<vmem>>, vector<16xf32>,
      tpu.vector_store %arg11[%parallel_loop3A_265, %parallel_loop3A_266], %parallel_loop3A_264 {strides = array<i32>} : memref<128x128xf32, #tpu.memory_space<vmem>>, vector<16xf32>,
    } {sc.loop_unroll_factor = 2 : i64, sc.parallel_access}
    %dma_start3A_125 = arith.constant 1 : i32
    %dma_start3A_126 = arith.constant 0 : i32
    %dma_start3A_127 = tpu.memref_slice %arg7[%dma_start3A_125, %dma_start3A_126] : memref<3x128xi32, #tpu.memory_space<vmem>> -> memref<1x128xi32, #tpu.memory_space<vmem>>
    %dma_start3A_128 = tpu.memref_squeeze %dma_start3A_127 : memref<1x128xi32, #tpu.memory_space<vmem>> -> memref<128xi32, #tpu.memory_space<vmem>>
    %dma_start3A_129 = arith.constant 0 : i32
    %dma_start3A_130 = arith.constant 0 : i32
    %dma_start3A_131 = tpu.memref_slice %arg12[%dma_start3A_129, %dma_start3A_130] : memref<10240x128xf32, #tpu.memory_space<vmem_shared>> -> memref<10240x128xf32, #tpu.memory_space<vmem_shared>>
    tpu.enqueue_indirect_dma source(%arg11 : memref<128x128xf32, #tpu.memory_space<vmem>>) target(%dma_start3A_131 : memref<10240x128xf32, #tpu.memory_space<vmem_shared>>) offsets(%dma_start3A_128 : memref<128xi32, #tpu.memory_space<vmem>>) semaphore(%arg20 : memref<!tpu.dma_semaphore, #tpu.memory_space<semaphore_mem>>) {add = true}
    %dma_wait3A_132 = arith.constant 0 : i32
    %dma_wait3A_133 = arith.constant 0 : i32
    %dma_wait3A_134 = tpu.memref_slice %arg8[%dma_wait3A_132, %dma_wait3A_133] : memref<3x128xi32, #tpu.memory_space<vmem>> -> memref<1x128xi32, #tpu.memory_space<vmem>>
    %dma_wait3A_135 = tpu.memref_squeeze %dma_wait3A_134 : memref<1x128xi32, #tpu.memory_space<vmem>> -> memref<128xi32, #tpu.memory_space<vmem>>
    %dma_wait3A_136 = arith.constant 0 : i32
    %dma_wait3A_137 = arith.constant 0 : i32
    %dma_wait3A_138 = tpu.memref_slice %arg2[%dma_wait3A_136, %dma_wait3A_137] : memref<10240x128xf32, #tpu.memory_space<hbm>> -> memref<10240x128xf32, #tpu.memory_space<hbm>>
    tpu.wait_indirect_dma semaphore(%arg17 : memref<!tpu.dma_semaphore, #tpu.memory_space<semaphore_mem>>) src(%dma_wait3A_138 : memref<10240x128xf32, #tpu.memory_space<hbm>>) dst(%arg10 : memref<128x128xf32, #tpu.memory_space<vmem>>)
    %dma_wait3A_139 = arith.constant 1 : i32
    %dma_wait3A_140 = arith.constant 0 : i32
    %dma_wait3A_141 = tpu.memref_slice %arg7[%dma_wait3A_139, %dma_wait3A_140] : memref<3x128xi32, #tpu.memory_space<vmem>> -> memref<1x128xi32, #tpu.memory_space<vmem>>
    %dma_wait3A_142 = tpu.memref_squeeze %dma_wait3A_141 : memref<1x128xi32, #tpu.memory_space<vmem>> -> memref<128xi32, #tpu.memory_space<vmem>>
    %dma_wait3A_143 = arith.constant 0 : i32
    %dma_wait3A_144 = arith.constant 0 : i32
    %dma_wait3A_145 = tpu.memref_slice %arg12[%dma_wait3A_143, %dma_wait3A_144] : memref<10240x128xf32, #tpu.memory_space<vmem_shared>> -> memref<10240x128xf32, #tpu.memory_space<vmem_shared>>
    tpu.wait_indirect_dma semaphore(%arg20 : memref<!tpu.dma_semaphore, #tpu.memory_space<semaphore_mem>>) src(%arg11 : memref<128x128xf32, #tpu.memory_space<vmem>>) dst(%dma_wait3A_145 : memref<10240x128xf32, #tpu.memory_space<vmem_shared>>)
    %dma_wait3A_146 = arith.constant 79 : i32
    %dma_wait3A_147 = arith.constant 0 : i32
    %dma_wait3A_148 = arith.constant 0 : i32
    %dma_wait3A_149 = tpu.memref_slice %arg3[%add3A, %dma_wait3A_146, %dma_wait3A_147, %dma_wait3A_148] : memref<32x80x3x128xi32, #tpu.memory_space<hbm>> -> memref<1x1x3x128xi32, #tpu.memory_space<hbm>>
    %dma_wait3A_150 = tpu.memref_squeeze %dma_wait3A_149 : memref<1x1x3x128xi32, #tpu.memory_space<hbm>> -> memref<3x128xi32, #tpu.memory_space<hbm>>
    %dma_wait3A_151 = arith.constant 0 : i32
    %dma_wait3A_152 = arith.constant 0 : i32
    %dma_wait3A_153 = tpu.memref_slice %arg3[%add3A, %dma_wait3A_146, %dma_wait3A_151, %dma_wait3A_152] : memref<32x80x3x128xi32, #tpu.memory_space<hbm>> -> memref<1x1x3x128xi32, #tpu.memory_space<hbm>>
    %dma_wait3A_154 = tpu.memref_squeeze %dma_wait3A_153 : memref<1x1x3x128xi32, #tpu.memory_space<hbm>> -> memref<3x128xi32, #tpu.memory_space<hbm>>
    tpu.wait_dma2 semaphore(%arg16 : memref<!tpu.dma_semaphore, #tpu.memory_space<semaphore_mem>>) src(%dma_wait3A_154 : memref<3x128xi32, #tpu.memory_space<hbm>>) dst(%arg9 : memref<3x128xi32, #tpu.memory_space<vmem>>)
    %dma_start3A_155 = arith.constant 0 : i32
    %dma_start3A_156 = arith.constant 0 : i32
    %dma_start3A_157 = tpu.memref_slice %arg9[%dma_start3A_155, %dma_start3A_156] : memref<3x128xi32, #tpu.memory_space<vmem>> -> memref<1x128xi32, #tpu.memory_space<vmem>>
    %dma_start3A_158 = tpu.memref_squeeze %dma_start3A_157 : memref<1x128xi32, #tpu.memory_space<vmem>> -> memref<128xi32, #tpu.memory_space<vmem>>
    %dma_start3A_159 = arith.constant 0 : i32
    %dma_start3A_160 = arith.constant 0 : i32
    %dma_start3A_161 = tpu.memref_slice %arg2[%dma_start3A_159, %dma_start3A_160] : memref<10240x128xf32, #tpu.memory_space<hbm>> -> memref<10240x128xf32, #tpu.memory_space<hbm>>
    tpu.enqueue_indirect_dma source(%dma_start3A_161 : memref<10240x128xf32, #tpu.memory_space<hbm>>) target(%arg11 : memref<128x128xf32, #tpu.memory_space<vmem>>) offsets(%dma_start3A_158 : memref<128xi32, #tpu.memory_space<vmem>>) semaphore(%arg18 : memref<!tpu.dma_semaphore, #tpu.memory_space<semaphore_mem>>)
    %parallel_loop3A_162 = arith.constant 0 : i32
    %parallel_loop3A_163 = arith.constant 128 : i32
    %parallel_loop3A_164 = arith.constant 1 : i32
    scf.for %parallel_loop3A_208 = %parallel_loop3A_162 to %parallel_loop3A_163 step %parallel_loop3A_164  : i32 {
      %parallel_loop3A_209 = vector.broadcast %parallel_loop3A_208 : i32 to vector<16xi32>
      %parallel_loop3A_210 = tpu.vector_load_idx %arg8[%broadcast_in_dim3A_1, %parallel_loop3A_209] : memref<3x128xi32, #tpu.memory_space<vmem>>[vector<16xi32>, vector<16xi32>], vector<16xi32>,
      %parallel_loop3A_211 = vector.bitcast %parallel_loop3A_210 : vector<16xi32> to vector<16xf32>
      %parallel_loop3A_212 = arith.index_cast %parallel_loop3A_208 : i32 to index
      %parallel_loop3A_213 = arith.constant 0 : index
      %parallel_loop3A_214 = tpu.vector_load %arg10[%parallel_loop3A_212, %parallel_loop3A_213] {strides = array<i32>} : memref<128x128xf32, #tpu.memory_space<vmem>>, vector<16xf32>,
      %parallel_loop3A_215 = arith.mulf %parallel_loop3A_214, %parallel_loop3A_211 : vector<16xf32>
      %parallel_loop3A_216 = arith.index_cast %parallel_loop3A_208 : i32 to index
      %parallel_loop3A_217 = arith.constant 0 : index
      %parallel_loop3A_218 = tpu.vector_load %arg10[%parallel_loop3A_216, %parallel_loop3A_217] {strides = array<i32>} : memref<128x128xf32, #tpu.memory_space<vmem>>, vector<16xf32>,
      tpu.vector_store %arg10[%parallel_loop3A_216, %parallel_loop3A_217], %parallel_loop3A_215 {strides = array<i32>} : memref<128x128xf32, #tpu.memory_space<vmem>>, vector<16xf32>,
      %parallel_loop3A_219 = arith.index_cast %parallel_loop3A_208 : i32 to index
      %parallel_loop3A_220 = arith.constant 16 : index
      %parallel_loop3A_221 = tpu.vector_load %arg10[%parallel_loop3A_219, %parallel_loop3A_220] {strides = array<i32>} : memref<128x128xf32, #tpu.memory_space<vmem>>, vector<16xf32>,
      %parallel_loop3A_222 = arith.mulf %parallel_loop3A_221, %parallel_loop3A_211 : vector<16xf32>
      %parallel_loop3A_223 = arith.index_cast %parallel_loop3A_208 : i32 to index
      %parallel_loop3A_224 = arith.constant 16 : index
      %parallel_loop3A_225 = tpu.vector_load %arg10[%parallel_loop3A_223, %parallel_loop3A_224] {strides = array<i32>} : memref<128x128xf32, #tpu.memory_space<vmem>>, vector<16xf32>,
      tpu.vector_store %arg10[%parallel_loop3A_223, %parallel_loop3A_224], %parallel_loop3A_222 {strides = array<i32>} : memref<128x128xf32, #tpu.memory_space<vmem>>, vector<16xf32>,
      %parallel_loop3A_226 = arith.index_cast %parallel_loop3A_208 : i32 to index
      %parallel_loop3A_227 = arith.constant 32 : index
      %parallel_loop3A_228 = tpu.vector_load %arg10[%parallel_loop3A_226, %parallel_loop3A_227] {strides = array<i32>} : memref<128x128xf32, #tpu.memory_space<vmem>>, vector<16xf32>,
      %parallel_loop3A_229 = arith.mulf %parallel_loop3A_228, %parallel_loop3A_211 : vector<16xf32>
      %parallel_loop3A_230 = arith.index_cast %parallel_loop3A_208 : i32 to index
      %parallel_loop3A_231 = arith.constant 32 : index
      %parallel_loop3A_232 = tpu.vector_load %arg10[%parallel_loop3A_230, %parallel_loop3A_231] {strides = array<i32>} : memref<128x128xf32, #tpu.memory_space<vmem>>, vector<16xf32>,
      tpu.vector_store %arg10[%parallel_loop3A_230, %parallel_loop3A_231], %parallel_loop3A_229 {strides = array<i32>} : memref<128x128xf32, #tpu.memory_space<vmem>>, vector<16xf32>,
      %parallel_loop3A_233 = arith.index_cast %parallel_loop3A_208 : i32 to index
      %parallel_loop3A_234 = arith.constant 48 : index
      %parallel_loop3A_235 = tpu.vector_load %arg10[%parallel_loop3A_233, %parallel_loop3A_234] {strides = array<i32>} : memref<128x128xf32, #tpu.memory_space<vmem>>, vector<16xf32>,
      %parallel_loop3A_236 = arith.mulf %parallel_loop3A_235, %parallel_loop3A_211 : vector<16xf32>
      %parallel_loop3A_237 = arith.index_cast %parallel_loop3A_208 : i32 to index
      %parallel_loop3A_238 = arith.constant 48 : index
      %parallel_loop3A_239 = tpu.vector_load %arg10[%parallel_loop3A_237, %parallel_loop3A_238] {strides = array<i32>} : memref<128x128xf32, #tpu.memory_space<vmem>>, vector<16xf32>,
      tpu.vector_store %arg10[%parallel_loop3A_237, %parallel_loop3A_238], %parallel_loop3A_236 {strides = array<i32>} : memref<128x128xf32, #tpu.memory_space<vmem>>, vector<16xf32>,
      %parallel_loop3A_240 = arith.index_cast %parallel_loop3A_208 : i32 to index
      %parallel_loop3A_241 = arith.constant 64 : index
      %parallel_loop3A_242 = tpu.vector_load %arg10[%parallel_loop3A_240, %parallel_loop3A_241] {strides = array<i32>} : memref<128x128xf32, #tpu.memory_space<vmem>>, vector<16xf32>,
      %parallel_loop3A_243 = arith.mulf %parallel_loop3A_242, %parallel_loop3A_211 : vector<16xf32>
      %parallel_loop3A_244 = arith.index_cast %parallel_loop3A_208 : i32 to index
      %parallel_loop3A_245 = arith.constant 64 : index
      %parallel_loop3A_246 = tpu.vector_load %arg10[%parallel_loop3A_244, %parallel_loop3A_245] {strides = array<i32>} : memref<128x128xf32, #tpu.memory_space<vmem>>, vector<16xf32>,
      tpu.vector_store %arg10[%parallel_loop3A_244, %parallel_loop3A_245], %parallel_loop3A_243 {strides = array<i32>} : memref<128x128xf32, #tpu.memory_space<vmem>>, vector<16xf32>,
      %parallel_loop3A_247 = arith.index_cast %parallel_loop3A_208 : i32 to index
      %parallel_loop3A_248 = arith.constant 80 : index
      %parallel_loop3A_249 = tpu.vector_load %arg10[%parallel_loop3A_247, %parallel_loop3A_248] {strides = array<i32>} : memref<128x128xf32, #tpu.memory_space<vmem>>, vector<16xf32>,
      %parallel_loop3A_250 = arith.mulf %parallel_loop3A_249, %parallel_loop3A_211 : vector<16xf32>
      %parallel_loop3A_251 = arith.index_cast %parallel_loop3A_208 : i32 to index
      %parallel_loop3A_252 = arith.constant 80 : index
      %parallel_loop3A_253 = tpu.vector_load %arg10[%parallel_loop3A_251, %parallel_loop3A_252] {strides = array<i32>} : memref<128x128xf32, #tpu.memory_space<vmem>>, vector<16xf32>,
      tpu.vector_store %arg10[%parallel_loop3A_251, %parallel_loop3A_252], %parallel_loop3A_250 {strides = array<i32>} : memref<128x128xf32, #tpu.memory_space<vmem>>, vector<16xf32>,
      %parallel_loop3A_254 = arith.index_cast %parallel_loop3A_208 : i32 to index
      %parallel_loop3A_255 = arith.constant 96 : index
      %parallel_loop3A_256 = tpu.vector_load %arg10[%parallel_loop3A_254, %parallel_loop3A_255] {strides = array<i32>} : memref<128x128xf32, #tpu.memory_space<vmem>>, vector<16xf32>,
      %parallel_loop3A_257 = arith.mulf %parallel_loop3A_256, %parallel_loop3A_211 : vector<16xf32>
      %parallel_loop3A_258 = arith.index_cast %parallel_loop3A_208 : i32 to index
      %parallel_loop3A_259 = arith.constant 96 : index
      %parallel_loop3A_260 = tpu.vector_load %arg10[%parallel_loop3A_258, %parallel_loop3A_259] {strides = array<i32>} : memref<128x128xf32, #tpu.memory_space<vmem>>, vector<16xf32>,
      tpu.vector_store %arg10[%parallel_loop3A_258, %parallel_loop3A_259], %parallel_loop3A_257 {strides = array<i32>} : memref<128x128xf32, #tpu.memory_space<vmem>>, vector<16xf32>,
      %parallel_loop3A_261 = arith.index_cast %parallel_loop3A_208 : i32 to index
      %parallel_loop3A_262 = arith.constant 112 : index
      %parallel_loop3A_263 = tpu.vector_load %arg10[%parallel_loop3A_261, %parallel_loop3A_262] {strides = array<i32>} : memref<128x128xf32, #tpu.memory_space<vmem>>, vector<16xf32>,
      %parallel_loop3A_264 = arith.mulf %parallel_loop3A_263, %parallel_loop3A_211 : vector<16xf32>
      %parallel_loop3A_265 = arith.index_cast %parallel_loop3A_208 : i32 to index
      %parallel_loop3A_266 = arith.constant 112 : index
      %parallel_loop3A_267 = tpu.vector_load %arg10[%parallel_loop3A_265, %parallel_loop3A_266] {strides = array<i32>} : memref<128x128xf32, #tpu.memory_space<vmem>>, vector<16xf32>,
      tpu.vector_store %arg10[%parallel_loop3A_265, %parallel_loop3A_266], %parallel_loop3A_264 {strides = array<i32>} : memref<128x128xf32, #tpu.memory_space<vmem>>, vector<16xf32>,
    } {sc.loop_unroll_factor = 2 : i64, sc.parallel_access}
    %dma_start3A_165 = arith.constant 1 : i32
    %dma_start3A_166 = arith.constant 0 : i32
    %dma_start3A_167 = tpu.memref_slice %arg8[%dma_start3A_165, %dma_start3A_166] : memref<3x128xi32, #tpu.memory_space<vmem>> -> memref<1x128xi32, #tpu.memory_space<vmem>>
    %dma_start3A_168 = tpu.memref_squeeze %dma_start3A_167 : memref<1x128xi32, #tpu.memory_space<vmem>> -> memref<128xi32, #tpu.memory_space<vmem>>
    %dma_start3A_169 = arith.constant 0 : i32
    %dma_start3A_170 = arith.constant 0 : i32
    %dma_start3A_171 = tpu.memref_slice %arg12[%dma_start3A_169, %dma_start3A_170] : memref<10240x128xf32, #tpu.memory_space<vmem_shared>> -> memref<10240x128xf32, #tpu.memory_space<vmem_shared>>
    tpu.enqueue_indirect_dma source(%arg10 : memref<128x128xf32, #tpu.memory_space<vmem>>) target(%dma_start3A_171 : memref<10240x128xf32, #tpu.memory_space<vmem_shared>>) offsets(%dma_start3A_168 : memref<128xi32, #tpu.memory_space<vmem>>) semaphore(%arg19 : memref<!tpu.dma_semaphore, #tpu.memory_space<semaphore_mem>>) {add = true}
    %dma_wait3A_172 = arith.constant 0 : i32
    %dma_wait3A_173 = arith.constant 0 : i32
    %dma_wait3A_174 = tpu.memref_slice %arg9[%dma_wait3A_172, %dma_wait3A_173] : memref<3x128xi32, #tpu.memory_space<vmem>> -> memref<1x128xi32, #tpu.memory_space<vmem>>
    %dma_wait3A_175 = tpu.memref_squeeze %dma_wait3A_174 : memref<1x128xi32, #tpu.memory_space<vmem>> -> memref<128xi32, #tpu.memory_space<vmem>>
    %dma_wait3A_176 = arith.constant 0 : i32
    %dma_wait3A_177 = arith.constant 0 : i32
    %dma_wait3A_178 = tpu.memref_slice %arg2[%dma_wait3A_176, %dma_wait3A_177] : memref<10240x128xf32, #tpu.memory_space<hbm>> -> memref<10240x128xf32, #tpu.memory_space<hbm>>
    tpu.wait_indirect_dma semaphore(%arg18 : memref<!tpu.dma_semaphore, #tpu.memory_space<semaphore_mem>>) src(%dma_wait3A_178 : memref<10240x128xf32, #tpu.memory_space<hbm>>) dst(%arg11 : memref<128x128xf32, #tpu.memory_space<vmem>>)
    %dma_wait3A_179 = arith.constant 1 : i32
    %dma_wait3A_180 = arith.constant 0 : i32
    %dma_wait3A_181 = tpu.memref_slice %arg8[%dma_wait3A_179, %dma_wait3A_180] : memref<3x128xi32, #tpu.memory_space<vmem>> -> memref<1x128xi32, #tpu.memory_space<vmem>>
    %dma_wait3A_182 = tpu.memref_squeeze %dma_wait3A_181 : memref<1x128xi32, #tpu.memory_space<vmem>> -> memref<128xi32, #tpu.memory_space<vmem>>
    %dma_wait3A_183 = arith.constant 0 : i32
    %dma_wait3A_184 = arith.constant 0 : i32
    %dma_wait3A_185 = tpu.memref_slice %arg12[%dma_wait3A_183, %dma_wait3A_184] : memref<10240x128xf32, #tpu.memory_space<vmem_shared>> -> memref<10240x128xf32, #tpu.memory_space<vmem_shared>>
    tpu.wait_indirect_dma semaphore(%arg19 : memref<!tpu.dma_semaphore, #tpu.memory_space<semaphore_mem>>) src(%arg10 : memref<128x128xf32, #tpu.memory_space<vmem>>) dst(%dma_wait3A_185 : memref<10240x128xf32, #tpu.memory_space<vmem_shared>>)
    %parallel_loop3A_186 = arith.constant 0 : i32
    %parallel_loop3A_187 = arith.constant 128 : i32
    %parallel_loop3A_188 = arith.constant 1 : i32
    scf.for %parallel_loop3A_208 = %parallel_loop3A_186 to %parallel_loop3A_187 step %parallel_loop3A_188  : i32 {
      %parallel_loop3A_209 = vector.broadcast %parallel_loop3A_208 : i32 to vector<16xi32>
      %parallel_loop3A_210 = tpu.vector_load_idx %arg9[%broadcast_in_dim3A_1, %parallel_loop3A_209] : memref<3x128xi32, #tpu.memory_space<vmem>>[vector<16xi32>, vector<16xi32>], vector<16xi32>,
      %parallel_loop3A_211 = vector.bitcast %parallel_loop3A_210 : vector<16xi32> to vector<16xf32>
      %parallel_loop3A_212 = arith.index_cast %parallel_loop3A_208 : i32 to index
      %parallel_loop3A_213 = arith.constant 0 : index
      %parallel_loop3A_214 = tpu.vector_load %arg11[%parallel_loop3A_212, %parallel_loop3A_213] {strides = array<i32>} : memref<128x128xf32, #tpu.memory_space<vmem>>, vector<16xf32>,
      %parallel_loop3A_215 = arith.mulf %parallel_loop3A_214, %parallel_loop3A_211 : vector<16xf32>
      %parallel_loop3A_216 = arith.index_cast %parallel_loop3A_208 : i32 to index
      %parallel_loop3A_217 = arith.constant 0 : index
      %parallel_loop3A_218 = tpu.vector_load %arg11[%parallel_loop3A_216, %parallel_loop3A_217] {strides = array<i32>} : memref<128x128xf32, #tpu.memory_space<vmem>>, vector<16xf32>,
      tpu.vector_store %arg11[%parallel_loop3A_216, %parallel_loop3A_217], %parallel_loop3A_215 {strides = array<i32>} : memref<128x128xf32, #tpu.memory_space<vmem>>, vector<16xf32>,
      %parallel_loop3A_219 = arith.index_cast %parallel_loop3A_208 : i32 to index
      %parallel_loop3A_220 = arith.constant 16 : index
      %parallel_loop3A_221 = tpu.vector_load %arg11[%parallel_loop3A_219, %parallel_loop3A_220] {strides = array<i32>} : memref<128x128xf32, #tpu.memory_space<vmem>>, vector<16xf32>,
      %parallel_loop3A_222 = arith.mulf %parallel_loop3A_221, %parallel_loop3A_211 : vector<16xf32>
      %parallel_loop3A_223 = arith.index_cast %parallel_loop3A_208 : i32 to index
      %parallel_loop3A_224 = arith.constant 16 : index
      %parallel_loop3A_225 = tpu.vector_load %arg11[%parallel_loop3A_223, %parallel_loop3A_224] {strides = array<i32>} : memref<128x128xf32, #tpu.memory_space<vmem>>, vector<16xf32>,
      tpu.vector_store %arg11[%parallel_loop3A_223, %parallel_loop3A_224], %parallel_loop3A_222 {strides = array<i32>} : memref<128x128xf32, #tpu.memory_space<vmem>>, vector<16xf32>,
      %parallel_loop3A_226 = arith.index_cast %parallel_loop3A_208 : i32 to index
      %parallel_loop3A_227 = arith.constant 32 : index
      %parallel_loop3A_228 = tpu.vector_load %arg11[%parallel_loop3A_226, %parallel_loop3A_227] {strides = array<i32>} : memref<128x128xf32, #tpu.memory_space<vmem>>, vector<16xf32>,
      %parallel_loop3A_229 = arith.mulf %parallel_loop3A_228, %parallel_loop3A_211 : vector<16xf32>
      %parallel_loop3A_230 = arith.index_cast %parallel_loop3A_208 : i32 to index
      %parallel_loop3A_231 = arith.constant 32 : index
      %parallel_loop3A_232 = tpu.vector_load %arg11[%parallel_loop3A_230, %parallel_loop3A_231] {strides = array<i32>} : memref<128x128xf32, #tpu.memory_space<vmem>>, vector<16xf32>,
      tpu.vector_store %arg11[%parallel_loop3A_230, %parallel_loop3A_231], %parallel_loop3A_229 {strides = array<i32>} : memref<128x128xf32, #tpu.memory_space<vmem>>, vector<16xf32>,
      %parallel_loop3A_233 = arith.index_cast %parallel_loop3A_208 : i32 to index
      %parallel_loop3A_234 = arith.constant 48 : index
      %parallel_loop3A_235 = tpu.vector_load %arg11[%parallel_loop3A_233, %parallel_loop3A_234] {strides = array<i32>} : memref<128x128xf32, #tpu.memory_space<vmem>>, vector<16xf32>,
      %parallel_loop3A_236 = arith.mulf %parallel_loop3A_235, %parallel_loop3A_211 : vector<16xf32>
      %parallel_loop3A_237 = arith.index_cast %parallel_loop3A_208 : i32 to index
      %parallel_loop3A_238 = arith.constant 48 : index
      %parallel_loop3A_239 = tpu.vector_load %arg11[%parallel_loop3A_237, %parallel_loop3A_238] {strides = array<i32>} : memref<128x128xf32, #tpu.memory_space<vmem>>, vector<16xf32>,
      tpu.vector_store %arg11[%parallel_loop3A_237, %parallel_loop3A_238], %parallel_loop3A_236 {strides = array<i32>} : memref<128x128xf32, #tpu.memory_space<vmem>>, vector<16xf32>,
      %parallel_loop3A_240 = arith.index_cast %parallel_loop3A_208 : i32 to index
      %parallel_loop3A_241 = arith.constant 64 : index
      %parallel_loop3A_242 = tpu.vector_load %arg11[%parallel_loop3A_240, %parallel_loop3A_241] {strides = array<i32>} : memref<128x128xf32, #tpu.memory_space<vmem>>, vector<16xf32>,
      %parallel_loop3A_243 = arith.mulf %parallel_loop3A_242, %parallel_loop3A_211 : vector<16xf32>
      %parallel_loop3A_244 = arith.index_cast %parallel_loop3A_208 : i32 to index
      %parallel_loop3A_245 = arith.constant 64 : index
      %parallel_loop3A_246 = tpu.vector_load %arg11[%parallel_loop3A_244, %parallel_loop3A_245] {strides = array<i32>} : memref<128x128xf32, #tpu.memory_space<vmem>>, vector<16xf32>,
      tpu.vector_store %arg11[%parallel_loop3A_244, %parallel_loop3A_245], %parallel_loop3A_243 {strides = array<i32>} : memref<128x128xf32, #tpu.memory_space<vmem>>, vector<16xf32>,
      %parallel_loop3A_247 = arith.index_cast %parallel_loop3A_208 : i32 to index
      %parallel_loop3A_248 = arith.constant 80 : index
      %parallel_loop3A_249 = tpu.vector_load %arg11[%parallel_loop3A_247, %parallel_loop3A_248] {strides = array<i32>} : memref<128x128xf32, #tpu.memory_space<vmem>>, vector<16xf32>,
      %parallel_loop3A_250 = arith.mulf %parallel_loop3A_249, %parallel_loop3A_211 : vector<16xf32>
      %parallel_loop3A_251 = arith.index_cast %parallel_loop3A_208 : i32 to index
      %parallel_loop3A_252 = arith.constant 80 : index
      %parallel_loop3A_253 = tpu.vector_load %arg11[%parallel_loop3A_251, %parallel_loop3A_252] {strides = array<i32>} : memref<128x128xf32, #tpu.memory_space<vmem>>, vector<16xf32>,
      tpu.vector_store %arg11[%parallel_loop3A_251, %parallel_loop3A_252], %parallel_loop3A_250 {strides = array<i32>} : memref<128x128xf32, #tpu.memory_space<vmem>>, vector<16xf32>,
      %parallel_loop3A_254 = arith.index_cast %parallel_loop3A_208 : i32 to index
      %parallel_loop3A_255 = arith.constant 96 : index
      %parallel_loop3A_256 = tpu.vector_load %arg11[%parallel_loop3A_254, %parallel_loop3A_255] {strides = array<i32>} : memref<128x128xf32, #tpu.memory_space<vmem>>, vector<16xf32>,
      %parallel_loop3A_257 = arith.mulf %parallel_loop3A_256, %parallel_loop3A_211 : vector<16xf32>
      %parallel_loop3A_258 = arith.index_cast %parallel_loop3A_208 : i32 to index
      %parallel_loop3A_259 = arith.constant 96 : index
      %parallel_loop3A_260 = tpu.vector_load %arg11[%parallel_loop3A_258, %parallel_loop3A_259] {strides = array<i32>} : memref<128x128xf32, #tpu.memory_space<vmem>>, vector<16xf32>,
      tpu.vector_store %arg11[%parallel_loop3A_258, %parallel_loop3A_259], %parallel_loop3A_257 {strides = array<i32>} : memref<128x128xf32, #tpu.memory_space<vmem>>, vector<16xf32>,
      %parallel_loop3A_261 = arith.index_cast %parallel_loop3A_208 : i32 to index
      %parallel_loop3A_262 = arith.constant 112 : index
      %parallel_loop3A_263 = tpu.vector_load %arg11[%parallel_loop3A_261, %parallel_loop3A_262] {strides = array<i32>} : memref<128x128xf32, #tpu.memory_space<vmem>>, vector<16xf32>,
      %parallel_loop3A_264 = arith.mulf %parallel_loop3A_263, %parallel_loop3A_211 : vector<16xf32>
      %parallel_loop3A_265 = arith.index_cast %parallel_loop3A_208 : i32 to index
      %parallel_loop3A_266 = arith.constant 112 : index
      %parallel_loop3A_267 = tpu.vector_load %arg11[%parallel_loop3A_265, %parallel_loop3A_266] {strides = array<i32>} : memref<128x128xf32, #tpu.memory_space<vmem>>, vector<16xf32>,
      tpu.vector_store %arg11[%parallel_loop3A_265, %parallel_loop3A_266], %parallel_loop3A_264 {strides = array<i32>} : memref<128x128xf32, #tpu.memory_space<vmem>>, vector<16xf32>,
    } {sc.loop_unroll_factor = 2 : i64, sc.parallel_access}
    %dma_start3A_189 = arith.constant 1 : i32
    %dma_start3A_190 = arith.constant 0 : i32
    %dma_start3A_191 = tpu.memref_slice %arg9[%dma_start3A_189, %dma_start3A_190] : memref<3x128xi32, #tpu.memory_space<vmem>> -> memref<1x128xi32, #tpu.memory_space<vmem>>
    %dma_start3A_192 = tpu.memref_squeeze %dma_start3A_191 : memref<1x128xi32, #tpu.memory_space<vmem>> -> memref<128xi32, #tpu.memory_space<vmem>>
    %dma_start3A_193 = arith.constant 0 : i32
    %dma_start3A_194 = arith.constant 0 : i32
    %dma_start3A_195 = tpu.memref_slice %arg12[%dma_start3A_193, %dma_start3A_194] : memref<10240x128xf32, #tpu.memory_space<vmem_shared>> -> memref<10240x128xf32, #tpu.memory_space<vmem_shared>>
    tpu.enqueue_indirect_dma source(%arg11 : memref<128x128xf32, #tpu.memory_space<vmem>>) target(%dma_start3A_195 : memref<10240x128xf32, #tpu.memory_space<vmem_shared>>) offsets(%dma_start3A_192 : memref<128xi32, #tpu.memory_space<vmem>>) semaphore(%arg20 : memref<!tpu.dma_semaphore, #tpu.memory_space<semaphore_mem>>) {add = true}
    %dma_wait3A_196 = arith.constant 1 : i32
    %dma_wait3A_197 = arith.constant 0 : i32
    %dma_wait3A_198 = tpu.memref_slice %arg9[%dma_wait3A_196, %dma_wait3A_197] : memref<3x128xi32, #tpu.memory_space<vmem>> -> memref<1x128xi32, #tpu.memory_space<vmem>>
    %dma_wait3A_199 = tpu.memref_squeeze %dma_wait3A_198 : memref<1x128xi32, #tpu.memory_space<vmem>> -> memref<128xi32, #tpu.memory_space<vmem>>
    %dma_wait3A_200 = arith.constant 0 : i32
    %dma_wait3A_201 = arith.constant 0 : i32
    %dma_wait3A_202 = tpu.memref_slice %arg12[%dma_wait3A_200, %dma_wait3A_201] : memref<10240x128xf32, #tpu.memory_space<vmem_shared>> -> memref<10240x128xf32, #tpu.memory_space<vmem_shared>>
    tpu.wait_indirect_dma semaphore(%arg20 : memref<!tpu.dma_semaphore, #tpu.memory_space<semaphore_mem>>) src(%arg11 : memref<128x128xf32, #tpu.memory_space<vmem>>) dst(%dma_wait3A_202 : memref<10240x128xf32, #tpu.memory_space<vmem_shared>>)
    %barrier3A_203 = arith.constant 0 : index
    tpu.barrier barrier_id(%barrier3A_203)
    %mul3A_204 = arith.constant 640 : i32
    %mul3A_205 = arith.muli %arg1, %mul3A_204 : i32
    %mul3A_206 = arith.constant 640 : i32
    %mul3A_207 = arith.muli %arg1, %mul3A_206 : i32
    "tpu.region"() ({
      %run_scoped3A = tpu.sem_alloc : memref<!tpu.dma_semaphore, #tpu.memory_space<semaphore_mem>>
      %dma_start3A_208 = arith.constant 0 : i32
      %dma_start3A_209 = tpu.memref_slice %arg5[%arg0, %mul3A_207, %dma_start3A_208] : memref<2x10240x128xf32, #tpu.memory_space<hbm>> -> memref<1x640x128xf32, #tpu.memory_space<hbm>>
      %dma_start3A_210 = tpu.memref_squeeze %dma_start3A_209 : memref<1x640x128xf32, #tpu.memory_space<hbm>> -> memref<640x128xf32, #tpu.memory_space<hbm>>
      %dma_start3A_211 = arith.constant 0 : i32
      %dma_start3A_212 = tpu.memref_slice %arg12[%mul3A_205, %dma_start3A_211] : memref<10240x128xf32, #tpu.memory_space<vmem_shared>> -> memref<640x128xf32, #tpu.memory_space<vmem_shared>>
      tpu.enqueue_dma source(%dma_start3A_212 : memref<640x128xf32, #tpu.memory_space<vmem_shared>>) target(%dma_start3A_210 : memref<640x128xf32, #tpu.memory_space<hbm>>) target_semaphore(%run_scoped3A : memref<!tpu.dma_semaphore, #tpu.memory_space<semaphore_mem>>)
      %dma_wait3A_213 = arith.constant 0 : i32
      %dma_wait3A_214 = tpu.memref_slice %arg5[%arg0, %mul3A_207, %dma_wait3A_213] : memref<2x10240x128xf32, #tpu.memory_space<hbm>> -> memref<1x640x128xf32, #tpu.memory_space<hbm>>
      %dma_wait3A_215 = tpu.memref_squeeze %dma_wait3A_214 : memref<1x640x128xf32, #tpu.memory_space<hbm>> -> memref<640x128xf32, #tpu.memory_space<hbm>>
      %dma_wait3A_216 = arith.constant 0 : i32
      %dma_wait3A_217 = tpu.memref_slice %arg12[%mul3A_205, %dma_wait3A_216] : memref<10240x128xf32, #tpu.memory_space<vmem_shared>> -> memref<640x128xf32, #tpu.memory_space<vmem_shared>>
      tpu.wait_dma2 semaphore(%run_scoped3A : memref<!tpu.dma_semaphore, #tpu.memory_space<semaphore_mem>>) src(%dma_wait3A_217 : memref<640x128xf32, #tpu.memory_space<vmem_shared>>) dst(%dma_wait3A_215 : memref<640x128xf32, #tpu.memory_space<hbm>>)
      tpu.yield
    }) : () -> ()
    return
  }
}

module attributes {stable_mosaic.version = 14 : i64} {
  func.func @_final_body(%arg0: i32, %arg1: memref<2x1024x128xf32, #tpu.memory_space<vmem>>, %arg2: memref<1024x128xf32, #tpu.memory_space<vmem>>, %arg3: memref<128x128xf32, #tpu.memory_space<vmem>>, %arg4: memref<128x128xf32, #tpu.memory_space<vmem>>, %arg5: memref<1x128xf32, #tpu.memory_space<vmem>>, %arg6: memref<1x1x1024xi32, #tpu.memory_space<vmem>>, %arg7: memref<128x128xf32, #tpu.memory_space<vmem>>, %arg8: memref<64x128xf32, #tpu.memory_space<vmem>>, %arg9: memref<64x128xf32, #tpu.memory_space<vmem>>, %arg10: memref<64x128xf32, #tpu.memory_space<vmem>>) attributes {dimension_semantics = [#tpu.dimension_semantics<arbitrary>], iteration_bounds = array<i64: 10>, scalar_prefetch = 0 : i64, scratch_operands = 2 : i64, tpu.core_type = #tpu.core_type<tc>, window_params = [{transform_indices = @transform_0, window_bounds = array<i64: 2, 1024, 128>}, {transform_indices = @transform_1, window_bounds = array<i64: 1024, 128>}, {pipeline_mode = #tpu.pipeline_mode<synchronous>, transform_indices = @transform_2, window_bounds = array<i64: 128, 128>}, {pipeline_mode = #tpu.pipeline_mode<synchronous>, transform_indices = @transform_3, window_bounds = array<i64: 128, 128>}, {pipeline_mode = #tpu.pipeline_mode<synchronous>, transform_indices = @transform_4, window_bounds = array<i64: 1, 128>}, {transform_indices = @transform_5, window_bounds = array<i64: 1, 1, 1024>}, {pipeline_mode = #tpu.pipeline_mode<synchronous>, transform_indices = @transform_6, window_bounds = array<i64: 128, 128>}, {pipeline_mode = #tpu.pipeline_mode<synchronous>, transform_indices = @transform_7, window_bounds = array<i64: 64, 128>}]} {
    %eq3A = arith.constant 0 : i32
    %eq3A_0 = arith.cmpi eq, %arg0, %eq3A : i32
    %convert_element_type3A = arith.extui %eq3A_0 : i1 to i32
    %cond3A = arith.constant 0 : i32
    %cond3A_1 = arith.cmpi ne, %convert_element_type3A, %cond3A : i32
    scf.if %cond3A_1 {
      %broadcast_in_dim3A_65 = arith.constant 0.000000e+00 : f32
      %broadcast_in_dim3A_66 = vector.broadcast %broadcast_in_dim3A_65 : f32 to vector<64x128xf32>
      %swap3A_67 = arith.constant 0 : index
      %swap3A_68 = arith.constant 0 : index
      %swap3A_69 = vector.load %arg9[%swap3A_67, %swap3A_68] : memref<64x128xf32, #tpu.memory_space<vmem>>, vector<64x128xf32>
      tpu.vector_store %arg9[%swap3A_67, %swap3A_68], %broadcast_in_dim3A_66 {strides = array<i32>} : memref<64x128xf32, #tpu.memory_space<vmem>>, vector<64x128xf32>,
      %broadcast_in_dim3A_70 = arith.constant 0.000000e+00 : f32
      %broadcast_in_dim3A_71 = vector.broadcast %broadcast_in_dim3A_70 : f32 to vector<64x128xf32>
      %swap3A_72 = arith.constant 0 : index
      %swap3A_73 = arith.constant 0 : index
      %swap3A_74 = vector.load %arg10[%swap3A_72, %swap3A_73] : memref<64x128xf32, #tpu.memory_space<vmem>>, vector<64x128xf32>
      tpu.vector_store %arg10[%swap3A_72, %swap3A_73], %broadcast_in_dim3A_71 {strides = array<i32>} : memref<64x128xf32, #tpu.memory_space<vmem>>, vector<64x128xf32>,
    } else {
    }
    %get3A = arith.constant 0 : index
    %get3A_2 = arith.constant 0 : index
    %get3A_3 = arith.constant 0 : index
    %get3A_4 = vector.load %arg1[%get3A, %get3A_2, %get3A_3] : memref<2x1024x128xf32, #tpu.memory_space<vmem>>, vector<1x1024x128xf32>
    %get3A_5 = vector.shape_cast %get3A_4 : vector<1x1024x128xf32> to vector<1024x128xf32>
    %get3A_6 = arith.constant 1 : index
    %get3A_7 = arith.constant 0 : index
    %get3A_8 = arith.constant 0 : index
    %get3A_9 = vector.load %arg1[%get3A_6, %get3A_7, %get3A_8] : memref<2x1024x128xf32, #tpu.memory_space<vmem>>, vector<1x1024x128xf32>
    %get3A_10 = vector.shape_cast %get3A_9 : vector<1x1024x128xf32> to vector<1024x128xf32>
    %add3A = arith.addf %get3A_5, %get3A_10 : vector<1024x128xf32>
    %get3A_11 = arith.constant 0 : index
    %get3A_12 = arith.constant 0 : index
    %get3A_13 = vector.load %arg3[%get3A_11, %get3A_12] : memref<128x128xf32, #tpu.memory_space<vmem>>, vector<128x128xf32>
    %dot_general3A = arith.constant dense<0.000000e+00> : vector<1024x128xf32>
    %dot_general3A_14 = tpu.matmul %add3A, %get3A_13, %dot_general3A {dimension_numbers = #tpu.dot_dimension_numbers<[1], [0], [0], [1], [0, 0, 1, 1], [], []>, transpose_lhs_hint = false} : vector<1024x128xf32>, vector<128x128xf32>, vector<1024x128xf32> -> vector<1024x128xf32>
    %get3A_15 = arith.constant 0 : index
    %get3A_16 = arith.constant 0 : index
    %get3A_17 = vector.load %arg2[%get3A_15, %get3A_16] : memref<1024x128xf32, #tpu.memory_space<vmem>>, vector<1024x128xf32>
    %get3A_18 = arith.constant 0 : index
    %get3A_19 = arith.constant 0 : index
    %get3A_20 = vector.load %arg4[%get3A_18, %get3A_19] : memref<128x128xf32, #tpu.memory_space<vmem>>, vector<128x128xf32>
    %dot_general3A_21 = arith.constant dense<0.000000e+00> : vector<1024x128xf32>
    %dot_general3A_22 = tpu.matmul %get3A_17, %get3A_20, %dot_general3A_21 {dimension_numbers = #tpu.dot_dimension_numbers<[1], [0], [0], [1], [0, 0, 1, 1], [], []>, transpose_lhs_hint = false} : vector<1024x128xf32>, vector<128x128xf32>, vector<1024x128xf32> -> vector<1024x128xf32>
    %add3A_23 = arith.addf %dot_general3A_14, %dot_general3A_22 : vector<1024x128xf32>
    %get3A_24 = arith.constant 0 : index
    %get3A_25 = arith.constant 0 : index
    %get3A_26 = vector.load %arg5[%get3A_24, %get3A_25] : memref<1x128xf32, #tpu.memory_space<vmem>>, vector<1x128xf32>
    %add3A_27 = vector.broadcast %get3A_26 : vector<1x128xf32> to vector<1024x128xf32>
    %add3A_28 = arith.addf %add3A_23, %add3A_27 : vector<1024x128xf32>
    %ge3A = arith.constant 0.000000e+00 : f32
    %ge3A_29 = vector.broadcast %ge3A : f32 to vector<1024x128xf32>
    %ge3A_30 = arith.cmpf oge, %add3A_28, %ge3A_29 : vector<1024x128xf32>
    %mul3A = arith.constant 0.00999999977 : f32
    %mul3A_31 = vector.broadcast %mul3A : f32 to vector<1024x128xf32>
    %mul3A_32 = arith.mulf %mul3A_31, %add3A_28 : vector<1024x128xf32>
    %select_n3A = arith.select %ge3A_30, %add3A_28, %mul3A_32 : vector<1024x128xi1>, vector<1024x128xf32>
    %get3A_33 = arith.constant 0 : index
    %get3A_34 = arith.constant 0 : index
    %get3A_35 = arith.constant 0 : index
    %get3A_36 = vector.load %arg6[%get3A_33, %get3A_34, %get3A_35] : memref<1x1x1024xi32, #tpu.memory_space<vmem>>, vector<1x1x1024xi32>
    %get3A_37 = vector.shape_cast %get3A_36 : vector<1x1x1024xi32> to vector<1024xi32>
    %broadcast_in_dim3A = vector.shape_cast %get3A_37 : vector<1024xi32> to vector<1x1024xi32>
    %iota3A = tpu.iota {dimensions = array<i32: 0>} : vector<64x1024xi32>
    %eq3A_38 = vector.broadcast %broadcast_in_dim3A : vector<1x1024xi32> to vector<64x1024xi32>
    %eq3A_39 = arith.cmpi eq, %eq3A_38, %iota3A : vector<64x1024xi32>
    %convert_element_type3A_40 = arith.extui %eq3A_39 : vector<64x1024xi1> to vector<64x1024xi32>
    %convert_element_type3A_41 = arith.sitofp %convert_element_type3A_40 : vector<64x1024xi32> to vector<64x1024xf32>
    %get3A_42 = arith.constant 0 : index
    %get3A_43 = arith.constant 0 : index
    %get3A_44 = vector.load %arg9[%get3A_42, %get3A_43] : memref<64x128xf32, #tpu.memory_space<vmem>>, vector<64x128xf32>
    %dot_general3A_45 = arith.constant dense<0.000000e+00> : vector<64x128xf32>
    %dot_general3A_46 = tpu.matmul %convert_element_type3A_41, %select_n3A, %dot_general3A_45 {dimension_numbers = #tpu.dot_dimension_numbers<[1], [0], [0], [1], [0, 0, 1, 1], [], []>, transpose_lhs_hint = false} : vector<64x1024xf32>, vector<1024x128xf32>, vector<64x128xf32> -> vector<64x128xf32>
    %add3A_47 = arith.addf %get3A_44, %dot_general3A_46 : vector<64x128xf32>
    %swap3A = arith.constant 0 : index
    %swap3A_48 = arith.constant 0 : index
    %swap3A_49 = vector.load %arg9[%swap3A, %swap3A_48] : memref<64x128xf32, #tpu.memory_space<vmem>>, vector<64x128xf32>
    tpu.vector_store %arg9[%swap3A, %swap3A_48], %add3A_47 {strides = array<i32>} : memref<64x128xf32, #tpu.memory_space<vmem>>, vector<64x128xf32>,
    %get3A_50 = arith.constant 0 : index
    %get3A_51 = arith.constant 0 : index
    %get3A_52 = vector.load %arg10[%get3A_50, %get3A_51] : memref<64x128xf32, #tpu.memory_space<vmem>>, vector<64x128xf32>
    %reduce_sum3A = arith.constant dense<0.000000e+00> : vector<64xf32>
    %reduce_sum3A_53 = vector.multi_reduction <add>, %convert_element_type3A_41, %reduce_sum3A [1] : vector<64x1024xf32> to vector<64xf32>
    %broadcast_in_dim3A_54 = vector.shape_cast %reduce_sum3A_53 : vector<64xf32> to vector<64x1xf32>
    %add3A_55 = vector.broadcast %broadcast_in_dim3A_54 : vector<64x1xf32> to vector<64x128xf32>
    %add3A_56 = arith.addf %get3A_52, %add3A_55 : vector<64x128xf32>
    %swap3A_57 = arith.constant 0 : index
    %swap3A_58 = arith.constant 0 : index
    %swap3A_59 = vector.load %arg10[%swap3A_57, %swap3A_58] : memref<64x128xf32, #tpu.memory_space<vmem>>, vector<64x128xf32>
    tpu.vector_store %arg10[%swap3A_57, %swap3A_58], %add3A_56 {strides = array<i32>} : memref<64x128xf32, #tpu.memory_space<vmem>>, vector<64x128xf32>,
    %eq3A_60 = arith.constant 9 : i32
    %eq3A_61 = arith.cmpi eq, %arg0, %eq3A_60 : i32
    %convert_element_type3A_62 = arith.extui %eq3A_61 : i1 to i32
    %cond3A_63 = arith.constant 0 : i32
    %cond3A_64 = arith.cmpi ne, %convert_element_type3A_62, %cond3A_63 : i32
    scf.if %cond3A_64 {
      %get3A_65 = arith.constant 0 : index
      %get3A_66 = arith.constant 0 : index
      %get3A_67 = vector.load %arg9[%get3A_65, %get3A_66] : memref<64x128xf32, #tpu.memory_space<vmem>>, vector<64x128xf32>
      %get3A_68 = arith.constant 0 : index
      %get3A_69 = arith.constant 0 : index
      %get3A_70 = vector.load %arg10[%get3A_68, %get3A_69] : memref<64x128xf32, #tpu.memory_space<vmem>>, vector<64x128xf32>
      %max3A = arith.constant 1.000000e+00 : f32
      %max3A_71 = vector.broadcast %max3A : f32 to vector<64x128xf32>
      %max3A_72 = arith.maximumf %get3A_70, %max3A_71 : vector<64x128xf32>
      %div3A = arith.divf %get3A_67, %max3A_72 : vector<64x128xf32>
      %get3A_73 = arith.constant 0 : index
      %get3A_74 = arith.constant 0 : index
      %get3A_75 = vector.load %arg7[%get3A_73, %get3A_74] : memref<128x128xf32, #tpu.memory_space<vmem>>, vector<128x128xf32>
      %dot_general3A_76 = arith.constant dense<0.000000e+00> : vector<64x128xf32>
      %dot_general3A_77 = tpu.matmul %div3A, %get3A_75, %dot_general3A_76 {dimension_numbers = #tpu.dot_dimension_numbers<[1], [0], [0], [1], [0, 0, 1, 1], [], []>, transpose_lhs_hint = false} : vector<64x128xf32>, vector<128x128xf32>, vector<64x128xf32> -> vector<64x128xf32>
      %swap3A_78 = arith.constant 0 : index
      %swap3A_79 = arith.constant 0 : index
      %swap3A_80 = vector.load %arg8[%swap3A_78, %swap3A_79] : memref<64x128xf32, #tpu.memory_space<vmem>>, vector<64x128xf32>
      tpu.vector_store %arg8[%swap3A_78, %swap3A_79], %dot_general3A_77 {strides = array<i32>} : memref<64x128xf32, #tpu.memory_space<vmem>>, vector<64x128xf32>,
    } else {
    }
    return
  }
  func.func @transform_0(%arg0: i32) -> (i32, i32, i32) {
    %c0_i32 = arith.constant 0 : i32
    %c0_i32_0 = arith.constant 0 : i32
    %c0_i32_1 = arith.constant 0 : i32
    return %c0_i32, %arg0, %c0_i32_0 : i32, i32, i32
  }
  func.func @transform_1(%arg0: i32) -> (i32, i32) {
    %c0_i32 = arith.constant 0 : i32
    %c0_i32_0 = arith.constant 0 : i32
    return %arg0, %c0_i32 : i32, i32
  }
  func.func @transform_2(%arg0: i32) -> (i32, i32) {
    %c0_i32 = arith.constant 0 : i32
    %c0_i32_0 = arith.constant 0 : i32
    %c0_i32_1 = arith.constant 0 : i32
    return %c0_i32, %c0_i32_0 : i32, i32
  }
  func.func @transform_3(%arg0: i32) -> (i32, i32) {
    %c0_i32 = arith.constant 0 : i32
    %c0_i32_0 = arith.constant 0 : i32
    %c0_i32_1 = arith.constant 0 : i32
    return %c0_i32, %c0_i32_0 : i32, i32
  }
  func.func @transform_4(%arg0: i32) -> (i32, i32) {
    %c0_i32 = arith.constant 0 : i32
    %c0_i32_0 = arith.constant 0 : i32
    %c0_i32_1 = arith.constant 0 : i32
    return %c0_i32, %c0_i32_0 : i32, i32
  }
  func.func @transform_5(%arg0: i32) -> (i32, i32, i32) {
    %c0_i32 = arith.constant 0 : i32
    %c0_i32_0 = arith.constant 0 : i32
    %c0_i32_1 = arith.constant 0 : i32
    return %arg0, %c0_i32, %c0_i32_0 : i32, i32, i32
  }
  func.func @transform_6(%arg0: i32) -> (i32, i32) {
    %c0_i32 = arith.constant 0 : i32
    %c0_i32_0 = arith.constant 0 : i32
    %c0_i32_1 = arith.constant 0 : i32
    return %c0_i32, %c0_i32_0 : i32, i32
  }
  func.func @transform_7(%arg0: i32) -> (i32, i32) {
    %c0_i32 = arith.constant 0 : i32
    %c0_i32_0 = arith.constant 0 : i32
    %c0_i32_1 = arith.constant 0 : i32
    return %c0_i32, %c0_i32_0 : i32, i32
  }
}

module attributes {stable_mosaic.version = 14 : i64} {
  func.func @_layer_body(%arg0: i32, %arg1: memref<2x1024x128xf32, #tpu.memory_space<vmem>>, %arg2: memref<1024x128xf32, #tpu.memory_space<vmem>>, %arg3: memref<128x128xf32, #tpu.memory_space<vmem>>, %arg4: memref<128x128xf32, #tpu.memory_space<vmem>>, %arg5: memref<1x128xf32, #tpu.memory_space<vmem>>, %arg6: memref<1024x128xf32, #tpu.memory_space<vmem>>) attributes {dimension_semantics = [#tpu.dimension_semantics<arbitrary>], iteration_bounds = array<i64: 10>, scalar_prefetch = 0 : i64, scratch_operands = 0 : i64, tpu.core_type = #tpu.core_type<tc>, window_params = [{transform_indices = @transform_0, window_bounds = array<i64: 2, 1024, 128>}, {transform_indices = @transform_1, window_bounds = array<i64: 1024, 128>}, {pipeline_mode = #tpu.pipeline_mode<synchronous>, transform_indices = @transform_2, window_bounds = array<i64: 128, 128>}, {pipeline_mode = #tpu.pipeline_mode<synchronous>, transform_indices = @transform_3, window_bounds = array<i64: 128, 128>}, {pipeline_mode = #tpu.pipeline_mode<synchronous>, transform_indices = @transform_4, window_bounds = array<i64: 1, 128>}, {transform_indices = @transform_5, window_bounds = array<i64: 1024, 128>}]} {
    %get3A = arith.constant 0 : index
    %get3A_0 = arith.constant 0 : index
    %get3A_1 = arith.constant 0 : index
    %get3A_2 = vector.load %arg1[%get3A, %get3A_0, %get3A_1] : memref<2x1024x128xf32, #tpu.memory_space<vmem>>, vector<1x1024x128xf32>
    %get3A_3 = vector.shape_cast %get3A_2 : vector<1x1024x128xf32> to vector<1024x128xf32>
    %get3A_4 = arith.constant 1 : index
    %get3A_5 = arith.constant 0 : index
    %get3A_6 = arith.constant 0 : index
    %get3A_7 = vector.load %arg1[%get3A_4, %get3A_5, %get3A_6] : memref<2x1024x128xf32, #tpu.memory_space<vmem>>, vector<1x1024x128xf32>
    %get3A_8 = vector.shape_cast %get3A_7 : vector<1x1024x128xf32> to vector<1024x128xf32>
    %add3A = arith.addf %get3A_3, %get3A_8 : vector<1024x128xf32>
    %get3A_9 = arith.constant 0 : index
    %get3A_10 = arith.constant 0 : index
    %get3A_11 = vector.load %arg3[%get3A_9, %get3A_10] : memref<128x128xf32, #tpu.memory_space<vmem>>, vector<128x128xf32>
    %dot_general3A = arith.constant dense<0.000000e+00> : vector<1024x128xf32>
    %dot_general3A_12 = tpu.matmul %add3A, %get3A_11, %dot_general3A {dimension_numbers = #tpu.dot_dimension_numbers<[1], [0], [0], [1], [0, 0, 1, 1], [], []>, transpose_lhs_hint = false} : vector<1024x128xf32>, vector<128x128xf32>, vector<1024x128xf32> -> vector<1024x128xf32>
    %get3A_13 = arith.constant 0 : index
    %get3A_14 = arith.constant 0 : index
    %get3A_15 = vector.load %arg2[%get3A_13, %get3A_14] : memref<1024x128xf32, #tpu.memory_space<vmem>>, vector<1024x128xf32>
    %get3A_16 = arith.constant 0 : index
    %get3A_17 = arith.constant 0 : index
    %get3A_18 = vector.load %arg4[%get3A_16, %get3A_17] : memref<128x128xf32, #tpu.memory_space<vmem>>, vector<128x128xf32>
    %dot_general3A_19 = arith.constant dense<0.000000e+00> : vector<1024x128xf32>
    %dot_general3A_20 = tpu.matmul %get3A_15, %get3A_18, %dot_general3A_19 {dimension_numbers = #tpu.dot_dimension_numbers<[1], [0], [0], [1], [0, 0, 1, 1], [], []>, transpose_lhs_hint = false} : vector<1024x128xf32>, vector<128x128xf32>, vector<1024x128xf32> -> vector<1024x128xf32>
    %add3A_21 = arith.addf %dot_general3A_12, %dot_general3A_20 : vector<1024x128xf32>
    %get3A_22 = arith.constant 0 : index
    %get3A_23 = arith.constant 0 : index
    %get3A_24 = vector.load %arg5[%get3A_22, %get3A_23] : memref<1x128xf32, #tpu.memory_space<vmem>>, vector<1x128xf32>
    %add3A_25 = vector.broadcast %get3A_24 : vector<1x128xf32> to vector<1024x128xf32>
    %add3A_26 = arith.addf %add3A_21, %add3A_25 : vector<1024x128xf32>
    %ge3A = arith.constant 0.000000e+00 : f32
    %ge3A_27 = vector.broadcast %ge3A : f32 to vector<1024x128xf32>
    %ge3A_28 = arith.cmpf oge, %add3A_26, %ge3A_27 : vector<1024x128xf32>
    %mul3A = arith.constant 0.00999999977 : f32
    %mul3A_29 = vector.broadcast %mul3A : f32 to vector<1024x128xf32>
    %mul3A_30 = arith.mulf %mul3A_29, %add3A_26 : vector<1024x128xf32>
    %select_n3A = arith.select %ge3A_28, %add3A_26, %mul3A_30 : vector<1024x128xi1>, vector<1024x128xf32>
    %swap3A = arith.constant 0 : index
    %swap3A_31 = arith.constant 0 : index
    %swap3A_32 = vector.load %arg6[%swap3A, %swap3A_31] : memref<1024x128xf32, #tpu.memory_space<vmem>>, vector<1024x128xf32>
    tpu.vector_store %arg6[%swap3A, %swap3A_31], %select_n3A {strides = array<i32>} : memref<1024x128xf32, #tpu.memory_space<vmem>>, vector<1024x128xf32>,
    return
  }
  func.func @transform_0(%arg0: i32) -> (i32, i32, i32) {
    %c0_i32 = arith.constant 0 : i32
    %c0_i32_0 = arith.constant 0 : i32
    %c0_i32_1 = arith.constant 0 : i32
    return %c0_i32, %arg0, %c0_i32_0 : i32, i32, i32
  }
  func.func @transform_1(%arg0: i32) -> (i32, i32) {
    %c0_i32 = arith.constant 0 : i32
    %c0_i32_0 = arith.constant 0 : i32
    return %arg0, %c0_i32 : i32, i32
  }
  func.func @transform_2(%arg0: i32) -> (i32, i32) {
    %c0_i32 = arith.constant 0 : i32
    %c0_i32_0 = arith.constant 0 : i32
    %c0_i32_1 = arith.constant 0 : i32
    return %c0_i32, %c0_i32_0 : i32, i32
  }
  func.func @transform_3(%arg0: i32) -> (i32, i32) {
    %c0_i32 = arith.constant 0 : i32
    %c0_i32_0 = arith.constant 0 : i32
    %c0_i32_1 = arith.constant 0 : i32
    return %c0_i32, %c0_i32_0 : i32, i32
  }
  func.func @transform_4(%arg0: i32) -> (i32, i32) {
    %c0_i32 = arith.constant 0 : i32
    %c0_i32_0 = arith.constant 0 : i32
    %c0_i32_1 = arith.constant 0 : i32
    return %c0_i32, %c0_i32_0 : i32, i32
  }
  func.func @transform_5(%arg0: i32) -> (i32, i32) {
    %c0_i32 = arith.constant 0 : i32
    %c0_i32_0 = arith.constant 0 : i32
    return %arg0, %c0_i32 : i32, i32
  }
}

</mosaic_0001>

<sc_bundles>
// kernel: kernel.6.cloned.1.call-start
scs
__scs_entry_jumppad:
0x0: {  	(pc) =	sbr.rel $0x88, $3  }
0x1: {  	(tag) =	ssettag $0x0;
	lr =	simm.s32 $0x1  }
0x2: {  	[smem:$0x3F96] =	sst lr;
	_ =	strace $0xD0000000  }
0x3: {  	_ = 	snop  }
0x4: {  	_ = 	snop  }
0x5: {  	_ = 	snop  }
0x6: {  	_ = 	snop  }
0x7: {  	_ = 	snop  }
__scs_overlays_trampoline_lowered:
0x8: {  	[smem:$0x3FA5] =	sst s0  }
0x9: {  	[smem:$0x3FA6] =	sst s1  }
0xa: {  	[smem:$0x3FA7] =	sst s2  }
0xb: {  	[smem:$0x3FA8] =	sst s3  }
0xc: {  	[smem:$0x3FA9] =	sst s4  }
0xd: {  	[smem:$0x3FAA] =	sst s5  }
0xe: {  	[smem:$0x3FAB] =	sst s6  }
0xf: {  	[smem:$0x3FAC] =	sst s7  }
0x10: {  	[smem:$0x3FAD] =	sst s8  }
0x11: {  	[smem:$0x3FAE] =	sst s9;
	s0 =	simm.s32 @!p0 $0x0  }
0x12: {  	s1 =	sld [smem:$0x3F94];
	s0 =	simm.s32 @p0 $0x1  }
0x13: {  	[smem:$0x3FAF] =	sst s0;
	s0 =	simm.s32 @!p1 $0x0  }
0x14: {  	s2 =	sld [smem:$0x3F93];
	s0 =	simm.s32 @p1 $0x1  }
0x15: {  	[smem:$0x3FB0] =	sst s0;
	s0 =	simm.s32 @!p2 $0x0  }
0x16: {  	s3 =	sld [smem:$0x3FDB];
	s0 =	simm.s32 @p2 $0x1  }
0x17: {  	s4 =	simm.s32 $0x1BF5;
	[smem:$0x3FB2] =	sst s0  }
0x18: {  	s0 =	sld [smem:$0x3F95];
	_ =	swait.ge [sflag:s4], $0x0  }
0x19: {  	s7 =	sld [smem:$0x3F96]  }
0x1a: {  	s8 =	sadd.s32 $0xFFFFE003, lr  }
0x1b: {  	s9 =	sadd.s32 $0xFFFFFEF7, lr;
	s5 =	simm.s32 $0xFFFFFFFF;
	p2 =	slt.u32 s8, $0xFFFFF086  }
0x1c: {  	p1 =	slt.u32 s9, $0xF7A;
	s5 =	simm.s32 @!p2 $0x0  }
0x1d: {  	s5 =	simm.s32 @p1 $0x1;
	p0 =	seq.s32 s7, s2  }
0x1e: {  	s7 =	smul.u32 @!p0 $0xF7A, s2;
	p2 =	seq.s32 @!p0 s5, $0x0  }
0x1f: {  	s9 =	smul.u32 $0xF7A, s1;
	s8 =	simm.s32 @!p0 $0x1BF5;
	p2 =	por !p2, p0  }
0x20: {  	[sflag:s8] =	ssyncset.s32 @!p0 $0xFFFFF086;
	s6 =	sadd.s32 @!p0 s3, s7;
	s7 =	simm.s32 @!p0 $0x108  }
0x21: {  	s3 =	sadd.s32 s3, s9;
	s6 =	sadd.s32 @!p0 $0x88, s6;
	s7 =	simm.s32 @p2 $0x1082  }
0x22: {  	[simem:s7], [sflag:s8] =	dma.local @!p0 [hbm:s6], $0xF7A  }
0x23: {  	s9 =	sor.u32 $0xD0000000, s2;
	s6 =	simm.s32 $0x108;
	_ =	swait.ge @!p0 [sflag:s8], $0x0  }
0x24: {  	s3 =	sadd.s32 $0x88, s3;
	s6 =	simm.s32 @!p1 $0x1082;
	[sflag:s4] =	ssyncset.s32 $0xFFFFF086  }
0x25: {  	[simem:s6], [sflag:s4] =	dma.local [hbm:s3], $0xF7A  }
0x26: {  	[smem:$0x3F96] =	sst s1;
	(tag) =	ssettag s2;
	_ =	strace s9  }
0x27: {  	s1 =	sld [smem:$0x3FA6]  }
0x28: {  	s2 =	sld [smem:$0x3FA7]  }
0x29: {  	s4 =	sld [smem:$0x3FA9]  }
0x2a: {  	p0 =	seq.s32 s5, $0x0;
	s5 =	sld [smem:$0x3FAA]  }
0x2b: {  	s6 =	sld [smem:$0x3FAB]  }
0x2c: {  	s7 =	sld [smem:$0x3FAC]  }
0x2d: {  	s3 =	simm.s32 $0x108;
	s8 =	sld [smem:$0x3FAD]  }
0x2e: {  	s3 =	simm.s32 @!p0 $0x1082;
	s9 =	sld [smem:$0x3FAE]  }
0x2f: {  	lr =	sadd.s32 s0, s3;
	s0 =	sld [smem:$0x3FA5]  }
0x30: {  	s3 =	sld [smem:$0x3FA8]  }
0x31: {  	[smem:$0x3FB1] =	sst s10  }
0x32: {  	s10 =	sld [smem:$0x3FAF];
	_ =	sdelay $0x3  }
0x33: {  	p0 =	seq.s32 s10, $0x1;
	s10 =	sld [smem:$0x3FB1];
	_ =	sdelay $0x3  }
0x34: {  	[smem:$0x3FB1] =	sst s10  }
0x35: {  	s10 =	sld [smem:$0x3FB0];
	_ =	sdelay $0x3  }
0x36: {  	p1 =	seq.s32 s10, $0x1;
	s10 =	sld [smem:$0x3FB1];
	_ =	sdelay $0x3  }
0x37: {  	[smem:$0x3FB1] =	sst s10  }
0x38: {  	s10 =	sld [smem:$0x3FB2]  }
0x39: {  	_ = 	snop;
	(pc) =	sbr.ind lr, $3  }
0x3a: {  	_ = 	snop  }
0x3b: {  	_ = 	snop  }
0x3c: {  	p2 =	seq.s32 s10, $0x1;
	s10 =	sld [smem:$0x3FB1]  }
0x3d: {  	_ =	shalt  }
0x3e: {  	_ =	shalt  }
0x3f: {  	_ =	shalt  }
0x40: {  	_ =	shalt  }
0x41: {  	_ =	shalt  }
0x42: {  	_ =	shalt  }
0x43: {  	_ =	shalt  }
0x44: {  	_ =	shalt  }
0x45: {  	_ =	shalt  }
0x46: {  	_ =	shalt  }
0x47: {  	_ =	shalt  }
0x48: {  	_ =	shalt  }
0x49: {  	_ =	shalt  }
0x4a: {  	_ =	shalt  }
0x4b: {  	_ =	shalt  }
0x4c: {  	_ =	shalt  }
0x4d: {  	_ =	shalt  }
0x4e: {  	_ =	shalt  }
0x4f: {  	_ =	shalt  }
0x50: {  	_ =	shalt  }
0x51: {  	_ =	shalt  }
0x52: {  	_ =	shalt  }
0x53: {  	_ =	shalt  }
0x54: {  	_ =	shalt  }
0x55: {  	_ =	shalt  }
0x56: {  	_ =	shalt  }
0x57: {  	_ =	shalt  }
0x58: {  	_ =	shalt  }
0x59: {  	_ =	shalt  }
0x5a: {  	_ =	shalt  }
0x5b: {  	_ =	shalt  }
0x5c: {  	_ =	shalt  }
0x5d: {  	_ =	shalt  }
0x5e: {  	_ =	shalt  }
0x5f: {  	_ =	shalt  }
0x60: {  	_ =	shalt  }
0x61: {  	_ =	shalt  }
0x62: {  	_ =	shalt  }
0x63: {  	_ =	shalt  }
0x64: {  	_ =	shalt  }
0x65: {  	_ =	shalt  }
0x66: {  	_ =	shalt  }
0x67: {  	_ =	shalt  }
0x68: {  	_ =	shalt  }
0x69: {  	_ =	shalt  }
0x6a: {  	_ =	shalt  }
0x6b: {  	_ =	shalt  }
0x6c: {  	_ =	shalt  }
0x6d: {  	_ =	shalt  }
0x6e: {  	_ =	shalt  }
0x6f: {  	_ =	shalt  }
0x70: {  	_ =	shalt  }
0x71: {  	_ =	shalt  }
0x72: {  	_ =	shalt  }
0x73: {  	_ =	shalt  }
0x74: {  	_ =	shalt  }
0x75: {  	_ =	shalt  }
0x76: {  	_ =	shalt  }
0x77: {  	_ =	shalt  }
0x78: {  	_ =	shalt  }
0x79: {  	_ =	shalt  }
0x7a: {  	_ =	shalt  }
0x7b: {  	_ =	shalt  }
0x7c: {  	_ =	shalt  }
0x7d: {  	_ =	shalt  }
0x7e: {  	_ =	shalt  }
0x7f: {  	_ =	shalt  }
0x80: {  	_ =	shalt  }
0x81: {  	_ =	shalt  }
0x82: {  	_ =	shalt  }
0x83: {  	_ =	shalt  }
0x84: {  	_ =	shalt  }
0x85: {  	_ =	shalt  }
0x86: {  	_ =	shalt  }
0x87: {  	_ =	shalt  }
.Lfunc_end0:
.L_simem_size_0:
called_computation_lowered:
.L_overlay_start_0:
0x88: {  	s2 =	sld [smem:$0x3FD9]  }
0x89: {  	s3 =	sld [smem:$0x3FFE];
	_ =	sdelay $0x1  }
0x8a: {  	s1 =	srdreg.scid  }
0x8b: {  	s0 =	sand.u32 $0x1, s1  }
0x8c: {  	s16 =	sshll.u32 s0, $0xA;
	s2 =	sadd.s32 s3, s2  }
0x8d: {  	s2 =	sadd.s32 s2, s16  }
0x8e: {  	[smem:$0x3FBD] =	sst s2  }
0x8f: {  	_ = 	snop  }
0x90: {  	(tm) =	ssettm $0x1  }
0x91: {  	s17 =	sld [smem:$0x3FFB];
	_ =	sdelay $0x3  }
0x92: {  	_ =	strace s17  }
0x93: {  	s2 =	sld [smem:$0x3FFC];
	_ =	sdelay $0x3  }
0x94: {  	_ =	strace s2  }
0x95: {  	s2 =	sld [smem:$0x3FFD];
	_ =	sdelay $0x3  }
0x96: {  	_ =	strace s2  }
0x97: {  	_ =	strace $0x8FFFFFFF  }
0x98: {  	s18 =	sld [smem:$0x3FDB];
	_ =	sdelay $0x1  }
0x99: {  	s19 =	simm.s32 $_scs_section_size  }
0x9a: {  	s4 =	simm.s32 $_size__tile_overlayer_lowered;
	s5 =	simm.s32 $_tile_overlayer_lowered  }
0x9b: {  	s22 =	simm.s32 $0x1BFF;
	s21 =	sshll.u32 s5, $0x1;
	s2 =	sadd.s32 s19, s18  }
0x9c: {  	s6 =	simm.s32 $0x0;
	s20 =	sshll.u32 s4, $0x1;
	s4 =	sadd.s32 s21, s2  }
0x9d: {  	[timem:s6], [sflag:s22] =	dma.local [hbm:s4], s20  }
0x9e: {  	_ =	swait.ge [sflag:s22], s20  }
0x9f: {  	s3 =	ssub.s32 $0x0, s20;
	[sflag:s22] =	ssyncset.done $0x0  }
0xa0: {  	[sflag:s22] =	ssyncadd.s32 s3;
	_ =	sdelay $0x1  }
0xa1: {  	s23 =	simm.s32 $0x1B8B  }
0xa2: {  	_ =	swait.ge [sflag:s23], $0x1  }
0xa3: {  	[sflag:s23] =	ssyncset.done $0x0  }
0xa4: {  	s25 =	simm.s32 $0x1B8E;
	s24 =	sld [smem:$0x3FFE];
	[sflag:s23] =	ssyncadd.s32 $0xFFFFFFFF  }
0xa5: {  	s26 =	simm.s32 $execute0_lowered;
	[smem:$0x3FD2] =	sst s25  }
0xa6: {  	s4 =	sshll.u32 s26, $0x1;
	_ =	strace $0x80000046;
	[dreg:$0x1] =	wrdreg $0xFFFFFFFF  }
0xa7: {  	s28 =	simm.s32 $_size_execute0_lowered;
	s2 =	sadd.s32 s2, s4;
	[dreg:$0x0] =	wrdreg $0x0  }
0xa8: {  	s4 =	sshll.u32 s28, $0x1;
	[dreg:$0x2] =	wrdreg s2  }
0xa9: {  	[dreg:$0x3] =	wrdreg s4  }
0xaa: {  	[dreg:$0x4] =	wrdreg $0xC0  }
0xab: {  	_ =	task [dreg:s6], $0x5FFFF  }
0xac: {  	[dreg:$0x1] =	wrdreg $0xFFFFFFFF  }
0xad: {  	[dreg:$0x0] =	wrdreg $0x60  }
0xae: {  	[dreg:$0x2] =	wrdreg s24  }
0xaf: {  	[dreg:$0x3] =	wrdreg $0x88000  }
0xb0: {  	[dreg:$0x4] =	wrdreg $0x9  }
0xb1: {  	_ =	task.clear_ibuf [dreg:s6], $0x5FFFF;
	_ =	strace $0x90000046  }
0xb2: {  	s29 =	simm.s32 $0x9;
	_ =	strace $0x80000048  }
0xb3: {  	_ =	swait.ge [sflag:s29], $0x1  }
0xb4: {  	[sflag:s29] =	ssyncadd.s32 $0xFFFFFFFF  }
0xb5: {  	_ =	strace $0x90000048  }
0xb6: {  	_ =	sfence  }
0xb7: {  	s30 =	sld [smem:$0x0];
	_ =	sdelay $0x2  }
0xb8: {  	s31 =	sshll.u32 s1, $0xD;
	s1 =	sshrl.u32 s1, $0x2  }
0xb9: {  	s3 =	sand.u32 $0x4000, s31;
	s1 =	sadd.s32 s1, s30  }
0xba: {  	s0 =	sor.u32 s3, s0;
	s1 =	sshll.u32 s1, $0x11  }
0xbb: {  	s0 =	sor.u32 s1, s0  }
0xbc: {  	s0 =	sadd.s32 $0x8F2B, s0  }
0xbd: {  	[sflag:s0] =	ssyncadd.remote.s32 $0x1  }
0xbe: {  	_ =	sfence.sel $0xFFFF  }
0xbf: {  	[dreg:$0x0] =	wrdreg $0xFFFFFFFF;
	(pc) =	sbr.abs _section_cstart, $3  }
0xc0: {  	[dreg:$0x1] =	wrdreg $0xFFFFFFFF  }
0xc1: {  	_ =	task.clear_ibuf [dreg:s6], $0x2FFFF;
	_ =	strace $0x9FFFFFFF  }
0xc2: {  	(tm) =	ssettm $0x7FFFFFFF  }
0xc3: {  	_ =	shalt  }
tec
execute0_lowered:
.L_overlay_start_1:
0x0: {  	(tag) =	ssettag $0x1  }
0x1: {  	s0 =	rddreg [dreg:$0x0]  }
0x2: {  	s2 =	rddreg [dreg:$0x1]  }
0x3: {  	s1 =	srdreg.scid;
	s3 =	simm.s32 $0x0;
	s11 =	stileid.u32  }
0x4: {  	s18 =	simm.s32 $0x200;
	s16 =	simm.s32 $0x9;
	s28 =	simm.s32 $0x4800  }
0x5: {  	s29 =	simm.s32 $0x600;
	s30 =	simm.s32 $0x6;
	s31 =	simm.s32 $0x7  }
0x6: {  	s17 =	simm.s32 $0x0;
	s1 =	sand.u32 $0x1, s1;
	s6 =	smul.u32 $0x14000, s11  }
0x7: {  	[smem:$0x7FF] =	sst s3;
	s20 =	smul.u32 $0x50000, s11;
	s24 =	sshll.u32 s11, $0x6  }
0x8: {  	s4 =	sshll.u32 s1, $0x4;
	_ =	strace $0x80000047;
	s7 =	smul.u32 $0x140000, s1  }
0x9: {  	s1 =	ssub.s32 $0x2, s1;
	s5 =	sor.u32 s11, s4;
	s4 =	sadd.s32 $0x2400, s0  }
0xa: {  	s8 =	sshrl.u32 s6, $0x3;
	s10 =	sshrl.u32 s1, $0x1;
	s23 =	sshrl.u32 s20, $0x2  }
0xb: {  	s11 =	simm.s32 $0x680;
	s9 =	smul.u32 $0xA000, s5;
	s5 =	sadd.s32 $0x2A400, s0  }
0xc: {  	s8 =	sadd.s32 s8, s0;
	s6 =	sadd.s32 s6, s7;
	s1 =	ssub.s32 s1, s10  }
0xd: {  	s10 =	sor.u32 $0x1C09, s24;
	s24 =	simm.s32 $0x800;
	s7 =	simm.s32 $0x8  }
0xe: {  	s6 =	sshrl.u32 s6, $0x3;
	s8 =	sadd.s32 $0x52400, s8;
	s26 =	smax.u32 s1, $0x1  }
0xf: {  	[dreg:$0x7] =	wrdreg s10;
	s19 =	sshrl.u32 s9, $0x3;
	s0 =	sadd.s32 s6, s0  }
0x10: {  	s6 =	sadd.s32 s23, s2;
	[dreg:$0x6] =	wrdreg s8;
	s13 =	sor.u32 $0xA00, s9  }
0x11: {  	s14 =	sor.u32 $0xC00, s9;
	s15 =	sor.u32 $0xE00, s9;
	[dreg:$0xa] =	wrdreg s26  }
0x12: {  	s23 =	simm.s32 $0x80;
	s26 =	simm.s32 $0x2;
	s12 =	sadd.s32 s5, s19  }
0x13: {  	s8 =	simm.s32 $0x4;
	s0 =	sadd.s32 $0x7A400, s0;
	[dreg:$0x3] =	wrdreg s12  }
0x14: {  	s19 =	simm.s32 $0x400;
	s6 =	sshrl.u32 s6, $0x3;
	[dreg:$0x9] =	wrdreg s0  }
0x15: {  	s21 =	sadd.s32 $0x40, s12;
	s22 =	sadd.s32 $0x80, s12;
	[dreg:$0xb] =	wrdreg s6  }
0x16: {  	s25 =	sadd.s32 $0xC0, s12;
	s12 =	sor.u32 $0x800, s9;
	[dreg:$0x4] =	wrdreg s21  }
0x17: {  	s0 =	simm.s32 $0x3;
	s9 =	simm.s32 $0x480;
	[dreg:$0x5] =	wrdreg s22  }
0x18: {  	[dreg:$0x8] =	wrdreg s25;
	s22 =	simm.s32 $0x1;
	s25 =	simm.s32 $0x5  }
.LBB2_1:
0x19: {  	[dreg:$0xc] =	wrdreg s17  }
0x1a: {  	s1 =	rddreg [dreg:$0x3]  }
0x1b: {  	s17 =	rddreg [dreg:$0x4]  }
0x1c: {  	[tilespmem:s3], [sflag:$0x1] =	stream.linear.gather [hbm4b:s1+s3], $0x180, $0x38;
	[tilespmem:$0x1C800] =	vst v63  }
0x1d: {  	s20 =	rddreg [dreg:$0x5]  }
0x1e: {  	[tilespmem:s18], [sflag:$0x2] =	stream.linear.gather [hbm4b:s17+s3], $0x180, $0x38;
	[tilespmem:$0x1C800] =	vst v63  }
0x1f: {  	s21 =	rddreg [dreg:$0x6]  }
0x20: {  	[tilespmem:s19], [sflag:$0x3] =	stream.linear.gather [hbm4b:s20+s3], $0x180, $0x38;
	[tilespmem:$0x1C800] =	vst v63  }
0x21: {  	[spmem:s6], [sflag:s10] =	dma.local [hbm:s21], $0x2800  }
0x22: {  	_ =	swait.ge [sflag:s16], $0x2800  }
0x23: {  	[sflag:s16] =	ssyncset.done $0x0  }
0x24: {  	[sflag:s16] =	ssyncadd.s32 $0xFFFFD800  }
0x25: {  	_ =	swait.ge [sflag:s22], $0x180  }
0x26: {  	[sflag:s22] =	ssyncset.done $0x0  }
0x27: {  	[sflag:s22] =	ssyncadd.s32 $0xFFFFFE80  }
0x28: {  	[tilespmem:s24], [sflag:$0x5] =	stream.indirect.gather [hbm4b:s4+s23], $0x80, s3, s23, $0xb8;
	[tilespmem:$0x1C800] =	vst v63  }
0x29: {  	[bflag:$0x0] =	sbarrier.arrive $0xFFFF  }
0x2a: {  	v0 =	vmov s3;
	s17 =	simm.s32 $0x1;
	_ =	swait.ge [sflag:s25], $0x4000  }
0x2b: {  	v0 =	vand.u32 $0x7E, v0;
	v1 =	vmov s17;
	[sflag:s25] =	ssyncset.done $0x0  }
0x2c: {  	v0 =	vor.u32 $0x100, v0;
	v1 =	vand.u32 $0x7F, v1;
	[sflag:s25] =	ssyncadd.s32 $0xFFFFC000  }
0x2d: {  	v0 =	vbroadcast v0, $0x0;
	v1 =	vor.u32 $0x100, v1;
	_ =	swait.ge [sflag:s26], $0x180  }
0x2e: {  	v2 =	vbroadcast v1, $0x0;
	[sflag:s26] =	ssyncset.done $0x0  }
0x2f: {  	[sflag:s26] =	ssyncadd.s32 $0xFFFFFE80  }
0x30: {  	[tilespmem:s28], [sflag:$0x6] =	stream.indirect.gather [hbm4b:s4+s23], $0x80, s18, s23, $0xb8;
	[tilespmem:$0x1C800] =	vst v63  }
0x31: {  	s20 =	rddreg [dreg:$0x8]  }
0x32: {  	[tilespmem:s29], [sflag:$0x4] =	stream.linear.gather [hbm4b:s20+s3], $0x180, $0x38;
	[tilespmem:$0x1C800] =	vst v63  }
0x33: {  	v1 =	vld.idx.msk [tilespmem:v0+s3+$0x0], $0xffff  }
0x34: {  	s6 =	simm.s32 $0x880;
	v0 =	vld.idx.msk [tilespmem:v2+s3+$0x0], $0xffff  }
0x35: {  	v3 =	vld [tilespmem:s6+$0x70]  }
0x36: {  	v5 =	vld [tilespmem:s6+$0xFFFFFF80]  }
0x37: {  	v7 =	vld [tilespmem:s6+$0xFFFFFF90]  }
0x38: {  	v6 =	vld [tilespmem:s6+$0xFFFFFFA0]  }
0x39: {  	v4 =	vld [tilespmem:s6+$0xFFFFFFB0]  }
0x3a: {  	v2 =	vld [tilespmem:s6+$0xFFFFFFC0];
	v10 =	vmul.f32 v0, v3  }
0x3b: {  	s21 =	simm.s32 $0x2;
	v3 =	vld [tilespmem:s6+$0xFFFFFFD0];
	v8 =	vmul.f32 v1, v5  }
0x3c: {  	s17 =	simm.s32 $0x4;
	s10 =	simm.s32 $0x880;
	v9 =	vmov s21;
	s16 =	simm.s32 $0x3;
	v7 =	vmul.f32 v1, v7;
	v5 =	vld [tilespmem:s6+$0xFFFFFFE0];
	[tilespmem:s6+$0x70] =	vst v10  }
.LBB2_2:
0x3d: {  	p0 =	slt.u32 s17, $0x7E;
	v9 =	vand.u32 $0x7E, v9;
	v10 =	vmov s16;
	[tilespmem:s6+$0xFFFFFF80] =	vst v8;
	v6 =	vmul.f32 v1, v6;
	v8 =	vld [tilespmem:s6+$0xFFFFFFF0]  }
0x3e: {  	v9 =	vor.u32 $0x100, v9;
	v10 =	vand.u32 $0x7F, v10;
	[tilespmem:s6+$0xFFFFFF90] =	vst v7;
	v4 =	vmul.f32 v1, v4;
	v7 =	vld [tilespmem:s6+$0x0]  }
0x3f: {  	v9 =	vbroadcast v9, $0x0;
	v10 =	vor.u32 $0x100, v10;
	[tilespmem:s6+$0xFFFFFFA0] =	vst v6;
	v2 =	vmul.f32 v1, v2;
	v6 =	vld [tilespmem:s6+$0x10]  }
0x40: {  	v10 =	vbroadcast v10, $0x0;
	[tilespmem:s6+$0xFFFFFFB0] =	vst v4;
	v3 =	vmul.f32 v1, v3;
	v4 =	vld [tilespmem:s6+$0x20]  }
0x41: {  	[tilespmem:s6+$0xFFFFFFC0] =	vst v2;
	v2 =	vmul.f32 v1, v5;
	v5 =	vld [tilespmem:s6+$0x30]  }
0x42: {  	[tilespmem:s6+$0xFFFFFFD0] =	vst v3;
	v1 =	vmul.f32 v1, v8;
	v3 =	vld [tilespmem:s6+$0x40]  }
0x43: {  	[tilespmem:s6+$0xFFFFFFE0] =	vst v2;
	v2 =	vmul.f32 v0, v7;
	v7 =	vld [tilespmem:s6+$0x50]  }
0x44: {  	[tilespmem:s6+$0xFFFFFFF0] =	vst v1;
	v6 =	vmul.f32 v0, v6;
	v8 =	vld [tilespmem:s6+$0x60]  }
0x45: {  	v1 =	vld.idx.msk [tilespmem:v9+s3+$0x0], $0xffff;
	[tilespmem:s6+$0x0] =	vst v2;
	v2 =	vmul.f32 v0, v4  }
0x46: {  	s6 =	sadd.s32 $0x100, s6;
	v9 =	vld.idx.msk [tilespmem:v10+s3+$0x0], $0xffff;
	[tilespmem:s10+$0x10] =	vst v6;
	v4 =	vmul.f32 v0, v5  }
0x47: {  	v5 =	vld [tilespmem:s6+$0x70];
	[tilespmem:s10+$0x20] =	vst v2;
	v2 =	vmul.f32 v0, v3  }
0x48: {  	v3 =	vld [tilespmem:s6+$0xFFFFFF80];
	[tilespmem:s10+$0x30] =	vst v4;
	v4 =	vmul.f32 v0, v7  }
0x49: {  	v7 =	vld [tilespmem:s6+$0xFFFFFF90];
	[tilespmem:s10+$0x40] =	vst v2;
	v8 =	vmul.f32 v0, v8  }
.Ltmp0:
0x4a: {  	v6 =	vld [tilespmem:s6+$0xFFFFFFA0];
	[tilespmem:s10+$0x50] =	vst v4;
	(pc) =	sbr.rel @p0 .LBB2_2-.Ltmp0, $4  }
0x4b: {  	v4 =	vld [tilespmem:s6+$0xFFFFFFB0];
	[tilespmem:s10+$0x60] =	vst v8;
	s10 =	smov.u32 s6  }
0x4c: {  	v0 =	vmov v9;
	v2 =	vld [tilespmem:s6+$0xFFFFFFC0];
	v10 =	vmul.f32 v9, v5  }
0x4d: {  	v8 =	vmul.f32 v1, v3;
	v3 =	vld [tilespmem:s6+$0xFFFFFFD0]  }
0x4e: {  	s16 =	sadd.s32 $0x1, s17;
	v9 =	vmov s17;
	s17 =	sadd.s32 $0x2, s17;
	v7 =	vmul.f32 v1, v7;
	v5 =	vld [tilespmem:s6+$0xFFFFFFE0];
	[tilespmem:s6+$0x70] =	vst v10  }
0x4f: {  	v10 =	vld [tilespmem:s6+$0xFFFFFFF0]  }
0x50: {  	v11 =	vld [tilespmem:s6+$0x0]  }
0x51: {  	[tilespmem:s6+$0xFFFFFF80] =	vst v8;
	v18 =	vand.u32 $0x7E, v9;
	v6 =	vmul.f32 v1, v6;
	v12 =	vld [tilespmem:s6+$0x10]  }
0x52: {  	v21 =	vld [tilespmem:s6+$0x20];
	v8 =	vor.u32 $0x100, v18;
	[tilespmem:s6+$0xFFFFFF90] =	vst v7;
	v4 =	vmul.f32 v1, v4  }
0x53: {  	v22 =	vld [tilespmem:s6+$0x30];
	v8 =	vbroadcast v8, $0x0;
	[tilespmem:s6+$0xFFFFFFA0] =	vst v6;
	v2 =	vmul.f32 v1, v2  }
0x54: {  	v23 =	vld [tilespmem:s6+$0x40];
	[tilespmem:s6+$0xFFFFFFB0] =	vst v4;
	v3 =	vmul.f32 v1, v3  }
0x55: {  	v25 =	vld [tilespmem:s6+$0x50];
	[tilespmem:s6+$0xFFFFFFC0] =	vst v2;
	v24 =	vmul.f32 v1, v5  }
0x56: {  	v27 =	vld [tilespmem:s6+$0x60];
	s1 =	sadd.s32 $0x100, s6;
	[tilespmem:s6+$0xFFFFFFD0] =	vst v3;
	v26 =	vmul.f32 v1, v10  }
0x57: {  	v31 =	vld [tilespmem:s1+$0x70];
	v28 =	vmul.f32 v0, v11;
	[tilespmem:s6+$0xFFFFFFE0] =	vst v24  }
0x58: {  	v19 =	vmov s16;
	v33 =	vld [tilespmem:s1+$0xFFFFFF80];
	v29 =	vmul.f32 v0, v12;
	[tilespmem:s6+$0xFFFFFFF0] =	vst v26  }
0x59: {  	v9 =	vand.u32 $0x7F, v19;
	v30 =	vmul.f32 v0, v21;
	[tilespmem:s6+$0x0] =	vst v28;
	v8 =	vld.idx.msk [tilespmem:v8+s3+$0x0], $0xffff  }
0x5a: {  	v35 =	vld [tilespmem:s1+$0xFFFFFF90];
	v9 =	vor.u32 $0x100, v9;
	v32 =	vmul.f32 v0, v22;
	[tilespmem:s10+$0x10] =	vst v29  }
0x5b: {  	v37 =	vld [tilespmem:s1+$0xFFFFFFA0];
	v20 =	vbroadcast v9, $0x0;
	v34 =	vmul.f32 v0, v23;
	[tilespmem:s10+$0x20] =	vst v30  }
0x5c: {  	v39 =	vld [tilespmem:s1+$0xFFFFFFB0];
	v36 =	vmul.f32 v0, v25;
	[tilespmem:s10+$0x30] =	vst v32  }
0x5d: {  	v40 =	vld [tilespmem:s1+$0xFFFFFFC0];
	v38 =	vmul.f32 v0, v27;
	[tilespmem:s10+$0x40] =	vst v34  }
0x5e: {  	v43 =	vld [tilespmem:s1+$0xFFFFFFD0];
	[tilespmem:s10+$0x50] =	vst v36;
	v42 =	vmul.f32 v8, v33  }
0x5f: {  	v44 =	vld [tilespmem:s1+$0xFFFFFFE0];
	[tilespmem:s10+$0x60] =	vst v38;
	v4 =	vmul.f32 v8, v35  }
0x60: {  	v46 =	vld [tilespmem:s1+$0xFFFFFFF0];
	v45 =	vmul.f32 v8, v37;
	[tilespmem:s1+$0xFFFFFF80] =	vst v42  }
0x61: {  	v7 =	vld.idx.msk [tilespmem:v20+s3+$0x0], $0xffff;
	v2 =	vmul.f32 v8, v39;
	[tilespmem:s1+$0xFFFFFF90] =	vst v4  }
0x62: {  	v47 =	vld [tilespmem:s1+$0x0];
	v48 =	vmul.f32 v8, v40;
	[tilespmem:s1+$0xFFFFFFA0] =	vst v45  }
0x63: {  	v49 =	vld [tilespmem:s1+$0x10];
	v50 =	vmul.f32 v8, v43;
	[tilespmem:s1+$0xFFFFFFB0] =	vst v2  }
0x64: {  	v51 =	vld [tilespmem:s1+$0x20];
	v52 =	vmul.f32 v8, v44;
	[tilespmem:s1+$0xFFFFFFC0] =	vst v48  }
0x65: {  	v53 =	vld [tilespmem:s1+$0x30];
	v54 =	vmul.f32 v8, v46;
	[tilespmem:s1+$0xFFFFFFD0] =	vst v50  }
0x66: {  	v55 =	vld [tilespmem:s1+$0x40];
	v41 =	vmul.f32 v7, v31;
	[tilespmem:s1+$0xFFFFFFE0] =	vst v52  }
0x67: {  	v57 =	vld [tilespmem:s1+$0x50];
	v56 =	vmul.f32 v7, v47;
	[tilespmem:s1+$0xFFFFFFF0] =	vst v54  }
0x68: {  	v58 =	vld [tilespmem:s1+$0x60];
	v1 =	vmul.f32 v7, v49;
	[tilespmem:s1+$0x70] =	vst v41  }
0x69: {  	v59 =	vmul.f32 v7, v51;
	[tilespmem:s1+$0x0] =	vst v56  }
0x6a: {  	v60 =	vmul.f32 v7, v53;
	[tilespmem:s1+$0x10] =	vst v1  }
0x6b: {  	v61 =	vmul.f32 v7, v55;
	[tilespmem:s1+$0x20] =	vst v59  }
0x6c: {  	v62 =	vmul.f32 v7, v57;
	[tilespmem:s1+$0x30] =	vst v60  }
0x6d: {  	v63 =	vmul.f32 v7, v58;
	[tilespmem:s1+$0x40] =	vst v61  }
0x6e: {  	[tilespmem:s1+$0x50] =	vst v62  }
0x6f: {  	s17 =	simm.s32 $0x0;
	s6 =	simm.s32 $0x0;
	[tilespmem:s1+$0x60] =	vst v63  }
0x70: {  	[spmem:s2] =	stream.indirect.scatter.add.f32 [tilespmem:s24], [sflag:$0x7], $0x80, s23, s23, $0xb8;
	[tilespmem:$0x1C800] =	vst v63  }
.LBB2_4:
0x71: {  	_ =	swait.ge [sflag:s30], $0x4000  }
0x72: {  	[sflag:s30] =	ssyncset.done $0x0  }
0x73: {  	[sflag:s30] =	ssyncadd.s32 $0xFFFFC000  }
0x74: {  	v0 =	vmov s17;
	s1 =	simm.s32 $0x1;
	_ =	swait.ge [sflag:s31], $0x4000  }
0x75: {  	v0 =	vand.u32 $0x7E, v0;
	v1 =	vmov s1;
	[sflag:s31] =	ssyncset.done $0x0  }
0x76: {  	v0 =	vor.u32 $0x100, v0;
	v1 =	vand.u32 $0x7F, v1;
	[sflag:s31] =	ssyncadd.s32 $0xFFFFC000  }
0x77: {  	s10 =	sshll.u32 s6, $0xB;
	v0 =	vbroadcast v0, $0x0;
	v1 =	vor.u32 $0x100, v1;
	_ =	swait.ge [sflag:s0], $0x180  }
0x78: {  	s20 =	sadd.s32 s10, s12;
	v2 =	vbroadcast v1, $0x0;
	[sflag:s0] =	ssyncset.done $0x0  }
0x79: {  	s1 =	sshrl.u32 s20, $0x3;
	[sflag:s0] =	ssyncadd.s32 $0xFFFFFE80  }
0x7a: {  	[tilespmem:s24], [sflag:$0x5] =	stream.indirect.gather [hbm4b:s4+s23], $0x80, s19, s23, $0xb8;
	[tilespmem:$0x1C800] =	vst v63  }
0x7b: {  	s1 =	sadd.s32 s5, s1  }
0x7c: {  	[tilespmem:s17], [sflag:$0x1] =	stream.linear.gather [hbm4b:s1+s17], $0x180, $0x38;
	[tilespmem:$0x1C800] =	vst v63  }
0x7d: {  	v1 =	vld.idx.msk [tilespmem:v0+s18+$0x0], $0xffff  }
0x7e: {  	s20 =	simm.s32 $0x4880;
	v0 =	vld.idx.msk [tilespmem:v2+s18+$0x0], $0xffff  }
0x7f: {  	v3 =	vld [tilespmem:s20+$0x70]  }
0x80: {  	v5 =	vld [tilespmem:s20+$0xFFFFFF80]  }
0x81: {  	v7 =	vld [tilespmem:s20+$0xFFFFFF90]  }
0x82: {  	v6 =	vld [tilespmem:s20+$0xFFFFFFA0]  }
0x83: {  	v4 =	vld [tilespmem:s20+$0xFFFFFFB0]  }
0x84: {  	v2 =	vld [tilespmem:s20+$0xFFFFFFC0];
	v10 =	vmul.f32 v0, v3  }
0x85: {  	s21 =	simm.s32 $0x2;
	v3 =	vld [tilespmem:s20+$0xFFFFFFD0];
	v8 =	vmul.f32 v1, v5  }
0x86: {  	s16 =	simm.s32 $0x4;
	v9 =	vmov s21;
	s21 =	simm.s32 $0x4880;
	s1 =	simm.s32 $0x3;
	v7 =	vmul.f32 v1, v7;
	v5 =	vld [tilespmem:s20+$0xFFFFFFE0];
	[tilespmem:s20+$0x70] =	vst v10  }
.LBB2_5:
0x87: {  	p0 =	slt.u32 s16, $0x7E;
	v9 =	vand.u32 $0x7E, v9;
	v10 =	vmov s1;
	[tilespmem:s20+$0xFFFFFF80] =	vst v8;
	v6 =	vmul.f32 v1, v6;
	v8 =	vld [tilespmem:s20+$0xFFFFFFF0]  }
0x88: {  	v9 =	vor.u32 $0x100, v9;
	v10 =	vand.u32 $0x7F, v10;
	[tilespmem:s20+$0xFFFFFF90] =	vst v7;
	v4 =	vmul.f32 v1, v4;
	v7 =	vld [tilespmem:s20+$0x0]  }
0x89: {  	v9 =	vbroadcast v9, $0x0;
	v10 =	vor.u32 $0x100, v10;
	[tilespmem:s20+$0xFFFFFFA0] =	vst v6;
	v2 =	vmul.f32 v1, v2;
	v6 =	vld [tilespmem:s20+$0x10]  }
0x8a: {  	v10 =	vbroadcast v10, $0x0;
	[tilespmem:s20+$0xFFFFFFB0] =	vst v4;
	v3 =	vmul.f32 v1, v3;
	v4 =	vld [tilespmem:s20+$0x20]  }
0x8b: {  	[tilespmem:s20+$0xFFFFFFC0] =	vst v2;
	v2 =	vmul.f32 v1, v5;
	v5 =	vld [tilespmem:s20+$0x30]  }
0x8c: {  	[tilespmem:s20+$0xFFFFFFD0] =	vst v3;
	v1 =	vmul.f32 v1, v8;
	v3 =	vld [tilespmem:s20+$0x40]  }
0x8d: {  	[tilespmem:s20+$0xFFFFFFE0] =	vst v2;
	v2 =	vmul.f32 v0, v7;
	v7 =	vld [tilespmem:s20+$0x50]  }
0x8e: {  	[tilespmem:s20+$0xFFFFFFF0] =	vst v1;
	v6 =	vmul.f32 v0, v6;
	v8 =	vld [tilespmem:s20+$0x60]  }
0x8f: {  	v1 =	vld.idx.msk [tilespmem:v9+s18+$0x0], $0xffff;
	[tilespmem:s20+$0x0] =	vst v2;
	v2 =	vmul.f32 v0, v4  }
0x90: {  	s20 =	sadd.s32 $0x100, s20;
	v9 =	vld.idx.msk [tilespmem:v10+s18+$0x0], $0xffff;
	[tilespmem:s21+$0x10] =	vst v6;
	v4 =	vmul.f32 v0, v5  }
0x91: {  	v5 =	vld [tilespmem:s20+$0x70];
	[tilespmem:s21+$0x20] =	vst v2;
	v2 =	vmul.f32 v0, v3  }
0x92: {  	v3 =	vld [tilespmem:s20+$0xFFFFFF80];
	[tilespmem:s21+$0x30] =	vst v4;
	v4 =	vmul.f32 v0, v7  }
0x93: {  	v7 =	vld [tilespmem:s20+$0xFFFFFF90];
	[tilespmem:s21+$0x40] =	vst v2;
	v8 =	vmul.f32 v0, v8  }
.Ltmp1:
0x94: {  	v6 =	vld [tilespmem:s20+$0xFFFFFFA0];
	[tilespmem:s21+$0x50] =	vst v4;
	(pc) =	sbr.rel @p0 .LBB2_5-.Ltmp1, $4  }
0x95: {  	v4 =	vld [tilespmem:s20+$0xFFFFFFB0];
	[tilespmem:s21+$0x60] =	vst v8;
	s21 =	smov.u32 s20  }
0x96: {  	v0 =	vmov v9;
	v2 =	vld [tilespmem:s20+$0xFFFFFFC0];
	v10 =	vmul.f32 v9, v5  }
0x97: {  	v8 =	vmul.f32 v1, v3;
	v3 =	vld [tilespmem:s20+$0xFFFFFFD0]  }
0x98: {  	s1 =	sadd.s32 $0x1, s16;
	v9 =	vmov s16;
	s16 =	sadd.s32 $0x2, s16;
	v7 =	vmul.f32 v1, v7;
	v5 =	vld [tilespmem:s20+$0xFFFFFFE0];
	[tilespmem:s20+$0x70] =	vst v10  }
0x99: {  	[tilespmem:s20+$0xFFFFFF80] =	vst v8;
	v8 =	vand.u32 $0x7E, v9;
	v10 =	vld [tilespmem:s20+$0xFFFFFFF0]  }
0x9a: {  	v9 =	vmov s1;
	v11 =	vld [tilespmem:s20+$0x0];
	v6 =	vmul.f32 v1, v6;
	v8 =	vor.u32 $0x100, v8  }
0x9b: {  	v12 =	vld [tilespmem:s20+$0x10];
	v9 =	vand.u32 $0x7F, v9;
	[tilespmem:s20+$0xFFFFFF90] =	vst v7;
	v4 =	vmul.f32 v1, v4;
	v8 =	vbroadcast v8, $0x0  }
0x9c: {  	v9 =	vor.u32 $0x100, v9;
	[tilespmem:s20+$0xFFFFFFA0] =	vst v6;
	v2 =	vmul.f32 v1, v2;
	v6 =	vld [tilespmem:s20+$0x30]  }
0x9d: {  	v7 =	vbroadcast v9, $0x0;
	v9 =	vld [tilespmem:s20+$0x20];
	[tilespmem:s20+$0xFFFFFFB0] =	vst v4;
	v3 =	vmul.f32 v1, v3  }
0x9e: {  	v4 =	vld [tilespmem:s20+$0x40];
	[tilespmem:s20+$0xFFFFFFC0] =	vst v2;
	v2 =	vmul.f32 v1, v5  }
0x9f: {  	v5 =	vld [tilespmem:s20+$0x50];
	[tilespmem:s20+$0xFFFFFFD0] =	vst v3;
	v1 =	vmul.f32 v1, v10  }
0xa0: {  	v3 =	vld [tilespmem:s20+$0x60];
	[tilespmem:s20+$0xFFFFFFE0] =	vst v2;
	v2 =	vmul.f32 v0, v11  }
0xa1: {  	s16 =	sadd.s32 $0x100, s20;
	[tilespmem:s20+$0xFFFFFFF0] =	vst v1;
	v8 =	vld.idx.msk [tilespmem:v8+s18+$0x0], $0xffff  }
0xa2: {  	v1 =	vmul.f32 v0, v12;
	[tilespmem:s20+$0x0] =	vst v2;
	v2 =	vmul.f32 v0, v9;
	v9 =	vld [tilespmem:s16+$0x70]  }
0xa3: {  	v7 =	vld.idx.msk [tilespmem:v7+s18+$0x0], $0xffff  }
0xa4: {  	[tilespmem:s21+$0x10] =	vst v1;
	v1 =	vmul.f32 v0, v6;
	v6 =	vld [tilespmem:s16+$0xFFFFFF80]  }
0xa5: {  	[tilespmem:s21+$0x20] =	vst v2;
	v2 =	vmul.f32 v0, v4;
	v4 =	vld [tilespmem:s16+$0xFFFFFF90]  }
0xa6: {  	[tilespmem:s21+$0x30] =	vst v1;
	v1 =	vmul.f32 v0, v5;
	v5 =	vld [tilespmem:s16+$0xFFFFFFA0]  }
0xa7: {  	v0 =	vmul.f32 v0, v3;
	[tilespmem:s21+$0x40] =	vst v2;
	v2 =	vld [tilespmem:s16+$0xFFFFFFB0]  }
0xa8: {  	[tilespmem:s21+$0x50] =	vst v1;
	v1 =	vld [tilespmem:s16+$0xFFFFFFC0];
	v3 =	vmul.f32 v7, v9  }
0xa9: {  	[tilespmem:s21+$0x60] =	vst v0;
	v0 =	vmul.f32 v8, v6;
	v6 =	vld [tilespmem:s16+$0xFFFFFFD0]  }
0xaa: {  	v9 =	vld [tilespmem:s16+$0xFFFFFFE0];
	v4 =	vmul.f32 v8, v4;
	[tilespmem:s16+$0x70] =	vst v3  }
0xab: {  	[tilespmem:s16+$0xFFFFFF80] =	vst v0;
	v0 =	vmul.f32 v8, v5;
	v3 =	vld [tilespmem:s16+$0xFFFFFFF0]  }
0xac: {  	[tilespmem:s16+$0xFFFFFF90] =	vst v4;
	v2 =	vmul.f32 v8, v2;
	v4 =	vld [tilespmem:s16+$0x0]  }
0xad: {  	[tilespmem:s16+$0xFFFFFFA0] =	vst v0;
	v0 =	vmul.f32 v8, v1;
	v1 =	vld [tilespmem:s16+$0x10]  }
0xae: {  	v5 =	vld [tilespmem:s16+$0x20];
	[tilespmem:s16+$0xFFFFFFB0] =	vst v2;
	v2 =	vmul.f32 v8, v6  }
0xaf: {  	v6 =	vld [tilespmem:s16+$0x30];
	[tilespmem:s16+$0xFFFFFFC0] =	vst v0;
	v0 =	vmul.f32 v8, v9  }
0xb0: {  	[tilespmem:s16+$0xFFFFFFD0] =	vst v2;
	v2 =	vmul.f32 v8, v3;
	v3 =	vld [tilespmem:s16+$0x40]  }
0xb1: {  	[tilespmem:s16+$0xFFFFFFE0] =	vst v0;
	v0 =	vmul.f32 v7, v4;
	v4 =	vld [tilespmem:s16+$0x50]  }
0xb2: {  	[tilespmem:s16+$0xFFFFFFF0] =	vst v2;
	v1 =	vmul.f32 v7, v1;
	v2 =	vld [tilespmem:s16+$0x60]  }
0xb3: {  	[tilespmem:s16+$0x0] =	vst v0;
	v0 =	vmul.f32 v7, v5  }
0xb4: {  	[tilespmem:s16+$0x10] =	vst v1;
	v1 =	vmul.f32 v7, v6  }
0xb5: {  	[tilespmem:s16+$0x20] =	vst v0;
	v0 =	vmul.f32 v7, v3  }
0xb6: {  	[tilespmem:s16+$0x30] =	vst v1;
	v1 =	vmul.f32 v7, v4  }
0xb7: {  	[tilespmem:s16+$0x40] =	vst v0;
	v0 =	vmul.f32 v7, v2  }
0xb8: {  	[tilespmem:s16+$0x50] =	vst v1  }
0xb9: {  	s20 =	simm.s32 $0x280;
	[tilespmem:s16+$0x60] =	vst v0  }
0xba: {  	[spmem:s2] =	stream.indirect.scatter.add.f32 [tilespmem:s28], [sflag:$0x8], $0x80, s20, s23, $0xb8;
	[tilespmem:$0x1C800] =	vst v63  }
0xbb: {  	_ =	swait.ge [sflag:s25], $0x4000  }
0xbc: {  	[sflag:s25] =	ssyncset.done $0x0  }
0xbd: {  	s21 =	simm.s32 $0x0;
	[sflag:s25] =	ssyncadd.s32 $0xFFFFC000  }
0xbe: {  	v0 =	vmov s21;
	s16 =	simm.s32 $0x1;
	_ =	swait.ge [sflag:s7], $0x4000  }
0xbf: {  	v0 =	vand.u32 $0x7E, v0;
	v1 =	vmov s16;
	[sflag:s7] =	ssyncset.done $0x0  }
0xc0: {  	v0 =	vor.u32 $0x100, v0;
	v1 =	vand.u32 $0x7F, v1;
	[sflag:s7] =	ssyncadd.s32 $0xFFFFC000  }
0xc1: {  	v0 =	vbroadcast v0, $0x0;
	v1 =	vor.u32 $0x100, v1;
	_ =	swait.ge [sflag:s8], $0x180  }
0xc2: {  	s20 =	sadd.s32 s10, s13;
	v2 =	vbroadcast v1, $0x0;
	[sflag:s8] =	ssyncset.done $0x0  }
0xc3: {  	s16 =	sshrl.u32 s20, $0x3;
	[sflag:s8] =	ssyncadd.s32 $0xFFFFFE80  }
0xc4: {  	[tilespmem:s28], [sflag:$0x6] =	stream.indirect.gather [hbm4b:s4+s23], $0x80, s29, s23, $0xb8;
	[tilespmem:$0x1C800] =	vst v63  }
0xc5: {  	s16 =	sadd.s32 s5, s16  }
0xc6: {  	[tilespmem:s18], [sflag:$0x2] =	stream.linear.gather [hbm4b:s16+s21], $0x180, $0x38;
	[tilespmem:$0x1C800] =	vst v63  }
0xc7: {  	v1 =	vld.idx.msk [tilespmem:v0+s19+$0x0], $0xffff  }
0xc8: {  	s20 =	simm.s32 $0x880;
	v0 =	vld.idx.msk [tilespmem:v2+s19+$0x0], $0xffff  }
0xc9: {  	v3 =	vld [tilespmem:s20+$0x70]  }
0xca: {  	v5 =	vld [tilespmem:s20+$0xFFFFFF80]  }
0xcb: {  	v7 =	vld [tilespmem:s20+$0xFFFFFF90]  }
0xcc: {  	v6 =	vld [tilespmem:s20+$0xFFFFFFA0]  }
0xcd: {  	v4 =	vld [tilespmem:s20+$0xFFFFFFB0]  }
0xce: {  	v2 =	vld [tilespmem:s20+$0xFFFFFFC0];
	v10 =	vmul.f32 v0, v3  }
0xcf: {  	s21 =	simm.s32 $0x2;
	v3 =	vld [tilespmem:s20+$0xFFFFFFD0];
	v8 =	vmul.f32 v1, v5  }
0xd0: {  	s1 =	simm.s32 $0x3;
	s16 =	simm.s32 $0x4;
	v9 =	vmov s21;
	s21 =	simm.s32 $0x880;
	v7 =	vmul.f32 v1, v7;
	v5 =	vld [tilespmem:s20+$0xFFFFFFE0];
	[tilespmem:s20+$0x70] =	vst v10  }
.LBB2_7:
0xd1: {  	p0 =	slt.u32 s16, $0x7E;
	v9 =	vand.u32 $0x7E, v9;
	v10 =	vmov s1;
	[tilespmem:s20+$0xFFFFFF80] =	vst v8;
	v6 =	vmul.f32 v1, v6;
	v8 =	vld [tilespmem:s20+$0xFFFFFFF0]  }
0xd2: {  	v9 =	vor.u32 $0x100, v9;
	v10 =	vand.u32 $0x7F, v10;
	[tilespmem:s20+$0xFFFFFF90] =	vst v7;
	v4 =	vmul.f32 v1, v4;
	v7 =	vld [tilespmem:s20+$0x0]  }
0xd3: {  	v9 =	vbroadcast v9, $0x0;
	v10 =	vor.u32 $0x100, v10;
	[tilespmem:s20+$0xFFFFFFA0] =	vst v6;
	v2 =	vmul.f32 v1, v2;
	v6 =	vld [tilespmem:s20+$0x10]  }
0xd4: {  	v10 =	vbroadcast v10, $0x0;
	[tilespmem:s20+$0xFFFFFFB0] =	vst v4;
	v3 =	vmul.f32 v1, v3;
	v4 =	vld [tilespmem:s20+$0x20]  }
0xd5: {  	[tilespmem:s20+$0xFFFFFFC0] =	vst v2;
	v2 =	vmul.f32 v1, v5;
	v5 =	vld [tilespmem:s20+$0x30]  }
0xd6: {  	[tilespmem:s20+$0xFFFFFFD0] =	vst v3;
	v1 =	vmul.f32 v1, v8;
	v3 =	vld [tilespmem:s20+$0x40]  }
0xd7: {  	[tilespmem:s20+$0xFFFFFFE0] =	vst v2;
	v2 =	vmul.f32 v0, v7;
	v7 =	vld [tilespmem:s20+$0x50]  }
0xd8: {  	[tilespmem:s20+$0xFFFFFFF0] =	vst v1;
	v6 =	vmul.f32 v0, v6;
	v8 =	vld [tilespmem:s20+$0x60]  }
0xd9: {  	v1 =	vld.idx.msk [tilespmem:v9+s19+$0x0], $0xffff;
	[tilespmem:s20+$0x0] =	vst v2;
	v2 =	vmul.f32 v0, v4  }
0xda: {  	s20 =	sadd.s32 $0x100, s20;
	v9 =	vld.idx.msk [tilespmem:v10+s19+$0x0], $0xffff;
	[tilespmem:s21+$0x10] =	vst v6;
	v4 =	vmul.f32 v0, v5  }
0xdb: {  	v5 =	vld [tilespmem:s20+$0x70];
	[tilespmem:s21+$0x20] =	vst v2;
	v2 =	vmul.f32 v0, v3  }
0xdc: {  	v3 =	vld [tilespmem:s20+$0xFFFFFF80];
	[tilespmem:s21+$0x30] =	vst v4;
	v4 =	vmul.f32 v0, v7  }
0xdd: {  	v7 =	vld [tilespmem:s20+$0xFFFFFF90];
	[tilespmem:s21+$0x40] =	vst v2;
	v8 =	vmul.f32 v0, v8  }
.Ltmp2:
0xde: {  	v6 =	vld [tilespmem:s20+$0xFFFFFFA0];
	[tilespmem:s21+$0x50] =	vst v4;
	(pc) =	sbr.rel @p0 .LBB2_7-.Ltmp2, $4  }
0xdf: {  	v4 =	vld [tilespmem:s20+$0xFFFFFFB0];
	[tilespmem:s21+$0x60] =	vst v8;
	s21 =	smov.u32 s20  }
0xe0: {  	v0 =	vmov v9;
	v2 =	vld [tilespmem:s20+$0xFFFFFFC0];
	v10 =	vmul.f32 v9, v5  }
0xe1: {  	v8 =	vmul.f32 v1, v3;
	v3 =	vld [tilespmem:s20+$0xFFFFFFD0]  }
0xe2: {  	s1 =	sadd.s32 $0x1, s16;
	v9 =	vmov s16;
	s16 =	sadd.s32 $0x2, s16;
	v7 =	vmul.f32 v1, v7;
	v5 =	vld [tilespmem:s20+$0xFFFFFFE0];
	[tilespmem:s20+$0x70] =	vst v10  }
0xe3: {  	[tilespmem:s20+$0xFFFFFF80] =	vst v8;
	v8 =	vand.u32 $0x7E, v9;
	v10 =	vld [tilespmem:s20+$0xFFFFFFF0]  }
0xe4: {  	v9 =	vmov s1;
	v11 =	vld [tilespmem:s20+$0x0];
	v6 =	vmul.f32 v1, v6;
	v8 =	vor.u32 $0x100, v8  }
0xe5: {  	v12 =	vld [tilespmem:s20+$0x10];
	v9 =	vand.u32 $0x7F, v9;
	[tilespmem:s20+$0xFFFFFF90] =	vst v7;
	v4 =	vmul.f32 v1, v4;
	v8 =	vbroadcast v8, $0x0  }
0xe6: {  	v9 =	vor.u32 $0x100, v9;
	[tilespmem:s20+$0xFFFFFFA0] =	vst v6;
	v2 =	vmul.f32 v1, v2;
	v6 =	vld [tilespmem:s20+$0x30]  }
0xe7: {  	v7 =	vbroadcast v9, $0x0;
	v9 =	vld [tilespmem:s20+$0x20];
	[tilespmem:s20+$0xFFFFFFB0] =	vst v4;
	v3 =	vmul.f32 v1, v3  }
0xe8: {  	v4 =	vld [tilespmem:s20+$0x40];
	[tilespmem:s20+$0xFFFFFFC0] =	vst v2;
	v2 =	vmul.f32 v1, v5  }
0xe9: {  	v5 =	vld [tilespmem:s20+$0x50];
	[tilespmem:s20+$0xFFFFFFD0] =	vst v3;
	v1 =	vmul.f32 v1, v10  }
0xea: {  	v3 =	vld [tilespmem:s20+$0x60];
	[tilespmem:s20+$0xFFFFFFE0] =	vst v2;
	v2 =	vmul.f32 v0, v11  }
0xeb: {  	s16 =	sadd.s32 $0x100, s20;
	[tilespmem:s20+$0xFFFFFFF0] =	vst v1;
	v8 =	vld.idx.msk [tilespmem:v8+s19+$0x0], $0xffff  }
0xec: {  	v1 =	vmul.f32 v0, v12;
	[tilespmem:s20+$0x0] =	vst v2;
	v2 =	vmul.f32 v0, v9;
	v9 =	vld [tilespmem:s16+$0x70]  }
0xed: {  	v7 =	vld.idx.msk [tilespmem:v7+s19+$0x0], $0xffff  }
0xee: {  	[tilespmem:s21+$0x10] =	vst v1;
	v1 =	vmul.f32 v0, v6;
	v6 =	vld [tilespmem:s16+$0xFFFFFF80]  }
0xef: {  	[tilespmem:s21+$0x20] =	vst v2;
	v2 =	vmul.f32 v0, v4;
	v4 =	vld [tilespmem:s16+$0xFFFFFF90]  }
0xf0: {  	[tilespmem:s21+$0x30] =	vst v1;
	v1 =	vmul.f32 v0, v5;
	v5 =	vld [tilespmem:s16+$0xFFFFFFA0]  }
0xf1: {  	v0 =	vmul.f32 v0, v3;
	[tilespmem:s21+$0x40] =	vst v2;
	v2 =	vld [tilespmem:s16+$0xFFFFFFB0]  }
0xf2: {  	[tilespmem:s21+$0x50] =	vst v1;
	v1 =	vld [tilespmem:s16+$0xFFFFFFC0];
	v3 =	vmul.f32 v7, v9  }
0xf3: {  	[tilespmem:s21+$0x60] =	vst v0;
	v0 =	vmul.f32 v8, v6;
	v6 =	vld [tilespmem:s16+$0xFFFFFFD0]  }
0xf4: {  	v9 =	vld [tilespmem:s16+$0xFFFFFFE0];
	v4 =	vmul.f32 v8, v4;
	[tilespmem:s16+$0x70] =	vst v3  }
0xf5: {  	[tilespmem:s16+$0xFFFFFF80] =	vst v0;
	v0 =	vmul.f32 v8, v5;
	v3 =	vld [tilespmem:s16+$0xFFFFFFF0]  }
0xf6: {  	[tilespmem:s16+$0xFFFFFF90] =	vst v4;
	v2 =	vmul.f32 v8, v2;
	v4 =	vld [tilespmem:s16+$0x0]  }
0xf7: {  	[tilespmem:s16+$0xFFFFFFA0] =	vst v0;
	v0 =	vmul.f32 v8, v1;
	v1 =	vld [tilespmem:s16+$0x10]  }
0xf8: {  	v5 =	vld [tilespmem:s16+$0x20];
	[tilespmem:s16+$0xFFFFFFB0] =	vst v2;
	v2 =	vmul.f32 v8, v6  }
0xf9: {  	v6 =	vld [tilespmem:s16+$0x30];
	[tilespmem:s16+$0xFFFFFFC0] =	vst v0;
	v0 =	vmul.f32 v8, v9  }
0xfa: {  	[tilespmem:s16+$0xFFFFFFD0] =	vst v2;
	v2 =	vmul.f32 v8, v3;
	v3 =	vld [tilespmem:s16+$0x40]  }
0xfb: {  	[tilespmem:s16+$0xFFFFFFE0] =	vst v0;
	v0 =	vmul.f32 v7, v4;
	v4 =	vld [tilespmem:s16+$0x50]  }
0xfc: {  	[tilespmem:s16+$0xFFFFFFF0] =	vst v2;
	v1 =	vmul.f32 v7, v1;
	v2 =	vld [tilespmem:s16+$0x60]  }
0xfd: {  	[tilespmem:s16+$0x0] =	vst v0;
	v0 =	vmul.f32 v7, v5  }
0xfe: {  	[tilespmem:s16+$0x10] =	vst v1;
	v1 =	vmul.f32 v7, v6  }
0xff: {  	[tilespmem:s16+$0x20] =	vst v0;
	v0 =	vmul.f32 v7, v3  }
0x100: {  	[tilespmem:s16+$0x30] =	vst v1;
	v1 =	vmul.f32 v7, v4  }
0x101: {  	[tilespmem:s16+$0x40] =	vst v0;
	v0 =	vmul.f32 v7, v2  }
0x102: {  	[tilespmem:s16+$0x50] =	vst v1  }
0x103: {  	[tilespmem:s16+$0x60] =	vst v0  }
0x104: {  	[spmem:s2] =	stream.indirect.scatter.add.f32 [tilespmem:s24], [sflag:$0x7], $0x80, s9, s23, $0xb8;
	[tilespmem:$0x1C800] =	vst v63  }
0x105: {  	_ =	swait.ge [sflag:s30], $0x4000  }
0x106: {  	[sflag:s30] =	ssyncset.done $0x0  }
0x107: {  	s21 =	simm.s32 $0x0;
	[sflag:s30] =	ssyncadd.s32 $0xFFFFC000  }
0x108: {  	v0 =	vmov s21;
	s16 =	simm.s32 $0x1;
	_ =	swait.ge [sflag:s31], $0x4000  }
0x109: {  	v0 =	vand.u32 $0x7E, v0;
	v1 =	vmov s16;
	[sflag:s31] =	ssyncset.done $0x0  }
0x10a: {  	v0 =	vor.u32 $0x100, v0;
	v1 =	vand.u32 $0x7F, v1;
	[sflag:s31] =	ssyncadd.s32 $0xFFFFC000  }
0x10b: {  	v0 =	vbroadcast v0, $0x0;
	v1 =	vor.u32 $0x100, v1;
	_ =	swait.ge [sflag:s22], $0x180  }
0x10c: {  	s20 =	sadd.s32 s10, s14;
	v2 =	vbroadcast v1, $0x0;
	[sflag:s22] =	ssyncset.done $0x0  }
0x10d: {  	s16 =	sshrl.u32 s20, $0x3;
	[sflag:s22] =	ssyncadd.s32 $0xFFFFFE80  }
0x10e: {  	[tilespmem:s24], [sflag:$0x5] =	stream.indirect.gather [hbm4b:s4+s23], $0x80, s21, s23, $0xb8;
	[tilespmem:$0x1C800] =	vst v63  }
0x10f: {  	s16 =	sadd.s32 s5, s16  }
0x110: {  	[tilespmem:s19], [sflag:$0x3] =	stream.linear.gather [hbm4b:s16+s21], $0x180, $0x38;
	[tilespmem:$0x1C800] =	vst v63  }
0x111: {  	v1 =	vld.idx.msk [tilespmem:v0+s29+$0x0], $0xffff  }
0x112: {  	s20 =	simm.s32 $0x4880;
	v0 =	vld.idx.msk [tilespmem:v2+s29+$0x0], $0xffff  }
0x113: {  	v3 =	vld [tilespmem:s20+$0x70]  }
0x114: {  	v5 =	vld [tilespmem:s20+$0xFFFFFF80]  }
0x115: {  	v7 =	vld [tilespmem:s20+$0xFFFFFF90]  }
0x116: {  	v6 =	vld [tilespmem:s20+$0xFFFFFFA0]  }
0x117: {  	v4 =	vld [tilespmem:s20+$0xFFFFFFB0]  }
0x118: {  	v2 =	vld [tilespmem:s20+$0xFFFFFFC0];
	v10 =	vmul.f32 v0, v3  }
0x119: {  	s21 =	simm.s32 $0x2;
	v3 =	vld [tilespmem:s20+$0xFFFFFFD0];
	v8 =	vmul.f32 v1, v5  }
0x11a: {  	s1 =	simm.s32 $0x3;
	s16 =	simm.s32 $0x4;
	v9 =	vmov s21;
	s21 =	simm.s32 $0x4880;
	v7 =	vmul.f32 v1, v7;
	v5 =	vld [tilespmem:s20+$0xFFFFFFE0];
	[tilespmem:s20+$0x70] =	vst v10  }
.LBB2_9:
0x11b: {  	p0 =	slt.u32 s16, $0x7E;
	v9 =	vand.u32 $0x7E, v9;
	v10 =	vmov s1;
	[tilespmem:s20+$0xFFFFFF80] =	vst v8;
	v6 =	vmul.f32 v1, v6;
	v8 =	vld [tilespmem:s20+$0xFFFFFFF0]  }
0x11c: {  	v9 =	vor.u32 $0x100, v9;
	v10 =	vand.u32 $0x7F, v10;
	[tilespmem:s20+$0xFFFFFF90] =	vst v7;
	v4 =	vmul.f32 v1, v4;
	v7 =	vld [tilespmem:s20+$0x0]  }
0x11d: {  	v9 =	vbroadcast v9, $0x0;
	v10 =	vor.u32 $0x100, v10;
	[tilespmem:s20+$0xFFFFFFA0] =	vst v6;
	v2 =	vmul.f32 v1, v2;
	v6 =	vld [tilespmem:s20+$0x10]  }
0x11e: {  	v10 =	vbroadcast v10, $0x0;
	[tilespmem:s20+$0xFFFFFFB0] =	vst v4;
	v3 =	vmul.f32 v1, v3;
	v4 =	vld [tilespmem:s20+$0x20]  }
0x11f: {  	[tilespmem:s20+$0xFFFFFFC0] =	vst v2;
	v2 =	vmul.f32 v1, v5;
	v5 =	vld [tilespmem:s20+$0x30]  }
0x120: {  	[tilespmem:s20+$0xFFFFFFD0] =	vst v3;
	v1 =	vmul.f32 v1, v8;
	v3 =	vld [tilespmem:s20+$0x40]  }
0x121: {  	[tilespmem:s20+$0xFFFFFFE0] =	vst v2;
	v2 =	vmul.f32 v0, v7;
	v7 =	vld [tilespmem:s20+$0x50]  }
0x122: {  	[tilespmem:s20+$0xFFFFFFF0] =	vst v1;
	v6 =	vmul.f32 v0, v6;
	v8 =	vld [tilespmem:s20+$0x60]  }
0x123: {  	v1 =	vld.idx.msk [tilespmem:v9+s29+$0x0], $0xffff;
	[tilespmem:s20+$0x0] =	vst v2;
	v2 =	vmul.f32 v0, v4  }
0x124: {  	s20 =	sadd.s32 $0x100, s20;
	v9 =	vld.idx.msk [tilespmem:v10+s29+$0x0], $0xffff;
	[tilespmem:s21+$0x10] =	vst v6;
	v4 =	vmul.f32 v0, v5  }
0x125: {  	v5 =	vld [tilespmem:s20+$0x70];
	[tilespmem:s21+$0x20] =	vst v2;
	v2 =	vmul.f32 v0, v3  }
0x126: {  	v3 =	vld [tilespmem:s20+$0xFFFFFF80];
	[tilespmem:s21+$0x30] =	vst v4;
	v4 =	vmul.f32 v0, v7  }
0x127: {  	v7 =	vld [tilespmem:s20+$0xFFFFFF90];
	[tilespmem:s21+$0x40] =	vst v2;
	v8 =	vmul.f32 v0, v8  }
.Ltmp3:
0x128: {  	v6 =	vld [tilespmem:s20+$0xFFFFFFA0];
	[tilespmem:s21+$0x50] =	vst v4;
	(pc) =	sbr.rel @p0 .LBB2_9-.Ltmp3, $4  }
0x129: {  	v4 =	vld [tilespmem:s20+$0xFFFFFFB0];
	[tilespmem:s21+$0x60] =	vst v8;
	s21 =	smov.u32 s20  }
0x12a: {  	v0 =	vmov v9;
	v2 =	vld [tilespmem:s20+$0xFFFFFFC0];
	v10 =	vmul.f32 v9, v5  }
0x12b: {  	v8 =	vmul.f32 v1, v3;
	v3 =	vld [tilespmem:s20+$0xFFFFFFD0]  }
0x12c: {  	s1 =	sadd.s32 $0x1, s16;
	v9 =	vmov s16;
	s16 =	sadd.s32 $0x2, s16;
	v7 =	vmul.f32 v1, v7;
	v5 =	vld [tilespmem:s20+$0xFFFFFFE0];
	[tilespmem:s20+$0x70] =	vst v10  }
0x12d: {  	[tilespmem:s20+$0xFFFFFF80] =	vst v8;
	v8 =	vand.u32 $0x7E, v9;
	v10 =	vld [tilespmem:s20+$0xFFFFFFF0]  }
0x12e: {  	v9 =	vmov s1;
	v11 =	vld [tilespmem:s20+$0x0];
	v6 =	vmul.f32 v1, v6;
	v8 =	vor.u32 $0x100, v8  }
0x12f: {  	v12 =	vld [tilespmem:s20+$0x10];
	v9 =	vand.u32 $0x7F, v9;
	[tilespmem:s20+$0xFFFFFF90] =	vst v7;
	v4 =	vmul.f32 v1, v4;
	v8 =	vbroadcast v8, $0x0  }
0x130: {  	v9 =	vor.u32 $0x100, v9;
	[tilespmem:s20+$0xFFFFFFA0] =	vst v6;
	v2 =	vmul.f32 v1, v2;
	v6 =	vld [tilespmem:s20+$0x30]  }
0x131: {  	v7 =	vbroadcast v9, $0x0;
	v9 =	vld [tilespmem:s20+$0x20];
	[tilespmem:s20+$0xFFFFFFB0] =	vst v4;
	v3 =	vmul.f32 v1, v3  }
0x132: {  	v4 =	vld [tilespmem:s20+$0x40];
	[tilespmem:s20+$0xFFFFFFC0] =	vst v2;
	v2 =	vmul.f32 v1, v5  }
0x133: {  	v5 =	vld [tilespmem:s20+$0x50];
	[tilespmem:s20+$0xFFFFFFD0] =	vst v3;
	v1 =	vmul.f32 v1, v10  }
0x134: {  	v3 =	vld [tilespmem:s20+$0x60];
	[tilespmem:s20+$0xFFFFFFE0] =	vst v2;
	v2 =	vmul.f32 v0, v11  }
0x135: {  	s16 =	sadd.s32 $0x100, s20;
	[tilespmem:s20+$0xFFFFFFF0] =	vst v1;
	v8 =	vld.idx.msk [tilespmem:v8+s29+$0x0], $0xffff  }
0x136: {  	v1 =	vmul.f32 v0, v12;
	[tilespmem:s20+$0x0] =	vst v2;
	v2 =	vmul.f32 v0, v9;
	v9 =	vld [tilespmem:s16+$0x70]  }
0x137: {  	v7 =	vld.idx.msk [tilespmem:v7+s29+$0x0], $0xffff  }
0x138: {  	[tilespmem:s21+$0x10] =	vst v1;
	v1 =	vmul.f32 v0, v6;
	v6 =	vld [tilespmem:s16+$0xFFFFFF80]  }
0x139: {  	[tilespmem:s21+$0x20] =	vst v2;
	v2 =	vmul.f32 v0, v4;
	v4 =	vld [tilespmem:s16+$0xFFFFFF90]  }
0x13a: {  	[tilespmem:s21+$0x30] =	vst v1;
	v1 =	vmul.f32 v0, v5;
	v5 =	vld [tilespmem:s16+$0xFFFFFFA0]  }
0x13b: {  	v0 =	vmul.f32 v0, v3;
	[tilespmem:s21+$0x40] =	vst v2;
	v2 =	vld [tilespmem:s16+$0xFFFFFFB0]  }
0x13c: {  	[tilespmem:s21+$0x50] =	vst v1;
	v1 =	vld [tilespmem:s16+$0xFFFFFFC0];
	v3 =	vmul.f32 v7, v9  }
0x13d: {  	[tilespmem:s21+$0x60] =	vst v0;
	v0 =	vmul.f32 v8, v6;
	v6 =	vld [tilespmem:s16+$0xFFFFFFD0]  }
0x13e: {  	v9 =	vld [tilespmem:s16+$0xFFFFFFE0];
	v4 =	vmul.f32 v8, v4;
	[tilespmem:s16+$0x70] =	vst v3  }
0x13f: {  	[tilespmem:s16+$0xFFFFFF80] =	vst v0;
	v0 =	vmul.f32 v8, v5;
	v3 =	vld [tilespmem:s16+$0xFFFFFFF0]  }
0x140: {  	[tilespmem:s16+$0xFFFFFF90] =	vst v4;
	v2 =	vmul.f32 v8, v2;
	v4 =	vld [tilespmem:s16+$0x0]  }
0x141: {  	[tilespmem:s16+$0xFFFFFFA0] =	vst v0;
	v0 =	vmul.f32 v8, v1;
	v1 =	vld [tilespmem:s16+$0x10]  }
0x142: {  	v5 =	vld [tilespmem:s16+$0x20];
	[tilespmem:s16+$0xFFFFFFB0] =	vst v2;
	v2 =	vmul.f32 v8, v6  }
0x143: {  	v6 =	vld [tilespmem:s16+$0x30];
	[tilespmem:s16+$0xFFFFFFC0] =	vst v0;
	v0 =	vmul.f32 v8, v9  }
0x144: {  	[tilespmem:s16+$0xFFFFFFD0] =	vst v2;
	v2 =	vmul.f32 v8, v3;
	v3 =	vld [tilespmem:s16+$0x40]  }
0x145: {  	[tilespmem:s16+$0xFFFFFFE0] =	vst v0;
	v0 =	vmul.f32 v7, v4;
	v4 =	vld [tilespmem:s16+$0x50]  }
0x146: {  	[tilespmem:s16+$0xFFFFFFF0] =	vst v2;
	v1 =	vmul.f32 v7, v1;
	v2 =	vld [tilespmem:s16+$0x60]  }
0x147: {  	[tilespmem:s16+$0x0] =	vst v0;
	v0 =	vmul.f32 v7, v5  }
0x148: {  	[tilespmem:s16+$0x10] =	vst v1;
	v1 =	vmul.f32 v7, v6  }
0x149: {  	[tilespmem:s16+$0x20] =	vst v0;
	v0 =	vmul.f32 v7, v3  }
0x14a: {  	[tilespmem:s16+$0x30] =	vst v1;
	v1 =	vmul.f32 v7, v4  }
0x14b: {  	[tilespmem:s16+$0x40] =	vst v0;
	v0 =	vmul.f32 v7, v2  }
0x14c: {  	[tilespmem:s16+$0x50] =	vst v1  }
0x14d: {  	[tilespmem:s16+$0x60] =	vst v0  }
0x14e: {  	[spmem:s2] =	stream.indirect.scatter.add.f32 [tilespmem:s28], [sflag:$0x8], $0x80, s11, s23, $0xb8;
	[tilespmem:$0x1C800] =	vst v63  }
0x14f: {  	_ =	swait.ge [sflag:s25], $0x4000  }
0x150: {  	[sflag:s25] =	ssyncset.done $0x0  }
0x151: {  	s20 =	simm.s32 $0x0;
	[sflag:s25] =	ssyncadd.s32 $0xFFFFC000  }
0x152: {  	v0 =	vmov s20;
	s16 =	simm.s32 $0x1;
	_ =	swait.ge [sflag:s7], $0x4000  }
0x153: {  	v0 =	vand.u32 $0x7E, v0;
	v1 =	vmov s16;
	[sflag:s7] =	ssyncset.done $0x0  }
0x154: {  	v0 =	vor.u32 $0x100, v0;
	v1 =	vand.u32 $0x7F, v1;
	[sflag:s7] =	ssyncadd.s32 $0xFFFFC000  }
0x155: {  	v0 =	vbroadcast v0, $0x0;
	v1 =	vor.u32 $0x100, v1;
	_ =	swait.ge [sflag:s26], $0x180  }
0x156: {  	s10 =	sadd.s32 s10, s15;
	v2 =	vbroadcast v1, $0x0;
	[sflag:s26] =	ssyncset.done $0x0  }
0x157: {  	s10 =	sshrl.u32 s10, $0x3;
	[sflag:s26] =	ssyncadd.s32 $0xFFFFFE80  }
0x158: {  	[tilespmem:s28], [sflag:$0x6] =	stream.indirect.gather [hbm4b:s4+s23], $0x80, s18, s23, $0xb8;
	[tilespmem:$0x1C800] =	vst v63  }
0x159: {  	s10 =	sadd.s32 s5, s10  }
0x15a: {  	[tilespmem:s29], [sflag:$0x4] =	stream.linear.gather [hbm4b:s10+s20], $0x180, $0x38;
	[tilespmem:$0x1C800] =	vst v63  }
0x15b: {  	v1 =	vld.idx.msk [tilespmem:v0+s3+$0x0], $0xffff  }
0x15c: {  	s10 =	simm.s32 $0x880;
	v0 =	vld.idx.msk [tilespmem:v2+s3+$0x0], $0xffff  }
0x15d: {  	v3 =	vld [tilespmem:s10+$0x70]  }
0x15e: {  	v5 =	vld [tilespmem:s10+$0xFFFFFF80]  }
0x15f: {  	v7 =	vld [tilespmem:s10+$0xFFFFFF90]  }
0x160: {  	v6 =	vld [tilespmem:s10+$0xFFFFFFA0]  }
0x161: {  	v4 =	vld [tilespmem:s10+$0xFFFFFFB0]  }
0x162: {  	v2 =	vld [tilespmem:s10+$0xFFFFFFC0];
	v10 =	vmul.f32 v0, v3  }
0x163: {  	s21 =	simm.s32 $0x2;
	v3 =	vld [tilespmem:s10+$0xFFFFFFD0];
	v8 =	vmul.f32 v1, v5  }
0x164: {  	s1 =	simm.s32 $0x3;
	v9 =	vmov s21;
	s16 =	simm.s32 $0x4;
	s20 =	simm.s32 $0x880;
	v7 =	vmul.f32 v1, v7;
	v5 =	vld [tilespmem:s10+$0xFFFFFFE0];
	[tilespmem:s10+$0x70] =	vst v10  }
.LBB2_11:
0x165: {  	p0 =	slt.u32 s16, $0x7E;
	v9 =	vand.u32 $0x7E, v9;
	v10 =	vmov s1;
	[tilespmem:s10+$0xFFFFFF80] =	vst v8;
	v6 =	vmul.f32 v1, v6;
	v8 =	vld [tilespmem:s10+$0xFFFFFFF0]  }
0x166: {  	v9 =	vor.u32 $0x100, v9;
	v10 =	vand.u32 $0x7F, v10;
	[tilespmem:s10+$0xFFFFFF90] =	vst v7;
	v4 =	vmul.f32 v1, v4;
	v7 =	vld [tilespmem:s10+$0x0]  }
0x167: {  	v9 =	vbroadcast v9, $0x0;
	v10 =	vor.u32 $0x100, v10;
	[tilespmem:s10+$0xFFFFFFA0] =	vst v6;
	v2 =	vmul.f32 v1, v2;
	v6 =	vld [tilespmem:s10+$0x10]  }
0x168: {  	v10 =	vbroadcast v10, $0x0;
	[tilespmem:s10+$0xFFFFFFB0] =	vst v4;
	v3 =	vmul.f32 v1, v3;
	v4 =	vld [tilespmem:s10+$0x20]  }
0x169: {  	[tilespmem:s10+$0xFFFFFFC0] =	vst v2;
	v2 =	vmul.f32 v1, v5;
	v5 =	vld [tilespmem:s10+$0x30]  }
0x16a: {  	[tilespmem:s10+$0xFFFFFFD0] =	vst v3;
	v1 =	vmul.f32 v1, v8;
	v3 =	vld [tilespmem:s10+$0x40]  }
0x16b: {  	[tilespmem:s10+$0xFFFFFFE0] =	vst v2;
	v2 =	vmul.f32 v0, v7;
	v7 =	vld [tilespmem:s10+$0x50]  }
0x16c: {  	[tilespmem:s10+$0xFFFFFFF0] =	vst v1;
	v6 =	vmul.f32 v0, v6;
	v8 =	vld [tilespmem:s10+$0x60]  }
0x16d: {  	v1 =	vld.idx.msk [tilespmem:v9+s3+$0x0], $0xffff;
	[tilespmem:s10+$0x0] =	vst v2;
	v2 =	vmul.f32 v0, v4  }
0x16e: {  	s10 =	sadd.s32 $0x100, s10;
	v9 =	vld.idx.msk [tilespmem:v10+s3+$0x0], $0xffff;
	[tilespmem:s20+$0x10] =	vst v6;
	v4 =	vmul.f32 v0, v5  }
0x16f: {  	v5 =	vld [tilespmem:s10+$0x70];
	[tilespmem:s20+$0x20] =	vst v2;
	v2 =	vmul.f32 v0, v3  }
0x170: {  	v3 =	vld [tilespmem:s10+$0xFFFFFF80];
	[tilespmem:s20+$0x30] =	vst v4;
	v4 =	vmul.f32 v0, v7  }
0x171: {  	v7 =	vld [tilespmem:s10+$0xFFFFFF90];
	[tilespmem:s20+$0x40] =	vst v2;
	v8 =	vmul.f32 v0, v8  }
.Ltmp4:
0x172: {  	v6 =	vld [tilespmem:s10+$0xFFFFFFA0];
	[tilespmem:s20+$0x50] =	vst v4;
	(pc) =	sbr.rel @p0 .LBB2_11-.Ltmp4, $4  }
0x173: {  	v4 =	vld [tilespmem:s10+$0xFFFFFFB0];
	[tilespmem:s20+$0x60] =	vst v8;
	s20 =	smov.u32 s10  }
0x174: {  	v0 =	vmov v9;
	v2 =	vld [tilespmem:s10+$0xFFFFFFC0];
	v10 =	vmul.f32 v9, v5  }
0x175: {  	v8 =	vmul.f32 v1, v3;
	v3 =	vld [tilespmem:s10+$0xFFFFFFD0]  }
0x176: {  	s1 =	sadd.s32 $0x1, s16;
	v9 =	vmov s16;
	s16 =	sadd.s32 $0x2, s16;
	v7 =	vmul.f32 v1, v7;
	v5 =	vld [tilespmem:s10+$0xFFFFFFE0];
	[tilespmem:s10+$0x70] =	vst v10  }
0x177: {  	v10 =	vld [tilespmem:s10+$0xFFFFFFF0]  }
0x178: {  	v11 =	vld [tilespmem:s10+$0x0]  }
0x179: {  	[tilespmem:s10+$0xFFFFFF80] =	vst v8;
	v18 =	vand.u32 $0x7E, v9;
	v6 =	vmul.f32 v1, v6;
	v12 =	vld [tilespmem:s10+$0x10]  }
0x17a: {  	v21 =	vld [tilespmem:s10+$0x20];
	v8 =	vor.u32 $0x100, v18;
	[tilespmem:s10+$0xFFFFFF90] =	vst v7;
	v4 =	vmul.f32 v1, v4  }
0x17b: {  	v22 =	vld [tilespmem:s10+$0x30];
	v8 =	vbroadcast v8, $0x0;
	[tilespmem:s10+$0xFFFFFFA0] =	vst v6;
	v2 =	vmul.f32 v1, v2  }
0x17c: {  	v23 =	vld [tilespmem:s10+$0x40];
	[tilespmem:s10+$0xFFFFFFB0] =	vst v4;
	v3 =	vmul.f32 v1, v3  }
0x17d: {  	v25 =	vld [tilespmem:s10+$0x50];
	[tilespmem:s10+$0xFFFFFFC0] =	vst v2;
	v24 =	vmul.f32 v1, v5  }
0x17e: {  	v27 =	vld [tilespmem:s10+$0x60];
	s21 =	sadd.s32 $0x100, s10;
	[tilespmem:s10+$0xFFFFFFD0] =	vst v3;
	v26 =	vmul.f32 v1, v10  }
0x17f: {  	v31 =	vld [tilespmem:s21+$0x70];
	v28 =	vmul.f32 v0, v11;
	[tilespmem:s10+$0xFFFFFFE0] =	vst v24  }
0x180: {  	v19 =	vmov s1;
	v33 =	vld [tilespmem:s21+$0xFFFFFF80];
	v29 =	vmul.f32 v0, v12;
	[tilespmem:s10+$0xFFFFFFF0] =	vst v26  }
0x181: {  	v9 =	vand.u32 $0x7F, v19;
	v30 =	vmul.f32 v0, v21;
	[tilespmem:s10+$0x0] =	vst v28;
	v8 =	vld.idx.msk [tilespmem:v8+s3+$0x0], $0xffff  }
0x182: {  	v35 =	vld [tilespmem:s21+$0xFFFFFF90];
	v9 =	vor.u32 $0x100, v9;
	v32 =	vmul.f32 v0, v22;
	[tilespmem:s20+$0x10] =	vst v29  }
0x183: {  	v37 =	vld [tilespmem:s21+$0xFFFFFFA0];
	v20 =	vbroadcast v9, $0x0;
	v34 =	vmul.f32 v0, v23;
	[tilespmem:s20+$0x20] =	vst v30  }
0x184: {  	v39 =	vld [tilespmem:s21+$0xFFFFFFB0];
	v36 =	vmul.f32 v0, v25;
	[tilespmem:s20+$0x30] =	vst v32  }
0x185: {  	v40 =	vld [tilespmem:s21+$0xFFFFFFC0];
	v38 =	vmul.f32 v0, v27;
	[tilespmem:s20+$0x40] =	vst v34  }
0x186: {  	v43 =	vld [tilespmem:s21+$0xFFFFFFD0];
	[tilespmem:s20+$0x50] =	vst v36;
	v42 =	vmul.f32 v8, v33  }
0x187: {  	v44 =	vld [tilespmem:s21+$0xFFFFFFE0];
	[tilespmem:s20+$0x60] =	vst v38;
	v4 =	vmul.f32 v8, v35  }
0x188: {  	v46 =	vld [tilespmem:s21+$0xFFFFFFF0];
	v45 =	vmul.f32 v8, v37;
	[tilespmem:s21+$0xFFFFFF80] =	vst v42  }
0x189: {  	v7 =	vld.idx.msk [tilespmem:v20+s3+$0x0], $0xffff;
	v2 =	vmul.f32 v8, v39;
	[tilespmem:s21+$0xFFFFFF90] =	vst v4  }
0x18a: {  	v47 =	vld [tilespmem:s21+$0x0];
	v48 =	vmul.f32 v8, v40;
	[tilespmem:s21+$0xFFFFFFA0] =	vst v45  }
0x18b: {  	v49 =	vld [tilespmem:s21+$0x10];
	v50 =	vmul.f32 v8, v43;
	[tilespmem:s21+$0xFFFFFFB0] =	vst v2  }
0x18c: {  	v51 =	vld [tilespmem:s21+$0x20];
	v52 =	vmul.f32 v8, v44;
	[tilespmem:s21+$0xFFFFFFC0] =	vst v48  }
0x18d: {  	v53 =	vld [tilespmem:s21+$0x30];
	v54 =	vmul.f32 v8, v46;
	[tilespmem:s21+$0xFFFFFFD0] =	vst v50  }
0x18e: {  	v55 =	vld [tilespmem:s21+$0x40];
	v41 =	vmul.f32 v7, v31;
	[tilespmem:s21+$0xFFFFFFE0] =	vst v52  }
0x18f: {  	v57 =	vld [tilespmem:s21+$0x50];
	v56 =	vmul.f32 v7, v47;
	[tilespmem:s21+$0xFFFFFFF0] =	vst v54  }
0x190: {  	v58 =	vld [tilespmem:s21+$0x60];
	v1 =	vmul.f32 v7, v49;
	[tilespmem:s21+$0x70] =	vst v41  }
0x191: {  	v59 =	vmul.f32 v7, v51;
	[tilespmem:s21+$0x0] =	vst v56  }
0x192: {  	s6 =	sadd.s32 $0x1, s6;
	v60 =	vmul.f32 v7, v53;
	[tilespmem:s21+$0x10] =	vst v1  }
0x193: {  	p0 =	sne.s32 s6, $0x13;
	v61 =	vmul.f32 v7, v55;
	[tilespmem:s21+$0x20] =	vst v59  }
.Ltmp5:
0x194: {  	v62 =	vmul.f32 v7, v57;
	[tilespmem:s21+$0x30] =	vst v60;
	(pc) =	sbr.rel @p0 .LBB2_4-.Ltmp5, $4  }
0x195: {  	v63 =	vmul.f32 v7, v58;
	[tilespmem:s21+$0x40] =	vst v61  }
0x196: {  	[tilespmem:s21+$0x50] =	vst v62  }
0x197: {  	[tilespmem:s21+$0x60] =	vst v63  }
0x198: {  	[spmem:s2] =	stream.indirect.scatter.add.f32 [tilespmem:s24], [sflag:$0x7], $0x80, s23, s23, $0xb8;
	[tilespmem:$0x1C800] =	vst v63  }
0x199: {  	_ =	swait.ge [sflag:s30], $0x4000;
	s1 =	simm.s32 $0x0  }
0x19a: {  	s20 =	simm.s32 $0x1;
	[sflag:s30] =	ssyncset.done $0x0;
	v0 =	vmov s1  }
0x19b: {  	v1 =	vmov s20;
	[sflag:s30] =	ssyncadd.s32 $0xFFFFC000;
	v0 =	vand.u32 $0x7E, v0  }
0x19c: {  	v1 =	vand.u32 $0x7F, v1;
	_ =	swait.ge [sflag:s31], $0x4000;
	v0 =	vor.u32 $0x100, v0  }
0x19d: {  	v1 =	vor.u32 $0x100, v1;
	[sflag:s31] =	ssyncset.done $0x0;
	v0 =	vbroadcast v0, $0x0  }
0x19e: {  	v2 =	vbroadcast v1, $0x0;
	[sflag:s31] =	ssyncadd.s32 $0xFFFFC000  }
0x19f: {  	_ =	swait.ge [sflag:s0], $0x180  }
0x1a0: {  	[sflag:s0] =	ssyncset.done $0x0  }
0x1a1: {  	[sflag:s0] =	ssyncadd.s32 $0xFFFFFE80  }
0x1a2: {  	[tilespmem:s24], [sflag:$0x5] =	stream.indirect.gather [hbm4b:s4+s23], $0x80, s19, s23, $0xb8;
	[tilespmem:$0x1C800] =	vst v63  }
0x1a3: {  	v1 =	vld.idx.msk [tilespmem:v0+s18+$0x0], $0xffff  }
0x1a4: {  	s6 =	simm.s32 $0x4880;
	v0 =	vld.idx.msk [tilespmem:v2+s18+$0x0], $0xffff  }
0x1a5: {  	v3 =	vld [tilespmem:s6+$0x70]  }
0x1a6: {  	v5 =	vld [tilespmem:s6+$0xFFFFFF80]  }
0x1a7: {  	v7 =	vld [tilespmem:s6+$0xFFFFFF90]  }
0x1a8: {  	v6 =	vld [tilespmem:s6+$0xFFFFFFA0]  }
0x1a9: {  	v4 =	vld [tilespmem:s6+$0xFFFFFFB0]  }
0x1aa: {  	v2 =	vld [tilespmem:s6+$0xFFFFFFC0];
	v10 =	vmul.f32 v0, v3  }
0x1ab: {  	s21 =	simm.s32 $0x2;
	v3 =	vld [tilespmem:s6+$0xFFFFFFD0];
	v8 =	vmul.f32 v1, v5  }
0x1ac: {  	s16 =	simm.s32 $0x4;
	s10 =	simm.s32 $0x4880;
	v9 =	vmov s21;
	s1 =	simm.s32 $0x3;
	v7 =	vmul.f32 v1, v7;
	v5 =	vld [tilespmem:s6+$0xFFFFFFE0];
	[tilespmem:s6+$0x70] =	vst v10  }
.LBB2_14:
0x1ad: {  	p0 =	slt.u32 s16, $0x7E;
	v9 =	vand.u32 $0x7E, v9;
	v10 =	vmov s1;
	[tilespmem:s6+$0xFFFFFF80] =	vst v8;
	v6 =	vmul.f32 v1, v6;
	v8 =	vld [tilespmem:s6+$0xFFFFFFF0]  }
0x1ae: {  	v9 =	vor.u32 $0x100, v9;
	v10 =	vand.u32 $0x7F, v10;
	[tilespmem:s6+$0xFFFFFF90] =	vst v7;
	v4 =	vmul.f32 v1, v4;
	v7 =	vld [tilespmem:s6+$0x0]  }
0x1af: {  	v9 =	vbroadcast v9, $0x0;
	v10 =	vor.u32 $0x100, v10;
	[tilespmem:s6+$0xFFFFFFA0] =	vst v6;
	v2 =	vmul.f32 v1, v2;
	v6 =	vld [tilespmem:s6+$0x10]  }
0x1b0: {  	v10 =	vbroadcast v10, $0x0;
	[tilespmem:s6+$0xFFFFFFB0] =	vst v4;
	v3 =	vmul.f32 v1, v3;
	v4 =	vld [tilespmem:s6+$0x20]  }
0x1b1: {  	[tilespmem:s6+$0xFFFFFFC0] =	vst v2;
	v2 =	vmul.f32 v1, v5;
	v5 =	vld [tilespmem:s6+$0x30]  }
0x1b2: {  	[tilespmem:s6+$0xFFFFFFD0] =	vst v3;
	v1 =	vmul.f32 v1, v8;
	v3 =	vld [tilespmem:s6+$0x40]  }
0x1b3: {  	[tilespmem:s6+$0xFFFFFFE0] =	vst v2;
	v2 =	vmul.f32 v0, v7;
	v7 =	vld [tilespmem:s6+$0x50]  }
0x1b4: {  	[tilespmem:s6+$0xFFFFFFF0] =	vst v1;
	v6 =	vmul.f32 v0, v6;
	v8 =	vld [tilespmem:s6+$0x60]  }
0x1b5: {  	v1 =	vld.idx.msk [tilespmem:v9+s18+$0x0], $0xffff;
	[tilespmem:s6+$0x0] =	vst v2;
	v2 =	vmul.f32 v0, v4  }
0x1b6: {  	s6 =	sadd.s32 $0x100, s6;
	v9 =	vld.idx.msk [tilespmem:v10+s18+$0x0], $0xffff;
	[tilespmem:s10+$0x10] =	vst v6;
	v4 =	vmul.f32 v0, v5  }
0x1b7: {  	v5 =	vld [tilespmem:s6+$0x70];
	[tilespmem:s10+$0x20] =	vst v2;
	v2 =	vmul.f32 v0, v3  }
0x1b8: {  	v3 =	vld [tilespmem:s6+$0xFFFFFF80];
	[tilespmem:s10+$0x30] =	vst v4;
	v4 =	vmul.f32 v0, v7  }
0x1b9: {  	v7 =	vld [tilespmem:s6+$0xFFFFFF90];
	[tilespmem:s10+$0x40] =	vst v2;
	v8 =	vmul.f32 v0, v8  }
.Ltmp6:
0x1ba: {  	v6 =	vld [tilespmem:s6+$0xFFFFFFA0];
	[tilespmem:s10+$0x50] =	vst v4;
	(pc) =	sbr.rel @p0 .LBB2_14-.Ltmp6, $4  }
0x1bb: {  	v4 =	vld [tilespmem:s6+$0xFFFFFFB0];
	[tilespmem:s10+$0x60] =	vst v8;
	s10 =	smov.u32 s6  }
0x1bc: {  	v0 =	vmov v9;
	v2 =	vld [tilespmem:s6+$0xFFFFFFC0];
	v10 =	vmul.f32 v9, v5  }
0x1bd: {  	v8 =	vmul.f32 v1, v3;
	v3 =	vld [tilespmem:s6+$0xFFFFFFD0]  }
0x1be: {  	s1 =	sadd.s32 $0x1, s16;
	v9 =	vmov s16;
	s16 =	sadd.s32 $0x2, s16;
	v7 =	vmul.f32 v1, v7;
	v5 =	vld [tilespmem:s6+$0xFFFFFFE0];
	[tilespmem:s6+$0x70] =	vst v10  }
0x1bf: {  	[tilespmem:s6+$0xFFFFFF80] =	vst v8;
	v8 =	vand.u32 $0x7E, v9;
	v10 =	vld [tilespmem:s6+$0xFFFFFFF0]  }
0x1c0: {  	v9 =	vmov s1;
	v11 =	vld [tilespmem:s6+$0x0];
	v6 =	vmul.f32 v1, v6;
	v8 =	vor.u32 $0x100, v8  }
0x1c1: {  	v12 =	vld [tilespmem:s6+$0x10];
	v9 =	vand.u32 $0x7F, v9;
	[tilespmem:s6+$0xFFFFFF90] =	vst v7;
	v4 =	vmul.f32 v1, v4;
	v8 =	vbroadcast v8, $0x0  }
0x1c2: {  	v9 =	vor.u32 $0x100, v9;
	[tilespmem:s6+$0xFFFFFFA0] =	vst v6;
	v2 =	vmul.f32 v1, v2;
	v6 =	vld [tilespmem:s6+$0x30]  }
0x1c3: {  	v7 =	vbroadcast v9, $0x0;
	v9 =	vld [tilespmem:s6+$0x20];
	[tilespmem:s6+$0xFFFFFFB0] =	vst v4;
	v3 =	vmul.f32 v1, v3  }
0x1c4: {  	v4 =	vld [tilespmem:s6+$0x40];
	[tilespmem:s6+$0xFFFFFFC0] =	vst v2;
	v2 =	vmul.f32 v1, v5  }
0x1c5: {  	v5 =	vld [tilespmem:s6+$0x50];
	[tilespmem:s6+$0xFFFFFFD0] =	vst v3;
	v1 =	vmul.f32 v1, v10  }
0x1c6: {  	v3 =	vld [tilespmem:s6+$0x60];
	[tilespmem:s6+$0xFFFFFFE0] =	vst v2;
	v2 =	vmul.f32 v0, v11  }
0x1c7: {  	s21 =	sadd.s32 $0x100, s6;
	[tilespmem:s6+$0xFFFFFFF0] =	vst v1;
	v8 =	vld.idx.msk [tilespmem:v8+s18+$0x0], $0xffff  }
0x1c8: {  	v1 =	vmul.f32 v0, v12;
	[tilespmem:s6+$0x0] =	vst v2;
	v2 =	vmul.f32 v0, v9;
	v9 =	vld [tilespmem:s21+$0x70]  }
0x1c9: {  	v7 =	vld.idx.msk [tilespmem:v7+s18+$0x0], $0xffff  }
0x1ca: {  	[tilespmem:s10+$0x10] =	vst v1;
	v1 =	vmul.f32 v0, v6;
	v6 =	vld [tilespmem:s21+$0xFFFFFF80]  }
0x1cb: {  	[tilespmem:s10+$0x20] =	vst v2;
	v2 =	vmul.f32 v0, v4;
	v4 =	vld [tilespmem:s21+$0xFFFFFF90]  }
0x1cc: {  	[tilespmem:s10+$0x30] =	vst v1;
	v1 =	vmul.f32 v0, v5;
	v5 =	vld [tilespmem:s21+$0xFFFFFFA0]  }
0x1cd: {  	v0 =	vmul.f32 v0, v3;
	[tilespmem:s10+$0x40] =	vst v2;
	v2 =	vld [tilespmem:s21+$0xFFFFFFB0]  }
0x1ce: {  	[tilespmem:s10+$0x50] =	vst v1;
	v1 =	vld [tilespmem:s21+$0xFFFFFFC0];
	v3 =	vmul.f32 v7, v9  }
0x1cf: {  	[tilespmem:s10+$0x60] =	vst v0;
	v0 =	vmul.f32 v8, v6;
	v6 =	vld [tilespmem:s21+$0xFFFFFFD0]  }
0x1d0: {  	v9 =	vld [tilespmem:s21+$0xFFFFFFE0];
	v4 =	vmul.f32 v8, v4;
	[tilespmem:s21+$0x70] =	vst v3  }
0x1d1: {  	[tilespmem:s21+$0xFFFFFF80] =	vst v0;
	v0 =	vmul.f32 v8, v5;
	v3 =	vld [tilespmem:s21+$0xFFFFFFF0]  }
0x1d2: {  	[tilespmem:s21+$0xFFFFFF90] =	vst v4;
	v2 =	vmul.f32 v8, v2;
	v4 =	vld [tilespmem:s21+$0x0]  }
0x1d3: {  	[tilespmem:s21+$0xFFFFFFA0] =	vst v0;
	v0 =	vmul.f32 v8, v1;
	v1 =	vld [tilespmem:s21+$0x10]  }
0x1d4: {  	v5 =	vld [tilespmem:s21+$0x20];
	[tilespmem:s21+$0xFFFFFFB0] =	vst v2;
	v2 =	vmul.f32 v8, v6  }
0x1d5: {  	v6 =	vld [tilespmem:s21+$0x30];
	[tilespmem:s21+$0xFFFFFFC0] =	vst v0;
	v0 =	vmul.f32 v8, v9  }
0x1d6: {  	[tilespmem:s21+$0xFFFFFFD0] =	vst v2;
	v2 =	vmul.f32 v8, v3;
	v3 =	vld [tilespmem:s21+$0x40]  }
0x1d7: {  	[tilespmem:s21+$0xFFFFFFE0] =	vst v0;
	v0 =	vmul.f32 v7, v4;
	v4 =	vld [tilespmem:s21+$0x50]  }
0x1d8: {  	[tilespmem:s21+$0xFFFFFFF0] =	vst v2;
	v1 =	vmul.f32 v7, v1;
	v2 =	vld [tilespmem:s21+$0x60]  }
0x1d9: {  	[tilespmem:s21+$0x0] =	vst v0;
	v0 =	vmul.f32 v7, v5  }
0x1da: {  	[tilespmem:s21+$0x10] =	vst v1;
	v1 =	vmul.f32 v7, v6  }
0x1db: {  	[tilespmem:s21+$0x20] =	vst v0;
	v0 =	vmul.f32 v7, v3  }
0x1dc: {  	[tilespmem:s21+$0x30] =	vst v1;
	v1 =	vmul.f32 v7, v4  }
0x1dd: {  	[tilespmem:s21+$0x40] =	vst v0;
	v0 =	vmul.f32 v7, v2  }
0x1de: {  	[tilespmem:s21+$0x50] =	vst v1  }
0x1df: {  	s16 =	simm.s32 $0x280;
	[tilespmem:s21+$0x60] =	vst v0  }
0x1e0: {  	[spmem:s2] =	stream.indirect.scatter.add.f32 [tilespmem:s28], [sflag:$0x8], $0x80, s16, s23, $0xb8;
	[tilespmem:$0x1C800] =	vst v63  }
0x1e1: {  	s17 =	simm.s32 $0x0;
	_ =	swait.ge [sflag:s25], $0x4000  }
0x1e2: {  	s20 =	simm.s32 $0x1;
	v0 =	vmov s17;
	[sflag:s25] =	ssyncset.done $0x0  }
0x1e3: {  	v1 =	vmov s20;
	v0 =	vand.u32 $0x7E, v0;
	[sflag:s25] =	ssyncadd.s32 $0xFFFFC000  }
0x1e4: {  	v1 =	vand.u32 $0x7F, v1;
	v0 =	vor.u32 $0x100, v0;
	_ =	swait.ge [sflag:s7], $0x4000  }
0x1e5: {  	v1 =	vor.u32 $0x100, v1;
	v0 =	vbroadcast v0, $0x0;
	[sflag:s7] =	ssyncset.done $0x0  }
0x1e6: {  	v2 =	vbroadcast v1, $0x0;
	[sflag:s7] =	ssyncadd.s32 $0xFFFFC000  }
0x1e7: {  	_ =	swait.ge [sflag:s8], $0x180  }
0x1e8: {  	[sflag:s8] =	ssyncset.done $0x0  }
0x1e9: {  	[sflag:s8] =	ssyncadd.s32 $0xFFFFFE80  }
0x1ea: {  	[tilespmem:s28], [sflag:$0x6] =	stream.indirect.gather [hbm4b:s4+s23], $0x80, s29, s23, $0xb8;
	[tilespmem:$0x1C800] =	vst v63  }
0x1eb: {  	v1 =	vld.idx.msk [tilespmem:v0+s19+$0x0], $0xffff  }
0x1ec: {  	s6 =	simm.s32 $0x880;
	v0 =	vld.idx.msk [tilespmem:v2+s19+$0x0], $0xffff  }
0x1ed: {  	v3 =	vld [tilespmem:s6+$0x70];
	_ =	sdelay $0x1  }
0x1ee: {  	v5 =	vld [tilespmem:s6+$0xFFFFFF80]  }
0x1ef: {  	v7 =	vld [tilespmem:s6+$0xFFFFFF90]  }
0x1f0: {  	v6 =	vld [tilespmem:s6+$0xFFFFFFA0]  }
0x1f1: {  	v4 =	vld [tilespmem:s6+$0xFFFFFFB0];
	v10 =	vmul.f32 v0, v3  }
0x1f2: {  	v2 =	vld [tilespmem:s6+$0xFFFFFFC0]  }
0x1f3: {  	s1 =	simm.s32 $0x3;
	s21 =	simm.s32 $0x2;
	v3 =	vld [tilespmem:s6+$0xFFFFFFD0];
	v8 =	vmul.f32 v1, v5;
	[tilespmem:s6+$0x70] =	vst v10  }
0x1f4: {  	s10 =	simm.s32 $0x880;
	v9 =	vmov s21;
	s16 =	simm.s32 $0x4;
	v7 =	vmul.f32 v1, v7;
	v5 =	vld [tilespmem:s6+$0xFFFFFFE0];
	s17 =	rddreg [dreg:$0xc]  }
.LBB2_16:
0x1f5: {  	p0 =	slt.u32 s16, $0x7E;
	v9 =	vand.u32 $0x7E, v9;
	v10 =	vmov s1;
	[tilespmem:s6+$0xFFFFFF80] =	vst v8;
	v6 =	vmul.f32 v1, v6;
	v8 =	vld [tilespmem:s6+$0xFFFFFFF0]  }
0x1f6: {  	v9 =	vor.u32 $0x100, v9;
	v10 =	vand.u32 $0x7F, v10;
	[tilespmem:s6+$0xFFFFFF90] =	vst v7;
	v4 =	vmul.f32 v1, v4;
	v7 =	vld [tilespmem:s6+$0x0]  }
0x1f7: {  	v9 =	vbroadcast v9, $0x0;
	v10 =	vor.u32 $0x100, v10;
	[tilespmem:s6+$0xFFFFFFA0] =	vst v6;
	v2 =	vmul.f32 v1, v2;
	v6 =	vld [tilespmem:s6+$0x10]  }
0x1f8: {  	v10 =	vbroadcast v10, $0x0;
	[tilespmem:s6+$0xFFFFFFB0] =	vst v4;
	v3 =	vmul.f32 v1, v3;
	v4 =	vld [tilespmem:s6+$0x20]  }
0x1f9: {  	[tilespmem:s6+$0xFFFFFFC0] =	vst v2;
	v2 =	vmul.f32 v1, v5;
	v5 =	vld [tilespmem:s6+$0x30]  }
0x1fa: {  	[tilespmem:s6+$0xFFFFFFD0] =	vst v3;
	v1 =	vmul.f32 v1, v8;
	v3 =	vld [tilespmem:s6+$0x40]  }
0x1fb: {  	[tilespmem:s6+$0xFFFFFFE0] =	vst v2;
	v2 =	vmul.f32 v0, v7;
	v7 =	vld [tilespmem:s6+$0x50]  }
0x1fc: {  	[tilespmem:s6+$0xFFFFFFF0] =	vst v1;
	v6 =	vmul.f32 v0, v6;
	v8 =	vld [tilespmem:s6+$0x60]  }
0x1fd: {  	v1 =	vld.idx.msk [tilespmem:v9+s19+$0x0], $0xffff;
	[tilespmem:s6+$0x0] =	vst v2;
	v2 =	vmul.f32 v0, v4  }
0x1fe: {  	s6 =	sadd.s32 $0x100, s6;
	v9 =	vld.idx.msk [tilespmem:v10+s19+$0x0], $0xffff;
	[tilespmem:s10+$0x10] =	vst v6;
	v4 =	vmul.f32 v0, v5  }
0x1ff: {  	v5 =	vld [tilespmem:s6+$0x70];
	[tilespmem:s10+$0x20] =	vst v2;
	v2 =	vmul.f32 v0, v3  }
0x200: {  	v3 =	vld [tilespmem:s6+$0xFFFFFF80];
	[tilespmem:s10+$0x30] =	vst v4;
	v4 =	vmul.f32 v0, v7  }
0x201: {  	v7 =	vld [tilespmem:s6+$0xFFFFFF90];
	[tilespmem:s10+$0x40] =	vst v2;
	v8 =	vmul.f32 v0, v8  }
.Ltmp7:
0x202: {  	v6 =	vld [tilespmem:s6+$0xFFFFFFA0];
	[tilespmem:s10+$0x50] =	vst v4;
	(pc) =	sbr.rel @p0 .LBB2_16-.Ltmp7, $4  }
0x203: {  	v4 =	vld [tilespmem:s6+$0xFFFFFFB0];
	[tilespmem:s10+$0x60] =	vst v8;
	s10 =	smov.u32 s6  }
0x204: {  	v0 =	vmov v9;
	v2 =	vld [tilespmem:s6+$0xFFFFFFC0];
	v10 =	vmul.f32 v9, v5  }
0x205: {  	v8 =	vmul.f32 v1, v3;
	v3 =	vld [tilespmem:s6+$0xFFFFFFD0]  }
0x206: {  	s1 =	sadd.s32 $0x1, s16;
	v9 =	vmov s16;
	s16 =	sadd.s32 $0x2, s16;
	v7 =	vmul.f32 v1, v7;
	v5 =	vld [tilespmem:s6+$0xFFFFFFE0];
	[tilespmem:s6+$0x70] =	vst v10  }
0x207: {  	[tilespmem:s6+$0xFFFFFF80] =	vst v8;
	v8 =	vand.u32 $0x7E, v9;
	v10 =	vld [tilespmem:s6+$0xFFFFFFF0]  }
0x208: {  	v9 =	vmov s1;
	v11 =	vld [tilespmem:s6+$0x0];
	v6 =	vmul.f32 v1, v6;
	v8 =	vor.u32 $0x100, v8  }
0x209: {  	v12 =	vld [tilespmem:s6+$0x10];
	v9 =	vand.u32 $0x7F, v9;
	[tilespmem:s6+$0xFFFFFF90] =	vst v7;
	v4 =	vmul.f32 v1, v4;
	v8 =	vbroadcast v8, $0x0  }
0x20a: {  	v9 =	vor.u32 $0x100, v9;
	[tilespmem:s6+$0xFFFFFFA0] =	vst v6;
	v2 =	vmul.f32 v1, v2;
	v6 =	vld [tilespmem:s6+$0x30]  }
0x20b: {  	v7 =	vbroadcast v9, $0x0;
	v9 =	vld [tilespmem:s6+$0x20];
	[tilespmem:s6+$0xFFFFFFB0] =	vst v4;
	v3 =	vmul.f32 v1, v3  }
0x20c: {  	v4 =	vld [tilespmem:s6+$0x40];
	[tilespmem:s6+$0xFFFFFFC0] =	vst v2;
	v2 =	vmul.f32 v1, v5  }
0x20d: {  	v5 =	vld [tilespmem:s6+$0x50];
	[tilespmem:s6+$0xFFFFFFD0] =	vst v3;
	v1 =	vmul.f32 v1, v10  }
0x20e: {  	v3 =	vld [tilespmem:s6+$0x60];
	[tilespmem:s6+$0xFFFFFFE0] =	vst v2;
	v2 =	vmul.f32 v0, v11  }
0x20f: {  	s16 =	sadd.s32 $0x100, s6;
	[tilespmem:s6+$0xFFFFFFF0] =	vst v1;
	v8 =	vld.idx.msk [tilespmem:v8+s19+$0x0], $0xffff  }
0x210: {  	v1 =	vmul.f32 v0, v12;
	[tilespmem:s6+$0x0] =	vst v2;
	v2 =	vmul.f32 v0, v9;
	v9 =	vld [tilespmem:s16+$0x70]  }
0x211: {  	v7 =	vld.idx.msk [tilespmem:v7+s19+$0x0], $0xffff  }
0x212: {  	[tilespmem:s10+$0x10] =	vst v1;
	v1 =	vmul.f32 v0, v6;
	v6 =	vld [tilespmem:s16+$0xFFFFFF80]  }
0x213: {  	[tilespmem:s10+$0x20] =	vst v2;
	v2 =	vmul.f32 v0, v4;
	v4 =	vld [tilespmem:s16+$0xFFFFFF90]  }
0x214: {  	[tilespmem:s10+$0x30] =	vst v1;
	v1 =	vmul.f32 v0, v5;
	v5 =	vld [tilespmem:s16+$0xFFFFFFA0]  }
0x215: {  	v0 =	vmul.f32 v0, v3;
	[tilespmem:s10+$0x40] =	vst v2;
	v2 =	vld [tilespmem:s16+$0xFFFFFFB0]  }
0x216: {  	[tilespmem:s10+$0x50] =	vst v1;
	v1 =	vld [tilespmem:s16+$0xFFFFFFC0];
	v3 =	vmul.f32 v7, v9  }
0x217: {  	[tilespmem:s10+$0x60] =	vst v0;
	v0 =	vmul.f32 v8, v6;
	v6 =	vld [tilespmem:s16+$0xFFFFFFD0]  }
0x218: {  	v9 =	vld [tilespmem:s16+$0xFFFFFFE0];
	v4 =	vmul.f32 v8, v4;
	[tilespmem:s16+$0x70] =	vst v3  }
0x219: {  	[tilespmem:s16+$0xFFFFFF80] =	vst v0;
	v0 =	vmul.f32 v8, v5;
	v3 =	vld [tilespmem:s16+$0xFFFFFFF0]  }
0x21a: {  	[tilespmem:s16+$0xFFFFFF90] =	vst v4;
	v2 =	vmul.f32 v8, v2;
	v4 =	vld [tilespmem:s16+$0x0]  }
0x21b: {  	[tilespmem:s16+$0xFFFFFFA0] =	vst v0;
	v0 =	vmul.f32 v8, v1;
	v1 =	vld [tilespmem:s16+$0x10]  }
0x21c: {  	v5 =	vld [tilespmem:s16+$0x20];
	[tilespmem:s16+$0xFFFFFFB0] =	vst v2;
	v2 =	vmul.f32 v8, v6  }
0x21d: {  	v6 =	vld [tilespmem:s16+$0x30];
	[tilespmem:s16+$0xFFFFFFC0] =	vst v0;
	v0 =	vmul.f32 v8, v9  }
0x21e: {  	[tilespmem:s16+$0xFFFFFFD0] =	vst v2;
	v2 =	vmul.f32 v8, v3;
	v3 =	vld [tilespmem:s16+$0x40]  }
0x21f: {  	[tilespmem:s16+$0xFFFFFFE0] =	vst v0;
	v0 =	vmul.f32 v7, v4;
	v4 =	vld [tilespmem:s16+$0x50]  }
0x220: {  	[tilespmem:s16+$0xFFFFFFF0] =	vst v2;
	v1 =	vmul.f32 v7, v1;
	v2 =	vld [tilespmem:s16+$0x60]  }
0x221: {  	[tilespmem:s16+$0x0] =	vst v0;
	v0 =	vmul.f32 v7, v5  }
0x222: {  	[tilespmem:s16+$0x10] =	vst v1;
	v1 =	vmul.f32 v7, v6  }
0x223: {  	[tilespmem:s16+$0x20] =	vst v0;
	v0 =	vmul.f32 v7, v3  }
0x224: {  	[tilespmem:s16+$0x30] =	vst v1;
	v1 =	vmul.f32 v7, v4  }
0x225: {  	s10 =	simm.s32 $0x0;
	[tilespmem:s16+$0x40] =	vst v0;
	v0 =	vmul.f32 v7, v2  }
0x226: {  	[tilespmem:s16+$0x50] =	vst v1;
	v1 =	vmov s10  }
0x227: {  	s20 =	simm.s32 $0x1;
	[tilespmem:s16+$0x60] =	vst v0;
	v0 =	vand.u32 $0x7E, v1  }
0x228: {  	v1 =	vmov s20;
	[spmem:s2] =	stream.indirect.scatter.add.f32 [tilespmem:s24], [sflag:$0x7], $0x80, s9, s23, $0xb8;
	v0 =	vor.u32 $0x100, v0;
	[tilespmem:$0x1C800] =	vst v63  }
0x229: {  	v1 =	vand.u32 $0x7F, v1;
	_ =	swait.ge [sflag:s30], $0x4000;
	v0 =	vbroadcast v0, $0x0  }
0x22a: {  	v1 =	vor.u32 $0x100, v1;
	[sflag:s30] =	ssyncset.done $0x0  }
0x22b: {  	v2 =	vbroadcast v1, $0x0;
	[sflag:s30] =	ssyncadd.s32 $0xFFFFC000  }
0x22c: {  	_ =	swait.ge [sflag:s31], $0x4000  }
0x22d: {  	[sflag:s31] =	ssyncset.done $0x0  }
0x22e: {  	[sflag:s31] =	ssyncadd.s32 $0xFFFFC000  }
0x22f: {  	s6 =	simm.s32 $0x4880;
	v1 =	vld.idx.msk [tilespmem:v0+s29+$0x0], $0xffff  }
0x230: {  	v3 =	vld [tilespmem:s6+$0x70]  }
0x231: {  	v0 =	vld.idx.msk [tilespmem:v2+s29+$0x0], $0xffff  }
0x232: {  	v5 =	vld [tilespmem:s6+$0xFFFFFF80]  }
0x233: {  	v7 =	vld [tilespmem:s6+$0xFFFFFF90]  }
0x234: {  	v6 =	vld [tilespmem:s6+$0xFFFFFFA0]  }
0x235: {  	v4 =	vld [tilespmem:s6+$0xFFFFFFB0]  }
0x236: {  	v2 =	vld [tilespmem:s6+$0xFFFFFFC0];
	v10 =	vmul.f32 v0, v3  }
0x237: {  	s21 =	simm.s32 $0x2;
	v8 =	vmul.f32 v1, v5;
	v3 =	vld [tilespmem:s6+$0xFFFFFFD0]  }
0x238: {  	s1 =	simm.s32 $0x3;
	v9 =	vmov s21;
	s10 =	simm.s32 $0x4880;
	s16 =	simm.s32 $0x4;
	v7 =	vmul.f32 v1, v7;
	v5 =	vld [tilespmem:s6+$0xFFFFFFE0];
	[tilespmem:s6+$0x70] =	vst v10  }
.LBB2_18:
0x239: {  	p0 =	slt.u32 s16, $0x7E;
	v9 =	vand.u32 $0x7E, v9;
	v10 =	vmov s1;
	[tilespmem:s6+$0xFFFFFF80] =	vst v8;
	v6 =	vmul.f32 v1, v6;
	v8 =	vld [tilespmem:s6+$0xFFFFFFF0]  }
0x23a: {  	v9 =	vor.u32 $0x100, v9;
	v10 =	vand.u32 $0x7F, v10;
	[tilespmem:s6+$0xFFFFFF90] =	vst v7;
	v4 =	vmul.f32 v1, v4;
	v7 =	vld [tilespmem:s6+$0x0]  }
0x23b: {  	v9 =	vbroadcast v9, $0x0;
	v10 =	vor.u32 $0x100, v10;
	[tilespmem:s6+$0xFFFFFFA0] =	vst v6;
	v2 =	vmul.f32 v1, v2;
	v6 =	vld [tilespmem:s6+$0x10]  }
0x23c: {  	v10 =	vbroadcast v10, $0x0;
	[tilespmem:s6+$0xFFFFFFB0] =	vst v4;
	v3 =	vmul.f32 v1, v3;
	v4 =	vld [tilespmem:s6+$0x20]  }
0x23d: {  	[tilespmem:s6+$0xFFFFFFC0] =	vst v2;
	v2 =	vmul.f32 v1, v5;
	v5 =	vld [tilespmem:s6+$0x30]  }
0x23e: {  	[tilespmem:s6+$0xFFFFFFD0] =	vst v3;
	v1 =	vmul.f32 v1, v8;
	v3 =	vld [tilespmem:s6+$0x40]  }
0x23f: {  	[tilespmem:s6+$0xFFFFFFE0] =	vst v2;
	v2 =	vmul.f32 v0, v7;
	v7 =	vld [tilespmem:s6+$0x50]  }
0x240: {  	[tilespmem:s6+$0xFFFFFFF0] =	vst v1;
	v6 =	vmul.f32 v0, v6;
	v8 =	vld [tilespmem:s6+$0x60]  }
0x241: {  	v1 =	vld.idx.msk [tilespmem:v9+s29+$0x0], $0xffff;
	[tilespmem:s6+$0x0] =	vst v2;
	v2 =	vmul.f32 v0, v4  }
0x242: {  	s6 =	sadd.s32 $0x100, s6;
	v9 =	vld.idx.msk [tilespmem:v10+s29+$0x0], $0xffff;
	[tilespmem:s10+$0x10] =	vst v6;
	v4 =	vmul.f32 v0, v5  }
0x243: {  	v5 =	vld [tilespmem:s6+$0x70];
	[tilespmem:s10+$0x20] =	vst v2;
	v2 =	vmul.f32 v0, v3  }
0x244: {  	v3 =	vld [tilespmem:s6+$0xFFFFFF80];
	[tilespmem:s10+$0x30] =	vst v4;
	v4 =	vmul.f32 v0, v7  }
0x245: {  	v7 =	vld [tilespmem:s6+$0xFFFFFF90];
	[tilespmem:s10+$0x40] =	vst v2;
	v8 =	vmul.f32 v0, v8  }
.Ltmp8:
0x246: {  	v6 =	vld [tilespmem:s6+$0xFFFFFFA0];
	[tilespmem:s10+$0x50] =	vst v4;
	(pc) =	sbr.rel @p0 .LBB2_18-.Ltmp8, $4  }
0x247: {  	v4 =	vld [tilespmem:s6+$0xFFFFFFB0];
	[tilespmem:s10+$0x60] =	vst v8;
	s10 =	smov.u32 s6  }
0x248: {  	v0 =	vmov v9;
	v2 =	vld [tilespmem:s6+$0xFFFFFFC0];
	v10 =	vmul.f32 v9, v5  }
0x249: {  	v8 =	vmul.f32 v1, v3;
	v3 =	vld [tilespmem:s6+$0xFFFFFFD0]  }
0x24a: {  	s1 =	sadd.s32 $0x1, s16;
	v9 =	vmov s16;
	s16 =	sadd.s32 $0x2, s16;
	v7 =	vmul.f32 v1, v7;
	v5 =	vld [tilespmem:s6+$0xFFFFFFE0];
	[tilespmem:s6+$0x70] =	vst v10  }
0x24b: {  	v10 =	vld [tilespmem:s6+$0xFFFFFFF0]  }
0x24c: {  	v11 =	vld [tilespmem:s6+$0x0]  }
0x24d: {  	[tilespmem:s6+$0xFFFFFF80] =	vst v8;
	v18 =	vand.u32 $0x7E, v9;
	v6 =	vmul.f32 v1, v6;
	v12 =	vld [tilespmem:s6+$0x10]  }
0x24e: {  	v21 =	vld [tilespmem:s6+$0x20];
	v8 =	vor.u32 $0x100, v18;
	[tilespmem:s6+$0xFFFFFF90] =	vst v7;
	v4 =	vmul.f32 v1, v4  }
0x24f: {  	v22 =	vld [tilespmem:s6+$0x30];
	v8 =	vbroadcast v8, $0x0;
	[tilespmem:s6+$0xFFFFFFA0] =	vst v6;
	v2 =	vmul.f32 v1, v2  }
0x250: {  	v23 =	vld [tilespmem:s6+$0x40];
	[tilespmem:s6+$0xFFFFFFB0] =	vst v4;
	v3 =	vmul.f32 v1, v3  }
0x251: {  	v25 =	vld [tilespmem:s6+$0x50];
	[tilespmem:s6+$0xFFFFFFC0] =	vst v2;
	v24 =	vmul.f32 v1, v5  }
0x252: {  	v27 =	vld [tilespmem:s6+$0x60];
	s16 =	sadd.s32 $0x100, s6;
	[tilespmem:s6+$0xFFFFFFD0] =	vst v3;
	v26 =	vmul.f32 v1, v10  }
0x253: {  	v31 =	vld [tilespmem:s16+$0x70];
	v28 =	vmul.f32 v0, v11;
	[tilespmem:s6+$0xFFFFFFE0] =	vst v24  }
0x254: {  	v19 =	vmov s1;
	v33 =	vld [tilespmem:s16+$0xFFFFFF80];
	v29 =	vmul.f32 v0, v12;
	[tilespmem:s6+$0xFFFFFFF0] =	vst v26  }
0x255: {  	v9 =	vand.u32 $0x7F, v19;
	v30 =	vmul.f32 v0, v21;
	[tilespmem:s6+$0x0] =	vst v28;
	v8 =	vld.idx.msk [tilespmem:v8+s29+$0x0], $0xffff  }
0x256: {  	v35 =	vld [tilespmem:s16+$0xFFFFFF90];
	v9 =	vor.u32 $0x100, v9;
	v32 =	vmul.f32 v0, v22;
	[tilespmem:s10+$0x10] =	vst v29  }
0x257: {  	v37 =	vld [tilespmem:s16+$0xFFFFFFA0];
	v20 =	vbroadcast v9, $0x0;
	v34 =	vmul.f32 v0, v23;
	[tilespmem:s10+$0x20] =	vst v30  }
0x258: {  	v39 =	vld [tilespmem:s16+$0xFFFFFFB0];
	v36 =	vmul.f32 v0, v25;
	[tilespmem:s10+$0x30] =	vst v32  }
0x259: {  	v40 =	vld [tilespmem:s16+$0xFFFFFFC0];
	v38 =	vmul.f32 v0, v27;
	[tilespmem:s10+$0x40] =	vst v34  }
0x25a: {  	v43 =	vld [tilespmem:s16+$0xFFFFFFD0];
	[tilespmem:s10+$0x50] =	vst v36;
	v42 =	vmul.f32 v8, v33  }
0x25b: {  	v44 =	vld [tilespmem:s16+$0xFFFFFFE0];
	[tilespmem:s10+$0x60] =	vst v38;
	v4 =	vmul.f32 v8, v35  }
0x25c: {  	v46 =	vld [tilespmem:s16+$0xFFFFFFF0];
	v45 =	vmul.f32 v8, v37;
	[tilespmem:s16+$0xFFFFFF80] =	vst v42  }
0x25d: {  	v7 =	vld.idx.msk [tilespmem:v20+s29+$0x0], $0xffff;
	v2 =	vmul.f32 v8, v39;
	[tilespmem:s16+$0xFFFFFF90] =	vst v4  }
0x25e: {  	v47 =	vld [tilespmem:s16+$0x0];
	v48 =	vmul.f32 v8, v40;
	[tilespmem:s16+$0xFFFFFFA0] =	vst v45  }
0x25f: {  	v49 =	vld [tilespmem:s16+$0x10];
	v50 =	vmul.f32 v8, v43;
	[tilespmem:s16+$0xFFFFFFB0] =	vst v2  }
0x260: {  	v51 =	vld [tilespmem:s16+$0x20];
	v52 =	vmul.f32 v8, v44;
	[tilespmem:s16+$0xFFFFFFC0] =	vst v48  }
0x261: {  	v53 =	vld [tilespmem:s16+$0x30];
	v54 =	vmul.f32 v8, v46;
	[tilespmem:s16+$0xFFFFFFD0] =	vst v50  }
0x262: {  	v55 =	vld [tilespmem:s16+$0x40];
	v41 =	vmul.f32 v7, v31;
	[tilespmem:s16+$0xFFFFFFE0] =	vst v52  }
0x263: {  	v57 =	vld [tilespmem:s16+$0x50];
	v56 =	vmul.f32 v7, v47;
	[tilespmem:s16+$0xFFFFFFF0] =	vst v54  }
0x264: {  	v58 =	vld [tilespmem:s16+$0x60];
	v1 =	vmul.f32 v7, v49;
	[tilespmem:s16+$0x70] =	vst v41  }
0x265: {  	v59 =	vmul.f32 v7, v51;
	[tilespmem:s16+$0x0] =	vst v56  }
0x266: {  	v60 =	vmul.f32 v7, v53;
	[tilespmem:s16+$0x10] =	vst v1  }
0x267: {  	v61 =	vmul.f32 v7, v55;
	[tilespmem:s16+$0x20] =	vst v59  }
0x268: {  	v62 =	vmul.f32 v7, v57;
	[tilespmem:s16+$0x30] =	vst v60  }
0x269: {  	v63 =	vmul.f32 v7, v58;
	[tilespmem:s16+$0x40] =	vst v61  }
0x26a: {  	[tilespmem:s16+$0x50] =	vst v62  }
0x26b: {  	[tilespmem:s16+$0x60] =	vst v63  }
0x26c: {  	[spmem:s2] =	stream.indirect.scatter.add.f32 [tilespmem:s28], [sflag:$0x8], $0x80, s11, s23, $0xb8;
	[tilespmem:$0x1C800] =	vst v63  }
0x26d: {  	_ =	swait.ge [sflag:s7], $0x4000  }
0x26e: {  	[sflag:s7] =	ssyncset.done $0x0  }
0x26f: {  	[sflag:s7] =	ssyncadd.s32 $0xFFFFC000  }
0x270: {  	[bflag:$0x0] =	sbarrier.arrive $0xFFFF  }
0x271: {  	s10 =	rddreg [dreg:$0x7]  }
0x272: {  	s20 =	rddreg [dreg:$0x9]  }
0x273: {  	s16 =	simm.s32 $0x9;
	s6 =	rddreg [dreg:$0xb]  }
0x274: {  	[hbm:s20], [sflag:s10] =	dma.local [spmem:s6], $0x2800  }
0x275: {  	_ =	swait.ge [sflag:s16], $0x2800  }
0x276: {  	s17 =	sadd.s32 $0x1, s17;
	s21 =	rddreg [dreg:$0xa]  }
0x277: {  	p0 =	sne.s32 s17, s21  }
.Ltmp9:
0x278: {  	_ = 	snop;
	(pc) =	sbr.rel @p0 .LBB2_1-.Ltmp9, $3  }
0x279: {  	_ =	sdelay $0x1  }
0x27a: {  	[sflag:s16] =	ssyncset.done $0x0  }
0x27b: {  	[sflag:s16] =	ssyncadd.s32 $0xFFFFD800  }
0x27c: {  	_ =	sfence.sel $0x180000  }
0x27d: {  	[bflag:$0x0] =	sbarrier.arrive $0xFFFF  }
0x27e: {  	_ =	strace $0x90000047  }
0x27f: {  	s0 =	stileid.u32;
	[bflag:$0x2] =	sbarrier.arrive $0xFFFF  }
0x280: {  	p0 =	sne.s32 s0, $0x0;
	s0 =	rddreg [dreg:$0x2]  }
0x281: {  	s0 =	sadd.s32 @!p0 $0x100000, s0  }
0x282: {  	[sflag:s0] =	ssyncadd.tile.s32 @!p0 $0x1;
	_ =	shalt  }
.Lfunc_end2:
_tile_overlayer_lowered:
.L_overlay_start_2:
0x283: {  	(tag) =	ssettag $0x2  }
0x284: {  	s0 =	rddreg [dreg:$0x0];
	s2 =	stileid.u32  }
0x285: {  	s1 =	rddreg [dreg:$0x1];
	p0 =	sne.s32 s2, $0x0  }
0x286: {  	s3 =	rddreg [dreg:$0x2];
	[bflag:$0x3] =	sbarrier.arrive $0xFFFF;
	s2 =	simm.s32 @!p0 $0x1C09  }
0x287: {  	[timem:s3], [sflag:s2] =	dma.local @!p0 [hbm:s0], s1  }
0x288: {  	s0 =	simm.s32 @!p0 $0x9  }
0x289: {  	_ =	swait.ge @!p0 [sflag:s0], s1  }
0x28a: {  	s1 =	ssub.s32 @!p0 $0x0, s1;
	[sflag:s0] =	ssyncset.done @!p0 $0x0  }
0x28b: {  	[sflag:s0] =	ssyncadd.s32 @!p0 s1  }
0x28c: {  	[bflag:$0x3] =	sbarrier.arrive $0xFFFF  }
0x28d: {  	_ =	shalt  }

// kernel: kernel.9.cloned.1.call-start
scs
__scs_entry_jumppad:
0x0: {  	(pc) =	sbr.rel $0x88, $3  }
0x1: {  	(tag) =	ssettag $0x0;
	lr =	simm.s32 $0x1  }
0x2: {  	[smem:$0x3F96] =	sst lr;
	_ =	strace $0xD0000000  }
0x3: {  	_ = 	snop  }
0x4: {  	_ = 	snop  }
0x5: {  	_ = 	snop  }
0x6: {  	_ = 	snop  }
0x7: {  	_ = 	snop  }
__scs_overlays_trampoline_lowered:
0x8: {  	[smem:$0x3FA5] =	sst s0  }
0x9: {  	[smem:$0x3FA6] =	sst s1  }
0xa: {  	[smem:$0x3FA7] =	sst s2  }
0xb: {  	[smem:$0x3FA8] =	sst s3  }
0xc: {  	[smem:$0x3FA9] =	sst s4  }
0xd: {  	[smem:$0x3FAA] =	sst s5  }
0xe: {  	[smem:$0x3FAB] =	sst s6  }
0xf: {  	[smem:$0x3FAC] =	sst s7  }
0x10: {  	[smem:$0x3FAD] =	sst s8  }
0x11: {  	[smem:$0x3FAE] =	sst s9;
	s0 =	simm.s32 @!p0 $0x0  }
0x12: {  	s1 =	sld [smem:$0x3F94];
	s0 =	simm.s32 @p0 $0x1  }
0x13: {  	[smem:$0x3FAF] =	sst s0;
	s0 =	simm.s32 @!p1 $0x0  }
0x14: {  	s2 =	sld [smem:$0x3F93];
	s0 =	simm.s32 @p1 $0x1  }
0x15: {  	[smem:$0x3FB0] =	sst s0;
	s0 =	simm.s32 @!p2 $0x0  }
0x16: {  	s3 =	sld [smem:$0x3FDB];
	s0 =	simm.s32 @p2 $0x1  }
0x17: {  	s4 =	simm.s32 $0x1BF5;
	[smem:$0x3FB2] =	sst s0  }
0x18: {  	s0 =	sld [smem:$0x3F95];
	_ =	swait.ge [sflag:s4], $0x0  }
0x19: {  	s7 =	sld [smem:$0x3F96]  }
0x1a: {  	s8 =	sadd.s32 $0xFFFFE003, lr  }
0x1b: {  	s9 =	sadd.s32 $0xFFFFFEF7, lr;
	s5 =	simm.s32 $0xFFFFFFFF;
	p2 =	slt.u32 s8, $0xFFFFF086  }
0x1c: {  	p1 =	slt.u32 s9, $0xF7A;
	s5 =	simm.s32 @!p2 $0x0  }
0x1d: {  	s5 =	simm.s32 @p1 $0x1;
	p0 =	seq.s32 s7, s2  }
0x1e: {  	s7 =	smul.u32 @!p0 $0xF7A, s2;
	p2 =	seq.s32 @!p0 s5, $0x0  }
0x1f: {  	s9 =	smul.u32 $0xF7A, s1;
	s8 =	simm.s32 @!p0 $0x1BF5;
	p2 =	por !p2, p0  }
0x20: {  	[sflag:s8] =	ssyncset.s32 @!p0 $0xFFFFF086;
	s6 =	sadd.s32 @!p0 s3, s7;
	s7 =	simm.s32 @!p0 $0x108  }
0x21: {  	s3 =	sadd.s32 s3, s9;
	s6 =	sadd.s32 @!p0 $0x88, s6;
	s7 =	simm.s32 @p2 $0x1082  }
0x22: {  	[simem:s7], [sflag:s8] =	dma.local @!p0 [hbm:s6], $0xF7A  }
0x23: {  	s9 =	sor.u32 $0xD0000000, s2;
	s6 =	simm.s32 $0x108;
	_ =	swait.ge @!p0 [sflag:s8], $0x0  }
0x24: {  	s3 =	sadd.s32 $0x88, s3;
	s6 =	simm.s32 @!p1 $0x1082;
	[sflag:s4] =	ssyncset.s32 $0xFFFFF086  }
0x25: {  	[simem:s6], [sflag:s4] =	dma.local [hbm:s3], $0xF7A  }
0x26: {  	[smem:$0x3F96] =	sst s1;
	(tag) =	ssettag s2;
	_ =	strace s9  }
0x27: {  	s1 =	sld [smem:$0x3FA6]  }
0x28: {  	s2 =	sld [smem:$0x3FA7]  }
0x29: {  	s4 =	sld [smem:$0x3FA9]  }
0x2a: {  	p0 =	seq.s32 s5, $0x0;
	s5 =	sld [smem:$0x3FAA]  }
0x2b: {  	s6 =	sld [smem:$0x3FAB]  }
0x2c: {  	s7 =	sld [smem:$0x3FAC]  }
0x2d: {  	s3 =	simm.s32 $0x108;
	s8 =	sld [smem:$0x3FAD]  }
0x2e: {  	s3 =	simm.s32 @!p0 $0x1082;
	s9 =	sld [smem:$0x3FAE]  }
0x2f: {  	lr =	sadd.s32 s0, s3;
	s0 =	sld [smem:$0x3FA5]  }
0x30: {  	s3 =	sld [smem:$0x3FA8]  }
0x31: {  	[smem:$0x3FB1] =	sst s10  }
0x32: {  	s10 =	sld [smem:$0x3FAF];
	_ =	sdelay $0x3  }
0x33: {  	p0 =	seq.s32 s10, $0x1;
	s10 =	sld [smem:$0x3FB1];
	_ =	sdelay $0x3  }
0x34: {  	[smem:$0x3FB1] =	sst s10  }
0x35: {  	s10 =	sld [smem:$0x3FB0];
	_ =	sdelay $0x3  }
0x36: {  	p1 =	seq.s32 s10, $0x1;
	s10 =	sld [smem:$0x3FB1];
	_ =	sdelay $0x3  }
0x37: {  	[smem:$0x3FB1] =	sst s10  }
0x38: {  	s10 =	sld [smem:$0x3FB2]  }
0x39: {  	_ = 	snop;
	(pc) =	sbr.ind lr, $3  }
0x3a: {  	_ = 	snop  }
0x3b: {  	_ = 	snop  }
0x3c: {  	p2 =	seq.s32 s10, $0x1;
	s10 =	sld [smem:$0x3FB1]  }
0x3d: {  	_ =	shalt  }
0x3e: {  	_ =	shalt  }
0x3f: {  	_ =	shalt  }
0x40: {  	_ =	shalt  }
0x41: {  	_ =	shalt  }
0x42: {  	_ =	shalt  }
0x43: {  	_ =	shalt  }
0x44: {  	_ =	shalt  }
0x45: {  	_ =	shalt  }
0x46: {  	_ =	shalt  }
0x47: {  	_ =	shalt  }
0x48: {  	_ =	shalt  }
0x49: {  	_ =	shalt  }
0x4a: {  	_ =	shalt  }
0x4b: {  	_ =	shalt  }
0x4c: {  	_ =	shalt  }
0x4d: {  	_ =	shalt  }
0x4e: {  	_ =	shalt  }
0x4f: {  	_ =	shalt  }
0x50: {  	_ =	shalt  }
0x51: {  	_ =	shalt  }
0x52: {  	_ =	shalt  }
0x53: {  	_ =	shalt  }
0x54: {  	_ =	shalt  }
0x55: {  	_ =	shalt  }
0x56: {  	_ =	shalt  }
0x57: {  	_ =	shalt  }
0x58: {  	_ =	shalt  }
0x59: {  	_ =	shalt  }
0x5a: {  	_ =	shalt  }
0x5b: {  	_ =	shalt  }
0x5c: {  	_ =	shalt  }
0x5d: {  	_ =	shalt  }
0x5e: {  	_ =	shalt  }
0x5f: {  	_ =	shalt  }
0x60: {  	_ =	shalt  }
0x61: {  	_ =	shalt  }
0x62: {  	_ =	shalt  }
0x63: {  	_ =	shalt  }
0x64: {  	_ =	shalt  }
0x65: {  	_ =	shalt  }
0x66: {  	_ =	shalt  }
0x67: {  	_ =	shalt  }
0x68: {  	_ =	shalt  }
0x69: {  	_ =	shalt  }
0x6a: {  	_ =	shalt  }
0x6b: {  	_ =	shalt  }
0x6c: {  	_ =	shalt  }
0x6d: {  	_ =	shalt  }
0x6e: {  	_ =	shalt  }
0x6f: {  	_ =	shalt  }
0x70: {  	_ =	shalt  }
0x71: {  	_ =	shalt  }
0x72: {  	_ =	shalt  }
0x73: {  	_ =	shalt  }
0x74: {  	_ =	shalt  }
0x75: {  	_ =	shalt  }
0x76: {  	_ =	shalt  }
0x77: {  	_ =	shalt  }
0x78: {  	_ =	shalt  }
0x79: {  	_ =	shalt  }
0x7a: {  	_ =	shalt  }
0x7b: {  	_ =	shalt  }
0x7c: {  	_ =	shalt  }
0x7d: {  	_ =	shalt  }
0x7e: {  	_ =	shalt  }
0x7f: {  	_ =	shalt  }
0x80: {  	_ =	shalt  }
0x81: {  	_ =	shalt  }
0x82: {  	_ =	shalt  }
0x83: {  	_ =	shalt  }
0x84: {  	_ =	shalt  }
0x85: {  	_ =	shalt  }
0x86: {  	_ =	shalt  }
0x87: {  	_ =	shalt  }
.Lfunc_end0:
.L_simem_size_0:
called_computation.1_lowered:
.L_overlay_start_0:
0x88: {  	s2 =	sld [smem:$0x3FD9]  }
0x89: {  	s3 =	sld [smem:$0x3FFE];
	_ =	sdelay $0x1  }
0x8a: {  	s1 =	srdreg.scid  }
0x8b: {  	s0 =	sand.u32 $0x1, s1  }
0x8c: {  	s16 =	sshll.u32 s0, $0xA;
	s2 =	sadd.s32 s3, s2  }
0x8d: {  	s2 =	sadd.s32 s2, s16  }
0x8e: {  	[smem:$0x3FBD] =	sst s2  }
0x8f: {  	_ = 	snop  }
0x90: {  	(tm) =	ssettm $0x1  }
0x91: {  	s17 =	sld [smem:$0x3FFB];
	_ =	sdelay $0x3  }
0x92: {  	_ =	strace s17  }
0x93: {  	s2 =	sld [smem:$0x3FFC];
	_ =	sdelay $0x3  }
0x94: {  	_ =	strace s2  }
0x95: {  	s2 =	sld [smem:$0x3FFD];
	_ =	sdelay $0x3  }
0x96: {  	_ =	strace s2  }
0x97: {  	_ =	strace $0x8FFFFFFF  }
0x98: {  	s18 =	sld [smem:$0x3FDB];
	_ =	sdelay $0x1  }
0x99: {  	s19 =	simm.s32 $_scs_section_size  }
0x9a: {  	s4 =	simm.s32 $_size__tile_overlayer_lowered;
	s5 =	simm.s32 $_tile_overlayer_lowered  }
0x9b: {  	s22 =	simm.s32 $0x1BFF;
	s21 =	sshll.u32 s5, $0x1;
	s2 =	sadd.s32 s19, s18  }
0x9c: {  	s6 =	simm.s32 $0x0;
	s20 =	sshll.u32 s4, $0x1;
	s4 =	sadd.s32 s21, s2  }
0x9d: {  	[timem:s6], [sflag:s22] =	dma.local [hbm:s4], s20  }
0x9e: {  	_ =	swait.ge [sflag:s22], s20  }
0x9f: {  	s3 =	ssub.s32 $0x0, s20;
	[sflag:s22] =	ssyncset.done $0x0  }
0xa0: {  	[sflag:s22] =	ssyncadd.s32 s3;
	_ =	sdelay $0x1  }
0xa1: {  	s23 =	simm.s32 $0x1B8B  }
0xa2: {  	_ =	swait.ge [sflag:s23], $0x1  }
0xa3: {  	[sflag:s23] =	ssyncset.done $0x0  }
0xa4: {  	s25 =	simm.s32 $0x1B8E;
	s24 =	sld [smem:$0x3FFE];
	[sflag:s23] =	ssyncadd.s32 $0xFFFFFFFF  }
0xa5: {  	s26 =	simm.s32 $execute0_lowered;
	[smem:$0x3FD2] =	sst s25  }
0xa6: {  	s4 =	sshll.u32 s26, $0x1;
	_ =	strace $0x80000049;
	[dreg:$0x1] =	wrdreg $0xFFFFFFFF  }
0xa7: {  	s28 =	simm.s32 $_size_execute0_lowered;
	s2 =	sadd.s32 s2, s4;
	[dreg:$0x0] =	wrdreg $0x0  }
0xa8: {  	s4 =	sshll.u32 s28, $0x1;
	[dreg:$0x2] =	wrdreg s2  }
0xa9: {  	[dreg:$0x3] =	wrdreg s4  }
0xaa: {  	[dreg:$0x4] =	wrdreg $0xC0  }
0xab: {  	_ =	task [dreg:s6], $0x5FFFF  }
0xac: {  	[dreg:$0x1] =	wrdreg $0xFFFFFFFF  }
0xad: {  	[dreg:$0x0] =	wrdreg $0x60  }
0xae: {  	[dreg:$0x2] =	wrdreg s24  }
0xaf: {  	[dreg:$0x3] =	wrdreg $0x88000  }
0xb0: {  	[dreg:$0x4] =	wrdreg $0x9  }
0xb1: {  	_ =	task.clear_ibuf [dreg:s6], $0x5FFFF;
	_ =	strace $0x90000049  }
0xb2: {  	s29 =	simm.s32 $0x9;
	_ =	strace $0x8000004B  }
0xb3: {  	_ =	swait.ge [sflag:s29], $0x1  }
0xb4: {  	[sflag:s29] =	ssyncadd.s32 $0xFFFFFFFF  }
0xb5: {  	_ =	strace $0x9000004B  }
0xb6: {  	_ =	sfence  }
0xb7: {  	s30 =	sld [smem:$0x0];
	_ =	sdelay $0x2  }
0xb8: {  	s31 =	sshll.u32 s1, $0xD;
	s1 =	sshrl.u32 s1, $0x2  }
0xb9: {  	s3 =	sand.u32 $0x4000, s31;
	s1 =	sadd.s32 s1, s30  }
0xba: {  	s0 =	sor.u32 s3, s0;
	s1 =	sshll.u32 s1, $0x11  }
0xbb: {  	s0 =	sor.u32 s1, s0  }
0xbc: {  	s0 =	sadd.s32 $0x8F2B, s0  }
0xbd: {  	[sflag:s0] =	ssyncadd.remote.s32 $0x1  }
0xbe: {  	_ =	sfence.sel $0xFFFF  }
0xbf: {  	[dreg:$0x0] =	wrdreg $0xFFFFFFFF;
	(pc) =	sbr.abs _section_cstart, $3  }
0xc0: {  	[dreg:$0x1] =	wrdreg $0xFFFFFFFF  }
0xc1: {  	_ =	task.clear_ibuf [dreg:s6], $0x2FFFF;
	_ =	strace $0x9FFFFFFF  }
0xc2: {  	(tm) =	ssettm $0x7FFFFFFF  }
0xc3: {  	_ =	shalt  }
tec
execute0_lowered:
.L_overlay_start_1:
0x0: {  	(tag) =	ssettag $0x1  }
0x1: {  	s0 =	rddreg [dreg:$0x0]  }
0x2: {  	s2 =	rddreg [dreg:$0x1]  }
0x3: {  	s1 =	srdreg.scid;
	s3 =	simm.s32 $0x0;
	s11 =	stileid.u32  }
0x4: {  	s18 =	simm.s32 $0x200;
	s16 =	simm.s32 $0x9;
	s28 =	simm.s32 $0x4800  }
0x5: {  	s29 =	simm.s32 $0x600;
	s30 =	simm.s32 $0x6;
	s31 =	simm.s32 $0x7  }
0x6: {  	s17 =	simm.s32 $0x0;
	s1 =	sand.u32 $0x1, s1;
	s6 =	smul.u32 $0x14000, s11  }
0x7: {  	[smem:$0x7FF] =	sst s3;
	s20 =	smul.u32 $0x50000, s11;
	s24 =	sshll.u32 s11, $0x6  }
0x8: {  	s4 =	sshll.u32 s1, $0x4;
	_ =	strace $0x8000004A;
	s7 =	smul.u32 $0x140000, s1  }
0x9: {  	s1 =	ssub.s32 $0x2, s1;
	s5 =	sor.u32 s11, s4;
	s4 =	sadd.s32 $0x2400, s0  }
0xa: {  	s8 =	sshrl.u32 s6, $0x3;
	s10 =	sshrl.u32 s1, $0x1;
	s23 =	sshrl.u32 s20, $0x2  }
0xb: {  	s11 =	simm.s32 $0x680;
	s9 =	smul.u32 $0xA000, s5;
	s5 =	sadd.s32 $0x2A400, s0  }
0xc: {  	s8 =	sadd.s32 s8, s0;
	s6 =	sadd.s32 s6, s7;
	s1 =	ssub.s32 s1, s10  }
0xd: {  	s10 =	sor.u32 $0x1C09, s24;
	s24 =	simm.s32 $0x800;
	s7 =	simm.s32 $0x8  }
0xe: {  	s6 =	sshrl.u32 s6, $0x3;
	s8 =	sadd.s32 $0x52400, s8;
	s26 =	smax.u32 s1, $0x1  }
0xf: {  	[dreg:$0x7] =	wrdreg s10;
	s19 =	sshrl.u32 s9, $0x3;
	s0 =	sadd.s32 s6, s0  }
0x10: {  	s6 =	sadd.s32 s23, s2;
	[dreg:$0x6] =	wrdreg s8;
	s13 =	sor.u32 $0xA00, s9  }
0x11: {  	s14 =	sor.u32 $0xC00, s9;
	s15 =	sor.u32 $0xE00, s9;
	[dreg:$0xa] =	wrdreg s26  }
0x12: {  	s23 =	simm.s32 $0x80;
	s26 =	simm.s32 $0x2;
	s12 =	sadd.s32 s5, s19  }
0x13: {  	s8 =	simm.s32 $0x4;
	s0 =	sadd.s32 $0x7A400, s0;
	[dreg:$0x3] =	wrdreg s12  }
0x14: {  	s19 =	simm.s32 $0x400;
	s6 =	sshrl.u32 s6, $0x3;
	[dreg:$0x9] =	wrdreg s0  }
0x15: {  	s21 =	sadd.s32 $0x40, s12;
	s22 =	sadd.s32 $0x80, s12;
	[dreg:$0xb] =	wrdreg s6  }
0x16: {  	s25 =	sadd.s32 $0xC0, s12;
	s12 =	sor.u32 $0x800, s9;
	[dreg:$0x4] =	wrdreg s21  }
0x17: {  	s0 =	simm.s32 $0x3;
	s9 =	simm.s32 $0x480;
	[dreg:$0x5] =	wrdreg s22  }
0x18: {  	[dreg:$0x8] =	wrdreg s25;
	s22 =	simm.s32 $0x1;
	s25 =	simm.s32 $0x5  }
.LBB2_1:
0x19: {  	[dreg:$0xc] =	wrdreg s17  }
0x1a: {  	s1 =	rddreg [dreg:$0x3]  }
0x1b: {  	s17 =	rddreg [dreg:$0x4]  }
0x1c: {  	[tilespmem:s3], [sflag:$0x1] =	stream.linear.gather [hbm4b:s1+s3], $0x180, $0x38;
	[tilespmem:$0x1C800] =	vst v63  }
0x1d: {  	s20 =	rddreg [dreg:$0x5]  }
0x1e: {  	[tilespmem:s18], [sflag:$0x2] =	stream.linear.gather [hbm4b:s17+s3], $0x180, $0x38;
	[tilespmem:$0x1C800] =	vst v63  }
0x1f: {  	s21 =	rddreg [dreg:$0x6]  }
0x20: {  	[tilespmem:s19], [sflag:$0x3] =	stream.linear.gather [hbm4b:s20+s3], $0x180, $0x38;
	[tilespmem:$0x1C800] =	vst v63  }
0x21: {  	[spmem:s6], [sflag:s10] =	dma.local [hbm:s21], $0x2800  }
0x22: {  	_ =	swait.ge [sflag:s16], $0x2800  }
0x23: {  	[sflag:s16] =	ssyncset.done $0x0  }
0x24: {  	[sflag:s16] =	ssyncadd.s32 $0xFFFFD800  }
0x25: {  	_ =	swait.ge [sflag:s22], $0x180  }
0x26: {  	[sflag:s22] =	ssyncset.done $0x0  }
0x27: {  	[sflag:s22] =	ssyncadd.s32 $0xFFFFFE80  }
0x28: {  	[tilespmem:s24], [sflag:$0x5] =	stream.indirect.gather [hbm4b:s4+s23], $0x80, s3, s23, $0xb8;
	[tilespmem:$0x1C800] =	vst v63  }
0x29: {  	[bflag:$0x0] =	sbarrier.arrive $0xFFFF  }
0x2a: {  	v0 =	vmov s3;
	s17 =	simm.s32 $0x1;
	_ =	swait.ge [sflag:s25], $0x4000  }
0x2b: {  	v0 =	vand.u32 $0x7E, v0;
	v1 =	vmov s17;
	[sflag:s25] =	ssyncset.done $0x0  }
0x2c: {  	v0 =	vor.u32 $0x100, v0;
	v1 =	vand.u32 $0x7F, v1;
	[sflag:s25] =	ssyncadd.s32 $0xFFFFC000  }
0x2d: {  	v0 =	vbroadcast v0, $0x0;
	v1 =	vor.u32 $0x100, v1;
	_ =	swait.ge [sflag:s26], $0x180  }
0x2e: {  	v2 =	vbroadcast v1, $0x0;
	[sflag:s26] =	ssyncset.done $0x0  }
0x2f: {  	[sflag:s26] =	ssyncadd.s32 $0xFFFFFE80  }
0x30: {  	[tilespmem:s28], [sflag:$0x6] =	stream.indirect.gather [hbm4b:s4+s23], $0x80, s18, s23, $0xb8;
	[tilespmem:$0x1C800] =	vst v63  }
0x31: {  	s20 =	rddreg [dreg:$0x8]  }
0x32: {  	[tilespmem:s29], [sflag:$0x4] =	stream.linear.gather [hbm4b:s20+s3], $0x180, $0x38;
	[tilespmem:$0x1C800] =	vst v63  }
0x33: {  	v1 =	vld.idx.msk [tilespmem:v0+s3+$0x0], $0xffff  }
0x34: {  	s6 =	simm.s32 $0x880;
	v0 =	vld.idx.msk [tilespmem:v2+s3+$0x0], $0xffff  }
0x35: {  	v3 =	vld [tilespmem:s6+$0x70]  }
0x36: {  	v5 =	vld [tilespmem:s6+$0xFFFFFF80]  }
0x37: {  	v7 =	vld [tilespmem:s6+$0xFFFFFF90]  }
0x38: {  	v6 =	vld [tilespmem:s6+$0xFFFFFFA0]  }
0x39: {  	v4 =	vld [tilespmem:s6+$0xFFFFFFB0]  }
0x3a: {  	v2 =	vld [tilespmem:s6+$0xFFFFFFC0];
	v10 =	vmul.f32 v0, v3  }
0x3b: {  	s21 =	simm.s32 $0x2;
	v3 =	vld [tilespmem:s6+$0xFFFFFFD0];
	v8 =	vmul.f32 v1, v5  }
0x3c: {  	s17 =	simm.s32 $0x4;
	s10 =	simm.s32 $0x880;
	v9 =	vmov s21;
	s16 =	simm.s32 $0x3;
	v7 =	vmul.f32 v1, v7;
	v5 =	vld [tilespmem:s6+$0xFFFFFFE0];
	[tilespmem:s6+$0x70] =	vst v10  }
.LBB2_2:
0x3d: {  	p0 =	slt.u32 s17, $0x7E;
	v9 =	vand.u32 $0x7E, v9;
	v10 =	vmov s16;
	[tilespmem:s6+$0xFFFFFF80] =	vst v8;
	v6 =	vmul.f32 v1, v6;
	v8 =	vld [tilespmem:s6+$0xFFFFFFF0]  }
0x3e: {  	v9 =	vor.u32 $0x100, v9;
	v10 =	vand.u32 $0x7F, v10;
	[tilespmem:s6+$0xFFFFFF90] =	vst v7;
	v4 =	vmul.f32 v1, v4;
	v7 =	vld [tilespmem:s6+$0x0]  }
0x3f: {  	v9 =	vbroadcast v9, $0x0;
	v10 =	vor.u32 $0x100, v10;
	[tilespmem:s6+$0xFFFFFFA0] =	vst v6;
	v2 =	vmul.f32 v1, v2;
	v6 =	vld [tilespmem:s6+$0x10]  }
0x40: {  	v10 =	vbroadcast v10, $0x0;
	[tilespmem:s6+$0xFFFFFFB0] =	vst v4;
	v3 =	vmul.f32 v1, v3;
	v4 =	vld [tilespmem:s6+$0x20]  }
0x41: {  	[tilespmem:s6+$0xFFFFFFC0] =	vst v2;
	v2 =	vmul.f32 v1, v5;
	v5 =	vld [tilespmem:s6+$0x30]  }
0x42: {  	[tilespmem:s6+$0xFFFFFFD0] =	vst v3;
	v1 =	vmul.f32 v1, v8;
	v3 =	vld [tilespmem:s6+$0x40]  }
0x43: {  	[tilespmem:s6+$0xFFFFFFE0] =	vst v2;
	v2 =	vmul.f32 v0, v7;
	v7 =	vld [tilespmem:s6+$0x50]  }
0x44: {  	[tilespmem:s6+$0xFFFFFFF0] =	vst v1;
	v6 =	vmul.f32 v0, v6;
	v8 =	vld [tilespmem:s6+$0x60]  }
0x45: {  	v1 =	vld.idx.msk [tilespmem:v9+s3+$0x0], $0xffff;
	[tilespmem:s6+$0x0] =	vst v2;
	v2 =	vmul.f32 v0, v4  }
0x46: {  	s6 =	sadd.s32 $0x100, s6;
	v9 =	vld.idx.msk [tilespmem:v10+s3+$0x0], $0xffff;
	[tilespmem:s10+$0x10] =	vst v6;
	v4 =	vmul.f32 v0, v5  }
0x47: {  	v5 =	vld [tilespmem:s6+$0x70];
	[tilespmem:s10+$0x20] =	vst v2;
	v2 =	vmul.f32 v0, v3  }
0x48: {  	v3 =	vld [tilespmem:s6+$0xFFFFFF80];
	[tilespmem:s10+$0x30] =	vst v4;
	v4 =	vmul.f32 v0, v7  }
0x49: {  	v7 =	vld [tilespmem:s6+$0xFFFFFF90];
	[tilespmem:s10+$0x40] =	vst v2;
	v8 =	vmul.f32 v0, v8  }
.Ltmp0:
0x4a: {  	v6 =	vld [tilespmem:s6+$0xFFFFFFA0];
	[tilespmem:s10+$0x50] =	vst v4;
	(pc) =	sbr.rel @p0 .LBB2_2-.Ltmp0, $4  }
0x4b: {  	v4 =	vld [tilespmem:s6+$0xFFFFFFB0];
	[tilespmem:s10+$0x60] =	vst v8;
	s10 =	smov.u32 s6  }
0x4c: {  	v0 =	vmov v9;
	v2 =	vld [tilespmem:s6+$0xFFFFFFC0];
	v10 =	vmul.f32 v9, v5  }
0x4d: {  	v8 =	vmul.f32 v1, v3;
	v3 =	vld [tilespmem:s6+$0xFFFFFFD0]  }
0x4e: {  	s16 =	sadd.s32 $0x1, s17;
	v9 =	vmov s17;
	s17 =	sadd.s32 $0x2, s17;
	v7 =	vmul.f32 v1, v7;
	v5 =	vld [tilespmem:s6+$0xFFFFFFE0];
	[tilespmem:s6+$0x70] =	vst v10  }
0x4f: {  	v10 =	vld [tilespmem:s6+$0xFFFFFFF0]  }
0x50: {  	v11 =	vld [tilespmem:s6+$0x0]  }
0x51: {  	[tilespmem:s6+$0xFFFFFF80] =	vst v8;
	v18 =	vand.u32 $0x7E, v9;
	v6 =	vmul.f32 v1, v6;
	v12 =	vld [tilespmem:s6+$0x10]  }
0x52: {  	v21 =	vld [tilespmem:s6+$0x20];
	v8 =	vor.u32 $0x100, v18;
	[tilespmem:s6+$0xFFFFFF90] =	vst v7;
	v4 =	vmul.f32 v1, v4  }
0x53: {  	v22 =	vld [tilespmem:s6+$0x30];
	v8 =	vbroadcast v8, $0x0;
	[tilespmem:s6+$0xFFFFFFA0] =	vst v6;
	v2 =	vmul.f32 v1, v2  }
0x54: {  	v23 =	vld [tilespmem:s6+$0x40];
	[tilespmem:s6+$0xFFFFFFB0] =	vst v4;
	v3 =	vmul.f32 v1, v3  }
0x55: {  	v25 =	vld [tilespmem:s6+$0x50];
	[tilespmem:s6+$0xFFFFFFC0] =	vst v2;
	v24 =	vmul.f32 v1, v5  }
0x56: {  	v27 =	vld [tilespmem:s6+$0x60];
	s1 =	sadd.s32 $0x100, s6;
	[tilespmem:s6+$0xFFFFFFD0] =	vst v3;
	v26 =	vmul.f32 v1, v10  }
0x57: {  	v31 =	vld [tilespmem:s1+$0x70];
	v28 =	vmul.f32 v0, v11;
	[tilespmem:s6+$0xFFFFFFE0] =	vst v24  }
0x58: {  	v19 =	vmov s16;
	v33 =	vld [tilespmem:s1+$0xFFFFFF80];
	v29 =	vmul.f32 v0, v12;
	[tilespmem:s6+$0xFFFFFFF0] =	vst v26  }
0x59: {  	v9 =	vand.u32 $0x7F, v19;
	v30 =	vmul.f32 v0, v21;
	[tilespmem:s6+$0x0] =	vst v28;
	v8 =	vld.idx.msk [tilespmem:v8+s3+$0x0], $0xffff  }
0x5a: {  	v35 =	vld [tilespmem:s1+$0xFFFFFF90];
	v9 =	vor.u32 $0x100, v9;
	v32 =	vmul.f32 v0, v22;
	[tilespmem:s10+$0x10] =	vst v29  }
0x5b: {  	v37 =	vld [tilespmem:s1+$0xFFFFFFA0];
	v20 =	vbroadcast v9, $0x0;
	v34 =	vmul.f32 v0, v23;
	[tilespmem:s10+$0x20] =	vst v30  }
0x5c: {  	v39 =	vld [tilespmem:s1+$0xFFFFFFB0];
	v36 =	vmul.f32 v0, v25;
	[tilespmem:s10+$0x30] =	vst v32  }
0x5d: {  	v40 =	vld [tilespmem:s1+$0xFFFFFFC0];
	v38 =	vmul.f32 v0, v27;
	[tilespmem:s10+$0x40] =	vst v34  }
0x5e: {  	v43 =	vld [tilespmem:s1+$0xFFFFFFD0];
	[tilespmem:s10+$0x50] =	vst v36;
	v42 =	vmul.f32 v8, v33  }
0x5f: {  	v44 =	vld [tilespmem:s1+$0xFFFFFFE0];
	[tilespmem:s10+$0x60] =	vst v38;
	v4 =	vmul.f32 v8, v35  }
0x60: {  	v46 =	vld [tilespmem:s1+$0xFFFFFFF0];
	v45 =	vmul.f32 v8, v37;
	[tilespmem:s1+$0xFFFFFF80] =	vst v42  }
0x61: {  	v7 =	vld.idx.msk [tilespmem:v20+s3+$0x0], $0xffff;
	v2 =	vmul.f32 v8, v39;
	[tilespmem:s1+$0xFFFFFF90] =	vst v4  }
0x62: {  	v47 =	vld [tilespmem:s1+$0x0];
	v48 =	vmul.f32 v8, v40;
	[tilespmem:s1+$0xFFFFFFA0] =	vst v45  }
0x63: {  	v49 =	vld [tilespmem:s1+$0x10];
	v50 =	vmul.f32 v8, v43;
	[tilespmem:s1+$0xFFFFFFB0] =	vst v2  }
0x64: {  	v51 =	vld [tilespmem:s1+$0x20];
	v52 =	vmul.f32 v8, v44;
	[tilespmem:s1+$0xFFFFFFC0] =	vst v48  }
0x65: {  	v53 =	vld [tilespmem:s1+$0x30];
	v54 =	vmul.f32 v8, v46;
	[tilespmem:s1+$0xFFFFFFD0] =	vst v50  }
0x66: {  	v55 =	vld [tilespmem:s1+$0x40];
	v41 =	vmul.f32 v7, v31;
	[tilespmem:s1+$0xFFFFFFE0] =	vst v52  }
0x67: {  	v57 =	vld [tilespmem:s1+$0x50];
	v56 =	vmul.f32 v7, v47;
	[tilespmem:s1+$0xFFFFFFF0] =	vst v54  }
0x68: {  	v58 =	vld [tilespmem:s1+$0x60];
	v1 =	vmul.f32 v7, v49;
	[tilespmem:s1+$0x70] =	vst v41  }
0x69: {  	v59 =	vmul.f32 v7, v51;
	[tilespmem:s1+$0x0] =	vst v56  }
0x6a: {  	v60 =	vmul.f32 v7, v53;
	[tilespmem:s1+$0x10] =	vst v1  }
0x6b: {  	v61 =	vmul.f32 v7, v55;
	[tilespmem:s1+$0x20] =	vst v59  }
0x6c: {  	v62 =	vmul.f32 v7, v57;
	[tilespmem:s1+$0x30] =	vst v60  }
0x6d: {  	v63 =	vmul.f32 v7, v58;
	[tilespmem:s1+$0x40] =	vst v61  }
0x6e: {  	[tilespmem:s1+$0x50] =	vst v62  }
0x6f: {  	s17 =	simm.s32 $0x0;
	s6 =	simm.s32 $0x0;
	[tilespmem:s1+$0x60] =	vst v63  }
0x70: {  	[spmem:s2] =	stream.indirect.scatter.add.f32 [tilespmem:s24], [sflag:$0x7], $0x80, s23, s23, $0xb8;
	[tilespmem:$0x1C800] =	vst v63  }
.LBB2_4:
0x71: {  	_ =	swait.ge [sflag:s30], $0x4000  }
0x72: {  	[sflag:s30] =	ssyncset.done $0x0  }
0x73: {  	[sflag:s30] =	ssyncadd.s32 $0xFFFFC000  }
0x74: {  	v0 =	vmov s17;
	s1 =	simm.s32 $0x1;
	_ =	swait.ge [sflag:s31], $0x4000  }
0x75: {  	v0 =	vand.u32 $0x7E, v0;
	v1 =	vmov s1;
	[sflag:s31] =	ssyncset.done $0x0  }
0x76: {  	v0 =	vor.u32 $0x100, v0;
	v1 =	vand.u32 $0x7F, v1;
	[sflag:s31] =	ssyncadd.s32 $0xFFFFC000  }
0x77: {  	s10 =	sshll.u32 s6, $0xB;
	v0 =	vbroadcast v0, $0x0;
	v1 =	vor.u32 $0x100, v1;
	_ =	swait.ge [sflag:s0], $0x180  }
0x78: {  	s20 =	sadd.s32 s10, s12;
	v2 =	vbroadcast v1, $0x0;
	[sflag:s0] =	ssyncset.done $0x0  }
0x79: {  	s1 =	sshrl.u32 s20, $0x3;
	[sflag:s0] =	ssyncadd.s32 $0xFFFFFE80  }
0x7a: {  	[tilespmem:s24], [sflag:$0x5] =	stream.indirect.gather [hbm4b:s4+s23], $0x80, s19, s23, $0xb8;
	[tilespmem:$0x1C800] =	vst v63  }
0x7b: {  	s1 =	sadd.s32 s5, s1  }
0x7c: {  	[tilespmem:s17], [sflag:$0x1] =	stream.linear.gather [hbm4b:s1+s17], $0x180, $0x38;
	[tilespmem:$0x1C800] =	vst v63  }
0x7d: {  	v1 =	vld.idx.msk [tilespmem:v0+s18+$0x0], $0xffff  }
0x7e: {  	s20 =	simm.s32 $0x4880;
	v0 =	vld.idx.msk [tilespmem:v2+s18+$0x0], $0xffff  }
0x7f: {  	v3 =	vld [tilespmem:s20+$0x70]  }
0x80: {  	v5 =	vld [tilespmem:s20+$0xFFFFFF80]  }
0x81: {  	v7 =	vld [tilespmem:s20+$0xFFFFFF90]  }
0x82: {  	v6 =	vld [tilespmem:s20+$0xFFFFFFA0]  }
0x83: {  	v4 =	vld [tilespmem:s20+$0xFFFFFFB0]  }
0x84: {  	v2 =	vld [tilespmem:s20+$0xFFFFFFC0];
	v10 =	vmul.f32 v0, v3  }
0x85: {  	s21 =	simm.s32 $0x2;
	v3 =	vld [tilespmem:s20+$0xFFFFFFD0];
	v8 =	vmul.f32 v1, v5  }
0x86: {  	s16 =	simm.s32 $0x4;
	v9 =	vmov s21;
	s21 =	simm.s32 $0x4880;
	s1 =	simm.s32 $0x3;
	v7 =	vmul.f32 v1, v7;
	v5 =	vld [tilespmem:s20+$0xFFFFFFE0];
	[tilespmem:s20+$0x70] =	vst v10  }
.LBB2_5:
0x87: {  	p0 =	slt.u32 s16, $0x7E;
	v9 =	vand.u32 $0x7E, v9;
	v10 =	vmov s1;
	[tilespmem:s20+$0xFFFFFF80] =	vst v8;
	v6 =	vmul.f32 v1, v6;
	v8 =	vld [tilespmem:s20+$0xFFFFFFF0]  }
0x88: {  	v9 =	vor.u32 $0x100, v9;
	v10 =	vand.u32 $0x7F, v10;
	[tilespmem:s20+$0xFFFFFF90] =	vst v7;
	v4 =	vmul.f32 v1, v4;
	v7 =	vld [tilespmem:s20+$0x0]  }
0x89: {  	v9 =	vbroadcast v9, $0x0;
	v10 =	vor.u32 $0x100, v10;
	[tilespmem:s20+$0xFFFFFFA0] =	vst v6;
	v2 =	vmul.f32 v1, v2;
	v6 =	vld [tilespmem:s20+$0x10]  }
0x8a: {  	v10 =	vbroadcast v10, $0x0;
	[tilespmem:s20+$0xFFFFFFB0] =	vst v4;
	v3 =	vmul.f32 v1, v3;
	v4 =	vld [tilespmem:s20+$0x20]  }
0x8b: {  	[tilespmem:s20+$0xFFFFFFC0] =	vst v2;
	v2 =	vmul.f32 v1, v5;
	v5 =	vld [tilespmem:s20+$0x30]  }
0x8c: {  	[tilespmem:s20+$0xFFFFFFD0] =	vst v3;
	v1 =	vmul.f32 v1, v8;
	v3 =	vld [tilespmem:s20+$0x40]  }
0x8d: {  	[tilespmem:s20+$0xFFFFFFE0] =	vst v2;
	v2 =	vmul.f32 v0, v7;
	v7 =	vld [tilespmem:s20+$0x50]  }
0x8e: {  	[tilespmem:s20+$0xFFFFFFF0] =	vst v1;
	v6 =	vmul.f32 v0, v6;
	v8 =	vld [tilespmem:s20+$0x60]  }
0x8f: {  	v1 =	vld.idx.msk [tilespmem:v9+s18+$0x0], $0xffff;
	[tilespmem:s20+$0x0] =	vst v2;
	v2 =	vmul.f32 v0, v4  }
0x90: {  	s20 =	sadd.s32 $0x100, s20;
	v9 =	vld.idx.msk [tilespmem:v10+s18+$0x0], $0xffff;
	[tilespmem:s21+$0x10] =	vst v6;
	v4 =	vmul.f32 v0, v5  }
0x91: {  	v5 =	vld [tilespmem:s20+$0x70];
	[tilespmem:s21+$0x20] =	vst v2;
	v2 =	vmul.f32 v0, v3  }
0x92: {  	v3 =	vld [tilespmem:s20+$0xFFFFFF80];
	[tilespmem:s21+$0x30] =	vst v4;
	v4 =	vmul.f32 v0, v7  }
0x93: {  	v7 =	vld [tilespmem:s20+$0xFFFFFF90];
	[tilespmem:s21+$0x40] =	vst v2;
	v8 =	vmul.f32 v0, v8  }
.Ltmp1:
0x94: {  	v6 =	vld [tilespmem:s20+$0xFFFFFFA0];
	[tilespmem:s21+$0x50] =	vst v4;
	(pc) =	sbr.rel @p0 .LBB2_5-.Ltmp1, $4  }
0x95: {  	v4 =	vld [tilespmem:s20+$0xFFFFFFB0];
	[tilespmem:s21+$0x60] =	vst v8;
	s21 =	smov.u32 s20  }
0x96: {  	v0 =	vmov v9;
	v2 =	vld [tilespmem:s20+$0xFFFFFFC0];
	v10 =	vmul.f32 v9, v5  }
0x97: {  	v8 =	vmul.f32 v1, v3;
	v3 =	vld [tilespmem:s20+$0xFFFFFFD0]  }
0x98: {  	s1 =	sadd.s32 $0x1, s16;
	v9 =	vmov s16;
	s16 =	sadd.s32 $0x2, s16;
	v7 =	vmul.f32 v1, v7;
	v5 =	vld [tilespmem:s20+$0xFFFFFFE0];
	[tilespmem:s20+$0x70] =	vst v10  }
0x99: {  	[tilespmem:s20+$0xFFFFFF80] =	vst v8;
	v8 =	vand.u32 $0x7E, v9;
	v10 =	vld [tilespmem:s20+$0xFFFFFFF0]  }
0x9a: {  	v9 =	vmov s1;
	v11 =	vld [tilespmem:s20+$0x0];
	v6 =	vmul.f32 v1, v6;
	v8 =	vor.u32 $0x100, v8  }
0x9b: {  	v12 =	vld [tilespmem:s20+$0x10];
	v9 =	vand.u32 $0x7F, v9;
	[tilespmem:s20+$0xFFFFFF90] =	vst v7;
	v4 =	vmul.f32 v1, v4;
	v8 =	vbroadcast v8, $0x0  }
0x9c: {  	v9 =	vor.u32 $0x100, v9;
	[tilespmem:s20+$0xFFFFFFA0] =	vst v6;
	v2 =	vmul.f32 v1, v2;
	v6 =	vld [tilespmem:s20+$0x30]  }
0x9d: {  	v7 =	vbroadcast v9, $0x0;
	v9 =	vld [tilespmem:s20+$0x20];
	[tilespmem:s20+$0xFFFFFFB0] =	vst v4;
	v3 =	vmul.f32 v1, v3  }
0x9e: {  	v4 =	vld [tilespmem:s20+$0x40];
	[tilespmem:s20+$0xFFFFFFC0] =	vst v2;
	v2 =	vmul.f32 v1, v5  }
0x9f: {  	v5 =	vld [tilespmem:s20+$0x50];
	[tilespmem:s20+$0xFFFFFFD0] =	vst v3;
	v1 =	vmul.f32 v1, v10  }
0xa0: {  	v3 =	vld [tilespmem:s20+$0x60];
	[tilespmem:s20+$0xFFFFFFE0] =	vst v2;
	v2 =	vmul.f32 v0, v11  }
0xa1: {  	s16 =	sadd.s32 $0x100, s20;
	[tilespmem:s20+$0xFFFFFFF0] =	vst v1;
	v8 =	vld.idx.msk [tilespmem:v8+s18+$0x0], $0xffff  }
0xa2: {  	v1 =	vmul.f32 v0, v12;
	[tilespmem:s20+$0x0] =	vst v2;
	v2 =	vmul.f32 v0, v9;
	v9 =	vld [tilespmem:s16+$0x70]  }
0xa3: {  	v7 =	vld.idx.msk [tilespmem:v7+s18+$0x0], $0xffff  }
0xa4: {  	[tilespmem:s21+$0x10] =	vst v1;
	v1 =	vmul.f32 v0, v6;
	v6 =	vld [tilespmem:s16+$0xFFFFFF80]  }
0xa5: {  	[tilespmem:s21+$0x20] =	vst v2;
	v2 =	vmul.f32 v0, v4;
	v4 =	vld [tilespmem:s16+$0xFFFFFF90]  }
0xa6: {  	[tilespmem:s21+$0x30] =	vst v1;
	v1 =	vmul.f32 v0, v5;
	v5 =	vld [tilespmem:s16+$0xFFFFFFA0]  }
0xa7: {  	v0 =	vmul.f32 v0, v3;
	[tilespmem:s21+$0x40] =	vst v2;
	v2 =	vld [tilespmem:s16+$0xFFFFFFB0]  }
0xa8: {  	[tilespmem:s21+$0x50] =	vst v1;
	v1 =	vld [tilespmem:s16+$0xFFFFFFC0];
	v3 =	vmul.f32 v7, v9  }
0xa9: {  	[tilespmem:s21+$0x60] =	vst v0;
	v0 =	vmul.f32 v8, v6;
	v6 =	vld [tilespmem:s16+$0xFFFFFFD0]  }
0xaa: {  	v9 =	vld [tilespmem:s16+$0xFFFFFFE0];
	v4 =	vmul.f32 v8, v4;
	[tilespmem:s16+$0x70] =	vst v3  }
0xab: {  	[tilespmem:s16+$0xFFFFFF80] =	vst v0;
	v0 =	vmul.f32 v8, v5;
	v3 =	vld [tilespmem:s16+$0xFFFFFFF0]  }
0xac: {  	[tilespmem:s16+$0xFFFFFF90] =	vst v4;
	v2 =	vmul.f32 v8, v2;
	v4 =	vld [tilespmem:s16+$0x0]  }
0xad: {  	[tilespmem:s16+$0xFFFFFFA0] =	vst v0;
	v0 =	vmul.f32 v8, v1;
	v1 =	vld [tilespmem:s16+$0x10]  }
0xae: {  	v5 =	vld [tilespmem:s16+$0x20];
	[tilespmem:s16+$0xFFFFFFB0] =	vst v2;
	v2 =	vmul.f32 v8, v6  }
0xaf: {  	v6 =	vld [tilespmem:s16+$0x30];
	[tilespmem:s16+$0xFFFFFFC0] =	vst v0;
	v0 =	vmul.f32 v8, v9  }
0xb0: {  	[tilespmem:s16+$0xFFFFFFD0] =	vst v2;
	v2 =	vmul.f32 v8, v3;
	v3 =	vld [tilespmem:s16+$0x40]  }
0xb1: {  	[tilespmem:s16+$0xFFFFFFE0] =	vst v0;
	v0 =	vmul.f32 v7, v4;
	v4 =	vld [tilespmem:s16+$0x50]  }
0xb2: {  	[tilespmem:s16+$0xFFFFFFF0] =	vst v2;
	v1 =	vmul.f32 v7, v1;
	v2 =	vld [tilespmem:s16+$0x60]  }
0xb3: {  	[tilespmem:s16+$0x0] =	vst v0;
	v0 =	vmul.f32 v7, v5  }
0xb4: {  	[tilespmem:s16+$0x10] =	vst v1;
	v1 =	vmul.f32 v7, v6  }
0xb5: {  	[tilespmem:s16+$0x20] =	vst v0;
	v0 =	vmul.f32 v7, v3  }
0xb6: {  	[tilespmem:s16+$0x30] =	vst v1;
	v1 =	vmul.f32 v7, v4  }
0xb7: {  	[tilespmem:s16+$0x40] =	vst v0;
	v0 =	vmul.f32 v7, v2  }
0xb8: {  	[tilespmem:s16+$0x50] =	vst v1  }
0xb9: {  	s20 =	simm.s32 $0x280;
	[tilespmem:s16+$0x60] =	vst v0  }
0xba: {  	[spmem:s2] =	stream.indirect.scatter.add.f32 [tilespmem:s28], [sflag:$0x8], $0x80, s20, s23, $0xb8;
	[tilespmem:$0x1C800] =	vst v63  }
0xbb: {  	_ =	swait.ge [sflag:s25], $0x4000  }
0xbc: {  	[sflag:s25] =	ssyncset.done $0x0  }
0xbd: {  	s21 =	simm.s32 $0x0;
	[sflag:s25] =	ssyncadd.s32 $0xFFFFC000  }
0xbe: {  	v0 =	vmov s21;
	s16 =	simm.s32 $0x1;
	_ =	swait.ge [sflag:s7], $0x4000  }
0xbf: {  	v0 =	vand.u32 $0x7E, v0;
	v1 =	vmov s16;
	[sflag:s7] =	ssyncset.done $0x0  }
0xc0: {  	v0 =	vor.u32 $0x100, v0;
	v1 =	vand.u32 $0x7F, v1;
	[sflag:s7] =	ssyncadd.s32 $0xFFFFC000  }
0xc1: {  	v0 =	vbroadcast v0, $0x0;
	v1 =	vor.u32 $0x100, v1;
	_ =	swait.ge [sflag:s8], $0x180  }
0xc2: {  	s20 =	sadd.s32 s10, s13;
	v2 =	vbroadcast v1, $0x0;
	[sflag:s8] =	ssyncset.done $0x0  }
0xc3: {  	s16 =	sshrl.u32 s20, $0x3;
	[sflag:s8] =	ssyncadd.s32 $0xFFFFFE80  }
0xc4: {  	[tilespmem:s28], [sflag:$0x6] =	stream.indirect.gather [hbm4b:s4+s23], $0x80, s29, s23, $0xb8;
	[tilespmem:$0x1C800] =	vst v63  }
0xc5: {  	s16 =	sadd.s32 s5, s16  }
0xc6: {  	[tilespmem:s18], [sflag:$0x2] =	stream.linear.gather [hbm4b:s16+s21], $0x180, $0x38;
	[tilespmem:$0x1C800] =	vst v63  }
0xc7: {  	v1 =	vld.idx.msk [tilespmem:v0+s19+$0x0], $0xffff  }
0xc8: {  	s20 =	simm.s32 $0x880;
	v0 =	vld.idx.msk [tilespmem:v2+s19+$0x0], $0xffff  }
0xc9: {  	v3 =	vld [tilespmem:s20+$0x70]  }
0xca: {  	v5 =	vld [tilespmem:s20+$0xFFFFFF80]  }
0xcb: {  	v7 =	vld [tilespmem:s20+$0xFFFFFF90]  }
0xcc: {  	v6 =	vld [tilespmem:s20+$0xFFFFFFA0]  }
0xcd: {  	v4 =	vld [tilespmem:s20+$0xFFFFFFB0]  }
0xce: {  	v2 =	vld [tilespmem:s20+$0xFFFFFFC0];
	v10 =	vmul.f32 v0, v3  }
0xcf: {  	s21 =	simm.s32 $0x2;
	v3 =	vld [tilespmem:s20+$0xFFFFFFD0];
	v8 =	vmul.f32 v1, v5  }
0xd0: {  	s1 =	simm.s32 $0x3;
	s16 =	simm.s32 $0x4;
	v9 =	vmov s21;
	s21 =	simm.s32 $0x880;
	v7 =	vmul.f32 v1, v7;
	v5 =	vld [tilespmem:s20+$0xFFFFFFE0];
	[tilespmem:s20+$0x70] =	vst v10  }
.LBB2_7:
0xd1: {  	p0 =	slt.u32 s16, $0x7E;
	v9 =	vand.u32 $0x7E, v9;
	v10 =	vmov s1;
	[tilespmem:s20+$0xFFFFFF80] =	vst v8;
	v6 =	vmul.f32 v1, v6;
	v8 =	vld [tilespmem:s20+$0xFFFFFFF0]  }
0xd2: {  	v9 =	vor.u32 $0x100, v9;
	v10 =	vand.u32 $0x7F, v10;
	[tilespmem:s20+$0xFFFFFF90] =	vst v7;
	v4 =	vmul.f32 v1, v4;
	v7 =	vld [tilespmem:s20+$0x0]  }
0xd3: {  	v9 =	vbroadcast v9, $0x0;
	v10 =	vor.u32 $0x100, v10;
	[tilespmem:s20+$0xFFFFFFA0] =	vst v6;
	v2 =	vmul.f32 v1, v2;
	v6 =	vld [tilespmem:s20+$0x10]  }
0xd4: {  	v10 =	vbroadcast v10, $0x0;
	[tilespmem:s20+$0xFFFFFFB0] =	vst v4;
	v3 =	vmul.f32 v1, v3;
	v4 =	vld [tilespmem:s20+$0x20]  }
0xd5: {  	[tilespmem:s20+$0xFFFFFFC0] =	vst v2;
	v2 =	vmul.f32 v1, v5;
	v5 =	vld [tilespmem:s20+$0x30]  }
0xd6: {  	[tilespmem:s20+$0xFFFFFFD0] =	vst v3;
	v1 =	vmul.f32 v1, v8;
	v3 =	vld [tilespmem:s20+$0x40]  }
0xd7: {  	[tilespmem:s20+$0xFFFFFFE0] =	vst v2;
	v2 =	vmul.f32 v0, v7;
	v7 =	vld [tilespmem:s20+$0x50]  }
0xd8: {  	[tilespmem:s20+$0xFFFFFFF0] =	vst v1;
	v6 =	vmul.f32 v0, v6;
	v8 =	vld [tilespmem:s20+$0x60]  }
0xd9: {  	v1 =	vld.idx.msk [tilespmem:v9+s19+$0x0], $0xffff;
	[tilespmem:s20+$0x0] =	vst v2;
	v2 =	vmul.f32 v0, v4  }
0xda: {  	s20 =	sadd.s32 $0x100, s20;
	v9 =	vld.idx.msk [tilespmem:v10+s19+$0x0], $0xffff;
	[tilespmem:s21+$0x10] =	vst v6;
	v4 =	vmul.f32 v0, v5  }
0xdb: {  	v5 =	vld [tilespmem:s20+$0x70];
	[tilespmem:s21+$0x20] =	vst v2;
	v2 =	vmul.f32 v0, v3  }
0xdc: {  	v3 =	vld [tilespmem:s20+$0xFFFFFF80];
	[tilespmem:s21+$0x30] =	vst v4;
	v4 =	vmul.f32 v0, v7  }
0xdd: {  	v7 =	vld [tilespmem:s20+$0xFFFFFF90];
	[tilespmem:s21+$0x40] =	vst v2;
	v8 =	vmul.f32 v0, v8  }
.Ltmp2:
0xde: {  	v6 =	vld [tilespmem:s20+$0xFFFFFFA0];
	[tilespmem:s21+$0x50] =	vst v4;
	(pc) =	sbr.rel @p0 .LBB2_7-.Ltmp2, $4  }
0xdf: {  	v4 =	vld [tilespmem:s20+$0xFFFFFFB0];
	[tilespmem:s21+$0x60] =	vst v8;
	s21 =	smov.u32 s20  }
0xe0: {  	v0 =	vmov v9;
	v2 =	vld [tilespmem:s20+$0xFFFFFFC0];
	v10 =	vmul.f32 v9, v5  }
0xe1: {  	v8 =	vmul.f32 v1, v3;
	v3 =	vld [tilespmem:s20+$0xFFFFFFD0]  }
0xe2: {  	s1 =	sadd.s32 $0x1, s16;
	v9 =	vmov s16;
	s16 =	sadd.s32 $0x2, s16;
	v7 =	vmul.f32 v1, v7;
	v5 =	vld [tilespmem:s20+$0xFFFFFFE0];
	[tilespmem:s20+$0x70] =	vst v10  }
0xe3: {  	[tilespmem:s20+$0xFFFFFF80] =	vst v8;
	v8 =	vand.u32 $0x7E, v9;
	v10 =	vld [tilespmem:s20+$0xFFFFFFF0]  }
0xe4: {  	v9 =	vmov s1;
	v11 =	vld [tilespmem:s20+$0x0];
	v6 =	vmul.f32 v1, v6;
	v8 =	vor.u32 $0x100, v8  }
0xe5: {  	v12 =	vld [tilespmem:s20+$0x10];
	v9 =	vand.u32 $0x7F, v9;
	[tilespmem:s20+$0xFFFFFF90] =	vst v7;
	v4 =	vmul.f32 v1, v4;
	v8 =	vbroadcast v8, $0x0  }
0xe6: {  	v9 =	vor.u32 $0x100, v9;
	[tilespmem:s20+$0xFFFFFFA0] =	vst v6;
	v2 =	vmul.f32 v1, v2;
	v6 =	vld [tilespmem:s20+$0x30]  }
0xe7: {  	v7 =	vbroadcast v9, $0x0;
	v9 =	vld [tilespmem:s20+$0x20];
	[tilespmem:s20+$0xFFFFFFB0] =	vst v4;
	v3 =	vmul.f32 v1, v3  }
0xe8: {  	v4 =	vld [tilespmem:s20+$0x40];
	[tilespmem:s20+$0xFFFFFFC0] =	vst v2;
	v2 =	vmul.f32 v1, v5  }
0xe9: {  	v5 =	vld [tilespmem:s20+$0x50];
	[tilespmem:s20+$0xFFFFFFD0] =	vst v3;
	v1 =	vmul.f32 v1, v10  }
0xea: {  	v3 =	vld [tilespmem:s20+$0x60];
	[tilespmem:s20+$0xFFFFFFE0] =	vst v2;
	v2 =	vmul.f32 v0, v11  }
0xeb: {  	s16 =	sadd.s32 $0x100, s20;
	[tilespmem:s20+$0xFFFFFFF0] =	vst v1;
	v8 =	vld.idx.msk [tilespmem:v8+s19+$0x0], $0xffff  }
0xec: {  	v1 =	vmul.f32 v0, v12;
	[tilespmem:s20+$0x0] =	vst v2;
	v2 =	vmul.f32 v0, v9;
	v9 =	vld [tilespmem:s16+$0x70]  }
0xed: {  	v7 =	vld.idx.msk [tilespmem:v7+s19+$0x0], $0xffff  }
0xee: {  	[tilespmem:s21+$0x10] =	vst v1;
	v1 =	vmul.f32 v0, v6;
	v6 =	vld [tilespmem:s16+$0xFFFFFF80]  }
0xef: {  	[tilespmem:s21+$0x20] =	vst v2;
	v2 =	vmul.f32 v0, v4;
	v4 =	vld [tilespmem:s16+$0xFFFFFF90]  }
0xf0: {  	[tilespmem:s21+$0x30] =	vst v1;
	v1 =	vmul.f32 v0, v5;
	v5 =	vld [tilespmem:s16+$0xFFFFFFA0]  }
0xf1: {  	v0 =	vmul.f32 v0, v3;
	[tilespmem:s21+$0x40] =	vst v2;
	v2 =	vld [tilespmem:s16+$0xFFFFFFB0]  }
0xf2: {  	[tilespmem:s21+$0x50] =	vst v1;
	v1 =	vld [tilespmem:s16+$0xFFFFFFC0];
	v3 =	vmul.f32 v7, v9  }
0xf3: {  	[tilespmem:s21+$0x60] =	vst v0;
	v0 =	vmul.f32 v8, v6;
	v6 =	vld [tilespmem:s16+$0xFFFFFFD0]  }
0xf4: {  	v9 =	vld [tilespmem:s16+$0xFFFFFFE0];
	v4 =	vmul.f32 v8, v4;
	[tilespmem:s16+$0x70] =	vst v3  }
0xf5: {  	[tilespmem:s16+$0xFFFFFF80] =	vst v0;
	v0 =	vmul.f32 v8, v5;
	v3 =	vld [tilespmem:s16+$0xFFFFFFF0]  }
0xf6: {  	[tilespmem:s16+$0xFFFFFF90] =	vst v4;
	v2 =	vmul.f32 v8, v2;
	v4 =	vld [tilespmem:s16+$0x0]  }
0xf7: {  	[tilespmem:s16+$0xFFFFFFA0] =	vst v0;
	v0 =	vmul.f32 v8, v1;
	v1 =	vld [tilespmem:s16+$0x10]  }
0xf8: {  	v5 =	vld [tilespmem:s16+$0x20];
	[tilespmem:s16+$0xFFFFFFB0] =	vst v2;
	v2 =	vmul.f32 v8, v6  }
0xf9: {  	v6 =	vld [tilespmem:s16+$0x30];
	[tilespmem:s16+$0xFFFFFFC0] =	vst v0;
	v0 =	vmul.f32 v8, v9  }
0xfa: {  	[tilespmem:s16+$0xFFFFFFD0] =	vst v2;
	v2 =	vmul.f32 v8, v3;
	v3 =	vld [tilespmem:s16+$0x40]  }
0xfb: {  	[tilespmem:s16+$0xFFFFFFE0] =	vst v0;
	v0 =	vmul.f32 v7, v4;
	v4 =	vld [tilespmem:s16+$0x50]  }
0xfc: {  	[tilespmem:s16+$0xFFFFFFF0] =	vst v2;
	v1 =	vmul.f32 v7, v1;
	v2 =	vld [tilespmem:s16+$0x60]  }
0xfd: {  	[tilespmem:s16+$0x0] =	vst v0;
	v0 =	vmul.f32 v7, v5  }
0xfe: {  	[tilespmem:s16+$0x10] =	vst v1;
	v1 =	vmul.f32 v7, v6  }
0xff: {  	[tilespmem:s16+$0x20] =	vst v0;
	v0 =	vmul.f32 v7, v3  }
0x100: {  	[tilespmem:s16+$0x30] =	vst v1;
	v1 =	vmul.f32 v7, v4  }
0x101: {  	[tilespmem:s16+$0x40] =	vst v0;
	v0 =	vmul.f32 v7, v2  }
0x102: {  	[tilespmem:s16+$0x50] =	vst v1  }
0x103: {  	[tilespmem:s16+$0x60] =	vst v0  }
0x104: {  	[spmem:s2] =	stream.indirect.scatter.add.f32 [tilespmem:s24], [sflag:$0x7], $0x80, s9, s23, $0xb8;
	[tilespmem:$0x1C800] =	vst v63  }
0x105: {  	_ =	swait.ge [sflag:s30], $0x4000  }
0x106: {  	[sflag:s30] =	ssyncset.done $0x0  }
0x107: {  	s21 =	simm.s32 $0x0;
	[sflag:s30] =	ssyncadd.s32 $0xFFFFC000  }
0x108: {  	v0 =	vmov s21;
	s16 =	simm.s32 $0x1;
	_ =	swait.ge [sflag:s31], $0x4000  }
0x109: {  	v0 =	vand.u32 $0x7E, v0;
	v1 =	vmov s16;
	[sflag:s31] =	ssyncset.done $0x0  }
0x10a: {  	v0 =	vor.u32 $0x100, v0;
	v1 =	vand.u32 $0x7F, v1;
	[sflag:s31] =	ssyncadd.s32 $0xFFFFC000  }
0x10b: {  	v0 =	vbroadcast v0, $0x0;
	v1 =	vor.u32 $0x100, v1;
	_ =	swait.ge [sflag:s22], $0x180  }
0x10c: {  	s20 =	sadd.s32 s10, s14;
	v2 =	vbroadcast v1, $0x0;
	[sflag:s22] =	ssyncset.done $0x0  }
0x10d: {  	s16 =	sshrl.u32 s20, $0x3;
	[sflag:s22] =	ssyncadd.s32 $0xFFFFFE80  }
0x10e: {  	[tilespmem:s24], [sflag:$0x5] =	stream.indirect.gather [hbm4b:s4+s23], $0x80, s21, s23, $0xb8;
	[tilespmem:$0x1C800] =	vst v63  }
0x10f: {  	s16 =	sadd.s32 s5, s16  }
0x110: {  	[tilespmem:s19], [sflag:$0x3] =	stream.linear.gather [hbm4b:s16+s21], $0x180, $0x38;
	[tilespmem:$0x1C800] =	vst v63  }
0x111: {  	v1 =	vld.idx.msk [tilespmem:v0+s29+$0x0], $0xffff  }
0x112: {  	s20 =	simm.s32 $0x4880;
	v0 =	vld.idx.msk [tilespmem:v2+s29+$0x0], $0xffff  }
0x113: {  	v3 =	vld [tilespmem:s20+$0x70]  }
0x114: {  	v5 =	vld [tilespmem:s20+$0xFFFFFF80]  }
0x115: {  	v7 =	vld [tilespmem:s20+$0xFFFFFF90]  }
0x116: {  	v6 =	vld [tilespmem:s20+$0xFFFFFFA0]  }
0x117: {  	v4 =	vld [tilespmem:s20+$0xFFFFFFB0]  }
0x118: {  	v2 =	vld [tilespmem:s20+$0xFFFFFFC0];
	v10 =	vmul.f32 v0, v3  }
0x119: {  	s21 =	simm.s32 $0x2;
	v3 =	vld [tilespmem:s20+$0xFFFFFFD0];
	v8 =	vmul.f32 v1, v5  }
0x11a: {  	s1 =	simm.s32 $0x3;
	s16 =	simm.s32 $0x4;
	v9 =	vmov s21;
	s21 =	simm.s32 $0x4880;
	v7 =	vmul.f32 v1, v7;
	v5 =	vld [tilespmem:s20+$0xFFFFFFE0];
	[tilespmem:s20+$0x70] =	vst v10  }
.LBB2_9:
0x11b: {  	p0 =	slt.u32 s16, $0x7E;
	v9 =	vand.u32 $0x7E, v9;
	v10 =	vmov s1;
	[tilespmem:s20+$0xFFFFFF80] =	vst v8;
	v6 =	vmul.f32 v1, v6;
	v8 =	vld [tilespmem:s20+$0xFFFFFFF0]  }
0x11c: {  	v9 =	vor.u32 $0x100, v9;
	v10 =	vand.u32 $0x7F, v10;
	[tilespmem:s20+$0xFFFFFF90] =	vst v7;
	v4 =	vmul.f32 v1, v4;
	v7 =	vld [tilespmem:s20+$0x0]  }
0x11d: {  	v9 =	vbroadcast v9, $0x0;
	v10 =	vor.u32 $0x100, v10;
	[tilespmem:s20+$0xFFFFFFA0] =	vst v6;
	v2 =	vmul.f32 v1, v2;
	v6 =	vld [tilespmem:s20+$0x10]  }
0x11e: {  	v10 =	vbroadcast v10, $0x0;
	[tilespmem:s20+$0xFFFFFFB0] =	vst v4;
	v3 =	vmul.f32 v1, v3;
	v4 =	vld [tilespmem:s20+$0x20]  }
0x11f: {  	[tilespmem:s20+$0xFFFFFFC0] =	vst v2;
	v2 =	vmul.f32 v1, v5;
	v5 =	vld [tilespmem:s20+$0x30]  }
0x120: {  	[tilespmem:s20+$0xFFFFFFD0] =	vst v3;
	v1 =	vmul.f32 v1, v8;
	v3 =	vld [tilespmem:s20+$0x40]  }
0x121: {  	[tilespmem:s20+$0xFFFFFFE0] =	vst v2;
	v2 =	vmul.f32 v0, v7;
	v7 =	vld [tilespmem:s20+$0x50]  }
0x122: {  	[tilespmem:s20+$0xFFFFFFF0] =	vst v1;
	v6 =	vmul.f32 v0, v6;
	v8 =	vld [tilespmem:s20+$0x60]  }
0x123: {  	v1 =	vld.idx.msk [tilespmem:v9+s29+$0x0], $0xffff;
	[tilespmem:s20+$0x0] =	vst v2;
	v2 =	vmul.f32 v0, v4  }
0x124: {  	s20 =	sadd.s32 $0x100, s20;
	v9 =	vld.idx.msk [tilespmem:v10+s29+$0x0], $0xffff;
	[tilespmem:s21+$0x10] =	vst v6;
	v4 =	vmul.f32 v0, v5  }
0x125: {  	v5 =	vld [tilespmem:s20+$0x70];
	[tilespmem:s21+$0x20] =	vst v2;
	v2 =	vmul.f32 v0, v3  }
0x126: {  	v3 =	vld [tilespmem:s20+$0xFFFFFF80];
	[tilespmem:s21+$0x30] =	vst v4;
	v4 =	vmul.f32 v0, v7  }
0x127: {  	v7 =	vld [tilespmem:s20+$0xFFFFFF90];
	[tilespmem:s21+$0x40] =	vst v2;
	v8 =	vmul.f32 v0, v8  }
.Ltmp3:
0x128: {  	v6 =	vld [tilespmem:s20+$0xFFFFFFA0];
	[tilespmem:s21+$0x50] =	vst v4;
	(pc) =	sbr.rel @p0 .LBB2_9-.Ltmp3, $4  }
0x129: {  	v4 =	vld [tilespmem:s20+$0xFFFFFFB0];
	[tilespmem:s21+$0x60] =	vst v8;
	s21 =	smov.u32 s20  }
0x12a: {  	v0 =	vmov v9;
	v2 =	vld [tilespmem:s20+$0xFFFFFFC0];
	v10 =	vmul.f32 v9, v5  }
0x12b: {  	v8 =	vmul.f32 v1, v3;
	v3 =	vld [tilespmem:s20+$0xFFFFFFD0]  }
0x12c: {  	s1 =	sadd.s32 $0x1, s16;
	v9 =	vmov s16;
	s16 =	sadd.s32 $0x2, s16;
	v7 =	vmul.f32 v1, v7;
	v5 =	vld [tilespmem:s20+$0xFFFFFFE0];
	[tilespmem:s20+$0x70] =	vst v10  }
0x12d: {  	[tilespmem:s20+$0xFFFFFF80] =	vst v8;
	v8 =	vand.u32 $0x7E, v9;
	v10 =	vld [tilespmem:s20+$0xFFFFFFF0]  }
0x12e: {  	v9 =	vmov s1;
	v11 =	vld [tilespmem:s20+$0x0];
	v6 =	vmul.f32 v1, v6;
	v8 =	vor.u32 $0x100, v8  }
0x12f: {  	v12 =	vld [tilespmem:s20+$0x10];
	v9 =	vand.u32 $0x7F, v9;
	[tilespmem:s20+$0xFFFFFF90] =	vst v7;
	v4 =	vmul.f32 v1, v4;
	v8 =	vbroadcast v8, $0x0  }
0x130: {  	v9 =	vor.u32 $0x100, v9;
	[tilespmem:s20+$0xFFFFFFA0] =	vst v6;
	v2 =	vmul.f32 v1, v2;
	v6 =	vld [tilespmem:s20+$0x30]  }
0x131: {  	v7 =	vbroadcast v9, $0x0;
	v9 =	vld [tilespmem:s20+$0x20];
	[tilespmem:s20+$0xFFFFFFB0] =	vst v4;
	v3 =	vmul.f32 v1, v3  }
0x132: {  	v4 =	vld [tilespmem:s20+$0x40];
	[tilespmem:s20+$0xFFFFFFC0] =	vst v2;
	v2 =	vmul.f32 v1, v5  }
0x133: {  	v5 =	vld [tilespmem:s20+$0x50];
	[tilespmem:s20+$0xFFFFFFD0] =	vst v3;
	v1 =	vmul.f32 v1, v10  }
0x134: {  	v3 =	vld [tilespmem:s20+$0x60];
	[tilespmem:s20+$0xFFFFFFE0] =	vst v2;
	v2 =	vmul.f32 v0, v11  }
0x135: {  	s16 =	sadd.s32 $0x100, s20;
	[tilespmem:s20+$0xFFFFFFF0] =	vst v1;
	v8 =	vld.idx.msk [tilespmem:v8+s29+$0x0], $0xffff  }
0x136: {  	v1 =	vmul.f32 v0, v12;
	[tilespmem:s20+$0x0] =	vst v2;
	v2 =	vmul.f32 v0, v9;
	v9 =	vld [tilespmem:s16+$0x70]  }
0x137: {  	v7 =	vld.idx.msk [tilespmem:v7+s29+$0x0], $0xffff  }
0x138: {  	[tilespmem:s21+$0x10] =	vst v1;
	v1 =	vmul.f32 v0, v6;
	v6 =	vld [tilespmem:s16+$0xFFFFFF80]  }
0x139: {  	[tilespmem:s21+$0x20] =	vst v2;
	v2 =	vmul.f32 v0, v4;
	v4 =	vld [tilespmem:s16+$0xFFFFFF90]  }
0x13a: {  	[tilespmem:s21+$0x30] =	vst v1;
	v1 =	vmul.f32 v0, v5;
	v5 =	vld [tilespmem:s16+$0xFFFFFFA0]  }
0x13b: {  	v0 =	vmul.f32 v0, v3;
	[tilespmem:s21+$0x40] =	vst v2;
	v2 =	vld [tilespmem:s16+$0xFFFFFFB0]  }
0x13c: {  	[tilespmem:s21+$0x50] =	vst v1;
	v1 =	vld [tilespmem:s16+$0xFFFFFFC0];
	v3 =	vmul.f32 v7, v9  }
0x13d: {  	[tilespmem:s21+$0x60] =	vst v0;
	v0 =	vmul.f32 v8, v6;
	v6 =	vld [tilespmem:s16+$0xFFFFFFD0]  }
0x13e: {  	v9 =	vld [tilespmem:s16+$0xFFFFFFE0];
	v4 =	vmul.f32 v8, v4;
	[tilespmem:s16+$0x70] =	vst v3  }
0x13f: {  	[tilespmem:s16+$0xFFFFFF80] =	vst v0;
	v0 =	vmul.f32 v8, v5;
	v3 =	vld [tilespmem:s16+$0xFFFFFFF0]  }
0x140: {  	[tilespmem:s16+$0xFFFFFF90] =	vst v4;
	v2 =	vmul.f32 v8, v2;
	v4 =	vld [tilespmem:s16+$0x0]  }
0x141: {  	[tilespmem:s16+$0xFFFFFFA0] =	vst v0;
	v0 =	vmul.f32 v8, v1;
	v1 =	vld [tilespmem:s16+$0x10]  }
0x142: {  	v5 =	vld [tilespmem:s16+$0x20];
	[tilespmem:s16+$0xFFFFFFB0] =	vst v2;
	v2 =	vmul.f32 v8, v6  }
0x143: {  	v6 =	vld [tilespmem:s16+$0x30];
	[tilespmem:s16+$0xFFFFFFC0] =	vst v0;
	v0 =	vmul.f32 v8, v9  }
0x144: {  	[tilespmem:s16+$0xFFFFFFD0] =	vst v2;
	v2 =	vmul.f32 v8, v3;
	v3 =	vld [tilespmem:s16+$0x40]  }
0x145: {  	[tilespmem:s16+$0xFFFFFFE0] =	vst v0;
	v0 =	vmul.f32 v7, v4;
	v4 =	vld [tilespmem:s16+$0x50]  }
0x146: {  	[tilespmem:s16+$0xFFFFFFF0] =	vst v2;
	v1 =	vmul.f32 v7, v1;
	v2 =	vld [tilespmem:s16+$0x60]  }
0x147: {  	[tilespmem:s16+$0x0] =	vst v0;
	v0 =	vmul.f32 v7, v5  }
0x148: {  	[tilespmem:s16+$0x10] =	vst v1;
	v1 =	vmul.f32 v7, v6  }
0x149: {  	[tilespmem:s16+$0x20] =	vst v0;
	v0 =	vmul.f32 v7, v3  }
0x14a: {  	[tilespmem:s16+$0x30] =	vst v1;
	v1 =	vmul.f32 v7, v4  }
0x14b: {  	[tilespmem:s16+$0x40] =	vst v0;
	v0 =	vmul.f32 v7, v2  }
0x14c: {  	[tilespmem:s16+$0x50] =	vst v1  }
0x14d: {  	[tilespmem:s16+$0x60] =	vst v0  }
0x14e: {  	[spmem:s2] =	stream.indirect.scatter.add.f32 [tilespmem:s28], [sflag:$0x8], $0x80, s11, s23, $0xb8;
	[tilespmem:$0x1C800] =	vst v63  }
0x14f: {  	_ =	swait.ge [sflag:s25], $0x4000  }
0x150: {  	[sflag:s25] =	ssyncset.done $0x0  }
0x151: {  	s20 =	simm.s32 $0x0;
	[sflag:s25] =	ssyncadd.s32 $0xFFFFC000  }
0x152: {  	v0 =	vmov s20;
	s16 =	simm.s32 $0x1;
	_ =	swait.ge [sflag:s7], $0x4000  }
0x153: {  	v0 =	vand.u32 $0x7E, v0;
	v1 =	vmov s16;
	[sflag:s7] =	ssyncset.done $0x0  }
0x154: {  	v0 =	vor.u32 $0x100, v0;
	v1 =	vand.u32 $0x7F, v1;
	[sflag:s7] =	ssyncadd.s32 $0xFFFFC000  }
0x155: {  	v0 =	vbroadcast v0, $0x0;
	v1 =	vor.u32 $0x100, v1;
	_ =	swait.ge [sflag:s26], $0x180  }
0x156: {  	s10 =	sadd.s32 s10, s15;
	v2 =	vbroadcast v1, $0x0;
	[sflag:s26] =	ssyncset.done $0x0  }
0x157: {  	s10 =	sshrl.u32 s10, $0x3;
	[sflag:s26] =	ssyncadd.s32 $0xFFFFFE80  }
0x158: {  	[tilespmem:s28], [sflag:$0x6] =	stream.indirect.gather [hbm4b:s4+s23], $0x80, s18, s23, $0xb8;
	[tilespmem:$0x1C800] =	vst v63  }
0x159: {  	s10 =	sadd.s32 s5, s10  }
0x15a: {  	[tilespmem:s29], [sflag:$0x4] =	stream.linear.gather [hbm4b:s10+s20], $0x180, $0x38;
	[tilespmem:$0x1C800] =	vst v63  }
0x15b: {  	v1 =	vld.idx.msk [tilespmem:v0+s3+$0x0], $0xffff  }
0x15c: {  	s10 =	simm.s32 $0x880;
	v0 =	vld.idx.msk [tilespmem:v2+s3+$0x0], $0xffff  }
0x15d: {  	v3 =	vld [tilespmem:s10+$0x70]  }
0x15e: {  	v5 =	vld [tilespmem:s10+$0xFFFFFF80]  }
0x15f: {  	v7 =	vld [tilespmem:s10+$0xFFFFFF90]  }
0x160: {  	v6 =	vld [tilespmem:s10+$0xFFFFFFA0]  }
0x161: {  	v4 =	vld [tilespmem:s10+$0xFFFFFFB0]  }
0x162: {  	v2 =	vld [tilespmem:s10+$0xFFFFFFC0];
	v10 =	vmul.f32 v0, v3  }
0x163: {  	s21 =	simm.s32 $0x2;
	v3 =	vld [tilespmem:s10+$0xFFFFFFD0];
	v8 =	vmul.f32 v1, v5  }
0x164: {  	s1 =	simm.s32 $0x3;
	v9 =	vmov s21;
	s16 =	simm.s32 $0x4;
	s20 =	simm.s32 $0x880;
	v7 =	vmul.f32 v1, v7;
	v5 =	vld [tilespmem:s10+$0xFFFFFFE0];
	[tilespmem:s10+$0x70] =	vst v10  }
.LBB2_11:
0x165: {  	p0 =	slt.u32 s16, $0x7E;
	v9 =	vand.u32 $0x7E, v9;
	v10 =	vmov s1;
	[tilespmem:s10+$0xFFFFFF80] =	vst v8;
	v6 =	vmul.f32 v1, v6;
	v8 =	vld [tilespmem:s10+$0xFFFFFFF0]  }
0x166: {  	v9 =	vor.u32 $0x100, v9;
	v10 =	vand.u32 $0x7F, v10;
	[tilespmem:s10+$0xFFFFFF90] =	vst v7;
	v4 =	vmul.f32 v1, v4;
	v7 =	vld [tilespmem:s10+$0x0]  }
0x167: {  	v9 =	vbroadcast v9, $0x0;
	v10 =	vor.u32 $0x100, v10;
	[tilespmem:s10+$0xFFFFFFA0] =	vst v6;
	v2 =	vmul.f32 v1, v2;
	v6 =	vld [tilespmem:s10+$0x10]  }
0x168: {  	v10 =	vbroadcast v10, $0x0;
	[tilespmem:s10+$0xFFFFFFB0] =	vst v4;
	v3 =	vmul.f32 v1, v3;
	v4 =	vld [tilespmem:s10+$0x20]  }
0x169: {  	[tilespmem:s10+$0xFFFFFFC0] =	vst v2;
	v2 =	vmul.f32 v1, v5;
	v5 =	vld [tilespmem:s10+$0x30]  }
0x16a: {  	[tilespmem:s10+$0xFFFFFFD0] =	vst v3;
	v1 =	vmul.f32 v1, v8;
	v3 =	vld [tilespmem:s10+$0x40]  }
0x16b: {  	[tilespmem:s10+$0xFFFFFFE0] =	vst v2;
	v2 =	vmul.f32 v0, v7;
	v7 =	vld [tilespmem:s10+$0x50]  }
0x16c: {  	[tilespmem:s10+$0xFFFFFFF0] =	vst v1;
	v6 =	vmul.f32 v0, v6;
	v8 =	vld [tilespmem:s10+$0x60]  }
0x16d: {  	v1 =	vld.idx.msk [tilespmem:v9+s3+$0x0], $0xffff;
	[tilespmem:s10+$0x0] =	vst v2;
	v2 =	vmul.f32 v0, v4  }
0x16e: {  	s10 =	sadd.s32 $0x100, s10;
	v9 =	vld.idx.msk [tilespmem:v10+s3+$0x0], $0xffff;
	[tilespmem:s20+$0x10] =	vst v6;
	v4 =	vmul.f32 v0, v5  }
0x16f: {  	v5 =	vld [tilespmem:s10+$0x70];
	[tilespmem:s20+$0x20] =	vst v2;
	v2 =	vmul.f32 v0, v3  }
0x170: {  	v3 =	vld [tilespmem:s10+$0xFFFFFF80];
	[tilespmem:s20+$0x30] =	vst v4;
	v4 =	vmul.f32 v0, v7  }
0x171: {  	v7 =	vld [tilespmem:s10+$0xFFFFFF90];
	[tilespmem:s20+$0x40] =	vst v2;
	v8 =	vmul.f32 v0, v8  }
.Ltmp4:
0x172: {  	v6 =	vld [tilespmem:s10+$0xFFFFFFA0];
	[tilespmem:s20+$0x50] =	vst v4;
	(pc) =	sbr.rel @p0 .LBB2_11-.Ltmp4, $4  }
0x173: {  	v4 =	vld [tilespmem:s10+$0xFFFFFFB0];
	[tilespmem:s20+$0x60] =	vst v8;
	s20 =	smov.u32 s10  }
0x174: {  	v0 =	vmov v9;
	v2 =	vld [tilespmem:s10+$0xFFFFFFC0];
	v10 =	vmul.f32 v9, v5  }
0x175: {  	v8 =	vmul.f32 v1, v3;
	v3 =	vld [tilespmem:s10+$0xFFFFFFD0]  }
0x176: {  	s1 =	sadd.s32 $0x1, s16;
	v9 =	vmov s16;
	s16 =	sadd.s32 $0x2, s16;
	v7 =	vmul.f32 v1, v7;
	v5 =	vld [tilespmem:s10+$0xFFFFFFE0];
	[tilespmem:s10+$0x70] =	vst v10  }
0x177: {  	v10 =	vld [tilespmem:s10+$0xFFFFFFF0]  }
0x178: {  	v11 =	vld [tilespmem:s10+$0x0]  }
0x179: {  	[tilespmem:s10+$0xFFFFFF80] =	vst v8;
	v18 =	vand.u32 $0x7E, v9;
	v6 =	vmul.f32 v1, v6;
	v12 =	vld [tilespmem:s10+$0x10]  }
0x17a: {  	v21 =	vld [tilespmem:s10+$0x20];
	v8 =	vor.u32 $0x100, v18;
	[tilespmem:s10+$0xFFFFFF90] =	vst v7;
	v4 =	vmul.f32 v1, v4  }
0x17b: {  	v22 =	vld [tilespmem:s10+$0x30];
	v8 =	vbroadcast v8, $0x0;
	[tilespmem:s10+$0xFFFFFFA0] =	vst v6;
	v2 =	vmul.f32 v1, v2  }
0x17c: {  	v23 =	vld [tilespmem:s10+$0x40];
	[tilespmem:s10+$0xFFFFFFB0] =	vst v4;
	v3 =	vmul.f32 v1, v3  }
0x17d: {  	v25 =	vld [tilespmem:s10+$0x50];
	[tilespmem:s10+$0xFFFFFFC0] =	vst v2;
	v24 =	vmul.f32 v1, v5  }
0x17e: {  	v27 =	vld [tilespmem:s10+$0x60];
	s21 =	sadd.s32 $0x100, s10;
	[tilespmem:s10+$0xFFFFFFD0] =	vst v3;
	v26 =	vmul.f32 v1, v10  }
0x17f: {  	v31 =	vld [tilespmem:s21+$0x70];
	v28 =	vmul.f32 v0, v11;
	[tilespmem:s10+$0xFFFFFFE0] =	vst v24  }
0x180: {  	v19 =	vmov s1;
	v33 =	vld [tilespmem:s21+$0xFFFFFF80];
	v29 =	vmul.f32 v0, v12;
	[tilespmem:s10+$0xFFFFFFF0] =	vst v26  }
0x181: {  	v9 =	vand.u32 $0x7F, v19;
	v30 =	vmul.f32 v0, v21;
	[tilespmem:s10+$0x0] =	vst v28;
	v8 =	vld.idx.msk [tilespmem:v8+s3+$0x0], $0xffff  }
0x182: {  	v35 =	vld [tilespmem:s21+$0xFFFFFF90];
	v9 =	vor.u32 $0x100, v9;
	v32 =	vmul.f32 v0, v22;
	[tilespmem:s20+$0x10] =	vst v29  }
0x183: {  	v37 =	vld [tilespmem:s21+$0xFFFFFFA0];
	v20 =	vbroadcast v9, $0x0;
	v34 =	vmul.f32 v0, v23;
	[tilespmem:s20+$0x20] =	vst v30  }
0x184: {  	v39 =	vld [tilespmem:s21+$0xFFFFFFB0];
	v36 =	vmul.f32 v0, v25;
	[tilespmem:s20+$0x30] =	vst v32  }
0x185: {  	v40 =	vld [tilespmem:s21+$0xFFFFFFC0];
	v38 =	vmul.f32 v0, v27;
	[tilespmem:s20+$0x40] =	vst v34  }
0x186: {  	v43 =	vld [tilespmem:s21+$0xFFFFFFD0];
	[tilespmem:s20+$0x50] =	vst v36;
	v42 =	vmul.f32 v8, v33  }
0x187: {  	v44 =	vld [tilespmem:s21+$0xFFFFFFE0];
	[tilespmem:s20+$0x60] =	vst v38;
	v4 =	vmul.f32 v8, v35  }
0x188: {  	v46 =	vld [tilespmem:s21+$0xFFFFFFF0];
	v45 =	vmul.f32 v8, v37;
	[tilespmem:s21+$0xFFFFFF80] =	vst v42  }
0x189: {  	v7 =	vld.idx.msk [tilespmem:v20+s3+$0x0], $0xffff;
	v2 =	vmul.f32 v8, v39;
	[tilespmem:s21+$0xFFFFFF90] =	vst v4  }
0x18a: {  	v47 =	vld [tilespmem:s21+$0x0];
	v48 =	vmul.f32 v8, v40;
	[tilespmem:s21+$0xFFFFFFA0] =	vst v45  }
0x18b: {  	v49 =	vld [tilespmem:s21+$0x10];
	v50 =	vmul.f32 v8, v43;
	[tilespmem:s21+$0xFFFFFFB0] =	vst v2  }
0x18c: {  	v51 =	vld [tilespmem:s21+$0x20];
	v52 =	vmul.f32 v8, v44;
	[tilespmem:s21+$0xFFFFFFC0] =	vst v48  }
0x18d: {  	v53 =	vld [tilespmem:s21+$0x30];
	v54 =	vmul.f32 v8, v46;
	[tilespmem:s21+$0xFFFFFFD0] =	vst v50  }
0x18e: {  	v55 =	vld [tilespmem:s21+$0x40];
	v41 =	vmul.f32 v7, v31;
	[tilespmem:s21+$0xFFFFFFE0] =	vst v52  }
0x18f: {  	v57 =	vld [tilespmem:s21+$0x50];
	v56 =	vmul.f32 v7, v47;
	[tilespmem:s21+$0xFFFFFFF0] =	vst v54  }
0x190: {  	v58 =	vld [tilespmem:s21+$0x60];
	v1 =	vmul.f32 v7, v49;
	[tilespmem:s21+$0x70] =	vst v41  }
0x191: {  	v59 =	vmul.f32 v7, v51;
	[tilespmem:s21+$0x0] =	vst v56  }
0x192: {  	s6 =	sadd.s32 $0x1, s6;
	v60 =	vmul.f32 v7, v53;
	[tilespmem:s21+$0x10] =	vst v1  }
0x193: {  	p0 =	sne.s32 s6, $0x13;
	v61 =	vmul.f32 v7, v55;
	[tilespmem:s21+$0x20] =	vst v59  }
.Ltmp5:
0x194: {  	v62 =	vmul.f32 v7, v57;
	[tilespmem:s21+$0x30] =	vst v60;
	(pc) =	sbr.rel @p0 .LBB2_4-.Ltmp5, $4  }
0x195: {  	v63 =	vmul.f32 v7, v58;
	[tilespmem:s21+$0x40] =	vst v61  }
0x196: {  	[tilespmem:s21+$0x50] =	vst v62  }
0x197: {  	[tilespmem:s21+$0x60] =	vst v63  }
0x198: {  	[spmem:s2] =	stream.indirect.scatter.add.f32 [tilespmem:s24], [sflag:$0x7], $0x80, s23, s23, $0xb8;
	[tilespmem:$0x1C800] =	vst v63  }
0x199: {  	_ =	swait.ge [sflag:s30], $0x4000;
	s1 =	simm.s32 $0x0  }
0x19a: {  	s20 =	simm.s32 $0x1;
	[sflag:s30] =	ssyncset.done $0x0;
	v0 =	vmov s1  }
0x19b: {  	v1 =	vmov s20;
	[sflag:s30] =	ssyncadd.s32 $0xFFFFC000;
	v0 =	vand.u32 $0x7E, v0  }
0x19c: {  	v1 =	vand.u32 $0x7F, v1;
	_ =	swait.ge [sflag:s31], $0x4000;
	v0 =	vor.u32 $0x100, v0  }
0x19d: {  	v1 =	vor.u32 $0x100, v1;
	[sflag:s31] =	ssyncset.done $0x0;
	v0 =	vbroadcast v0, $0x0  }
0x19e: {  	v2 =	vbroadcast v1, $0x0;
	[sflag:s31] =	ssyncadd.s32 $0xFFFFC000  }
0x19f: {  	_ =	swait.ge [sflag:s0], $0x180  }
0x1a0: {  	[sflag:s0] =	ssyncset.done $0x0  }
0x1a1: {  	[sflag:s0] =	ssyncadd.s32 $0xFFFFFE80  }
0x1a2: {  	[tilespmem:s24], [sflag:$0x5] =	stream.indirect.gather [hbm4b:s4+s23], $0x80, s19, s23, $0xb8;
	[tilespmem:$0x1C800] =	vst v63  }
0x1a3: {  	v1 =	vld.idx.msk [tilespmem:v0+s18+$0x0], $0xffff  }
0x1a4: {  	s6 =	simm.s32 $0x4880;
	v0 =	vld.idx.msk [tilespmem:v2+s18+$0x0], $0xffff  }
0x1a5: {  	v3 =	vld [tilespmem:s6+$0x70]  }
0x1a6: {  	v5 =	vld [tilespmem:s6+$0xFFFFFF80]  }
0x1a7: {  	v7 =	vld [tilespmem:s6+$0xFFFFFF90]  }
0x1a8: {  	v6 =	vld [tilespmem:s6+$0xFFFFFFA0]  }
0x1a9: {  	v4 =	vld [tilespmem:s6+$0xFFFFFFB0]  }
0x1aa: {  	v2 =	vld [tilespmem:s6+$0xFFFFFFC0];
	v10 =	vmul.f32 v0, v3  }
0x1ab: {  	s21 =	simm.s32 $0x2;
	v3 =	vld [tilespmem:s6+$0xFFFFFFD0];
	v8 =	vmul.f32 v1, v5  }
0x1ac: {  	s16 =	simm.s32 $0x4;
	s10 =	simm.s32 $0x4880;
	v9 =	vmov s21;
	s1 =	simm.s32 $0x3;
	v7 =	vmul.f32 v1, v7;
	v5 =	vld [tilespmem:s6+$0xFFFFFFE0];
	[tilespmem:s6+$0x70] =	vst v10  }
.LBB2_14:
0x1ad: {  	p0 =	slt.u32 s16, $0x7E;
	v9 =	vand.u32 $0x7E, v9;
	v10 =	vmov s1;
	[tilespmem:s6+$0xFFFFFF80] =	vst v8;
	v6 =	vmul.f32 v1, v6;
	v8 =	vld [tilespmem:s6+$0xFFFFFFF0]  }
0x1ae: {  	v9 =	vor.u32 $0x100, v9;
	v10 =	vand.u32 $0x7F, v10;
	[tilespmem:s6+$0xFFFFFF90] =	vst v7;
	v4 =	vmul.f32 v1, v4;
	v7 =	vld [tilespmem:s6+$0x0]  }
0x1af: {  	v9 =	vbroadcast v9, $0x0;
	v10 =	vor.u32 $0x100, v10;
	[tilespmem:s6+$0xFFFFFFA0] =	vst v6;
	v2 =	vmul.f32 v1, v2;
	v6 =	vld [tilespmem:s6+$0x10]  }
0x1b0: {  	v10 =	vbroadcast v10, $0x0;
	[tilespmem:s6+$0xFFFFFFB0] =	vst v4;
	v3 =	vmul.f32 v1, v3;
	v4 =	vld [tilespmem:s6+$0x20]  }
0x1b1: {  	[tilespmem:s6+$0xFFFFFFC0] =	vst v2;
	v2 =	vmul.f32 v1, v5;
	v5 =	vld [tilespmem:s6+$0x30]  }
0x1b2: {  	[tilespmem:s6+$0xFFFFFFD0] =	vst v3;
	v1 =	vmul.f32 v1, v8;
	v3 =	vld [tilespmem:s6+$0x40]  }
0x1b3: {  	[tilespmem:s6+$0xFFFFFFE0] =	vst v2;
	v2 =	vmul.f32 v0, v7;
	v7 =	vld [tilespmem:s6+$0x50]  }
0x1b4: {  	[tilespmem:s6+$0xFFFFFFF0] =	vst v1;
	v6 =	vmul.f32 v0, v6;
	v8 =	vld [tilespmem:s6+$0x60]  }
0x1b5: {  	v1 =	vld.idx.msk [tilespmem:v9+s18+$0x0], $0xffff;
	[tilespmem:s6+$0x0] =	vst v2;
	v2 =	vmul.f32 v0, v4  }
0x1b6: {  	s6 =	sadd.s32 $0x100, s6;
	v9 =	vld.idx.msk [tilespmem:v10+s18+$0x0], $0xffff;
	[tilespmem:s10+$0x10] =	vst v6;
	v4 =	vmul.f32 v0, v5  }
0x1b7: {  	v5 =	vld [tilespmem:s6+$0x70];
	[tilespmem:s10+$0x20] =	vst v2;
	v2 =	vmul.f32 v0, v3  }
0x1b8: {  	v3 =	vld [tilespmem:s6+$0xFFFFFF80];
	[tilespmem:s10+$0x30] =	vst v4;
	v4 =	vmul.f32 v0, v7  }
0x1b9: {  	v7 =	vld [tilespmem:s6+$0xFFFFFF90];
	[tilespmem:s10+$0x40] =	vst v2;
	v8 =	vmul.f32 v0, v8  }
.Ltmp6:
0x1ba: {  	v6 =	vld [tilespmem:s6+$0xFFFFFFA0];
	[tilespmem:s10+$0x50] =	vst v4;
	(pc) =	sbr.rel @p0 .LBB2_14-.Ltmp6, $4  }
0x1bb: {  	v4 =	vld [tilespmem:s6+$0xFFFFFFB0];
	[tilespmem:s10+$0x60] =	vst v8;
	s10 =	smov.u32 s6  }
0x1bc: {  	v0 =	vmov v9;
	v2 =	vld [tilespmem:s6+$0xFFFFFFC0];
	v10 =	vmul.f32 v9, v5  }
0x1bd: {  	v8 =	vmul.f32 v1, v3;
	v3 =	vld [tilespmem:s6+$0xFFFFFFD0]  }
0x1be: {  	s1 =	sadd.s32 $0x1, s16;
	v9 =	vmov s16;
	s16 =	sadd.s32 $0x2, s16;
	v7 =	vmul.f32 v1, v7;
	v5 =	vld [tilespmem:s6+$0xFFFFFFE0];
	[tilespmem:s6+$0x70] =	vst v10  }
0x1bf: {  	[tilespmem:s6+$0xFFFFFF80] =	vst v8;
	v8 =	vand.u32 $0x7E, v9;
	v10 =	vld [tilespmem:s6+$0xFFFFFFF0]  }
0x1c0: {  	v9 =	vmov s1;
	v11 =	vld [tilespmem:s6+$0x0];
	v6 =	vmul.f32 v1, v6;
	v8 =	vor.u32 $0x100, v8  }
0x1c1: {  	v12 =	vld [tilespmem:s6+$0x10];
	v9 =	vand.u32 $0x7F, v9;
	[tilespmem:s6+$0xFFFFFF90] =	vst v7;
	v4 =	vmul.f32 v1, v4;
	v8 =	vbroadcast v8, $0x0  }
0x1c2: {  	v9 =	vor.u32 $0x100, v9;
	[tilespmem:s6+$0xFFFFFFA0] =	vst v6;
	v2 =	vmul.f32 v1, v2;
	v6 =	vld [tilespmem:s6+$0x30]  }
0x1c3: {  	v7 =	vbroadcast v9, $0x0;
	v9 =	vld [tilespmem:s6+$0x20];
	[tilespmem:s6+$0xFFFFFFB0] =	vst v4;
	v3 =	vmul.f32 v1, v3  }
0x1c4: {  	v4 =	vld [tilespmem:s6+$0x40];
	[tilespmem:s6+$0xFFFFFFC0] =	vst v2;
	v2 =	vmul.f32 v1, v5  }
0x1c5: {  	v5 =	vld [tilespmem:s6+$0x50];
	[tilespmem:s6+$0xFFFFFFD0] =	vst v3;
	v1 =	vmul.f32 v1, v10  }
0x1c6: {  	v3 =	vld [tilespmem:s6+$0x60];
	[tilespmem:s6+$0xFFFFFFE0] =	vst v2;
	v2 =	vmul.f32 v0, v11  }
0x1c7: {  	s21 =	sadd.s32 $0x100, s6;
	[tilespmem:s6+$0xFFFFFFF0] =	vst v1;
	v8 =	vld.idx.msk [tilespmem:v8+s18+$0x0], $0xffff  }
0x1c8: {  	v1 =	vmul.f32 v0, v12;
	[tilespmem:s6+$0x0] =	vst v2;
	v2 =	vmul.f32 v0, v9;
	v9 =	vld [tilespmem:s21+$0x70]  }
0x1c9: {  	v7 =	vld.idx.msk [tilespmem:v7+s18+$0x0], $0xffff  }
0x1ca: {  	[tilespmem:s10+$0x10] =	vst v1;
	v1 =	vmul.f32 v0, v6;
	v6 =	vld [tilespmem:s21+$0xFFFFFF80]  }
0x1cb: {  	[tilespmem:s10+$0x20] =	vst v2;
	v2 =	vmul.f32 v0, v4;
	v4 =	vld [tilespmem:s21+$0xFFFFFF90]  }
0x1cc: {  	[tilespmem:s10+$0x30] =	vst v1;
	v1 =	vmul.f32 v0, v5;
	v5 =	vld [tilespmem:s21+$0xFFFFFFA0]  }
0x1cd: {  	v0 =	vmul.f32 v0, v3;
	[tilespmem:s10+$0x40] =	vst v2;
	v2 =	vld [tilespmem:s21+$0xFFFFFFB0]  }
0x1ce: {  	[tilespmem:s10+$0x50] =	vst v1;
	v1 =	vld [tilespmem:s21+$0xFFFFFFC0];
	v3 =	vmul.f32 v7, v9  }
0x1cf: {  	[tilespmem:s10+$0x60] =	vst v0;
	v0 =	vmul.f32 v8, v6;
	v6 =	vld [tilespmem:s21+$0xFFFFFFD0]  }
0x1d0: {  	v9 =	vld [tilespmem:s21+$0xFFFFFFE0];
	v4 =	vmul.f32 v8, v4;
	[tilespmem:s21+$0x70] =	vst v3  }
0x1d1: {  	[tilespmem:s21+$0xFFFFFF80] =	vst v0;
	v0 =	vmul.f32 v8, v5;
	v3 =	vld [tilespmem:s21+$0xFFFFFFF0]  }
0x1d2: {  	[tilespmem:s21+$0xFFFFFF90] =	vst v4;
	v2 =	vmul.f32 v8, v2;
	v4 =	vld [tilespmem:s21+$0x0]  }
0x1d3: {  	[tilespmem:s21+$0xFFFFFFA0] =	vst v0;
	v0 =	vmul.f32 v8, v1;
	v1 =	vld [tilespmem:s21+$0x10]  }
0x1d4: {  	v5 =	vld [tilespmem:s21+$0x20];
	[tilespmem:s21+$0xFFFFFFB0] =	vst v2;
	v2 =	vmul.f32 v8, v6  }
0x1d5: {  	v6 =	vld [tilespmem:s21+$0x30];
	[tilespmem:s21+$0xFFFFFFC0] =	vst v0;
	v0 =	vmul.f32 v8, v9  }
0x1d6: {  	[tilespmem:s21+$0xFFFFFFD0] =	vst v2;
	v2 =	vmul.f32 v8, v3;
	v3 =	vld [tilespmem:s21+$0x40]  }
0x1d7: {  	[tilespmem:s21+$0xFFFFFFE0] =	vst v0;
	v0 =	vmul.f32 v7, v4;
	v4 =	vld [tilespmem:s21+$0x50]  }
0x1d8: {  	[tilespmem:s21+$0xFFFFFFF0] =	vst v2;
	v1 =	vmul.f32 v7, v1;
	v2 =	vld [tilespmem:s21+$0x60]  }
0x1d9: {  	[tilespmem:s21+$0x0] =	vst v0;
	v0 =	vmul.f32 v7, v5  }
0x1da: {  	[tilespmem:s21+$0x10] =	vst v1;
	v1 =	vmul.f32 v7, v6  }
0x1db: {  	[tilespmem:s21+$0x20] =	vst v0;
	v0 =	vmul.f32 v7, v3  }
0x1dc: {  	[tilespmem:s21+$0x30] =	vst v1;
	v1 =	vmul.f32 v7, v4  }
0x1dd: {  	[tilespmem:s21+$0x40] =	vst v0;
	v0 =	vmul.f32 v7, v2  }
0x1de: {  	[tilespmem:s21+$0x50] =	vst v1  }
0x1df: {  	s16 =	simm.s32 $0x280;
	[tilespmem:s21+$0x60] =	vst v0  }
0x1e0: {  	[spmem:s2] =	stream.indirect.scatter.add.f32 [tilespmem:s28], [sflag:$0x8], $0x80, s16, s23, $0xb8;
	[tilespmem:$0x1C800] =	vst v63  }
0x1e1: {  	s17 =	simm.s32 $0x0;
	_ =	swait.ge [sflag:s25], $0x4000  }
0x1e2: {  	s20 =	simm.s32 $0x1;
	v0 =	vmov s17;
	[sflag:s25] =	ssyncset.done $0x0  }
0x1e3: {  	v1 =	vmov s20;
	v0 =	vand.u32 $0x7E, v0;
	[sflag:s25] =	ssyncadd.s32 $0xFFFFC000  }
0x1e4: {  	v1 =	vand.u32 $0x7F, v1;
	v0 =	vor.u32 $0x100, v0;
	_ =	swait.ge [sflag:s7], $0x4000  }
0x1e5: {  	v1 =	vor.u32 $0x100, v1;
	v0 =	vbroadcast v0, $0x0;
	[sflag:s7] =	ssyncset.done $0x0  }
0x1e6: {  	v2 =	vbroadcast v1, $0x0;
	[sflag:s7] =	ssyncadd.s32 $0xFFFFC000  }
0x1e7: {  	_ =	swait.ge [sflag:s8], $0x180  }
0x1e8: {  	[sflag:s8] =	ssyncset.done $0x0  }
0x1e9: {  	[sflag:s8] =	ssyncadd.s32 $0xFFFFFE80  }
0x1ea: {  	[tilespmem:s28], [sflag:$0x6] =	stream.indirect.gather [hbm4b:s4+s23], $0x80, s29, s23, $0xb8;
	[tilespmem:$0x1C800] =	vst v63  }
0x1eb: {  	v1 =	vld.idx.msk [tilespmem:v0+s19+$0x0], $0xffff  }
0x1ec: {  	s6 =	simm.s32 $0x880;
	v0 =	vld.idx.msk [tilespmem:v2+s19+$0x0], $0xffff  }
0x1ed: {  	v3 =	vld [tilespmem:s6+$0x70];
	_ =	sdelay $0x1  }
0x1ee: {  	v5 =	vld [tilespmem:s6+$0xFFFFFF80]  }
0x1ef: {  	v7 =	vld [tilespmem:s6+$0xFFFFFF90]  }
0x1f0: {  	v6 =	vld [tilespmem:s6+$0xFFFFFFA0]  }
0x1f1: {  	v4 =	vld [tilespmem:s6+$0xFFFFFFB0];
	v10 =	vmul.f32 v0, v3  }
0x1f2: {  	v2 =	vld [tilespmem:s6+$0xFFFFFFC0]  }
0x1f3: {  	s1 =	simm.s32 $0x3;
	s21 =	simm.s32 $0x2;
	v3 =	vld [tilespmem:s6+$0xFFFFFFD0];
	v8 =	vmul.f32 v1, v5;
	[tilespmem:s6+$0x70] =	vst v10  }
0x1f4: {  	s10 =	simm.s32 $0x880;
	v9 =	vmov s21;
	s16 =	simm.s32 $0x4;
	v7 =	vmul.f32 v1, v7;
	v5 =	vld [tilespmem:s6+$0xFFFFFFE0];
	s17 =	rddreg [dreg:$0xc]  }
.LBB2_16:
0x1f5: {  	p0 =	slt.u32 s16, $0x7E;
	v9 =	vand.u32 $0x7E, v9;
	v10 =	vmov s1;
	[tilespmem:s6+$0xFFFFFF80] =	vst v8;
	v6 =	vmul.f32 v1, v6;
	v8 =	vld [tilespmem:s6+$0xFFFFFFF0]  }
0x1f6: {  	v9 =	vor.u32 $0x100, v9;
	v10 =	vand.u32 $0x7F, v10;
	[tilespmem:s6+$0xFFFFFF90] =	vst v7;
	v4 =	vmul.f32 v1, v4;
	v7 =	vld [tilespmem:s6+$0x0]  }
0x1f7: {  	v9 =	vbroadcast v9, $0x0;
	v10 =	vor.u32 $0x100, v10;
	[tilespmem:s6+$0xFFFFFFA0] =	vst v6;
	v2 =	vmul.f32 v1, v2;
	v6 =	vld [tilespmem:s6+$0x10]  }
0x1f8: {  	v10 =	vbroadcast v10, $0x0;
	[tilespmem:s6+$0xFFFFFFB0] =	vst v4;
	v3 =	vmul.f32 v1, v3;
	v4 =	vld [tilespmem:s6+$0x20]  }
0x1f9: {  	[tilespmem:s6+$0xFFFFFFC0] =	vst v2;
	v2 =	vmul.f32 v1, v5;
	v5 =	vld [tilespmem:s6+$0x30]  }
0x1fa: {  	[tilespmem:s6+$0xFFFFFFD0] =	vst v3;
	v1 =	vmul.f32 v1, v8;
	v3 =	vld [tilespmem:s6+$0x40]  }
0x1fb: {  	[tilespmem:s6+$0xFFFFFFE0] =	vst v2;
	v2 =	vmul.f32 v0, v7;
	v7 =	vld [tilespmem:s6+$0x50]  }
0x1fc: {  	[tilespmem:s6+$0xFFFFFFF0] =	vst v1;
	v6 =	vmul.f32 v0, v6;
	v8 =	vld [tilespmem:s6+$0x60]  }
0x1fd: {  	v1 =	vld.idx.msk [tilespmem:v9+s19+$0x0], $0xffff;
	[tilespmem:s6+$0x0] =	vst v2;
	v2 =	vmul.f32 v0, v4  }
0x1fe: {  	s6 =	sadd.s32 $0x100, s6;
	v9 =	vld.idx.msk [tilespmem:v10+s19+$0x0], $0xffff;
	[tilespmem:s10+$0x10] =	vst v6;
	v4 =	vmul.f32 v0, v5  }
0x1ff: {  	v5 =	vld [tilespmem:s6+$0x70];
	[tilespmem:s10+$0x20] =	vst v2;
	v2 =	vmul.f32 v0, v3  }
0x200: {  	v3 =	vld [tilespmem:s6+$0xFFFFFF80];
	[tilespmem:s10+$0x30] =	vst v4;
	v4 =	vmul.f32 v0, v7  }
0x201: {  	v7 =	vld [tilespmem:s6+$0xFFFFFF90];
	[tilespmem:s10+$0x40] =	vst v2;
	v8 =	vmul.f32 v0, v8  }
.Ltmp7:
0x202: {  	v6 =	vld [tilespmem:s6+$0xFFFFFFA0];
	[tilespmem:s10+$0x50] =	vst v4;
	(pc) =	sbr.rel @p0 .LBB2_16-.Ltmp7, $4  }
0x203: {  	v4 =	vld [tilespmem:s6+$0xFFFFFFB0];
	[tilespmem:s10+$0x60] =	vst v8;
	s10 =	smov.u32 s6  }
0x204: {  	v0 =	vmov v9;
	v2 =	vld [tilespmem:s6+$0xFFFFFFC0];
	v10 =	vmul.f32 v9, v5  }
0x205: {  	v8 =	vmul.f32 v1, v3;
	v3 =	vld [tilespmem:s6+$0xFFFFFFD0]  }
0x206: {  	s1 =	sadd.s32 $0x1, s16;
	v9 =	vmov s16;
	s16 =	sadd.s32 $0x2, s16;
	v7 =	vmul.f32 v1, v7;
	v5 =	vld [tilespmem:s6+$0xFFFFFFE0];
	[tilespmem:s6+$0x70] =	vst v10  }
0x207: {  	[tilespmem:s6+$0xFFFFFF80] =	vst v8;
	v8 =	vand.u32 $0x7E, v9;
	v10 =	vld [tilespmem:s6+$0xFFFFFFF0]  }
0x208: {  	v9 =	vmov s1;
	v11 =	vld [tilespmem:s6+$0x0];
	v6 =	vmul.f32 v1, v6;
	v8 =	vor.u32 $0x100, v8  }
0x209: {  	v12 =	vld [tilespmem:s6+$0x10];
	v9 =	vand.u32 $0x7F, v9;
	[tilespmem:s6+$0xFFFFFF90] =	vst v7;
	v4 =	vmul.f32 v1, v4;
	v8 =	vbroadcast v8, $0x0  }
0x20a: {  	v9 =	vor.u32 $0x100, v9;
	[tilespmem:s6+$0xFFFFFFA0] =	vst v6;
	v2 =	vmul.f32 v1, v2;
	v6 =	vld [tilespmem:s6+$0x30]  }
0x20b: {  	v7 =	vbroadcast v9, $0x0;
	v9 =	vld [tilespmem:s6+$0x20];
	[tilespmem:s6+$0xFFFFFFB0] =	vst v4;
	v3 =	vmul.f32 v1, v3  }
0x20c: {  	v4 =	vld [tilespmem:s6+$0x40];
	[tilespmem:s6+$0xFFFFFFC0] =	vst v2;
	v2 =	vmul.f32 v1, v5  }
0x20d: {  	v5 =	vld [tilespmem:s6+$0x50];
	[tilespmem:s6+$0xFFFFFFD0] =	vst v3;
	v1 =	vmul.f32 v1, v10  }
0x20e: {  	v3 =	vld [tilespmem:s6+$0x60];
	[tilespmem:s6+$0xFFFFFFE0] =	vst v2;
	v2 =	vmul.f32 v0, v11  }
0x20f: {  	s16 =	sadd.s32 $0x100, s6;
	[tilespmem:s6+$0xFFFFFFF0] =	vst v1;
	v8 =	vld.idx.msk [tilespmem:v8+s19+$0x0], $0xffff  }
0x210: {  	v1 =	vmul.f32 v0, v12;
	[tilespmem:s6+$0x0] =	vst v2;
	v2 =	vmul.f32 v0, v9;
	v9 =	vld [tilespmem:s16+$0x70]  }
0x211: {  	v7 =	vld.idx.msk [tilespmem:v7+s19+$0x0], $0xffff  }
0x212: {  	[tilespmem:s10+$0x10] =	vst v1;
	v1 =	vmul.f32 v0, v6;
	v6 =	vld [tilespmem:s16+$0xFFFFFF80]  }
0x213: {  	[tilespmem:s10+$0x20] =	vst v2;
	v2 =	vmul.f32 v0, v4;
	v4 =	vld [tilespmem:s16+$0xFFFFFF90]  }
0x214: {  	[tilespmem:s10+$0x30] =	vst v1;
	v1 =	vmul.f32 v0, v5;
	v5 =	vld [tilespmem:s16+$0xFFFFFFA0]  }
0x215: {  	v0 =	vmul.f32 v0, v3;
	[tilespmem:s10+$0x40] =	vst v2;
	v2 =	vld [tilespmem:s16+$0xFFFFFFB0]  }
0x216: {  	[tilespmem:s10+$0x50] =	vst v1;
	v1 =	vld [tilespmem:s16+$0xFFFFFFC0];
	v3 =	vmul.f32 v7, v9  }
0x217: {  	[tilespmem:s10+$0x60] =	vst v0;
	v0 =	vmul.f32 v8, v6;
	v6 =	vld [tilespmem:s16+$0xFFFFFFD0]  }
0x218: {  	v9 =	vld [tilespmem:s16+$0xFFFFFFE0];
	v4 =	vmul.f32 v8, v4;
	[tilespmem:s16+$0x70] =	vst v3  }
0x219: {  	[tilespmem:s16+$0xFFFFFF80] =	vst v0;
	v0 =	vmul.f32 v8, v5;
	v3 =	vld [tilespmem:s16+$0xFFFFFFF0]  }
0x21a: {  	[tilespmem:s16+$0xFFFFFF90] =	vst v4;
	v2 =	vmul.f32 v8, v2;
	v4 =	vld [tilespmem:s16+$0x0]  }
0x21b: {  	[tilespmem:s16+$0xFFFFFFA0] =	vst v0;
	v0 =	vmul.f32 v8, v1;
	v1 =	vld [tilespmem:s16+$0x10]  }
0x21c: {  	v5 =	vld [tilespmem:s16+$0x20];
	[tilespmem:s16+$0xFFFFFFB0] =	vst v2;
	v2 =	vmul.f32 v8, v6  }
0x21d: {  	v6 =	vld [tilespmem:s16+$0x30];
	[tilespmem:s16+$0xFFFFFFC0] =	vst v0;
	v0 =	vmul.f32 v8, v9  }
0x21e: {  	[tilespmem:s16+$0xFFFFFFD0] =	vst v2;
	v2 =	vmul.f32 v8, v3;
	v3 =	vld [tilespmem:s16+$0x40]  }
0x21f: {  	[tilespmem:s16+$0xFFFFFFE0] =	vst v0;
	v0 =	vmul.f32 v7, v4;
	v4 =	vld [tilespmem:s16+$0x50]  }
0x220: {  	[tilespmem:s16+$0xFFFFFFF0] =	vst v2;
	v1 =	vmul.f32 v7, v1;
	v2 =	vld [tilespmem:s16+$0x60]  }
0x221: {  	[tilespmem:s16+$0x0] =	vst v0;
	v0 =	vmul.f32 v7, v5  }
0x222: {  	[tilespmem:s16+$0x10] =	vst v1;
	v1 =	vmul.f32 v7, v6  }
0x223: {  	[tilespmem:s16+$0x20] =	vst v0;
	v0 =	vmul.f32 v7, v3  }
0x224: {  	[tilespmem:s16+$0x30] =	vst v1;
	v1 =	vmul.f32 v7, v4  }
0x225: {  	s10 =	simm.s32 $0x0;
	[tilespmem:s16+$0x40] =	vst v0;
	v0 =	vmul.f32 v7, v2  }
0x226: {  	[tilespmem:s16+$0x50] =	vst v1;
	v1 =	vmov s10  }
0x227: {  	s20 =	simm.s32 $0x1;
	[tilespmem:s16+$0x60] =	vst v0;
	v0 =	vand.u32 $0x7E, v1  }
0x228: {  	v1 =	vmov s20;
	[spmem:s2] =	stream.indirect.scatter.add.f32 [tilespmem:s24], [sflag:$0x7], $0x80, s9, s23, $0xb8;
	v0 =	vor.u32 $0x100, v0;
	[tilespmem:$0x1C800] =	vst v63  }
0x229: {  	v1 =	vand.u32 $0x7F, v1;
	_ =	swait.ge [sflag:s30], $0x4000;
	v0 =	vbroadcast v0, $0x0  }
0x22a: {  	v1 =	vor.u32 $0x100, v1;
	[sflag:s30] =	ssyncset.done $0x0  }
0x22b: {  	v2 =	vbroadcast v1, $0x0;
	[sflag:s30] =	ssyncadd.s32 $0xFFFFC000  }
0x22c: {  	_ =	swait.ge [sflag:s31], $0x4000  }
0x22d: {  	[sflag:s31] =	ssyncset.done $0x0  }
0x22e: {  	[sflag:s31] =	ssyncadd.s32 $0xFFFFC000  }
0x22f: {  	s6 =	simm.s32 $0x4880;
	v1 =	vld.idx.msk [tilespmem:v0+s29+$0x0], $0xffff  }
0x230: {  	v3 =	vld [tilespmem:s6+$0x70]  }
0x231: {  	v0 =	vld.idx.msk [tilespmem:v2+s29+$0x0], $0xffff  }
0x232: {  	v5 =	vld [tilespmem:s6+$0xFFFFFF80]  }
0x233: {  	v7 =	vld [tilespmem:s6+$0xFFFFFF90]  }
0x234: {  	v6 =	vld [tilespmem:s6+$0xFFFFFFA0]  }
0x235: {  	v4 =	vld [tilespmem:s6+$0xFFFFFFB0]  }
0x236: {  	v2 =	vld [tilespmem:s6+$0xFFFFFFC0];
	v10 =	vmul.f32 v0, v3  }
0x237: {  	s21 =	simm.s32 $0x2;
	v8 =	vmul.f32 v1, v5;
	v3 =	vld [tilespmem:s6+$0xFFFFFFD0]  }
0x238: {  	s1 =	simm.s32 $0x3;
	v9 =	vmov s21;
	s10 =	simm.s32 $0x4880;
	s16 =	simm.s32 $0x4;
	v7 =	vmul.f32 v1, v7;
	v5 =	vld [tilespmem:s6+$0xFFFFFFE0];
	[tilespmem:s6+$0x70] =	vst v10  }
.LBB2_18:
0x239: {  	p0 =	slt.u32 s16, $0x7E;
	v9 =	vand.u32 $0x7E, v9;
	v10 =	vmov s1;
	[tilespmem:s6+$0xFFFFFF80] =	vst v8;
	v6 =	vmul.f32 v1, v6;
	v8 =	vld [tilespmem:s6+$0xFFFFFFF0]  }
0x23a: {  	v9 =	vor.u32 $0x100, v9;
	v10 =	vand.u32 $0x7F, v10;
	[tilespmem:s6+$0xFFFFFF90] =	vst v7;
	v4 =	vmul.f32 v1, v4;
	v7 =	vld [tilespmem:s6+$0x0]  }
0x23b: {  	v9 =	vbroadcast v9, $0x0;
	v10 =	vor.u32 $0x100, v10;
	[tilespmem:s6+$0xFFFFFFA0] =	vst v6;
	v2 =	vmul.f32 v1, v2;
	v6 =	vld [tilespmem:s6+$0x10]  }
0x23c: {  	v10 =	vbroadcast v10, $0x0;
	[tilespmem:s6+$0xFFFFFFB0] =	vst v4;
	v3 =	vmul.f32 v1, v3;
	v4 =	vld [tilespmem:s6+$0x20]  }
0x23d: {  	[tilespmem:s6+$0xFFFFFFC0] =	vst v2;
	v2 =	vmul.f32 v1, v5;
	v5 =	vld [tilespmem:s6+$0x30]  }
0x23e: {  	[tilespmem:s6+$0xFFFFFFD0] =	vst v3;
	v1 =	vmul.f32 v1, v8;
	v3 =	vld [tilespmem:s6+$0x40]  }
0x23f: {  	[tilespmem:s6+$0xFFFFFFE0] =	vst v2;
	v2 =	vmul.f32 v0, v7;
	v7 =	vld [tilespmem:s6+$0x50]  }
0x240: {  	[tilespmem:s6+$0xFFFFFFF0] =	vst v1;
	v6 =	vmul.f32 v0, v6;
	v8 =	vld [tilespmem:s6+$0x60]  }
0x241: {  	v1 =	vld.idx.msk [tilespmem:v9+s29+$0x0], $0xffff;
	[tilespmem:s6+$0x0] =	vst v2;
	v2 =	vmul.f32 v0, v4  }
0x242: {  	s6 =	sadd.s32 $0x100, s6;
	v9 =	vld.idx.msk [tilespmem:v10+s29+$0x0], $0xffff;
	[tilespmem:s10+$0x10] =	vst v6;
	v4 =	vmul.f32 v0, v5  }
0x243: {  	v5 =	vld [tilespmem:s6+$0x70];
	[tilespmem:s10+$0x20] =	vst v2;
	v2 =	vmul.f32 v0, v3  }
0x244: {  	v3 =	vld [tilespmem:s6+$0xFFFFFF80];
	[tilespmem:s10+$0x30] =	vst v4;
	v4 =	vmul.f32 v0, v7  }
0x245: {  	v7 =	vld [tilespmem:s6+$0xFFFFFF90];
	[tilespmem:s10+$0x40] =	vst v2;
	v8 =	vmul.f32 v0, v8  }
.Ltmp8:
0x246: {  	v6 =	vld [tilespmem:s6+$0xFFFFFFA0];
	[tilespmem:s10+$0x50] =	vst v4;
	(pc) =	sbr.rel @p0 .LBB2_18-.Ltmp8, $4  }
0x247: {  	v4 =	vld [tilespmem:s6+$0xFFFFFFB0];
	[tilespmem:s10+$0x60] =	vst v8;
	s10 =	smov.u32 s6  }
0x248: {  	v0 =	vmov v9;
	v2 =	vld [tilespmem:s6+$0xFFFFFFC0];
	v10 =	vmul.f32 v9, v5  }
0x249: {  	v8 =	vmul.f32 v1, v3;
	v3 =	vld [tilespmem:s6+$0xFFFFFFD0]  }
0x24a: {  	s1 =	sadd.s32 $0x1, s16;
	v9 =	vmov s16;
	s16 =	sadd.s32 $0x2, s16;
	v7 =	vmul.f32 v1, v7;
	v5 =	vld [tilespmem:s6+$0xFFFFFFE0];
	[tilespmem:s6+$0x70] =	vst v10  }
0x24b: {  	v10 =	vld [tilespmem:s6+$0xFFFFFFF0]  }
0x24c: {  	v11 =	vld [tilespmem:s6+$0x0]  }
0x24d: {  	[tilespmem:s6+$0xFFFFFF80] =	vst v8;
	v18 =	vand.u32 $0x7E, v9;
	v6 =	vmul.f32 v1, v6;
	v12 =	vld [tilespmem:s6+$0x10]  }
0x24e: {  	v21 =	vld [tilespmem:s6+$0x20];
	v8 =	vor.u32 $0x100, v18;
	[tilespmem:s6+$0xFFFFFF90] =	vst v7;
	v4 =	vmul.f32 v1, v4  }
0x24f: {  	v22 =	vld [tilespmem:s6+$0x30];
	v8 =	vbroadcast v8, $0x0;
	[tilespmem:s6+$0xFFFFFFA0] =	vst v6;
	v2 =	vmul.f32 v1, v2  }
0x250: {  	v23 =	vld [tilespmem:s6+$0x40];
	[tilespmem:s6+$0xFFFFFFB0] =	vst v4;
	v3 =	vmul.f32 v1, v3  }
0x251: {  	v25 =	vld [tilespmem:s6+$0x50];
	[tilespmem:s6+$0xFFFFFFC0] =	vst v2;
	v24 =	vmul.f32 v1, v5  }
0x252: {  	v27 =	vld [tilespmem:s6+$0x60];
	s16 =	sadd.s32 $0x100, s6;
	[tilespmem:s6+$0xFFFFFFD0] =	vst v3;
	v26 =	vmul.f32 v1, v10  }
0x253: {  	v31 =	vld [tilespmem:s16+$0x70];
	v28 =	vmul.f32 v0, v11;
	[tilespmem:s6+$0xFFFFFFE0] =	vst v24  }
0x254: {  	v19 =	vmov s1;
	v33 =	vld [tilespmem:s16+$0xFFFFFF80];
	v29 =	vmul.f32 v0, v12;
	[tilespmem:s6+$0xFFFFFFF0] =	vst v26  }
0x255: {  	v9 =	vand.u32 $0x7F, v19;
	v30 =	vmul.f32 v0, v21;
	[tilespmem:s6+$0x0] =	vst v28;
	v8 =	vld.idx.msk [tilespmem:v8+s29+$0x0], $0xffff  }
0x256: {  	v35 =	vld [tilespmem:s16+$0xFFFFFF90];
	v9 =	vor.u32 $0x100, v9;
	v32 =	vmul.f32 v0, v22;
	[tilespmem:s10+$0x10] =	vst v29  }
0x257: {  	v37 =	vld [tilespmem:s16+$0xFFFFFFA0];
	v20 =	vbroadcast v9, $0x0;
	v34 =	vmul.f32 v0, v23;
	[tilespmem:s10+$0x20] =	vst v30  }
0x258: {  	v39 =	vld [tilespmem:s16+$0xFFFFFFB0];
	v36 =	vmul.f32 v0, v25;
	[tilespmem:s10+$0x30] =	vst v32  }
0x259: {  	v40 =	vld [tilespmem:s16+$0xFFFFFFC0];
	v38 =	vmul.f32 v0, v27;
	[tilespmem:s10+$0x40] =	vst v34  }
0x25a: {  	v43 =	vld [tilespmem:s16+$0xFFFFFFD0];
	[tilespmem:s10+$0x50] =	vst v36;
	v42 =	vmul.f32 v8, v33  }
0x25b: {  	v44 =	vld [tilespmem:s16+$0xFFFFFFE0];
	[tilespmem:s10+$0x60] =	vst v38;
	v4 =	vmul.f32 v8, v35  }
0x25c: {  	v46 =	vld [tilespmem:s16+$0xFFFFFFF0];
	v45 =	vmul.f32 v8, v37;
	[tilespmem:s16+$0xFFFFFF80] =	vst v42  }
0x25d: {  	v7 =	vld.idx.msk [tilespmem:v20+s29+$0x0], $0xffff;
	v2 =	vmul.f32 v8, v39;
	[tilespmem:s16+$0xFFFFFF90] =	vst v4  }
0x25e: {  	v47 =	vld [tilespmem:s16+$0x0];
	v48 =	vmul.f32 v8, v40;
	[tilespmem:s16+$0xFFFFFFA0] =	vst v45  }
0x25f: {  	v49 =	vld [tilespmem:s16+$0x10];
	v50 =	vmul.f32 v8, v43;
	[tilespmem:s16+$0xFFFFFFB0] =	vst v2  }
0x260: {  	v51 =	vld [tilespmem:s16+$0x20];
	v52 =	vmul.f32 v8, v44;
	[tilespmem:s16+$0xFFFFFFC0] =	vst v48  }
0x261: {  	v53 =	vld [tilespmem:s16+$0x30];
	v54 =	vmul.f32 v8, v46;
	[tilespmem:s16+$0xFFFFFFD0] =	vst v50  }
0x262: {  	v55 =	vld [tilespmem:s16+$0x40];
	v41 =	vmul.f32 v7, v31;
	[tilespmem:s16+$0xFFFFFFE0] =	vst v52  }
0x263: {  	v57 =	vld [tilespmem:s16+$0x50];
	v56 =	vmul.f32 v7, v47;
	[tilespmem:s16+$0xFFFFFFF0] =	vst v54  }
0x264: {  	v58 =	vld [tilespmem:s16+$0x60];
	v1 =	vmul.f32 v7, v49;
	[tilespmem:s16+$0x70] =	vst v41  }
0x265: {  	v59 =	vmul.f32 v7, v51;
	[tilespmem:s16+$0x0] =	vst v56  }
0x266: {  	v60 =	vmul.f32 v7, v53;
	[tilespmem:s16+$0x10] =	vst v1  }
0x267: {  	v61 =	vmul.f32 v7, v55;
	[tilespmem:s16+$0x20] =	vst v59  }
0x268: {  	v62 =	vmul.f32 v7, v57;
	[tilespmem:s16+$0x30] =	vst v60  }
0x269: {  	v63 =	vmul.f32 v7, v58;
	[tilespmem:s16+$0x40] =	vst v61  }
0x26a: {  	[tilespmem:s16+$0x50] =	vst v62  }
0x26b: {  	[tilespmem:s16+$0x60] =	vst v63  }
0x26c: {  	[spmem:s2] =	stream.indirect.scatter.add.f32 [tilespmem:s28], [sflag:$0x8], $0x80, s11, s23, $0xb8;
	[tilespmem:$0x1C800] =	vst v63  }
0x26d: {  	_ =	swait.ge [sflag:s7], $0x4000  }
0x26e: {  	[sflag:s7] =	ssyncset.done $0x0  }
0x26f: {  	[sflag:s7] =	ssyncadd.s32 $0xFFFFC000  }
0x270: {  	[bflag:$0x0] =	sbarrier.arrive $0xFFFF  }
0x271: {  	s10 =	rddreg [dreg:$0x7]  }
0x272: {  	s20 =	rddreg [dreg:$0x9]  }
0x273: {  	s16 =	simm.s32 $0x9;
	s6 =	rddreg [dreg:$0xb]  }
0x274: {  	[hbm:s20], [sflag:s10] =	dma.local [spmem:s6], $0x2800  }
0x275: {  	_ =	swait.ge [sflag:s16], $0x2800  }
0x276: {  	s17 =	sadd.s32 $0x1, s17;
	s21 =	rddreg [dreg:$0xa]  }
0x277: {  	p0 =	sne.s32 s17, s21  }
.Ltmp9:
0x278: {  	_ = 	snop;
	(pc) =	sbr.rel @p0 .LBB2_1-.Ltmp9, $3  }
0x279: {  	_ =	sdelay $0x1  }
0x27a: {  	[sflag:s16] =	ssyncset.done $0x0  }
0x27b: {  	[sflag:s16] =	ssyncadd.s32 $0xFFFFD800  }
0x27c: {  	_ =	sfence.sel $0x180000  }
0x27d: {  	[bflag:$0x0] =	sbarrier.arrive $0xFFFF  }
0x27e: {  	_ =	strace $0x9000004A  }
0x27f: {  	s0 =	stileid.u32;
	[bflag:$0x2] =	sbarrier.arrive $0xFFFF  }
0x280: {  	p0 =	sne.s32 s0, $0x0;
	s0 =	rddreg [dreg:$0x2]  }
0x281: {  	s0 =	sadd.s32 @!p0 $0x100000, s0  }
0x282: {  	[sflag:s0] =	ssyncadd.tile.s32 @!p0 $0x1;
	_ =	shalt  }
.Lfunc_end2:
_tile_overlayer_lowered:
.L_overlay_start_2:
0x283: {  	(tag) =	ssettag $0x2  }
0x284: {  	s0 =	rddreg [dreg:$0x0];
	s2 =	stileid.u32  }
0x285: {  	s1 =	rddreg [dreg:$0x1];
	p0 =	sne.s32 s2, $0x0  }
0x286: {  	s3 =	rddreg [dreg:$0x2];
	[bflag:$0x3] =	sbarrier.arrive $0xFFFF;
	s2 =	simm.s32 @!p0 $0x1C09  }
0x287: {  	[timem:s3], [sflag:s2] =	dma.local @!p0 [hbm:s0], s1  }
0x288: {  	s0 =	simm.s32 @!p0 $0x9  }
0x289: {  	_ =	swait.ge @!p0 [sflag:s0], s1  }
0x28a: {  	s1 =	ssub.s32 @!p0 $0x0, s1;
	[sflag:s0] =	ssyncset.done @!p0 $0x0  }
0x28b: {  	[sflag:s0] =	ssyncadd.s32 @!p0 s1  }
0x28c: {  	[bflag:$0x3] =	sbarrier.arrive $0xFFFF  }
0x28d: {  	_ =	shalt  }

</sc_bundles>
